<compile_context>
chip_gen: v7x
topology: tpu7x:2x2x1
jax: 0.10.2.dev20260603
libtpu: 0.0.44.dev20260713+nightly
codegen_flags: <defaults>
</compile_context>

<pallas_src>
import functools

import jax
import jax.numpy as jnp
from jax import lax
from jax.experimental import pallas as pl
from jax.experimental.pallas import tpu as pltpu
from jax.experimental.pallas import tpu_sc as plsc

N = 10000
E = 160000
D = 256
R_MSG = 8

NW = 32
NPT = 313
NPAD = NW * NPT
C = 3200
G = 64
NB = 6
PAD = ((G + 15) // 16) * 16
SENTINEL = -3.0e38


_BN = 1000


def _rne_bf16_bits(v):
    bits = lax.bitcast_convert_type(v, jnp.uint32)
    return (bits + 0x7FFF + ((bits >> 16) & 1)) >> 16


def _msg_table_body(x_ref, w_ref, b_ref, out_ref):
    y = (
        jnp.dot(x_ref[...], w_ref[0], preferred_element_type=jnp.float32)
        + b_ref[0]
    )
    a = _rne_bf16_bits(y[:, : D // 2])
    bb = _rne_bf16_bits(y[:, D // 2 :])
    out_ref[0] = lax.bitcast_convert_type(a | (bb << 16), jnp.int32)


def _msg_table(x, w8, b8):
    nb = N // _BN
    return pl.pallas_call(
        _msg_table_body,
        grid=(nb, R_MSG),
        in_specs=[
            pl.BlockSpec((_BN, D), lambda i, r: (i, 0)),
            pl.BlockSpec((1, D, D), lambda i, r: (r, 0, 0)),
            pl.BlockSpec((1, 1, D), lambda i, r: (r, 0, 0)),
        ],
        out_specs=pl.BlockSpec((1, _BN, D // 2), lambda i, r: (r, i, 0)),
        out_shape=jax.ShapeDtypeStruct((R_MSG, N, D // 2), jnp.int32),
    )(x, w8, b8)




M = 4096
DRAIN_T = M - C - PAD


def _sc_agg_body(
    y_hbm, e_hbm, out_hbm, ebuf, flatm, gidx, acc, rows,
    s0, s1, s2, s3, s4, s5, s6, s7
):
    cid = lax.axis_index("c")
    sid = lax.axis_index("s")
    wid = sid * 2 + cid
    lo = wid * NPT

    neg = jnp.full((16,), -10354847, dtype=jnp.int32)

    def init_body(i, _):
        acc[pl.ds(i * 16, 16)] = neg
        return 0

    lax.fori_loop(0, (NPT * D // 2) // 16, init_body, 0)

    sems = (s0, s1, s2, s3, s6, s7)
    esems = (s4, s5)

    def fire_chunk(ci):
        src = e_hbm.at[:, pl.ds(ci * C, C)]
        for p in range(2):

            @pl.when(ci % 2 == p)
            def _(p=p):
                pltpu.async_copy(src, ebuf.at[p], esems[p])

    def wait_chunk(ci):
        dummy = e_hbm.at[:, pl.ds(0, C)]
        for p in range(2):

            @pl.when(ci % 2 == p)
            def _(p=p):
                pltpu.make_async_copy(dummy, ebuf.at[p], esems[p]).wait()

    def fire(si):
        for p in range(NB):

            @pl.when(si % NB == p)
            def _(p=p):
                for i in range(G // 16):
                    v = flatm[pl.ds(si * G + i * 16, 16)]
                    gidx[p, pl.ds(i * 16, 16)] = v >> 9
                pltpu.async_copy(
                    y_hbm.at[gidx.at[p]], rows.at[p], sems[p]
                )

    def wait(si):
        dummy = y_hbm.at[gidx.at[0]]
        for p in range(NB):

            @pl.when(si % NB == p)
            def _(p=p):
                pltpu.make_async_copy(dummy, rows.at[p], sems[p]).wait()

    def drain(mcnt):
        zero16 = jnp.zeros((16,), dtype=jnp.int32)
        for i in range(PAD // 16):
            flatm[pl.ds(mcnt + i * 16, 16)] = zero16

        nsub = (mcnt + (G - 1)) // G

        @pl.when(nsub > 0)
        def _():
            for k in range(NB - 1):

                @pl.when(k < nsub)
                def _(k=k):
                    fire(k)

            def sub(si, _):
                @pl.when(si + (NB - 1) < nsub)
                def _():
                    fire(si + (NB - 1))

                wait(si)
                p = si % NB
                off = si * G
                m_here = jnp.minimum(mcnt - off, G)

                def edge(j, _):
                    dl = flatm[pl.ds(off + j, 16)][0] & 511
                    rb = dl * (D // 2)
                    for k in range(D // 32):
                        a = plsc.bitcast(
                            acc[pl.ds(rb + k * 16, 16)], jnp.bfloat16
                        )
                        v = plsc.bitcast(
                            rows[p, j, pl.ds(k * 16, 16)], jnp.bfloat16
                        )
                        mx = jnp.maximum(a, v)
                        acc[pl.ds(rb + k * 16, 16)] = plsc.bitcast(
                            mx, jnp.int32
                        )
                    return 0

                lax.fori_loop(0, m_here, edge, 0)
                return 0

            lax.fori_loop(0, nsub, sub, 0)

    def chunk_body(ci, mcnt):
        @pl.when(ci + 1 < E // C)
        def _():
            fire_chunk(ci + 1)

        wait_chunk(ci)
        pe = ci % 2

        def filt(i, cnt):
            s = ebuf[pe, 0, pl.ds(i * 16, 16)]
            d = ebuf[pe, 1, pl.ds(i * 16, 16)]
            r = ebuf[pe, 2, pl.ds(i * 16, 16)]
            dl = d - lo
            m = (dl >= 0) & (dl < NPT)
            packed = (r * N + s) * 512 + dl
            cs = plsc.cumsum(m.astype(jnp.int32))
            pos = (cs - 1) + cnt
            plsc.store_scatter(flatm, [pos], packed, mask=m)
            return cnt + cs[15]

        mcnt = lax.fori_loop(0, C // 16, filt, mcnt)

        @pl.when(mcnt >= DRAIN_T)
        def _():
            drain(mcnt)

        return jnp.where(mcnt >= DRAIN_T, 0, mcnt)

    fire_chunk(0)
    mcnt = lax.fori_loop(0, E // C, chunk_body, 0)
    drain(mcnt)

    pltpu.sync_copy(
        acc, out_hbm.at[pl.ds(lo * (D // 2), NPT * (D // 2))]
    )


def _sc_agg(yf, estack):
    mesh = plsc.VectorSubcoreMesh(core_axis_name="c", subcore_axis_name="s")
    kfn = functools.partial(
        pl.kernel,
        out_type=jax.ShapeDtypeStruct((NPAD * D // 2,), jnp.int32),
        mesh=mesh,
        compiler_params=pltpu.CompilerParams(needs_layout_passes=False),
        scratch_types=[
            pltpu.VMEM((2, 3, C), jnp.int32),
            pltpu.VMEM((M,), jnp.int32),
            pltpu.VMEM((NB, G), jnp.int32),
            pltpu.VMEM((NPT * D // 2,), jnp.int32),
            pltpu.VMEM((NB, G, D // 2), jnp.int32),
            pltpu.SemaphoreType.DMA,
            pltpu.SemaphoreType.DMA,
            pltpu.SemaphoreType.DMA,
            pltpu.SemaphoreType.DMA,
            pltpu.SemaphoreType.DMA,
            pltpu.SemaphoreType.DMA,
            pltpu.SemaphoreType.DMA,
            pltpu.SemaphoreType.DMA,
        ],
    )(_sc_agg_body)
    return kfn(yf, estack)




def _apply_body(x_ref, w_ref, b_ref, agg_ref, out_ref):
    a = agg_ref[...].astype(jnp.float32)
    a = jnp.where(a > -1.0e37, a, 0.0)
    out_ref[...] = (
        jnp.dot(x_ref[...], w_ref[...], preferred_element_type=jnp.float32)
        + b_ref[0][None, :]
        + a
    )


def _apply(x, w_self, b_self, agg):
    nb = N // _BN
    return pl.pallas_call(
        _apply_body,
        grid=(nb,),
        in_specs=[
            pl.BlockSpec((_BN, D), lambda i: (i, 0)),
            pl.BlockSpec((D, D), lambda i: (0, 0)),
            pl.BlockSpec((1, D), lambda i: (0, 0)),
            pl.BlockSpec((_BN, D), lambda i: (i, 0)),
        ],
        out_specs=pl.BlockSpec((_BN, D), lambda i: (i, 0)),
        out_shape=jax.ShapeDtypeStruct((N, D), jnp.float32),
    )(x, w_self, b_self, agg)




def kernel(x, edge_index, rel_type, W, b):
    y = _msg_table(x, W[:R_MSG], b[:R_MSG].reshape(R_MSG, 1, D))
    yf = y.reshape(R_MSG * N, D // 2)
    estack = jnp.concatenate([edge_index, rel_type[None, :]], axis=0)
    agg_flat = _sc_agg(yf, estack)
    ab = lax.bitcast_convert_type(
        agg_flat.reshape(NPAD, D // 2), jnp.bfloat16
    )
    agg = jnp.concatenate([ab[:, :, 0], ab[:, :, 1]], axis=1)
    return _apply(x, W[R_MSG], b[R_MSG].reshape(1, D), agg)

# --- scband reference (transcript-rebuilt; emitter-appended) ---
"""Pipeline reference for scband-rgcnlayer-83021717832456 (READ-ONLY COPY).

The authoritative reference and input builder live on the scoring server;
editing this copy changes nothing except your own understanding.
"""

import jax, jax.numpy as jnp
import numpy as np

N = 10000
E = 160000
D = 256
NUM_RELS = 8  # module stores NUM_RELS + 1 weight slices (last one for self-loop)


def setup_inputs(seed: int = 0) -> dict:
    key = jax.random.key(seed)
    ks = jax.random.split(key, 5)
    x = jax.random.normal(ks[0], (N, D), dtype=jnp.float32)
    edge_index = jax.random.randint(ks[1], (2, E), 0, N, dtype=jnp.int32)
    rel_type = jax.random.randint(ks[2], (E,), 0, NUM_RELS, dtype=jnp.int32)
    R = NUM_RELS + 1
    gain = float(np.sqrt(2.0))  # calculate_gain('relu')
    limit_w = gain * float(np.sqrt(6.0 / (D + D)))
    W = jax.random.uniform(ks[3], (R, D, D), minval=-limit_w, maxval=limit_w, dtype=jnp.float32)
    limit_b = gain * float(np.sqrt(6.0 / (D + R)))
    b = jax.random.uniform(ks[4], (R, D), minval=-limit_b, maxval=limit_b, dtype=jnp.float32)
    return {"x": x, "edge_index": edge_index, "rel_type": rel_type, "W": W, "b": b}


def reference(x, edge_index, rel_type, W, b):
    src = edge_index[0]
    dst = edge_index[1]
    R = W.shape[0]
    n_nodes = x.shape[0]
    n_edges = src.shape[0]
    # message_func: per-edge relation-specific transform  msg_e = h_src @ W[rel_e] + b[rel_e]
    # (computed per-relation to avoid materializing an [E, D, D] gather; math is identical)
    msg = jnp.zeros((n_edges, W.shape[2]), dtype=x.dtype)
    x_src = x[src]
    for r in range(R - 1):
        mask = (rel_type == r)[:, None]
        msg = jnp.where(mask, x_src @ W[r] + b[r], msg)
    # fn.max reduce: agg_v = max over incoming edges; nodes with no in-edges get 0 (data.get('agg', 0))
    agg = jax.ops.segment_max(msg, dst, num_segments=n_nodes)
    deg = jax.ops.segment_sum(jnp.ones((n_edges,), dtype=x.dtype), dst, num_segments=n_nodes)
    agg = jnp.where(deg[:, None] > 0, agg, jnp.zeros_like(agg))
    # apply_func: self transform with last weight slice (index -1), bias, add aggregate; activation=None
    h = x @ W[-1] + b[-1] + agg
    return h

if __name__ == "__main__":
    import jax
    _d = setup_inputs()
    print(jax.jit(kernel)(*tuple(_d.values())))

</pallas_src>

<mosaic_0001>
#map = affine_map<(d0, d1) -> (0, 0)>
#map1 = affine_map<(d0, d1) -> (0)>
module attributes {stable_mosaic.version = 14 : i64} {
  func.func @_sc_agg_body(%arg0: i32, %arg1: i32, %arg2: memref<80000x128xi32, #tpu.memory_space<hbm>>, %arg3: memref<3x160000xi32, #tpu.memory_space<hbm>>, %arg4: memref<1282048xi32, #tpu.memory_space<hbm>>, %arg5: memref<2x3x3200xi32, #tpu.memory_space<vmem>>, %arg6: memref<4096xi32, #tpu.memory_space<vmem>>, %arg7: memref<6x64xi32, #tpu.memory_space<vmem>>, %arg8: memref<40064xi32, #tpu.memory_space<vmem>>, %arg9: memref<6x64x128xi32, #tpu.memory_space<vmem>>, %arg10: memref<!tpu.dma_semaphore, #tpu.memory_space<semaphore_mem>>, %arg11: memref<!tpu.dma_semaphore, #tpu.memory_space<semaphore_mem>>, %arg12: memref<!tpu.dma_semaphore, #tpu.memory_space<semaphore_mem>>, %arg13: memref<!tpu.dma_semaphore, #tpu.memory_space<semaphore_mem>>, %arg14: memref<!tpu.dma_semaphore, #tpu.memory_space<semaphore_mem>>, %arg15: memref<!tpu.dma_semaphore, #tpu.memory_space<semaphore_mem>>, %arg16: memref<!tpu.dma_semaphore, #tpu.memory_space<semaphore_mem>>, %arg17: memref<!tpu.dma_semaphore, #tpu.memory_space<semaphore_mem>>) attributes {dimension_semantics = [#tpu.dimension_semantics<core_parallel>, #tpu.dimension_semantics<subcore_parallel>], iteration_bounds = array<i64: 2, 16>, scalar_prefetch = 0 : i64, scratch_operands = 13 : i64, tpu.core_type = #tpu.core_type<sc_vector_subcore>, window_params = [{transform_indices = #map}, {transform_indices = #map}, {transform_indices = #map1}]} {
    %mul3A = arith.constant 2 : i32
    %mul3A_0 = arith.muli %arg1, %mul3A : i32
    %add3A = arith.addi %mul3A_0, %arg0 : i32
    %mul3A_1 = arith.constant 313 : i32
    %mul3A_2 = arith.muli %add3A, %mul3A_1 : i32
    %broadcast_in_dim3A = arith.constant -10354847 : i32
    %broadcast_in_dim3A_3 = vector.broadcast %broadcast_in_dim3A : i32 to vector<16xi32>
    %scan3A = arith.constant 0 : i32
    %scan3A_4 = arith.constant 0 : i32
    %scan3A_5 = arith.constant 2504 : i32
    %scan3A_6 = arith.addi %scan3A_4, %scan3A_5 : i32
    %scan3A_7 = arith.constant 1 : i32
    %scan3A_8 = scf.for %scan3A_70 = %scan3A_4 to %scan3A_6 step %scan3A_7 iter_args(%scan3A_71 = %scan3A) -> (i32)  : i32 {
      %mul3A_72 = arith.constant 16 : i32
      %mul3A_73 = arith.muli %scan3A_70, %mul3A_72 : i32
      %swap3A_74 = arith.index_cast %mul3A_73 : i32 to index
      %swap3A_75 = tpu.vector_load %arg8[%swap3A_74] {strides = array<i32>} : memref<40064xi32, #tpu.memory_space<vmem>>, vector<16xi32>,
      tpu.vector_store %arg8[%swap3A_74], %broadcast_in_dim3A_3 {strides = array<i32>} : memref<40064xi32, #tpu.memory_space<vmem>>, vector<16xi32>,
      %scan3A_76 = arith.constant 0 : i32
      scf.yield %scan3A_76 : i32
    }
    %scan3A_9 = arith.constant 2504 : i32
    %dma_start3A = arith.constant 0 : i32
    %dma_start3A_10 = arith.constant 0 : i32
    %dma_start3A_11 = arith.constant 0 : i32
    %dma_start3A_12 = tpu.memref_slice %arg5[%dma_start3A, %dma_start3A_10, %dma_start3A_11] : memref<2x3x3200xi32, #tpu.memory_space<vmem>> -> memref<1x3x3200xi32, #tpu.memory_space<vmem>>
    %dma_start3A_13 = tpu.memref_squeeze %dma_start3A_12 : memref<1x3x3200xi32, #tpu.memory_space<vmem>> -> memref<3x3200xi32, #tpu.memory_space<vmem>>
    %dma_start3A_14 = arith.constant 0 : i32
    %dma_start3A_15 = arith.constant 0 : i32
    %dma_start3A_16 = tpu.memref_slice %arg3[%dma_start3A_14, %dma_start3A_15] : memref<3x160000xi32, #tpu.memory_space<hbm>> -> memref<3x3200xi32, #tpu.memory_space<hbm>>
    %dma_start3A_17 = arith.constant 0 : i32
    %dma_start3A_18 = arith.constant 0 : i32
    %dma_start3A_19 = tpu.memref_slice %arg5[%dma_start3A, %dma_start3A_17, %dma_start3A_18] : memref<2x3x3200xi32, #tpu.memory_space<vmem>> -> memref<1x3x3200xi32, #tpu.memory_space<vmem>>
    %dma_start3A_20 = tpu.memref_squeeze %dma_start3A_19 : memref<1x3x3200xi32, #tpu.memory_space<vmem>> -> memref<3x3200xi32, #tpu.memory_space<vmem>>
    %dma_start3A_21 = arith.constant 0 : i32
    %dma_start3A_22 = arith.constant 0 : i32
    %dma_start3A_23 = tpu.memref_slice %arg3[%dma_start3A_21, %dma_start3A_22] : memref<3x160000xi32, #tpu.memory_space<hbm>> -> memref<3x3200xi32, #tpu.memory_space<hbm>>
    tpu.enqueue_dma source(%dma_start3A_23 : memref<3x3200xi32, #tpu.memory_space<hbm>>) target(%dma_start3A_20 : memref<3x3200xi32, #tpu.memory_space<vmem>>) target_semaphore(%arg14 : memref<!tpu.dma_semaphore, #tpu.memory_space<semaphore_mem>>)
    %scan3A_24 = arith.constant 0 : i32
    %scan3A_25 = arith.constant 0 : i32
    %scan3A_26 = arith.constant 50 : i32
    %scan3A_27 = arith.addi %scan3A_25, %scan3A_26 : i32
    %scan3A_28 = arith.constant 1 : i32
    %scan3A_29 = scf.for %scan3A_70 = %scan3A_25 to %scan3A_27 step %scan3A_28 iter_args(%scan3A_71 = %scan3A_24) -> (i32)  : i32 {
      %add3A_72 = arith.constant 1 : i32
      %add3A_73 = arith.addi %scan3A_70, %add3A_72 : i32
      %lt3A = arith.constant 50 : i32
      %lt3A_74 = arith.cmpi slt, %add3A_73, %lt3A : i32
      %convert_element_type3A_75 = arith.extui %lt3A_74 : i1 to i32
      %cond3A_76 = arith.constant 0 : i32
      %cond3A_77 = arith.cmpi ne, %convert_element_type3A_75, %cond3A_76 : i32
      scf.if %cond3A_77 {
        %add3A_149 = arith.constant 1 : i32
        %add3A_150 = arith.addi %scan3A_70, %add3A_149 : i32
        %mul3A_151 = arith.constant 3200 : i32
        %mul3A_152 = arith.muli %add3A_150, %mul3A_151 : i32
        %jit3A_153 = arith.constant 2 : i32
        %eq3A_154 = arith.constant 0 : i32
        %eq3A_155 = arith.cmpi eq, %jit3A_153, %eq3A_154 : i32
        %jit3A_156 = arith.constant 1 : i32
        %select_n3A_157 = arith.select %eq3A_155, %jit3A_156, %jit3A_153 : i32
        %rem3A_158 = arith.remsi %add3A_150, %select_n3A_157 : i32
        %ne3A_159 = arith.constant 0 : i32
        %ne3A_160 = arith.cmpi ne, %rem3A_158, %ne3A_159 : i32
        %lt3A_161 = arith.constant 0 : i32
        %lt3A_162 = arith.cmpi slt, %rem3A_158, %lt3A_161 : i32
        %lt3A_163 = arith.constant 0 : i32
        %lt3A_164 = arith.cmpi slt, %select_n3A_157, %lt3A_163 : i32
        %ne3A_165 = arith.xori %lt3A_162, %lt3A_164 : i1
        %and3A_166 = arith.andi %ne3A_165, %ne3A_160 : i1
        %add3A_167 = arith.addi %rem3A_158, %select_n3A_157 : i32
        %select_n3A_168 = arith.select %and3A_166, %add3A_167, %rem3A_158 : i32
        %eq3A_169 = arith.constant 0 : i32
        %eq3A_170 = arith.cmpi eq, %select_n3A_168, %eq3A_169 : i32
        %convert_element_type3A_171 = arith.extui %eq3A_170 : i1 to i32
        %cond3A_172 = arith.constant 0 : i32
        %cond3A_173 = arith.cmpi ne, %convert_element_type3A_171, %cond3A_172 : i32
        scf.if %cond3A_173 {
          %dma_start3A_195 = arith.constant 0 : i32
          %dma_start3A_196 = arith.constant 0 : i32
          %dma_start3A_197 = arith.constant 0 : i32
          %dma_start3A_198 = tpu.memref_slice %arg5[%dma_start3A_195, %dma_start3A_196, %dma_start3A_197] : memref<2x3x3200xi32, #tpu.memory_space<vmem>> -> memref<1x3x3200xi32, #tpu.memory_space<vmem>>
          %dma_start3A_199 = tpu.memref_squeeze %dma_start3A_198 : memref<1x3x3200xi32, #tpu.memory_space<vmem>> -> memref<3x3200xi32, #tpu.memory_space<vmem>>
          %dma_start3A_200 = arith.constant 0 : i32
          %dma_start3A_201 = tpu.memref_slice %arg3[%dma_start3A_200, %mul3A_152] : memref<3x160000xi32, #tpu.memory_space<hbm>> -> memref<3x3200xi32, #tpu.memory_space<hbm>>
          %dma_start3A_202 = arith.constant 0 : i32
          %dma_start3A_203 = arith.constant 0 : i32
          %dma_start3A_204 = tpu.memref_slice %arg5[%dma_start3A_195, %dma_start3A_202, %dma_start3A_203] : memref<2x3x3200xi32, #tpu.memory_space<vmem>> -> memref<1x3x3200xi32, #tpu.memory_space<vmem>>
          %dma_start3A_205 = tpu.memref_squeeze %dma_start3A_204 : memref<1x3x3200xi32, #tpu.memory_space<vmem>> -> memref<3x3200xi32, #tpu.memory_space<vmem>>
          %dma_start3A_206 = arith.constant 0 : i32
          %dma_start3A_207 = tpu.memref_slice %arg3[%dma_start3A_206, %mul3A_152] : memref<3x160000xi32, #tpu.memory_space<hbm>> -> memref<3x3200xi32, #tpu.memory_space<hbm>>
          tpu.enqueue_dma source(%dma_start3A_207 : memref<3x3200xi32, #tpu.memory_space<hbm>>) target(%dma_start3A_205 : memref<3x3200xi32, #tpu.memory_space<vmem>>) target_semaphore(%arg14 : memref<!tpu.dma_semaphore, #tpu.memory_space<semaphore_mem>>)
        } else {
        }
        %jit3A_174 = arith.constant 2 : i32
        %eq3A_175 = arith.constant 0 : i32
        %eq3A_176 = arith.cmpi eq, %jit3A_174, %eq3A_175 : i32
        %jit3A_177 = arith.constant 1 : i32
        %select_n3A_178 = arith.select %eq3A_176, %jit3A_177, %jit3A_174 : i32
        %rem3A_179 = arith.remsi %add3A_150, %select_n3A_178 : i32
        %ne3A_180 = arith.constant 0 : i32
        %ne3A_181 = arith.cmpi ne, %rem3A_179, %ne3A_180 : i32
        %lt3A_182 = arith.constant 0 : i32
        %lt3A_183 = arith.cmpi slt, %rem3A_179, %lt3A_182 : i32
        %lt3A_184 = arith.constant 0 : i32
        %lt3A_185 = arith.cmpi slt, %select_n3A_178, %lt3A_184 : i32
        %ne3A_186 = arith.xori %lt3A_183, %lt3A_185 : i1
        %and3A_187 = arith.andi %ne3A_186, %ne3A_181 : i1
        %add3A_188 = arith.addi %rem3A_179, %select_n3A_178 : i32
        %select_n3A_189 = arith.select %and3A_187, %add3A_188, %rem3A_179 : i32
        %eq3A_190 = arith.constant 1 : i32
        %eq3A_191 = arith.cmpi eq, %select_n3A_189, %eq3A_190 : i32
        %convert_element_type3A_192 = arith.extui %eq3A_191 : i1 to i32
        %cond3A_193 = arith.constant 0 : i32
        %cond3A_194 = arith.cmpi ne, %convert_element_type3A_192, %cond3A_193 : i32
        scf.if %cond3A_194 {
          %dma_start3A_195 = arith.constant 1 : i32
          %dma_start3A_196 = arith.constant 0 : i32
          %dma_start3A_197 = arith.constant 0 : i32
          %dma_start3A_198 = tpu.memref_slice %arg5[%dma_start3A_195, %dma_start3A_196, %dma_start3A_197] : memref<2x3x3200xi32, #tpu.memory_space<vmem>> -> memref<1x3x3200xi32, #tpu.memory_space<vmem>>
          %dma_start3A_199 = tpu.memref_squeeze %dma_start3A_198 : memref<1x3x3200xi32, #tpu.memory_space<vmem>> -> memref<3x3200xi32, #tpu.memory_space<vmem>>
          %dma_start3A_200 = arith.constant 0 : i32
          %dma_start3A_201 = tpu.memref_slice %arg3[%dma_start3A_200, %mul3A_152] : memref<3x160000xi32, #tpu.memory_space<hbm>> -> memref<3x3200xi32, #tpu.memory_space<hbm>>
          %dma_start3A_202 = arith.constant 0 : i32
          %dma_start3A_203 = arith.constant 0 : i32
          %dma_start3A_204 = tpu.memref_slice %arg5[%dma_start3A_195, %dma_start3A_202, %dma_start3A_203] : memref<2x3x3200xi32, #tpu.memory_space<vmem>> -> memref<1x3x3200xi32, #tpu.memory_space<vmem>>
          %dma_start3A_205 = tpu.memref_squeeze %dma_start3A_204 : memref<1x3x3200xi32, #tpu.memory_space<vmem>> -> memref<3x3200xi32, #tpu.memory_space<vmem>>
          %dma_start3A_206 = arith.constant 0 : i32
          %dma_start3A_207 = tpu.memref_slice %arg3[%dma_start3A_206, %mul3A_152] : memref<3x160000xi32, #tpu.memory_space<hbm>> -> memref<3x3200xi32, #tpu.memory_space<hbm>>
          tpu.enqueue_dma source(%dma_start3A_207 : memref<3x3200xi32, #tpu.memory_space<hbm>>) target(%dma_start3A_205 : memref<3x3200xi32, #tpu.memory_space<vmem>>) target_semaphore(%arg15 : memref<!tpu.dma_semaphore, #tpu.memory_space<semaphore_mem>>)
        } else {
        }
      } else {
      }
      %jit3A_78 = arith.constant 2 : i32
      %eq3A = arith.constant 0 : i32
      %eq3A_79 = arith.cmpi eq, %jit3A_78, %eq3A : i32
      %jit3A_80 = arith.constant 1 : i32
      %select_n3A_81 = arith.select %eq3A_79, %jit3A_80, %jit3A_78 : i32
      %rem3A_82 = arith.remsi %scan3A_70, %select_n3A_81 : i32
      %ne3A_83 = arith.constant 0 : i32
      %ne3A_84 = arith.cmpi ne, %rem3A_82, %ne3A_83 : i32
      %lt3A_85 = arith.constant 0 : i32
      %lt3A_86 = arith.cmpi slt, %rem3A_82, %lt3A_85 : i32
      %lt3A_87 = arith.constant 0 : i32
      %lt3A_88 = arith.cmpi slt, %select_n3A_81, %lt3A_87 : i32
      %ne3A_89 = arith.xori %lt3A_86, %lt3A_88 : i1
      %and3A_90 = arith.andi %ne3A_89, %ne3A_84 : i1
      %add3A_91 = arith.addi %rem3A_82, %select_n3A_81 : i32
      %select_n3A_92 = arith.select %and3A_90, %add3A_91, %rem3A_82 : i32
      %eq3A_93 = arith.constant 0 : i32
      %eq3A_94 = arith.cmpi eq, %select_n3A_92, %eq3A_93 : i32
      %convert_element_type3A_95 = arith.extui %eq3A_94 : i1 to i32
      %cond3A_96 = arith.constant 0 : i32
      %cond3A_97 = arith.cmpi ne, %convert_element_type3A_95, %cond3A_96 : i32
      scf.if %cond3A_97 {
        %dma_wait3A = arith.constant 0 : i32
        %dma_wait3A_149 = arith.constant 0 : i32
        %dma_wait3A_150 = arith.constant 0 : i32
        %dma_wait3A_151 = tpu.memref_slice %arg5[%dma_wait3A, %dma_wait3A_149, %dma_wait3A_150] : memref<2x3x3200xi32, #tpu.memory_space<vmem>> -> memref<1x3x3200xi32, #tpu.memory_space<vmem>>
        %dma_wait3A_152 = tpu.memref_squeeze %dma_wait3A_151 : memref<1x3x3200xi32, #tpu.memory_space<vmem>> -> memref<3x3200xi32, #tpu.memory_space<vmem>>
        %dma_wait3A_153 = arith.constant 0 : i32
        %dma_wait3A_154 = arith.constant 0 : i32
        %dma_wait3A_155 = tpu.memref_slice %arg3[%dma_wait3A_153, %dma_wait3A_154] : memref<3x160000xi32, #tpu.memory_space<hbm>> -> memref<3x3200xi32, #tpu.memory_space<hbm>>
        %dma_wait3A_156 = arith.constant 0 : i32
        %dma_wait3A_157 = arith.constant 0 : i32
        %dma_wait3A_158 = tpu.memref_slice %arg5[%dma_wait3A, %dma_wait3A_156, %dma_wait3A_157] : memref<2x3x3200xi32, #tpu.memory_space<vmem>> -> memref<1x3x3200xi32, #tpu.memory_space<vmem>>
        %dma_wait3A_159 = tpu.memref_squeeze %dma_wait3A_158 : memref<1x3x3200xi32, #tpu.memory_space<vmem>> -> memref<3x3200xi32, #tpu.memory_space<vmem>>
        %dma_wait3A_160 = arith.constant 0 : i32
        %dma_wait3A_161 = arith.constant 0 : i32
        %dma_wait3A_162 = tpu.memref_slice %arg3[%dma_wait3A_160, %dma_wait3A_161] : memref<3x160000xi32, #tpu.memory_space<hbm>> -> memref<3x3200xi32, #tpu.memory_space<hbm>>
        tpu.wait_dma2 semaphore(%arg14 : memref<!tpu.dma_semaphore, #tpu.memory_space<semaphore_mem>>) src(%dma_wait3A_162 : memref<3x3200xi32, #tpu.memory_space<hbm>>) dst(%dma_wait3A_159 : memref<3x3200xi32, #tpu.memory_space<vmem>>)
      } else {
      }
      %jit3A_98 = arith.constant 2 : i32
      %eq3A_99 = arith.constant 0 : i32
      %eq3A_100 = arith.cmpi eq, %jit3A_98, %eq3A_99 : i32
      %jit3A_101 = arith.constant 1 : i32
      %select_n3A_102 = arith.select %eq3A_100, %jit3A_101, %jit3A_98 : i32
      %rem3A_103 = arith.remsi %scan3A_70, %select_n3A_102 : i32
      %ne3A_104 = arith.constant 0 : i32
      %ne3A_105 = arith.cmpi ne, %rem3A_103, %ne3A_104 : i32
      %lt3A_106 = arith.constant 0 : i32
      %lt3A_107 = arith.cmpi slt, %rem3A_103, %lt3A_106 : i32
      %lt3A_108 = arith.constant 0 : i32
      %lt3A_109 = arith.cmpi slt, %select_n3A_102, %lt3A_108 : i32
      %ne3A_110 = arith.xori %lt3A_107, %lt3A_109 : i1
      %and3A_111 = arith.andi %ne3A_110, %ne3A_105 : i1
      %add3A_112 = arith.addi %rem3A_103, %select_n3A_102 : i32
      %select_n3A_113 = arith.select %and3A_111, %add3A_112, %rem3A_103 : i32
      %eq3A_114 = arith.constant 1 : i32
      %eq3A_115 = arith.cmpi eq, %select_n3A_113, %eq3A_114 : i32
      %convert_element_type3A_116 = arith.extui %eq3A_115 : i1 to i32
      %cond3A_117 = arith.constant 0 : i32
      %cond3A_118 = arith.cmpi ne, %convert_element_type3A_116, %cond3A_117 : i32
      scf.if %cond3A_118 {
        %dma_wait3A = arith.constant 1 : i32
        %dma_wait3A_149 = arith.constant 0 : i32
        %dma_wait3A_150 = arith.constant 0 : i32
        %dma_wait3A_151 = tpu.memref_slice %arg5[%dma_wait3A, %dma_wait3A_149, %dma_wait3A_150] : memref<2x3x3200xi32, #tpu.memory_space<vmem>> -> memref<1x3x3200xi32, #tpu.memory_space<vmem>>
        %dma_wait3A_152 = tpu.memref_squeeze %dma_wait3A_151 : memref<1x3x3200xi32, #tpu.memory_space<vmem>> -> memref<3x3200xi32, #tpu.memory_space<vmem>>
        %dma_wait3A_153 = arith.constant 0 : i32
        %dma_wait3A_154 = arith.constant 0 : i32
        %dma_wait3A_155 = tpu.memref_slice %arg3[%dma_wait3A_153, %dma_wait3A_154] : memref<3x160000xi32, #tpu.memory_space<hbm>> -> memref<3x3200xi32, #tpu.memory_space<hbm>>
        %dma_wait3A_156 = arith.constant 0 : i32
        %dma_wait3A_157 = arith.constant 0 : i32
        %dma_wait3A_158 = tpu.memref_slice %arg5[%dma_wait3A, %dma_wait3A_156, %dma_wait3A_157] : memref<2x3x3200xi32, #tpu.memory_space<vmem>> -> memref<1x3x3200xi32, #tpu.memory_space<vmem>>
        %dma_wait3A_159 = tpu.memref_squeeze %dma_wait3A_158 : memref<1x3x3200xi32, #tpu.memory_space<vmem>> -> memref<3x3200xi32, #tpu.memory_space<vmem>>
        %dma_wait3A_160 = arith.constant 0 : i32
        %dma_wait3A_161 = arith.constant 0 : i32
        %dma_wait3A_162 = tpu.memref_slice %arg3[%dma_wait3A_160, %dma_wait3A_161] : memref<3x160000xi32, #tpu.memory_space<hbm>> -> memref<3x3200xi32, #tpu.memory_space<hbm>>
        tpu.wait_dma2 semaphore(%arg15 : memref<!tpu.dma_semaphore, #tpu.memory_space<semaphore_mem>>) src(%dma_wait3A_162 : memref<3x3200xi32, #tpu.memory_space<hbm>>) dst(%dma_wait3A_159 : memref<3x3200xi32, #tpu.memory_space<vmem>>)
      } else {
      }
      %jit3A_119 = arith.constant 2 : i32
      %eq3A_120 = arith.constant 0 : i32
      %eq3A_121 = arith.cmpi eq, %jit3A_119, %eq3A_120 : i32
      %jit3A_122 = arith.constant 1 : i32
      %select_n3A_123 = arith.select %eq3A_121, %jit3A_122, %jit3A_119 : i32
      %rem3A_124 = arith.remsi %scan3A_70, %select_n3A_123 : i32
      %ne3A_125 = arith.constant 0 : i32
      %ne3A_126 = arith.cmpi ne, %rem3A_124, %ne3A_125 : i32
      %lt3A_127 = arith.constant 0 : i32
      %lt3A_128 = arith.cmpi slt, %rem3A_124, %lt3A_127 : i32
      %lt3A_129 = arith.constant 0 : i32
      %lt3A_130 = arith.cmpi slt, %select_n3A_123, %lt3A_129 : i32
      %ne3A_131 = arith.xori %lt3A_128, %lt3A_130 : i1
      %and3A_132 = arith.andi %ne3A_131, %ne3A_126 : i1
      %add3A_133 = arith.addi %rem3A_124, %select_n3A_123 : i32
      %select_n3A_134 = arith.select %and3A_132, %add3A_133, %rem3A_124 : i32
      %scan3A_135 = arith.constant 0 : i32
      %scan3A_136 = arith.constant 200 : i32
      %scan3A_137 = arith.addi %scan3A_135, %scan3A_136 : i32
      %scan3A_138 = arith.constant 1 : i32
      %scan3A_139 = scf.for %scan3A_149 = %scan3A_135 to %scan3A_137 step %scan3A_138 iter_args(%scan3A_150 = %scan3A_71) -> (i32)  : i32 {
        %mul3A_151 = arith.constant 16 : i32
        %mul3A_152 = arith.muli %scan3A_149, %mul3A_151 : i32
        %get3A = arith.constant 0 : i32
        %get3A_153 = arith.index_cast %select_n3A_134 : i32 to index
        %get3A_154 = arith.index_cast %get3A : i32 to index
        %get3A_155 = arith.index_cast %mul3A_152 : i32 to index
        %get3A_156 = tpu.vector_load %arg5[%get3A_153, %get3A_154, %get3A_155] {strides = array<i32>} : memref<2x3x3200xi32, #tpu.memory_space<vmem>>, vector<16xi32>,
        %mul3A_157 = arith.constant 16 : i32
        %mul3A_158 = arith.muli %scan3A_149, %mul3A_157 : i32
        %get3A_159 = arith.constant 1 : i32
        %get3A_160 = arith.index_cast %select_n3A_134 : i32 to index
        %get3A_161 = arith.index_cast %get3A_159 : i32 to index
        %get3A_162 = arith.index_cast %mul3A_158 : i32 to index
        %get3A_163 = tpu.vector_load %arg5[%get3A_160, %get3A_161, %get3A_162] {strides = array<i32>} : memref<2x3x3200xi32, #tpu.memory_space<vmem>>, vector<16xi32>,
        %mul3A_164 = arith.constant 16 : i32
        %mul3A_165 = arith.muli %scan3A_149, %mul3A_164 : i32
        %get3A_166 = arith.constant 2 : i32
        %get3A_167 = arith.index_cast %select_n3A_134 : i32 to index
        %get3A_168 = arith.index_cast %get3A_166 : i32 to index
        %get3A_169 = arith.index_cast %mul3A_165 : i32 to index
        %get3A_170 = tpu.vector_load %arg5[%get3A_167, %get3A_168, %get3A_169] {strides = array<i32>} : memref<2x3x3200xi32, #tpu.memory_space<vmem>>, vector<16xi32>,
        %sub3A_171 = vector.broadcast %mul3A_2 : i32 to vector<16xi32>
        %sub3A_172 = arith.subi %get3A_163, %sub3A_171 : vector<16xi32>
        %ge3A_173 = arith.constant 0 : i32
        %ge3A_174 = vector.broadcast %ge3A_173 : i32 to vector<16xi32>
        %ge3A_175 = arith.cmpi sge, %sub3A_172, %ge3A_174 : vector<16xi32>
        %lt3A_176 = arith.constant 313 : i32
        %lt3A_177 = vector.broadcast %lt3A_176 : i32 to vector<16xi32>
        %lt3A_178 = arith.cmpi slt, %sub3A_172, %lt3A_177 : vector<16xi32>
        %and3A_179 = arith.andi %ge3A_175, %lt3A_178 : vector<16xi1>
        %mul3A_180 = arith.constant 10000 : i32
        %mul3A_181 = vector.broadcast %mul3A_180 : i32 to vector<16xi32>
        %mul3A_182 = arith.muli %get3A_170, %mul3A_181 : vector<16xi32>
        %add3A_183 = arith.addi %mul3A_182, %get3A_156 : vector<16xi32>
        %mul3A_184 = arith.constant 512 : i32
        %mul3A_185 = vector.broadcast %mul3A_184 : i32 to vector<16xi32>
        %mul3A_186 = arith.muli %add3A_183, %mul3A_185 : vector<16xi32>
        %add3A_187 = arith.addi %mul3A_186, %sub3A_172 : vector<16xi32>
        %convert_element_type3A_188 = arith.extui %and3A_179 : vector<16xi1> to vector<16xi32>
        %broadcast_in_dim3A_189 = arith.constant true
        %broadcast_in_dim3A_190 = vector.broadcast %broadcast_in_dim3A_189 : i1 to vector<16xi1>
        %masked_cumsum3A = tpu.scan <sum>, %convert_element_type3A_188 masked %broadcast_in_dim3A_190 : vector<16xi32>, vector<16xi1> -> vector<16xi32>
        %sub3A_191 = arith.constant 1 : i32
        %sub3A_192 = vector.broadcast %sub3A_191 : i32 to vector<16xi32>
        %sub3A_193 = arith.subi %masked_cumsum3A, %sub3A_192 : vector<16xi32>
        %add3A_194 = vector.broadcast %scan3A_150 : i32 to vector<16xi32>
        %add3A_195 = arith.addi %sub3A_193, %add3A_194 : vector<16xi32>
        tpu.vector_store_idx %arg6[%add3A_195], %add3A_187 masked %and3A_179 : memref<4096xi32, #tpu.memory_space<vmem>>[vector<16xi32>], vector<16xi32>, vector<16xi1>
        %slice3A = vector.extract_strided_slice %masked_cumsum3A {offsets = [15], sizes = [1], strides = [1]} : vector<16xi32> to vector<1xi32>
        %squeeze3A = vector.extract %slice3A[0] : i32 from vector<1xi32>
        %add3A_196 = arith.addi %scan3A_150, %squeeze3A : i32
        scf.yield %add3A_196 : i32
      }
      %scan3A_140 = arith.constant 200 : i32
      %ge3A = arith.constant 832 : i32
      %ge3A_141 = arith.cmpi sge, %scan3A_139, %ge3A : i32
      %convert_element_type3A_142 = arith.extui %ge3A_141 : i1 to i32
      %cond3A_143 = arith.constant 0 : i32
      %cond3A_144 = arith.cmpi ne, %convert_element_type3A_142, %cond3A_143 : i32
      scf.if %cond3A_144 {
        %broadcast_in_dim3A_149 = arith.constant 0 : i32
        %broadcast_in_dim3A_150 = vector.broadcast %broadcast_in_dim3A_149 : i32 to vector<16xi32>
        %add3A_151 = arith.constant 0 : i32
        %add3A_152 = arith.addi %scan3A_139, %add3A_151 : i32
        %swap3A_153 = arith.index_cast %add3A_152 : i32 to index
        %swap3A_154 = tpu.vector_load %arg6[%swap3A_153] {strides = array<i32>} : memref<4096xi32, #tpu.memory_space<vmem>>, vector<16xi32>,
        tpu.vector_store %arg6[%swap3A_153], %broadcast_in_dim3A_150 {strides = array<i32>} : memref<4096xi32, #tpu.memory_space<vmem>>, vector<16xi32>,
        %add3A_155 = arith.constant 16 : i32
        %add3A_156 = arith.addi %scan3A_139, %add3A_155 : i32
        %swap3A_157 = arith.index_cast %add3A_156 : i32 to index
        %swap3A_158 = tpu.vector_load %arg6[%swap3A_157] {strides = array<i32>} : memref<4096xi32, #tpu.memory_space<vmem>>, vector<16xi32>,
        tpu.vector_store %arg6[%swap3A_157], %broadcast_in_dim3A_150 {strides = array<i32>} : memref<4096xi32, #tpu.memory_space<vmem>>, vector<16xi32>,
        %add3A_159 = arith.constant 32 : i32
        %add3A_160 = arith.addi %scan3A_139, %add3A_159 : i32
        %swap3A_161 = arith.index_cast %add3A_160 : i32 to index
        %swap3A_162 = tpu.vector_load %arg6[%swap3A_161] {strides = array<i32>} : memref<4096xi32, #tpu.memory_space<vmem>>, vector<16xi32>,
        tpu.vector_store %arg6[%swap3A_161], %broadcast_in_dim3A_150 {strides = array<i32>} : memref<4096xi32, #tpu.memory_space<vmem>>, vector<16xi32>,
        %add3A_163 = arith.constant 48 : i32
        %add3A_164 = arith.addi %scan3A_139, %add3A_163 : i32
        %swap3A_165 = arith.index_cast %add3A_164 : i32 to index
        %swap3A_166 = tpu.vector_load %arg6[%swap3A_165] {strides = array<i32>} : memref<4096xi32, #tpu.memory_space<vmem>>, vector<16xi32>,
        tpu.vector_store %arg6[%swap3A_165], %broadcast_in_dim3A_150 {strides = array<i32>} : memref<4096xi32, #tpu.memory_space<vmem>>, vector<16xi32>,
        %add3A_167 = arith.constant 63 : i32
        %add3A_168 = arith.addi %scan3A_139, %add3A_167 : i32
        %jit3A_169 = arith.constant 64 : i32
        %div3A_170 = arith.divsi %add3A_168, %jit3A_169 : i32
        %sign3A_171 = arith.constant 0 : i32
        %sign3A_172 = arith.cmpi sgt, %add3A_168, %sign3A_171 : i32
        %sign3A_173 = arith.extui %sign3A_172 : i1 to i32
        %sign3A_174 = arith.constant 0 : i32
        %sign3A_175 = arith.cmpi slt, %add3A_168, %sign3A_174 : i32
        %sign3A_176 = arith.extui %sign3A_175 : i1 to i32
        %sign3A_177 = arith.subi %sign3A_173, %sign3A_176 : i32
        %sign3A_178 = arith.constant 0 : i32
        %sign3A_179 = arith.cmpi sgt, %jit3A_169, %sign3A_178 : i32
        %sign3A_180 = arith.extui %sign3A_179 : i1 to i32
        %sign3A_181 = arith.constant 0 : i32
        %sign3A_182 = arith.cmpi slt, %jit3A_169, %sign3A_181 : i32
        %sign3A_183 = arith.extui %sign3A_182 : i1 to i32
        %sign3A_184 = arith.subi %sign3A_180, %sign3A_183 : i32
        %ne3A_185 = arith.cmpi ne, %sign3A_177, %sign3A_184 : i32
        %rem3A_186 = arith.remsi %add3A_168, %jit3A_169 : i32
        %ne3A_187 = arith.constant 0 : i32
        %ne3A_188 = arith.cmpi ne, %rem3A_186, %ne3A_187 : i32
        %and3A_189 = arith.andi %ne3A_185, %ne3A_188 : i1
        %sub3A_190 = arith.constant 1 : i32
        %sub3A_191 = arith.subi %div3A_170, %sub3A_190 : i32
        %select_n3A_192 = arith.select %and3A_189, %sub3A_191, %div3A_170 : i32
        %gt3A_193 = arith.constant 0 : i32
        %gt3A_194 = arith.cmpi sgt, %select_n3A_192, %gt3A_193 : i32
        %convert_element_type3A_195 = arith.extui %gt3A_194 : i1 to i32
        %cond3A_196 = arith.constant 0 : i32
        %cond3A_197 = arith.cmpi ne, %convert_element_type3A_195, %cond3A_196 : i32
        scf.if %cond3A_197 {
          %gt3A_198 = arith.constant 0 : i32
          %gt3A_199 = arith.cmpi sgt, %select_n3A_192, %gt3A_198 : i32
          %convert_element_type3A_200 = arith.extui %gt3A_199 : i1 to i32
          %cond3A_201 = arith.constant 0 : i32
          %cond3A_202 = arith.cmpi ne, %convert_element_type3A_200, %cond3A_201 : i32
          scf.if %cond3A_202 {
            %get3A = arith.constant 0 : index
            %get3A_234 = tpu.vector_load %arg6[%get3A] {strides = array<i32>} : memref<4096xi32, #tpu.memory_space<vmem>>, vector<16xi32>,
            %shift_right_arithmetic3A = arith.constant 9 : i32
            %shift_right_arithmetic3A_235 = vector.broadcast %shift_right_arithmetic3A : i32 to vector<16xi32>
            %shift_right_arithmetic3A_236 = arith.shrsi %get3A_234, %shift_right_arithmetic3A_235 : vector<16xi32>
            %swap3A_237 = arith.constant 0 : i32
            %swap3A_238 = arith.index_cast %swap3A_237 : i32 to index
            %swap3A_239 = arith.constant 0 : index
            %swap3A_240 = tpu.vector_load %arg7[%swap3A_238, %swap3A_239] {strides = array<i32>} : memref<6x64xi32, #tpu.memory_space<vmem>>, vector<16xi32>,
            tpu.vector_store %arg7[%swap3A_238, %swap3A_239], %shift_right_arithmetic3A_236 {strides = array<i32>} : memref<6x64xi32, #tpu.memory_space<vmem>>, vector<16xi32>,
            %get3A_241 = arith.constant 16 : index
            %get3A_242 = tpu.vector_load %arg6[%get3A_241] {strides = array<i32>} : memref<4096xi32, #tpu.memory_space<vmem>>, vector<16xi32>,
            %shift_right_arithmetic3A_243 = arith.constant 9 : i32
            %shift_right_arithmetic3A_244 = vector.broadcast %shift_right_arithmetic3A_243 : i32 to vector<16xi32>
            %shift_right_arithmetic3A_245 = arith.shrsi %get3A_242, %shift_right_arithmetic3A_244 : vector<16xi32>
            %swap3A_246 = arith.constant 0 : i32
            %swap3A_247 = arith.index_cast %swap3A_246 : i32 to index
            %swap3A_248 = arith.constant 16 : index
            %swap3A_249 = tpu.vector_load %arg7[%swap3A_247, %swap3A_248] {strides = array<i32>} : memref<6x64xi32, #tpu.memory_space<vmem>>, vector<16xi32>,
            tpu.vector_store %arg7[%swap3A_247, %swap3A_248], %shift_right_arithmetic3A_245 {strides = array<i32>} : memref<6x64xi32, #tpu.memory_space<vmem>>, vector<16xi32>,
            %get3A_250 = arith.constant 32 : index
            %get3A_251 = tpu.vector_load %arg6[%get3A_250] {strides = array<i32>} : memref<4096xi32, #tpu.memory_space<vmem>>, vector<16xi32>,
            %shift_right_arithmetic3A_252 = arith.constant 9 : i32
            %shift_right_arithmetic3A_253 = vector.broadcast %shift_right_arithmetic3A_252 : i32 to vector<16xi32>
            %shift_right_arithmetic3A_254 = arith.shrsi %get3A_251, %shift_right_arithmetic3A_253 : vector<16xi32>
            %swap3A_255 = arith.constant 0 : i32
            %swap3A_256 = arith.index_cast %swap3A_255 : i32 to index
            %swap3A_257 = arith.constant 32 : index
            %swap3A_258 = tpu.vector_load %arg7[%swap3A_256, %swap3A_257] {strides = array<i32>} : memref<6x64xi32, #tpu.memory_space<vmem>>, vector<16xi32>,
            tpu.vector_store %arg7[%swap3A_256, %swap3A_257], %shift_right_arithmetic3A_254 {strides = array<i32>} : memref<6x64xi32, #tpu.memory_space<vmem>>, vector<16xi32>,
            %get3A_259 = arith.constant 48 : index
            %get3A_260 = tpu.vector_load %arg6[%get3A_259] {strides = array<i32>} : memref<4096xi32, #tpu.memory_space<vmem>>, vector<16xi32>,
            %shift_right_arithmetic3A_261 = arith.constant 9 : i32
            %shift_right_arithmetic3A_262 = vector.broadcast %shift_right_arithmetic3A_261 : i32 to vector<16xi32>
            %shift_right_arithmetic3A_263 = arith.shrsi %get3A_260, %shift_right_arithmetic3A_262 : vector<16xi32>
            %swap3A_264 = arith.constant 0 : i32
            %swap3A_265 = arith.index_cast %swap3A_264 : i32 to index
            %swap3A_266 = arith.constant 48 : index
            %swap3A_267 = tpu.vector_load %arg7[%swap3A_265, %swap3A_266] {strides = array<i32>} : memref<6x64xi32, #tpu.memory_space<vmem>>, vector<16xi32>,
            tpu.vector_store %arg7[%swap3A_265, %swap3A_266], %shift_right_arithmetic3A_263 {strides = array<i32>} : memref<6x64xi32, #tpu.memory_space<vmem>>, vector<16xi32>,
            %dma_start3A_268 = arith.constant 0 : i32
            %dma_start3A_269 = arith.constant 0 : i32
            %dma_start3A_270 = arith.constant 0 : i32
            %dma_start3A_271 = arith.constant 0 : i32
            %dma_start3A_272 = tpu.memref_slice %arg9[%dma_start3A_269, %dma_start3A_270, %dma_start3A_271] : memref<6x64x128xi32, #tpu.memory_space<vmem>> -> memref<1x64x128xi32, #tpu.memory_space<vmem>>
            %dma_start3A_273 = tpu.memref_squeeze %dma_start3A_272 : memref<1x64x128xi32, #tpu.memory_space<vmem>> -> memref<64x128xi32, #tpu.memory_space<vmem>>
            %dma_start3A_274 = arith.constant 0 : i32
            %dma_start3A_275 = tpu.memref_slice %arg7[%dma_start3A_268, %dma_start3A_274] : memref<6x64xi32, #tpu.memory_space<vmem>> -> memref<1x64xi32, #tpu.memory_space<vmem>>
            %dma_start3A_276 = tpu.memref_squeeze %dma_start3A_275 : memref<1x64xi32, #tpu.memory_space<vmem>> -> memref<64xi32, #tpu.memory_space<vmem>>
            %dma_start3A_277 = arith.constant 0 : i32
            %dma_start3A_278 = arith.constant 0 : i32
            %dma_start3A_279 = tpu.memref_slice %arg2[%dma_start3A_277, %dma_start3A_278] : memref<80000x128xi32, #tpu.memory_space<hbm>> -> memref<80000x128xi32, #tpu.memory_space<hbm>>
            tpu.enqueue_indirect_dma source(%dma_start3A_279 : memref<80000x128xi32, #tpu.memory_space<hbm>>) target(%dma_start3A_273 : memref<64x128xi32, #tpu.memory_space<vmem>>) offsets(%dma_start3A_276 : memref<64xi32, #tpu.memory_space<vmem>>) semaphore(%arg10 : memref<!tpu.dma_semaphore, #tpu.memory_space<semaphore_mem>>)
          } else {
          }
          %gt3A_203 = arith.constant 1 : i32
          %gt3A_204 = arith.cmpi sgt, %select_n3A_192, %gt3A_203 : i32
          %convert_element_type3A_205 = arith.extui %gt3A_204 : i1 to i32
          %cond3A_206 = arith.constant 0 : i32
          %cond3A_207 = arith.cmpi ne, %convert_element_type3A_205, %cond3A_206 : i32
          scf.if %cond3A_207 {
            %get3A = arith.constant 64 : index
            %get3A_234 = tpu.vector_load %arg6[%get3A] {strides = array<i32>} : memref<4096xi32, #tpu.memory_space<vmem>>, vector<16xi32>,
            %shift_right_arithmetic3A = arith.constant 9 : i32
            %shift_right_arithmetic3A_235 = vector.broadcast %shift_right_arithmetic3A : i32 to vector<16xi32>
            %shift_right_arithmetic3A_236 = arith.shrsi %get3A_234, %shift_right_arithmetic3A_235 : vector<16xi32>
            %swap3A_237 = arith.constant 1 : i32
            %swap3A_238 = arith.index_cast %swap3A_237 : i32 to index
            %swap3A_239 = arith.constant 0 : index
            %swap3A_240 = tpu.vector_load %arg7[%swap3A_238, %swap3A_239] {strides = array<i32>} : memref<6x64xi32, #tpu.memory_space<vmem>>, vector<16xi32>,
            tpu.vector_store %arg7[%swap3A_238, %swap3A_239], %shift_right_arithmetic3A_236 {strides = array<i32>} : memref<6x64xi32, #tpu.memory_space<vmem>>, vector<16xi32>,
            %get3A_241 = arith.constant 80 : index
            %get3A_242 = tpu.vector_load %arg6[%get3A_241] {strides = array<i32>} : memref<4096xi32, #tpu.memory_space<vmem>>, vector<16xi32>,
            %shift_right_arithmetic3A_243 = arith.constant 9 : i32
            %shift_right_arithmetic3A_244 = vector.broadcast %shift_right_arithmetic3A_243 : i32 to vector<16xi32>
            %shift_right_arithmetic3A_245 = arith.shrsi %get3A_242, %shift_right_arithmetic3A_244 : vector<16xi32>
            %swap3A_246 = arith.constant 1 : i32
            %swap3A_247 = arith.index_cast %swap3A_246 : i32 to index
            %swap3A_248 = arith.constant 16 : index
            %swap3A_249 = tpu.vector_load %arg7[%swap3A_247, %swap3A_248] {strides = array<i32>} : memref<6x64xi32, #tpu.memory_space<vmem>>, vector<16xi32>,
            tpu.vector_store %arg7[%swap3A_247, %swap3A_248], %shift_right_arithmetic3A_245 {strides = array<i32>} : memref<6x64xi32, #tpu.memory_space<vmem>>, vector<16xi32>,
            %get3A_250 = arith.constant 96 : index
            %get3A_251 = tpu.vector_load %arg6[%get3A_250] {strides = array<i32>} : memref<4096xi32, #tpu.memory_space<vmem>>, vector<16xi32>,
            %shift_right_arithmetic3A_252 = arith.constant 9 : i32
            %shift_right_arithmetic3A_253 = vector.broadcast %shift_right_arithmetic3A_252 : i32 to vector<16xi32>
            %shift_right_arithmetic3A_254 = arith.shrsi %get3A_251, %shift_right_arithmetic3A_253 : vector<16xi32>
            %swap3A_255 = arith.constant 1 : i32
            %swap3A_256 = arith.index_cast %swap3A_255 : i32 to index
            %swap3A_257 = arith.constant 32 : index
            %swap3A_258 = tpu.vector_load %arg7[%swap3A_256, %swap3A_257] {strides = array<i32>} : memref<6x64xi32, #tpu.memory_space<vmem>>, vector<16xi32>,
            tpu.vector_store %arg7[%swap3A_256, %swap3A_257], %shift_right_arithmetic3A_254 {strides = array<i32>} : memref<6x64xi32, #tpu.memory_space<vmem>>, vector<16xi32>,
            %get3A_259 = arith.constant 112 : index
            %get3A_260 = tpu.vector_load %arg6[%get3A_259] {strides = array<i32>} : memref<4096xi32, #tpu.memory_space<vmem>>, vector<16xi32>,
            %shift_right_arithmetic3A_261 = arith.constant 9 : i32
            %shift_right_arithmetic3A_262 = vector.broadcast %shift_right_arithmetic3A_261 : i32 to vector<16xi32>
            %shift_right_arithmetic3A_263 = arith.shrsi %get3A_260, %shift_right_arithmetic3A_262 : vector<16xi32>
            %swap3A_264 = arith.constant 1 : i32
            %swap3A_265 = arith.index_cast %swap3A_264 : i32 to index
            %swap3A_266 = arith.constant 48 : index
            %swap3A_267 = tpu.vector_load %arg7[%swap3A_265, %swap3A_266] {strides = array<i32>} : memref<6x64xi32, #tpu.memory_space<vmem>>, vector<16xi32>,
            tpu.vector_store %arg7[%swap3A_265, %swap3A_266], %shift_right_arithmetic3A_263 {strides = array<i32>} : memref<6x64xi32, #tpu.memory_space<vmem>>, vector<16xi32>,
            %dma_start3A_268 = arith.constant 1 : i32
            %dma_start3A_269 = arith.constant 1 : i32
            %dma_start3A_270 = arith.constant 0 : i32
            %dma_start3A_271 = arith.constant 0 : i32
            %dma_start3A_272 = tpu.memref_slice %arg9[%dma_start3A_269, %dma_start3A_270, %dma_start3A_271] : memref<6x64x128xi32, #tpu.memory_space<vmem>> -> memref<1x64x128xi32, #tpu.memory_space<vmem>>
            %dma_start3A_273 = tpu.memref_squeeze %dma_start3A_272 : memref<1x64x128xi32, #tpu.memory_space<vmem>> -> memref<64x128xi32, #tpu.memory_space<vmem>>
            %dma_start3A_274 = arith.constant 0 : i32
            %dma_start3A_275 = tpu.memref_slice %arg7[%dma_start3A_268, %dma_start3A_274] : memref<6x64xi32, #tpu.memory_space<vmem>> -> memref<1x64xi32, #tpu.memory_space<vmem>>
            %dma_start3A_276 = tpu.memref_squeeze %dma_start3A_275 : memref<1x64xi32, #tpu.memory_space<vmem>> -> memref<64xi32, #tpu.memory_space<vmem>>
            %dma_start3A_277 = arith.constant 0 : i32
            %dma_start3A_278 = arith.constant 0 : i32
            %dma_start3A_279 = tpu.memref_slice %arg2[%dma_start3A_277, %dma_start3A_278] : memref<80000x128xi32, #tpu.memory_space<hbm>> -> memref<80000x128xi32, #tpu.memory_space<hbm>>
            tpu.enqueue_indirect_dma source(%dma_start3A_279 : memref<80000x128xi32, #tpu.memory_space<hbm>>) target(%dma_start3A_273 : memref<64x128xi32, #tpu.memory_space<vmem>>) offsets(%dma_start3A_276 : memref<64xi32, #tpu.memory_space<vmem>>) semaphore(%arg11 : memref<!tpu.dma_semaphore, #tpu.memory_space<semaphore_mem>>)
          } else {
          }
          %gt3A_208 = arith.constant 2 : i32
          %gt3A_209 = arith.cmpi sgt, %select_n3A_192, %gt3A_208 : i32
          %convert_element_type3A_210 = arith.extui %gt3A_209 : i1 to i32
          %cond3A_211 = arith.constant 0 : i32
          %cond3A_212 = arith.cmpi ne, %convert_element_type3A_210, %cond3A_211 : i32
          scf.if %cond3A_212 {
            %get3A = arith.constant 128 : index
            %get3A_234 = tpu.vector_load %arg6[%get3A] {strides = array<i32>} : memref<4096xi32, #tpu.memory_space<vmem>>, vector<16xi32>,
            %shift_right_arithmetic3A = arith.constant 9 : i32
            %shift_right_arithmetic3A_235 = vector.broadcast %shift_right_arithmetic3A : i32 to vector<16xi32>
            %shift_right_arithmetic3A_236 = arith.shrsi %get3A_234, %shift_right_arithmetic3A_235 : vector<16xi32>
            %swap3A_237 = arith.constant 2 : i32
            %swap3A_238 = arith.index_cast %swap3A_237 : i32 to index
            %swap3A_239 = arith.constant 0 : index
            %swap3A_240 = tpu.vector_load %arg7[%swap3A_238, %swap3A_239] {strides = array<i32>} : memref<6x64xi32, #tpu.memory_space<vmem>>, vector<16xi32>,
            tpu.vector_store %arg7[%swap3A_238, %swap3A_239], %shift_right_arithmetic3A_236 {strides = array<i32>} : memref<6x64xi32, #tpu.memory_space<vmem>>, vector<16xi32>,
            %get3A_241 = arith.constant 144 : index
            %get3A_242 = tpu.vector_load %arg6[%get3A_241] {strides = array<i32>} : memref<4096xi32, #tpu.memory_space<vmem>>, vector<16xi32>,
            %shift_right_arithmetic3A_243 = arith.constant 9 : i32
            %shift_right_arithmetic3A_244 = vector.broadcast %shift_right_arithmetic3A_243 : i32 to vector<16xi32>
            %shift_right_arithmetic3A_245 = arith.shrsi %get3A_242, %shift_right_arithmetic3A_244 : vector<16xi32>
            %swap3A_246 = arith.constant 2 : i32
            %swap3A_247 = arith.index_cast %swap3A_246 : i32 to index
            %swap3A_248 = arith.constant 16 : index
            %swap3A_249 = tpu.vector_load %arg7[%swap3A_247, %swap3A_248] {strides = array<i32>} : memref<6x64xi32, #tpu.memory_space<vmem>>, vector<16xi32>,
            tpu.vector_store %arg7[%swap3A_247, %swap3A_248], %shift_right_arithmetic3A_245 {strides = array<i32>} : memref<6x64xi32, #tpu.memory_space<vmem>>, vector<16xi32>,
            %get3A_250 = arith.constant 160 : index
            %get3A_251 = tpu.vector_load %arg6[%get3A_250] {strides = array<i32>} : memref<4096xi32, #tpu.memory_space<vmem>>, vector<16xi32>,
            %shift_right_arithmetic3A_252 = arith.constant 9 : i32
            %shift_right_arithmetic3A_253 = vector.broadcast %shift_right_arithmetic3A_252 : i32 to vector<16xi32>
            %shift_right_arithmetic3A_254 = arith.shrsi %get3A_251, %shift_right_arithmetic3A_253 : vector<16xi32>
            %swap3A_255 = arith.constant 2 : i32
            %swap3A_256 = arith.index_cast %swap3A_255 : i32 to index
            %swap3A_257 = arith.constant 32 : index
            %swap3A_258 = tpu.vector_load %arg7[%swap3A_256, %swap3A_257] {strides = array<i32>} : memref<6x64xi32, #tpu.memory_space<vmem>>, vector<16xi32>,
            tpu.vector_store %arg7[%swap3A_256, %swap3A_257], %shift_right_arithmetic3A_254 {strides = array<i32>} : memref<6x64xi32, #tpu.memory_space<vmem>>, vector<16xi32>,
            %get3A_259 = arith.constant 176 : index
            %get3A_260 = tpu.vector_load %arg6[%get3A_259] {strides = array<i32>} : memref<4096xi32, #tpu.memory_space<vmem>>, vector<16xi32>,
            %shift_right_arithmetic3A_261 = arith.constant 9 : i32
            %shift_right_arithmetic3A_262 = vector.broadcast %shift_right_arithmetic3A_261 : i32 to vector<16xi32>
            %shift_right_arithmetic3A_263 = arith.shrsi %get3A_260, %shift_right_arithmetic3A_262 : vector<16xi32>
            %swap3A_264 = arith.constant 2 : i32
            %swap3A_265 = arith.index_cast %swap3A_264 : i32 to index
            %swap3A_266 = arith.constant 48 : index
            %swap3A_267 = tpu.vector_load %arg7[%swap3A_265, %swap3A_266] {strides = array<i32>} : memref<6x64xi32, #tpu.memory_space<vmem>>, vector<16xi32>,
            tpu.vector_store %arg7[%swap3A_265, %swap3A_266], %shift_right_arithmetic3A_263 {strides = array<i32>} : memref<6x64xi32, #tpu.memory_space<vmem>>, vector<16xi32>,
            %dma_start3A_268 = arith.constant 2 : i32
            %dma_start3A_269 = arith.constant 2 : i32
            %dma_start3A_270 = arith.constant 0 : i32
            %dma_start3A_271 = arith.constant 0 : i32
            %dma_start3A_272 = tpu.memref_slice %arg9[%dma_start3A_269, %dma_start3A_270, %dma_start3A_271] : memref<6x64x128xi32, #tpu.memory_space<vmem>> -> memref<1x64x128xi32, #tpu.memory_space<vmem>>
            %dma_start3A_273 = tpu.memref_squeeze %dma_start3A_272 : memref<1x64x128xi32, #tpu.memory_space<vmem>> -> memref<64x128xi32, #tpu.memory_space<vmem>>
            %dma_start3A_274 = arith.constant 0 : i32
            %dma_start3A_275 = tpu.memref_slice %arg7[%dma_start3A_268, %dma_start3A_274] : memref<6x64xi32, #tpu.memory_space<vmem>> -> memref<1x64xi32, #tpu.memory_space<vmem>>
            %dma_start3A_276 = tpu.memref_squeeze %dma_start3A_275 : memref<1x64xi32, #tpu.memory_space<vmem>> -> memref<64xi32, #tpu.memory_space<vmem>>
            %dma_start3A_277 = arith.constant 0 : i32
            %dma_start3A_278 = arith.constant 0 : i32
            %dma_start3A_279 = tpu.memref_slice %arg2[%dma_start3A_277, %dma_start3A_278] : memref<80000x128xi32, #tpu.memory_space<hbm>> -> memref<80000x128xi32, #tpu.memory_space<hbm>>
            tpu.enqueue_indirect_dma source(%dma_start3A_279 : memref<80000x128xi32, #tpu.memory_space<hbm>>) target(%dma_start3A_273 : memref<64x128xi32, #tpu.memory_space<vmem>>) offsets(%dma_start3A_276 : memref<64xi32, #tpu.memory_space<vmem>>) semaphore(%arg12 : memref<!tpu.dma_semaphore, #tpu.memory_space<semaphore_mem>>)
          } else {
          }
          %gt3A_213 = arith.constant 3 : i32
          %gt3A_214 = arith.cmpi sgt, %select_n3A_192, %gt3A_213 : i32
          %convert_element_type3A_215 = arith.extui %gt3A_214 : i1 to i32
          %cond3A_216 = arith.constant 0 : i32
          %cond3A_217 = arith.cmpi ne, %convert_element_type3A_215, %cond3A_216 : i32
          scf.if %cond3A_217 {
            %get3A = arith.constant 192 : index
            %get3A_234 = tpu.vector_load %arg6[%get3A] {strides = array<i32>} : memref<4096xi32, #tpu.memory_space<vmem>>, vector<16xi32>,
            %shift_right_arithmetic3A = arith.constant 9 : i32
            %shift_right_arithmetic3A_235 = vector.broadcast %shift_right_arithmetic3A : i32 to vector<16xi32>
            %shift_right_arithmetic3A_236 = arith.shrsi %get3A_234, %shift_right_arithmetic3A_235 : vector<16xi32>
            %swap3A_237 = arith.constant 3 : i32
            %swap3A_238 = arith.index_cast %swap3A_237 : i32 to index
            %swap3A_239 = arith.constant 0 : index
            %swap3A_240 = tpu.vector_load %arg7[%swap3A_238, %swap3A_239] {strides = array<i32>} : memref<6x64xi32, #tpu.memory_space<vmem>>, vector<16xi32>,
            tpu.vector_store %arg7[%swap3A_238, %swap3A_239], %shift_right_arithmetic3A_236 {strides = array<i32>} : memref<6x64xi32, #tpu.memory_space<vmem>>, vector<16xi32>,
            %get3A_241 = arith.constant 208 : index
            %get3A_242 = tpu.vector_load %arg6[%get3A_241] {strides = array<i32>} : memref<4096xi32, #tpu.memory_space<vmem>>, vector<16xi32>,
            %shift_right_arithmetic3A_243 = arith.constant 9 : i32
            %shift_right_arithmetic3A_244 = vector.broadcast %shift_right_arithmetic3A_243 : i32 to vector<16xi32>
            %shift_right_arithmetic3A_245 = arith.shrsi %get3A_242, %shift_right_arithmetic3A_244 : vector<16xi32>
            %swap3A_246 = arith.constant 3 : i32
            %swap3A_247 = arith.index_cast %swap3A_246 : i32 to index
            %swap3A_248 = arith.constant 16 : index
            %swap3A_249 = tpu.vector_load %arg7[%swap3A_247, %swap3A_248] {strides = array<i32>} : memref<6x64xi32, #tpu.memory_space<vmem>>, vector<16xi32>,
            tpu.vector_store %arg7[%swap3A_247, %swap3A_248], %shift_right_arithmetic3A_245 {strides = array<i32>} : memref<6x64xi32, #tpu.memory_space<vmem>>, vector<16xi32>,
            %get3A_250 = arith.constant 224 : index
            %get3A_251 = tpu.vector_load %arg6[%get3A_250] {strides = array<i32>} : memref<4096xi32, #tpu.memory_space<vmem>>, vector<16xi32>,
            %shift_right_arithmetic3A_252 = arith.constant 9 : i32
            %shift_right_arithmetic3A_253 = vector.broadcast %shift_right_arithmetic3A_252 : i32 to vector<16xi32>
            %shift_right_arithmetic3A_254 = arith.shrsi %get3A_251, %shift_right_arithmetic3A_253 : vector<16xi32>
            %swap3A_255 = arith.constant 3 : i32
            %swap3A_256 = arith.index_cast %swap3A_255 : i32 to index
            %swap3A_257 = arith.constant 32 : index
            %swap3A_258 = tpu.vector_load %arg7[%swap3A_256, %swap3A_257] {strides = array<i32>} : memref<6x64xi32, #tpu.memory_space<vmem>>, vector<16xi32>,
            tpu.vector_store %arg7[%swap3A_256, %swap3A_257], %shift_right_arithmetic3A_254 {strides = array<i32>} : memref<6x64xi32, #tpu.memory_space<vmem>>, vector<16xi32>,
            %get3A_259 = arith.constant 240 : index
            %get3A_260 = tpu.vector_load %arg6[%get3A_259] {strides = array<i32>} : memref<4096xi32, #tpu.memory_space<vmem>>, vector<16xi32>,
            %shift_right_arithmetic3A_261 = arith.constant 9 : i32
            %shift_right_arithmetic3A_262 = vector.broadcast %shift_right_arithmetic3A_261 : i32 to vector<16xi32>
            %shift_right_arithmetic3A_263 = arith.shrsi %get3A_260, %shift_right_arithmetic3A_262 : vector<16xi32>
            %swap3A_264 = arith.constant 3 : i32
            %swap3A_265 = arith.index_cast %swap3A_264 : i32 to index
            %swap3A_266 = arith.constant 48 : index
            %swap3A_267 = tpu.vector_load %arg7[%swap3A_265, %swap3A_266] {strides = array<i32>} : memref<6x64xi32, #tpu.memory_space<vmem>>, vector<16xi32>,
            tpu.vector_store %arg7[%swap3A_265, %swap3A_266], %shift_right_arithmetic3A_263 {strides = array<i32>} : memref<6x64xi32, #tpu.memory_space<vmem>>, vector<16xi32>,
            %dma_start3A_268 = arith.constant 3 : i32
            %dma_start3A_269 = arith.constant 3 : i32
            %dma_start3A_270 = arith.constant 0 : i32
            %dma_start3A_271 = arith.constant 0 : i32
            %dma_start3A_272 = tpu.memref_slice %arg9[%dma_start3A_269, %dma_start3A_270, %dma_start3A_271] : memref<6x64x128xi32, #tpu.memory_space<vmem>> -> memref<1x64x128xi32, #tpu.memory_space<vmem>>
            %dma_start3A_273 = tpu.memref_squeeze %dma_start3A_272 : memref<1x64x128xi32, #tpu.memory_space<vmem>> -> memref<64x128xi32, #tpu.memory_space<vmem>>
            %dma_start3A_274 = arith.constant 0 : i32
            %dma_start3A_275 = tpu.memref_slice %arg7[%dma_start3A_268, %dma_start3A_274] : memref<6x64xi32, #tpu.memory_space<vmem>> -> memref<1x64xi32, #tpu.memory_space<vmem>>
            %dma_start3A_276 = tpu.memref_squeeze %dma_start3A_275 : memref<1x64xi32, #tpu.memory_space<vmem>> -> memref<64xi32, #tpu.memory_space<vmem>>
            %dma_start3A_277 = arith.constant 0 : i32
            %dma_start3A_278 = arith.constant 0 : i32
            %dma_start3A_279 = tpu.memref_slice %arg2[%dma_start3A_277, %dma_start3A_278] : memref<80000x128xi32, #tpu.memory_space<hbm>> -> memref<80000x128xi32, #tpu.memory_space<hbm>>
            tpu.enqueue_indirect_dma source(%dma_start3A_279 : memref<80000x128xi32, #tpu.memory_space<hbm>>) target(%dma_start3A_273 : memref<64x128xi32, #tpu.memory_space<vmem>>) offsets(%dma_start3A_276 : memref<64xi32, #tpu.memory_space<vmem>>) semaphore(%arg13 : memref<!tpu.dma_semaphore, #tpu.memory_space<semaphore_mem>>)
          } else {
          }
          %gt3A_218 = arith.constant 4 : i32
          %gt3A_219 = arith.cmpi sgt, %select_n3A_192, %gt3A_218 : i32
          %convert_element_type3A_220 = arith.extui %gt3A_219 : i1 to i32
          %cond3A_221 = arith.constant 0 : i32
          %cond3A_222 = arith.cmpi ne, %convert_element_type3A_220, %cond3A_221 : i32
          scf.if %cond3A_222 {
            %get3A = arith.constant 256 : index
            %get3A_234 = tpu.vector_load %arg6[%get3A] {strides = array<i32>} : memref<4096xi32, #tpu.memory_space<vmem>>, vector<16xi32>,
            %shift_right_arithmetic3A = arith.constant 9 : i32
            %shift_right_arithmetic3A_235 = vector.broadcast %shift_right_arithmetic3A : i32 to vector<16xi32>
            %shift_right_arithmetic3A_236 = arith.shrsi %get3A_234, %shift_right_arithmetic3A_235 : vector<16xi32>
            %swap3A_237 = arith.constant 4 : i32
            %swap3A_238 = arith.index_cast %swap3A_237 : i32 to index
            %swap3A_239 = arith.constant 0 : index
            %swap3A_240 = tpu.vector_load %arg7[%swap3A_238, %swap3A_239] {strides = array<i32>} : memref<6x64xi32, #tpu.memory_space<vmem>>, vector<16xi32>,
            tpu.vector_store %arg7[%swap3A_238, %swap3A_239], %shift_right_arithmetic3A_236 {strides = array<i32>} : memref<6x64xi32, #tpu.memory_space<vmem>>, vector<16xi32>,
            %get3A_241 = arith.constant 272 : index
            %get3A_242 = tpu.vector_load %arg6[%get3A_241] {strides = array<i32>} : memref<4096xi32, #tpu.memory_space<vmem>>, vector<16xi32>,
            %shift_right_arithmetic3A_243 = arith.constant 9 : i32
            %shift_right_arithmetic3A_244 = vector.broadcast %shift_right_arithmetic3A_243 : i32 to vector<16xi32>
            %shift_right_arithmetic3A_245 = arith.shrsi %get3A_242, %shift_right_arithmetic3A_244 : vector<16xi32>
            %swap3A_246 = arith.constant 4 : i32
            %swap3A_247 = arith.index_cast %swap3A_246 : i32 to index
            %swap3A_248 = arith.constant 16 : index
            %swap3A_249 = tpu.vector_load %arg7[%swap3A_247, %swap3A_248] {strides = array<i32>} : memref<6x64xi32, #tpu.memory_space<vmem>>, vector<16xi32>,
            tpu.vector_store %arg7[%swap3A_247, %swap3A_248], %shift_right_arithmetic3A_245 {strides = array<i32>} : memref<6x64xi32, #tpu.memory_space<vmem>>, vector<16xi32>,
            %get3A_250 = arith.constant 288 : index
            %get3A_251 = tpu.vector_load %arg6[%get3A_250] {strides = array<i32>} : memref<4096xi32, #tpu.memory_space<vmem>>, vector<16xi32>,
            %shift_right_arithmetic3A_252 = arith.constant 9 : i32
            %shift_right_arithmetic3A_253 = vector.broadcast %shift_right_arithmetic3A_252 : i32 to vector<16xi32>
            %shift_right_arithmetic3A_254 = arith.shrsi %get3A_251, %shift_right_arithmetic3A_253 : vector<16xi32>
            %swap3A_255 = arith.constant 4 : i32
            %swap3A_256 = arith.index_cast %swap3A_255 : i32 to index
            %swap3A_257 = arith.constant 32 : index
            %swap3A_258 = tpu.vector_load %arg7[%swap3A_256, %swap3A_257] {strides = array<i32>} : memref<6x64xi32, #tpu.memory_space<vmem>>, vector<16xi32>,
            tpu.vector_store %arg7[%swap3A_256, %swap3A_257], %shift_right_arithmetic3A_254 {strides = array<i32>} : memref<6x64xi32, #tpu.memory_space<vmem>>, vector<16xi32>,
            %get3A_259 = arith.constant 304 : index
            %get3A_260 = tpu.vector_load %arg6[%get3A_259] {strides = array<i32>} : memref<4096xi32, #tpu.memory_space<vmem>>, vector<16xi32>,
            %shift_right_arithmetic3A_261 = arith.constant 9 : i32
            %shift_right_arithmetic3A_262 = vector.broadcast %shift_right_arithmetic3A_261 : i32 to vector<16xi32>
            %shift_right_arithmetic3A_263 = arith.shrsi %get3A_260, %shift_right_arithmetic3A_262 : vector<16xi32>
            %swap3A_264 = arith.constant 4 : i32
            %swap3A_265 = arith.index_cast %swap3A_264 : i32 to index
            %swap3A_266 = arith.constant 48 : index
            %swap3A_267 = tpu.vector_load %arg7[%swap3A_265, %swap3A_266] {strides = array<i32>} : memref<6x64xi32, #tpu.memory_space<vmem>>, vector<16xi32>,
            tpu.vector_store %arg7[%swap3A_265, %swap3A_266], %shift_right_arithmetic3A_263 {strides = array<i32>} : memref<6x64xi32, #tpu.memory_space<vmem>>, vector<16xi32>,
            %dma_start3A_268 = arith.constant 4 : i32
            %dma_start3A_269 = arith.constant 4 : i32
            %dma_start3A_270 = arith.constant 0 : i32
            %dma_start3A_271 = arith.constant 0 : i32
            %dma_start3A_272 = tpu.memref_slice %arg9[%dma_start3A_269, %dma_start3A_270, %dma_start3A_271] : memref<6x64x128xi32, #tpu.memory_space<vmem>> -> memref<1x64x128xi32, #tpu.memory_space<vmem>>
            %dma_start3A_273 = tpu.memref_squeeze %dma_start3A_272 : memref<1x64x128xi32, #tpu.memory_space<vmem>> -> memref<64x128xi32, #tpu.memory_space<vmem>>
            %dma_start3A_274 = arith.constant 0 : i32
            %dma_start3A_275 = tpu.memref_slice %arg7[%dma_start3A_268, %dma_start3A_274] : memref<6x64xi32, #tpu.memory_space<vmem>> -> memref<1x64xi32, #tpu.memory_space<vmem>>
            %dma_start3A_276 = tpu.memref_squeeze %dma_start3A_275 : memref<1x64xi32, #tpu.memory_space<vmem>> -> memref<64xi32, #tpu.memory_space<vmem>>
            %dma_start3A_277 = arith.constant 0 : i32
            %dma_start3A_278 = arith.constant 0 : i32
            %dma_start3A_279 = tpu.memref_slice %arg2[%dma_start3A_277, %dma_start3A_278] : memref<80000x128xi32, #tpu.memory_space<hbm>> -> memref<80000x128xi32, #tpu.memory_space<hbm>>
            tpu.enqueue_indirect_dma source(%dma_start3A_279 : memref<80000x128xi32, #tpu.memory_space<hbm>>) target(%dma_start3A_273 : memref<64x128xi32, #tpu.memory_space<vmem>>) offsets(%dma_start3A_276 : memref<64xi32, #tpu.memory_space<vmem>>) semaphore(%arg16 : memref<!tpu.dma_semaphore, #tpu.memory_space<semaphore_mem>>)
          } else {
          }
          %while3A = arith.constant 0 : i32
          %while3A_223 = arith.constant 0 : i32
          %while3A_224 = arith.subi %select_n3A_192, %while3A : i32
          %while3A_225 = arith.addi %while3A, %while3A_224 : i32
          %while3A_226 = arith.constant 1 : i32
          %while3A_227 = arith.divsi %while3A_224, %while3A_226 : i32
          %while3A_228 = arith.muli %while3A_227, %while3A_226 : i32
          %while3A_229 = arith.addi %while3A, %while3A_228 : i32
          %while3A_230 = arith.constant 1 : i32
          %while3A_231 = scf.for %while3A_234 = %while3A to %while3A_229 step %while3A_230 iter_args(%while3A_235 = %while3A_223) -> (i32)  : i32 {
            %add3A_236 = arith.constant 5 : i32
            %add3A_237 = arith.addi %while3A_234, %add3A_236 : i32
            %lt3A_238 = arith.cmpi slt, %add3A_237, %select_n3A_192 : i32
            %convert_element_type3A_239 = arith.extui %lt3A_238 : i1 to i32
            %cond3A_240 = arith.constant 0 : i32
            %cond3A_241 = arith.cmpi ne, %convert_element_type3A_239, %cond3A_240 : i32
            scf.if %cond3A_241 {
              %add3A_407 = arith.constant 5 : i32
              %add3A_408 = arith.addi %while3A_234, %add3A_407 : i32
              %jit3A_409 = arith.constant 6 : i32
              %eq3A_410 = arith.constant 0 : i32
              %eq3A_411 = arith.cmpi eq, %jit3A_409, %eq3A_410 : i32
              %jit3A_412 = arith.constant 1 : i32
              %select_n3A_413 = arith.select %eq3A_411, %jit3A_412, %jit3A_409 : i32
              %rem3A_414 = arith.remsi %add3A_408, %select_n3A_413 : i32
              %ne3A_415 = arith.constant 0 : i32
              %ne3A_416 = arith.cmpi ne, %rem3A_414, %ne3A_415 : i32
              %lt3A_417 = arith.constant 0 : i32
              %lt3A_418 = arith.cmpi slt, %rem3A_414, %lt3A_417 : i32
              %lt3A_419 = arith.constant 0 : i32
              %lt3A_420 = arith.cmpi slt, %select_n3A_413, %lt3A_419 : i32
              %ne3A_421 = arith.xori %lt3A_418, %lt3A_420 : i1
              %and3A_422 = arith.andi %ne3A_421, %ne3A_416 : i1
              %add3A_423 = arith.addi %rem3A_414, %select_n3A_413 : i32
              %select_n3A_424 = arith.select %and3A_422, %add3A_423, %rem3A_414 : i32
              %eq3A_425 = arith.constant 0 : i32
              %eq3A_426 = arith.cmpi eq, %select_n3A_424, %eq3A_425 : i32
              %convert_element_type3A_427 = arith.extui %eq3A_426 : i1 to i32
              %cond3A_428 = arith.constant 0 : i32
              %cond3A_429 = arith.cmpi ne, %convert_element_type3A_427, %cond3A_428 : i32
              scf.if %cond3A_429 {
                %mul3A_535 = arith.constant 64 : i32
                %mul3A_536 = arith.muli %add3A_408, %mul3A_535 : i32
                %add3A_537 = arith.constant 0 : i32
                %add3A_538 = arith.addi %mul3A_536, %add3A_537 : i32
                %get3A = arith.index_cast %add3A_538 : i32 to index
                %get3A_539 = tpu.vector_load %arg6[%get3A] {strides = array<i32>} : memref<4096xi32, #tpu.memory_space<vmem>>, vector<16xi32>,
                %shift_right_arithmetic3A = arith.constant 9 : i32
                %shift_right_arithmetic3A_540 = vector.broadcast %shift_right_arithmetic3A : i32 to vector<16xi32>
                %shift_right_arithmetic3A_541 = arith.shrsi %get3A_539, %shift_right_arithmetic3A_540 : vector<16xi32>
                %swap3A_542 = arith.constant 0 : i32
                %swap3A_543 = arith.index_cast %swap3A_542 : i32 to index
                %swap3A_544 = arith.constant 0 : index
                %swap3A_545 = tpu.vector_load %arg7[%swap3A_543, %swap3A_544] {strides = array<i32>} : memref<6x64xi32, #tpu.memory_space<vmem>>, vector<16xi32>,
                tpu.vector_store %arg7[%swap3A_543, %swap3A_544], %shift_right_arithmetic3A_541 {strides = array<i32>} : memref<6x64xi32, #tpu.memory_space<vmem>>, vector<16xi32>,
                %mul3A_546 = arith.constant 64 : i32
                %mul3A_547 = arith.muli %add3A_408, %mul3A_546 : i32
                %add3A_548 = arith.constant 16 : i32
                %add3A_549 = arith.addi %mul3A_547, %add3A_548 : i32
                %get3A_550 = arith.index_cast %add3A_549 : i32 to index
                %get3A_551 = tpu.vector_load %arg6[%get3A_550] {strides = array<i32>} : memref<4096xi32, #tpu.memory_space<vmem>>, vector<16xi32>,
                %shift_right_arithmetic3A_552 = arith.constant 9 : i32
                %shift_right_arithmetic3A_553 = vector.broadcast %shift_right_arithmetic3A_552 : i32 to vector<16xi32>
                %shift_right_arithmetic3A_554 = arith.shrsi %get3A_551, %shift_right_arithmetic3A_553 : vector<16xi32>
                %swap3A_555 = arith.constant 0 : i32
                %swap3A_556 = arith.index_cast %swap3A_555 : i32 to index
                %swap3A_557 = arith.constant 16 : index
                %swap3A_558 = tpu.vector_load %arg7[%swap3A_556, %swap3A_557] {strides = array<i32>} : memref<6x64xi32, #tpu.memory_space<vmem>>, vector<16xi32>,
                tpu.vector_store %arg7[%swap3A_556, %swap3A_557], %shift_right_arithmetic3A_554 {strides = array<i32>} : memref<6x64xi32, #tpu.memory_space<vmem>>, vector<16xi32>,
                %mul3A_559 = arith.constant 64 : i32
                %mul3A_560 = arith.muli %add3A_408, %mul3A_559 : i32
                %add3A_561 = arith.constant 32 : i32
                %add3A_562 = arith.addi %mul3A_560, %add3A_561 : i32
                %get3A_563 = arith.index_cast %add3A_562 : i32 to index
                %get3A_564 = tpu.vector_load %arg6[%get3A_563] {strides = array<i32>} : memref<4096xi32, #tpu.memory_space<vmem>>, vector<16xi32>,
                %shift_right_arithmetic3A_565 = arith.constant 9 : i32
                %shift_right_arithmetic3A_566 = vector.broadcast %shift_right_arithmetic3A_565 : i32 to vector<16xi32>
                %shift_right_arithmetic3A_567 = arith.shrsi %get3A_564, %shift_right_arithmetic3A_566 : vector<16xi32>
                %swap3A_568 = arith.constant 0 : i32
                %swap3A_569 = arith.index_cast %swap3A_568 : i32 to index
                %swap3A_570 = arith.constant 32 : index
                %swap3A_571 = tpu.vector_load %arg7[%swap3A_569, %swap3A_570] {strides = array<i32>} : memref<6x64xi32, #tpu.memory_space<vmem>>, vector<16xi32>,
                tpu.vector_store %arg7[%swap3A_569, %swap3A_570], %shift_right_arithmetic3A_567 {strides = array<i32>} : memref<6x64xi32, #tpu.memory_space<vmem>>, vector<16xi32>,
                %mul3A_572 = arith.constant 64 : i32
                %mul3A_573 = arith.muli %add3A_408, %mul3A_572 : i32
                %add3A_574 = arith.constant 48 : i32
                %add3A_575 = arith.addi %mul3A_573, %add3A_574 : i32
                %get3A_576 = arith.index_cast %add3A_575 : i32 to index
                %get3A_577 = tpu.vector_load %arg6[%get3A_576] {strides = array<i32>} : memref<4096xi32, #tpu.memory_space<vmem>>, vector<16xi32>,
                %shift_right_arithmetic3A_578 = arith.constant 9 : i32
                %shift_right_arithmetic3A_579 = vector.broadcast %shift_right_arithmetic3A_578 : i32 to vector<16xi32>
                %shift_right_arithmetic3A_580 = arith.shrsi %get3A_577, %shift_right_arithmetic3A_579 : vector<16xi32>
                %swap3A_581 = arith.constant 0 : i32
                %swap3A_582 = arith.index_cast %swap3A_581 : i32 to index
                %swap3A_583 = arith.constant 48 : index
                %swap3A_584 = tpu.vector_load %arg7[%swap3A_582, %swap3A_583] {strides = array<i32>} : memref<6x64xi32, #tpu.memory_space<vmem>>, vector<16xi32>,
                tpu.vector_store %arg7[%swap3A_582, %swap3A_583], %shift_right_arithmetic3A_580 {strides = array<i32>} : memref<6x64xi32, #tpu.memory_space<vmem>>, vector<16xi32>,
                %dma_start3A_585 = arith.constant 0 : i32
                %dma_start3A_586 = arith.constant 0 : i32
                %dma_start3A_587 = arith.constant 0 : i32
                %dma_start3A_588 = arith.constant 0 : i32
                %dma_start3A_589 = tpu.memref_slice %arg9[%dma_start3A_586, %dma_start3A_587, %dma_start3A_588] : memref<6x64x128xi32, #tpu.memory_space<vmem>> -> memref<1x64x128xi32, #tpu.memory_space<vmem>>
                %dma_start3A_590 = tpu.memref_squeeze %dma_start3A_589 : memref<1x64x128xi32, #tpu.memory_space<vmem>> -> memref<64x128xi32, #tpu.memory_space<vmem>>
                %dma_start3A_591 = arith.constant 0 : i32
                %dma_start3A_592 = tpu.memref_slice %arg7[%dma_start3A_585, %dma_start3A_591] : memref<6x64xi32, #tpu.memory_space<vmem>> -> memref<1x64xi32, #tpu.memory_space<vmem>>
                %dma_start3A_593 = tpu.memref_squeeze %dma_start3A_592 : memref<1x64xi32, #tpu.memory_space<vmem>> -> memref<64xi32, #tpu.memory_space<vmem>>
                %dma_start3A_594 = arith.constant 0 : i32
                %dma_start3A_595 = arith.constant 0 : i32
                %dma_start3A_596 = tpu.memref_slice %arg2[%dma_start3A_594, %dma_start3A_595] : memref<80000x128xi32, #tpu.memory_space<hbm>> -> memref<80000x128xi32, #tpu.memory_space<hbm>>
                tpu.enqueue_indirect_dma source(%dma_start3A_596 : memref<80000x128xi32, #tpu.memory_space<hbm>>) target(%dma_start3A_590 : memref<64x128xi32, #tpu.memory_space<vmem>>) offsets(%dma_start3A_593 : memref<64xi32, #tpu.memory_space<vmem>>) semaphore(%arg10 : memref<!tpu.dma_semaphore, #tpu.memory_space<semaphore_mem>>)
              } else {
              }
              %jit3A_430 = arith.constant 6 : i32
              %eq3A_431 = arith.constant 0 : i32
              %eq3A_432 = arith.cmpi eq, %jit3A_430, %eq3A_431 : i32
              %jit3A_433 = arith.constant 1 : i32
              %select_n3A_434 = arith.select %eq3A_432, %jit3A_433, %jit3A_430 : i32
              %rem3A_435 = arith.remsi %add3A_408, %select_n3A_434 : i32
              %ne3A_436 = arith.constant 0 : i32
              %ne3A_437 = arith.cmpi ne, %rem3A_435, %ne3A_436 : i32
              %lt3A_438 = arith.constant 0 : i32
              %lt3A_439 = arith.cmpi slt, %rem3A_435, %lt3A_438 : i32
              %lt3A_440 = arith.constant 0 : i32
              %lt3A_441 = arith.cmpi slt, %select_n3A_434, %lt3A_440 : i32
              %ne3A_442 = arith.xori %lt3A_439, %lt3A_441 : i1
              %and3A_443 = arith.andi %ne3A_442, %ne3A_437 : i1
              %add3A_444 = arith.addi %rem3A_435, %select_n3A_434 : i32
              %select_n3A_445 = arith.select %and3A_443, %add3A_444, %rem3A_435 : i32
              %eq3A_446 = arith.constant 1 : i32
              %eq3A_447 = arith.cmpi eq, %select_n3A_445, %eq3A_446 : i32
              %convert_element_type3A_448 = arith.extui %eq3A_447 : i1 to i32
              %cond3A_449 = arith.constant 0 : i32
              %cond3A_450 = arith.cmpi ne, %convert_element_type3A_448, %cond3A_449 : i32
              scf.if %cond3A_450 {
                %mul3A_535 = arith.constant 64 : i32
                %mul3A_536 = arith.muli %add3A_408, %mul3A_535 : i32
                %add3A_537 = arith.constant 0 : i32
                %add3A_538 = arith.addi %mul3A_536, %add3A_537 : i32
                %get3A = arith.index_cast %add3A_538 : i32 to index
                %get3A_539 = tpu.vector_load %arg6[%get3A] {strides = array<i32>} : memref<4096xi32, #tpu.memory_space<vmem>>, vector<16xi32>,
                %shift_right_arithmetic3A = arith.constant 9 : i32
                %shift_right_arithmetic3A_540 = vector.broadcast %shift_right_arithmetic3A : i32 to vector<16xi32>
                %shift_right_arithmetic3A_541 = arith.shrsi %get3A_539, %shift_right_arithmetic3A_540 : vector<16xi32>
                %swap3A_542 = arith.constant 1 : i32
                %swap3A_543 = arith.index_cast %swap3A_542 : i32 to index
                %swap3A_544 = arith.constant 0 : index
                %swap3A_545 = tpu.vector_load %arg7[%swap3A_543, %swap3A_544] {strides = array<i32>} : memref<6x64xi32, #tpu.memory_space<vmem>>, vector<16xi32>,
                tpu.vector_store %arg7[%swap3A_543, %swap3A_544], %shift_right_arithmetic3A_541 {strides = array<i32>} : memref<6x64xi32, #tpu.memory_space<vmem>>, vector<16xi32>,
                %mul3A_546 = arith.constant 64 : i32
                %mul3A_547 = arith.muli %add3A_408, %mul3A_546 : i32
                %add3A_548 = arith.constant 16 : i32
                %add3A_549 = arith.addi %mul3A_547, %add3A_548 : i32
                %get3A_550 = arith.index_cast %add3A_549 : i32 to index
                %get3A_551 = tpu.vector_load %arg6[%get3A_550] {strides = array<i32>} : memref<4096xi32, #tpu.memory_space<vmem>>, vector<16xi32>,
                %shift_right_arithmetic3A_552 = arith.constant 9 : i32
                %shift_right_arithmetic3A_553 = vector.broadcast %shift_right_arithmetic3A_552 : i32 to vector<16xi32>
                %shift_right_arithmetic3A_554 = arith.shrsi %get3A_551, %shift_right_arithmetic3A_553 : vector<16xi32>
                %swap3A_555 = arith.constant 1 : i32
                %swap3A_556 = arith.index_cast %swap3A_555 : i32 to index
                %swap3A_557 = arith.constant 16 : index
                %swap3A_558 = tpu.vector_load %arg7[%swap3A_556, %swap3A_557] {strides = array<i32>} : memref<6x64xi32, #tpu.memory_space<vmem>>, vector<16xi32>,
                tpu.vector_store %arg7[%swap3A_556, %swap3A_557], %shift_right_arithmetic3A_554 {strides = array<i32>} : memref<6x64xi32, #tpu.memory_space<vmem>>, vector<16xi32>,
                %mul3A_559 = arith.constant 64 : i32
                %mul3A_560 = arith.muli %add3A_408, %mul3A_559 : i32
                %add3A_561 = arith.constant 32 : i32
                %add3A_562 = arith.addi %mul3A_560, %add3A_561 : i32
                %get3A_563 = arith.index_cast %add3A_562 : i32 to index
                %get3A_564 = tpu.vector_load %arg6[%get3A_563] {strides = array<i32>} : memref<4096xi32, #tpu.memory_space<vmem>>, vector<16xi32>,
                %shift_right_arithmetic3A_565 = arith.constant 9 : i32
                %shift_right_arithmetic3A_566 = vector.broadcast %shift_right_arithmetic3A_565 : i32 to vector<16xi32>
                %shift_right_arithmetic3A_567 = arith.shrsi %get3A_564, %shift_right_arithmetic3A_566 : vector<16xi32>
                %swap3A_568 = arith.constant 1 : i32
                %swap3A_569 = arith.index_cast %swap3A_568 : i32 to index
                %swap3A_570 = arith.constant 32 : index
                %swap3A_571 = tpu.vector_load %arg7[%swap3A_569, %swap3A_570] {strides = array<i32>} : memref<6x64xi32, #tpu.memory_space<vmem>>, vector<16xi32>,
                tpu.vector_store %arg7[%swap3A_569, %swap3A_570], %shift_right_arithmetic3A_567 {strides = array<i32>} : memref<6x64xi32, #tpu.memory_space<vmem>>, vector<16xi32>,
                %mul3A_572 = arith.constant 64 : i32
                %mul3A_573 = arith.muli %add3A_408, %mul3A_572 : i32
                %add3A_574 = arith.constant 48 : i32
                %add3A_575 = arith.addi %mul3A_573, %add3A_574 : i32
                %get3A_576 = arith.index_cast %add3A_575 : i32 to index
                %get3A_577 = tpu.vector_load %arg6[%get3A_576] {strides = array<i32>} : memref<4096xi32, #tpu.memory_space<vmem>>, vector<16xi32>,
                %shift_right_arithmetic3A_578 = arith.constant 9 : i32
                %shift_right_arithmetic3A_579 = vector.broadcast %shift_right_arithmetic3A_578 : i32 to vector<16xi32>
                %shift_right_arithmetic3A_580 = arith.shrsi %get3A_577, %shift_right_arithmetic3A_579 : vector<16xi32>
                %swap3A_581 = arith.constant 1 : i32
                %swap3A_582 = arith.index_cast %swap3A_581 : i32 to index
                %swap3A_583 = arith.constant 48 : index
                %swap3A_584 = tpu.vector_load %arg7[%swap3A_582, %swap3A_583] {strides = array<i32>} : memref<6x64xi32, #tpu.memory_space<vmem>>, vector<16xi32>,
                tpu.vector_store %arg7[%swap3A_582, %swap3A_583], %shift_right_arithmetic3A_580 {strides = array<i32>} : memref<6x64xi32, #tpu.memory_space<vmem>>, vector<16xi32>,
                %dma_start3A_585 = arith.constant 1 : i32
                %dma_start3A_586 = arith.constant 1 : i32
                %dma_start3A_587 = arith.constant 0 : i32
                %dma_start3A_588 = arith.constant 0 : i32
                %dma_start3A_589 = tpu.memref_slice %arg9[%dma_start3A_586, %dma_start3A_587, %dma_start3A_588] : memref<6x64x128xi32, #tpu.memory_space<vmem>> -> memref<1x64x128xi32, #tpu.memory_space<vmem>>
                %dma_start3A_590 = tpu.memref_squeeze %dma_start3A_589 : memref<1x64x128xi32, #tpu.memory_space<vmem>> -> memref<64x128xi32, #tpu.memory_space<vmem>>
                %dma_start3A_591 = arith.constant 0 : i32
                %dma_start3A_592 = tpu.memref_slice %arg7[%dma_start3A_585, %dma_start3A_591] : memref<6x64xi32, #tpu.memory_space<vmem>> -> memref<1x64xi32, #tpu.memory_space<vmem>>
                %dma_start3A_593 = tpu.memref_squeeze %dma_start3A_592 : memref<1x64xi32, #tpu.memory_space<vmem>> -> memref<64xi32, #tpu.memory_space<vmem>>
                %dma_start3A_594 = arith.constant 0 : i32
                %dma_start3A_595 = arith.constant 0 : i32
                %dma_start3A_596 = tpu.memref_slice %arg2[%dma_start3A_594, %dma_start3A_595] : memref<80000x128xi32, #tpu.memory_space<hbm>> -> memref<80000x128xi32, #tpu.memory_space<hbm>>
                tpu.enqueue_indirect_dma source(%dma_start3A_596 : memref<80000x128xi32, #tpu.memory_space<hbm>>) target(%dma_start3A_590 : memref<64x128xi32, #tpu.memory_space<vmem>>) offsets(%dma_start3A_593 : memref<64xi32, #tpu.memory_space<vmem>>) semaphore(%arg11 : memref<!tpu.dma_semaphore, #tpu.memory_space<semaphore_mem>>)
              } else {
              }
              %jit3A_451 = arith.constant 6 : i32
              %eq3A_452 = arith.constant 0 : i32
              %eq3A_453 = arith.cmpi eq, %jit3A_451, %eq3A_452 : i32
              %jit3A_454 = arith.constant 1 : i32
              %select_n3A_455 = arith.select %eq3A_453, %jit3A_454, %jit3A_451 : i32
              %rem3A_456 = arith.remsi %add3A_408, %select_n3A_455 : i32
              %ne3A_457 = arith.constant 0 : i32
              %ne3A_458 = arith.cmpi ne, %rem3A_456, %ne3A_457 : i32
              %lt3A_459 = arith.constant 0 : i32
              %lt3A_460 = arith.cmpi slt, %rem3A_456, %lt3A_459 : i32
              %lt3A_461 = arith.constant 0 : i32
              %lt3A_462 = arith.cmpi slt, %select_n3A_455, %lt3A_461 : i32
              %ne3A_463 = arith.xori %lt3A_460, %lt3A_462 : i1
              %and3A_464 = arith.andi %ne3A_463, %ne3A_458 : i1
              %add3A_465 = arith.addi %rem3A_456, %select_n3A_455 : i32
              %select_n3A_466 = arith.select %and3A_464, %add3A_465, %rem3A_456 : i32
              %eq3A_467 = arith.constant 2 : i32
              %eq3A_468 = arith.cmpi eq, %select_n3A_466, %eq3A_467 : i32
              %convert_element_type3A_469 = arith.extui %eq3A_468 : i1 to i32
              %cond3A_470 = arith.constant 0 : i32
              %cond3A_471 = arith.cmpi ne, %convert_element_type3A_469, %cond3A_470 : i32
              scf.if %cond3A_471 {
                %mul3A_535 = arith.constant 64 : i32
                %mul3A_536 = arith.muli %add3A_408, %mul3A_535 : i32
                %add3A_537 = arith.constant 0 : i32
                %add3A_538 = arith.addi %mul3A_536, %add3A_537 : i32
                %get3A = arith.index_cast %add3A_538 : i32 to index
                %get3A_539 = tpu.vector_load %arg6[%get3A] {strides = array<i32>} : memref<4096xi32, #tpu.memory_space<vmem>>, vector<16xi32>,
                %shift_right_arithmetic3A = arith.constant 9 : i32
                %shift_right_arithmetic3A_540 = vector.broadcast %shift_right_arithmetic3A : i32 to vector<16xi32>
                %shift_right_arithmetic3A_541 = arith.shrsi %get3A_539, %shift_right_arithmetic3A_540 : vector<16xi32>
                %swap3A_542 = arith.constant 2 : i32
                %swap3A_543 = arith.index_cast %swap3A_542 : i32 to index
                %swap3A_544 = arith.constant 0 : index
                %swap3A_545 = tpu.vector_load %arg7[%swap3A_543, %swap3A_544] {strides = array<i32>} : memref<6x64xi32, #tpu.memory_space<vmem>>, vector<16xi32>,
                tpu.vector_store %arg7[%swap3A_543, %swap3A_544], %shift_right_arithmetic3A_541 {strides = array<i32>} : memref<6x64xi32, #tpu.memory_space<vmem>>, vector<16xi32>,
                %mul3A_546 = arith.constant 64 : i32
                %mul3A_547 = arith.muli %add3A_408, %mul3A_546 : i32
                %add3A_548 = arith.constant 16 : i32
                %add3A_549 = arith.addi %mul3A_547, %add3A_548 : i32
                %get3A_550 = arith.index_cast %add3A_549 : i32 to index
                %get3A_551 = tpu.vector_load %arg6[%get3A_550] {strides = array<i32>} : memref<4096xi32, #tpu.memory_space<vmem>>, vector<16xi32>,
                %shift_right_arithmetic3A_552 = arith.constant 9 : i32
                %shift_right_arithmetic3A_553 = vector.broadcast %shift_right_arithmetic3A_552 : i32 to vector<16xi32>
                %shift_right_arithmetic3A_554 = arith.shrsi %get3A_551, %shift_right_arithmetic3A_553 : vector<16xi32>
                %swap3A_555 = arith.constant 2 : i32
                %swap3A_556 = arith.index_cast %swap3A_555 : i32 to index
                %swap3A_557 = arith.constant 16 : index
                %swap3A_558 = tpu.vector_load %arg7[%swap3A_556, %swap3A_557] {strides = array<i32>} : memref<6x64xi32, #tpu.memory_space<vmem>>, vector<16xi32>,
                tpu.vector_store %arg7[%swap3A_556, %swap3A_557], %shift_right_arithmetic3A_554 {strides = array<i32>} : memref<6x64xi32, #tpu.memory_space<vmem>>, vector<16xi32>,
                %mul3A_559 = arith.constant 64 : i32
                %mul3A_560 = arith.muli %add3A_408, %mul3A_559 : i32
                %add3A_561 = arith.constant 32 : i32
                %add3A_562 = arith.addi %mul3A_560, %add3A_561 : i32
                %get3A_563 = arith.index_cast %add3A_562 : i32 to index
                %get3A_564 = tpu.vector_load %arg6[%get3A_563] {strides = array<i32>} : memref<4096xi32, #tpu.memory_space<vmem>>, vector<16xi32>,
                %shift_right_arithmetic3A_565 = arith.constant 9 : i32
                %shift_right_arithmetic3A_566 = vector.broadcast %shift_right_arithmetic3A_565 : i32 to vector<16xi32>
                %shift_right_arithmetic3A_567 = arith.shrsi %get3A_564, %shift_right_arithmetic3A_566 : vector<16xi32>
                %swap3A_568 = arith.constant 2 : i32
                %swap3A_569 = arith.index_cast %swap3A_568 : i32 to index
                %swap3A_570 = arith.constant 32 : index
                %swap3A_571 = tpu.vector_load %arg7[%swap3A_569, %swap3A_570] {strides = array<i32>} : memref<6x64xi32, #tpu.memory_space<vmem>>, vector<16xi32>,
                tpu.vector_store %arg7[%swap3A_569, %swap3A_570], %shift_right_arithmetic3A_567 {strides = array<i32>} : memref<6x64xi32, #tpu.memory_space<vmem>>, vector<16xi32>,
                %mul3A_572 = arith.constant 64 : i32
                %mul3A_573 = arith.muli %add3A_408, %mul3A_572 : i32
                %add3A_574 = arith.constant 48 : i32
                %add3A_575 = arith.addi %mul3A_573, %add3A_574 : i32
                %get3A_576 = arith.index_cast %add3A_575 : i32 to index
                %get3A_577 = tpu.vector_load %arg6[%get3A_576] {strides = array<i32>} : memref<4096xi32, #tpu.memory_space<vmem>>, vector<16xi32>,
                %shift_right_arithmetic3A_578 = arith.constant 9 : i32
                %shift_right_arithmetic3A_579 = vector.broadcast %shift_right_arithmetic3A_578 : i32 to vector<16xi32>
                %shift_right_arithmetic3A_580 = arith.shrsi %get3A_577, %shift_right_arithmetic3A_579 : vector<16xi32>
                %swap3A_581 = arith.constant 2 : i32
                %swap3A_582 = arith.index_cast %swap3A_581 : i32 to index
                %swap3A_583 = arith.constant 48 : index
                %swap3A_584 = tpu.vector_load %arg7[%swap3A_582, %swap3A_583] {strides = array<i32>} : memref<6x64xi32, #tpu.memory_space<vmem>>, vector<16xi32>,
                tpu.vector_store %arg7[%swap3A_582, %swap3A_583], %shift_right_arithmetic3A_580 {strides = array<i32>} : memref<6x64xi32, #tpu.memory_space<vmem>>, vector<16xi32>,
                %dma_start3A_585 = arith.constant 2 : i32
                %dma_start3A_586 = arith.constant 2 : i32
                %dma_start3A_587 = arith.constant 0 : i32
                %dma_start3A_588 = arith.constant 0 : i32
                %dma_start3A_589 = tpu.memref_slice %arg9[%dma_start3A_586, %dma_start3A_587, %dma_start3A_588] : memref<6x64x128xi32, #tpu.memory_space<vmem>> -> memref<1x64x128xi32, #tpu.memory_space<vmem>>
                %dma_start3A_590 = tpu.memref_squeeze %dma_start3A_589 : memref<1x64x128xi32, #tpu.memory_space<vmem>> -> memref<64x128xi32, #tpu.memory_space<vmem>>
                %dma_start3A_591 = arith.constant 0 : i32
                %dma_start3A_592 = tpu.memref_slice %arg7[%dma_start3A_585, %dma_start3A_591] : memref<6x64xi32, #tpu.memory_space<vmem>> -> memref<1x64xi32, #tpu.memory_space<vmem>>
                %dma_start3A_593 = tpu.memref_squeeze %dma_start3A_592 : memref<1x64xi32, #tpu.memory_space<vmem>> -> memref<64xi32, #tpu.memory_space<vmem>>
                %dma_start3A_594 = arith.constant 0 : i32
                %dma_start3A_595 = arith.constant 0 : i32
                %dma_start3A_596 = tpu.memref_slice %arg2[%dma_start3A_594, %dma_start3A_595] : memref<80000x128xi32, #tpu.memory_space<hbm>> -> memref<80000x128xi32, #tpu.memory_space<hbm>>
                tpu.enqueue_indirect_dma source(%dma_start3A_596 : memref<80000x128xi32, #tpu.memory_space<hbm>>) target(%dma_start3A_590 : memref<64x128xi32, #tpu.memory_space<vmem>>) offsets(%dma_start3A_593 : memref<64xi32, #tpu.memory_space<vmem>>) semaphore(%arg12 : memref<!tpu.dma_semaphore, #tpu.memory_space<semaphore_mem>>)
              } else {
              }
              %jit3A_472 = arith.constant 6 : i32
              %eq3A_473 = arith.constant 0 : i32
              %eq3A_474 = arith.cmpi eq, %jit3A_472, %eq3A_473 : i32
              %jit3A_475 = arith.constant 1 : i32
              %select_n3A_476 = arith.select %eq3A_474, %jit3A_475, %jit3A_472 : i32
              %rem3A_477 = arith.remsi %add3A_408, %select_n3A_476 : i32
              %ne3A_478 = arith.constant 0 : i32
              %ne3A_479 = arith.cmpi ne, %rem3A_477, %ne3A_478 : i32
              %lt3A_480 = arith.constant 0 : i32
              %lt3A_481 = arith.cmpi slt, %rem3A_477, %lt3A_480 : i32
              %lt3A_482 = arith.constant 0 : i32
              %lt3A_483 = arith.cmpi slt, %select_n3A_476, %lt3A_482 : i32
              %ne3A_484 = arith.xori %lt3A_481, %lt3A_483 : i1
              %and3A_485 = arith.andi %ne3A_484, %ne3A_479 : i1
              %add3A_486 = arith.addi %rem3A_477, %select_n3A_476 : i32
              %select_n3A_487 = arith.select %and3A_485, %add3A_486, %rem3A_477 : i32
              %eq3A_488 = arith.constant 3 : i32
              %eq3A_489 = arith.cmpi eq, %select_n3A_487, %eq3A_488 : i32
              %convert_element_type3A_490 = arith.extui %eq3A_489 : i1 to i32
              %cond3A_491 = arith.constant 0 : i32
              %cond3A_492 = arith.cmpi ne, %convert_element_type3A_490, %cond3A_491 : i32
              scf.if %cond3A_492 {
                %mul3A_535 = arith.constant 64 : i32
                %mul3A_536 = arith.muli %add3A_408, %mul3A_535 : i32
                %add3A_537 = arith.constant 0 : i32
                %add3A_538 = arith.addi %mul3A_536, %add3A_537 : i32
                %get3A = arith.index_cast %add3A_538 : i32 to index
                %get3A_539 = tpu.vector_load %arg6[%get3A] {strides = array<i32>} : memref<4096xi32, #tpu.memory_space<vmem>>, vector<16xi32>,
                %shift_right_arithmetic3A = arith.constant 9 : i32
                %shift_right_arithmetic3A_540 = vector.broadcast %shift_right_arithmetic3A : i32 to vector<16xi32>
                %shift_right_arithmetic3A_541 = arith.shrsi %get3A_539, %shift_right_arithmetic3A_540 : vector<16xi32>
                %swap3A_542 = arith.constant 3 : i32
                %swap3A_543 = arith.index_cast %swap3A_542 : i32 to index
                %swap3A_544 = arith.constant 0 : index
                %swap3A_545 = tpu.vector_load %arg7[%swap3A_543, %swap3A_544] {strides = array<i32>} : memref<6x64xi32, #tpu.memory_space<vmem>>, vector<16xi32>,
                tpu.vector_store %arg7[%swap3A_543, %swap3A_544], %shift_right_arithmetic3A_541 {strides = array<i32>} : memref<6x64xi32, #tpu.memory_space<vmem>>, vector<16xi32>,
                %mul3A_546 = arith.constant 64 : i32
                %mul3A_547 = arith.muli %add3A_408, %mul3A_546 : i32
                %add3A_548 = arith.constant 16 : i32
                %add3A_549 = arith.addi %mul3A_547, %add3A_548 : i32
                %get3A_550 = arith.index_cast %add3A_549 : i32 to index
                %get3A_551 = tpu.vector_load %arg6[%get3A_550] {strides = array<i32>} : memref<4096xi32, #tpu.memory_space<vmem>>, vector<16xi32>,
                %shift_right_arithmetic3A_552 = arith.constant 9 : i32
                %shift_right_arithmetic3A_553 = vector.broadcast %shift_right_arithmetic3A_552 : i32 to vector<16xi32>
                %shift_right_arithmetic3A_554 = arith.shrsi %get3A_551, %shift_right_arithmetic3A_553 : vector<16xi32>
                %swap3A_555 = arith.constant 3 : i32
                %swap3A_556 = arith.index_cast %swap3A_555 : i32 to index
                %swap3A_557 = arith.constant 16 : index
                %swap3A_558 = tpu.vector_load %arg7[%swap3A_556, %swap3A_557] {strides = array<i32>} : memref<6x64xi32, #tpu.memory_space<vmem>>, vector<16xi32>,
                tpu.vector_store %arg7[%swap3A_556, %swap3A_557], %shift_right_arithmetic3A_554 {strides = array<i32>} : memref<6x64xi32, #tpu.memory_space<vmem>>, vector<16xi32>,
                %mul3A_559 = arith.constant 64 : i32
                %mul3A_560 = arith.muli %add3A_408, %mul3A_559 : i32
                %add3A_561 = arith.constant 32 : i32
                %add3A_562 = arith.addi %mul3A_560, %add3A_561 : i32
                %get3A_563 = arith.index_cast %add3A_562 : i32 to index
                %get3A_564 = tpu.vector_load %arg6[%get3A_563] {strides = array<i32>} : memref<4096xi32, #tpu.memory_space<vmem>>, vector<16xi32>,
                %shift_right_arithmetic3A_565 = arith.constant 9 : i32
                %shift_right_arithmetic3A_566 = vector.broadcast %shift_right_arithmetic3A_565 : i32 to vector<16xi32>
                %shift_right_arithmetic3A_567 = arith.shrsi %get3A_564, %shift_right_arithmetic3A_566 : vector<16xi32>
                %swap3A_568 = arith.constant 3 : i32
                %swap3A_569 = arith.index_cast %swap3A_568 : i32 to index
                %swap3A_570 = arith.constant 32 : index
                %swap3A_571 = tpu.vector_load %arg7[%swap3A_569, %swap3A_570] {strides = array<i32>} : memref<6x64xi32, #tpu.memory_space<vmem>>, vector<16xi32>,
                tpu.vector_store %arg7[%swap3A_569, %swap3A_570], %shift_right_arithmetic3A_567 {strides = array<i32>} : memref<6x64xi32, #tpu.memory_space<vmem>>, vector<16xi32>,
                %mul3A_572 = arith.constant 64 : i32
                %mul3A_573 = arith.muli %add3A_408, %mul3A_572 : i32
                %add3A_574 = arith.constant 48 : i32
                %add3A_575 = arith.addi %mul3A_573, %add3A_574 : i32
                %get3A_576 = arith.index_cast %add3A_575 : i32 to index
                %get3A_577 = tpu.vector_load %arg6[%get3A_576] {strides = array<i32>} : memref<4096xi32, #tpu.memory_space<vmem>>, vector<16xi32>,
                %shift_right_arithmetic3A_578 = arith.constant 9 : i32
                %shift_right_arithmetic3A_579 = vector.broadcast %shift_right_arithmetic3A_578 : i32 to vector<16xi32>
                %shift_right_arithmetic3A_580 = arith.shrsi %get3A_577, %shift_right_arithmetic3A_579 : vector<16xi32>
                %swap3A_581 = arith.constant 3 : i32
                %swap3A_582 = arith.index_cast %swap3A_581 : i32 to index
                %swap3A_583 = arith.constant 48 : index
                %swap3A_584 = tpu.vector_load %arg7[%swap3A_582, %swap3A_583] {strides = array<i32>} : memref<6x64xi32, #tpu.memory_space<vmem>>, vector<16xi32>,
                tpu.vector_store %arg7[%swap3A_582, %swap3A_583], %shift_right_arithmetic3A_580 {strides = array<i32>} : memref<6x64xi32, #tpu.memory_space<vmem>>, vector<16xi32>,
                %dma_start3A_585 = arith.constant 3 : i32
                %dma_start3A_586 = arith.constant 3 : i32
                %dma_start3A_587 = arith.constant 0 : i32
                %dma_start3A_588 = arith.constant 0 : i32
                %dma_start3A_589 = tpu.memref_slice %arg9[%dma_start3A_586, %dma_start3A_587, %dma_start3A_588] : memref<6x64x128xi32, #tpu.memory_space<vmem>> -> memref<1x64x128xi32, #tpu.memory_space<vmem>>
                %dma_start3A_590 = tpu.memref_squeeze %dma_start3A_589 : memref<1x64x128xi32, #tpu.memory_space<vmem>> -> memref<64x128xi32, #tpu.memory_space<vmem>>
                %dma_start3A_591 = arith.constant 0 : i32
                %dma_start3A_592 = tpu.memref_slice %arg7[%dma_start3A_585, %dma_start3A_591] : memref<6x64xi32, #tpu.memory_space<vmem>> -> memref<1x64xi32, #tpu.memory_space<vmem>>
                %dma_start3A_593 = tpu.memref_squeeze %dma_start3A_592 : memref<1x64xi32, #tpu.memory_space<vmem>> -> memref<64xi32, #tpu.memory_space<vmem>>
                %dma_start3A_594 = arith.constant 0 : i32
                %dma_start3A_595 = arith.constant 0 : i32
                %dma_start3A_596 = tpu.memref_slice %arg2[%dma_start3A_594, %dma_start3A_595] : memref<80000x128xi32, #tpu.memory_space<hbm>> -> memref<80000x128xi32, #tpu.memory_space<hbm>>
                tpu.enqueue_indirect_dma source(%dma_start3A_596 : memref<80000x128xi32, #tpu.memory_space<hbm>>) target(%dma_start3A_590 : memref<64x128xi32, #tpu.memory_space<vmem>>) offsets(%dma_start3A_593 : memref<64xi32, #tpu.memory_space<vmem>>) semaphore(%arg13 : memref<!tpu.dma_semaphore, #tpu.memory_space<semaphore_mem>>)
              } else {
              }
              %jit3A_493 = arith.constant 6 : i32
              %eq3A_494 = arith.constant 0 : i32
              %eq3A_495 = arith.cmpi eq, %jit3A_493, %eq3A_494 : i32
              %jit3A_496 = arith.constant 1 : i32
              %select_n3A_497 = arith.select %eq3A_495, %jit3A_496, %jit3A_493 : i32
              %rem3A_498 = arith.remsi %add3A_408, %select_n3A_497 : i32
              %ne3A_499 = arith.constant 0 : i32
              %ne3A_500 = arith.cmpi ne, %rem3A_498, %ne3A_499 : i32
              %lt3A_501 = arith.constant 0 : i32
              %lt3A_502 = arith.cmpi slt, %rem3A_498, %lt3A_501 : i32
              %lt3A_503 = arith.constant 0 : i32
              %lt3A_504 = arith.cmpi slt, %select_n3A_497, %lt3A_503 : i32
              %ne3A_505 = arith.xori %lt3A_502, %lt3A_504 : i1
              %and3A_506 = arith.andi %ne3A_505, %ne3A_500 : i1
              %add3A_507 = arith.addi %rem3A_498, %select_n3A_497 : i32
              %select_n3A_508 = arith.select %and3A_506, %add3A_507, %rem3A_498 : i32
              %eq3A_509 = arith.constant 4 : i32
              %eq3A_510 = arith.cmpi eq, %select_n3A_508, %eq3A_509 : i32
              %convert_element_type3A_511 = arith.extui %eq3A_510 : i1 to i32
              %cond3A_512 = arith.constant 0 : i32
              %cond3A_513 = arith.cmpi ne, %convert_element_type3A_511, %cond3A_512 : i32
              scf.if %cond3A_513 {
                %mul3A_535 = arith.constant 64 : i32
                %mul3A_536 = arith.muli %add3A_408, %mul3A_535 : i32
                %add3A_537 = arith.constant 0 : i32
                %add3A_538 = arith.addi %mul3A_536, %add3A_537 : i32
                %get3A = arith.index_cast %add3A_538 : i32 to index
                %get3A_539 = tpu.vector_load %arg6[%get3A] {strides = array<i32>} : memref<4096xi32, #tpu.memory_space<vmem>>, vector<16xi32>,
                %shift_right_arithmetic3A = arith.constant 9 : i32
                %shift_right_arithmetic3A_540 = vector.broadcast %shift_right_arithmetic3A : i32 to vector<16xi32>
                %shift_right_arithmetic3A_541 = arith.shrsi %get3A_539, %shift_right_arithmetic3A_540 : vector<16xi32>
                %swap3A_542 = arith.constant 4 : i32
                %swap3A_543 = arith.index_cast %swap3A_542 : i32 to index
                %swap3A_544 = arith.constant 0 : index
                %swap3A_545 = tpu.vector_load %arg7[%swap3A_543, %swap3A_544] {strides = array<i32>} : memref<6x64xi32, #tpu.memory_space<vmem>>, vector<16xi32>,
                tpu.vector_store %arg7[%swap3A_543, %swap3A_544], %shift_right_arithmetic3A_541 {strides = array<i32>} : memref<6x64xi32, #tpu.memory_space<vmem>>, vector<16xi32>,
                %mul3A_546 = arith.constant 64 : i32
                %mul3A_547 = arith.muli %add3A_408, %mul3A_546 : i32
                %add3A_548 = arith.constant 16 : i32
                %add3A_549 = arith.addi %mul3A_547, %add3A_548 : i32
                %get3A_550 = arith.index_cast %add3A_549 : i32 to index
                %get3A_551 = tpu.vector_load %arg6[%get3A_550] {strides = array<i32>} : memref<4096xi32, #tpu.memory_space<vmem>>, vector<16xi32>,
                %shift_right_arithmetic3A_552 = arith.constant 9 : i32
                %shift_right_arithmetic3A_553 = vector.broadcast %shift_right_arithmetic3A_552 : i32 to vector<16xi32>
                %shift_right_arithmetic3A_554 = arith.shrsi %get3A_551, %shift_right_arithmetic3A_553 : vector<16xi32>
                %swap3A_555 = arith.constant 4 : i32
                %swap3A_556 = arith.index_cast %swap3A_555 : i32 to index
                %swap3A_557 = arith.constant 16 : index
                %swap3A_558 = tpu.vector_load %arg7[%swap3A_556, %swap3A_557] {strides = array<i32>} : memref<6x64xi32, #tpu.memory_space<vmem>>, vector<16xi32>,
                tpu.vector_store %arg7[%swap3A_556, %swap3A_557], %shift_right_arithmetic3A_554 {strides = array<i32>} : memref<6x64xi32, #tpu.memory_space<vmem>>, vector<16xi32>,
                %mul3A_559 = arith.constant 64 : i32
                %mul3A_560 = arith.muli %add3A_408, %mul3A_559 : i32
                %add3A_561 = arith.constant 32 : i32
                %add3A_562 = arith.addi %mul3A_560, %add3A_561 : i32
                %get3A_563 = arith.index_cast %add3A_562 : i32 to index
                %get3A_564 = tpu.vector_load %arg6[%get3A_563] {strides = array<i32>} : memref<4096xi32, #tpu.memory_space<vmem>>, vector<16xi32>,
                %shift_right_arithmetic3A_565 = arith.constant 9 : i32
                %shift_right_arithmetic3A_566 = vector.broadcast %shift_right_arithmetic3A_565 : i32 to vector<16xi32>
                %shift_right_arithmetic3A_567 = arith.shrsi %get3A_564, %shift_right_arithmetic3A_566 : vector<16xi32>
                %swap3A_568 = arith.constant 4 : i32
                %swap3A_569 = arith.index_cast %swap3A_568 : i32 to index
                %swap3A_570 = arith.constant 32 : index
                %swap3A_571 = tpu.vector_load %arg7[%swap3A_569, %swap3A_570] {strides = array<i32>} : memref<6x64xi32, #tpu.memory_space<vmem>>, vector<16xi32>,
                tpu.vector_store %arg7[%swap3A_569, %swap3A_570], %shift_right_arithmetic3A_567 {strides = array<i32>} : memref<6x64xi32, #tpu.memory_space<vmem>>, vector<16xi32>,
                %mul3A_572 = arith.constant 64 : i32
                %mul3A_573 = arith.muli %add3A_408, %mul3A_572 : i32
                %add3A_574 = arith.constant 48 : i32
                %add3A_575 = arith.addi %mul3A_573, %add3A_574 : i32
                %get3A_576 = arith.index_cast %add3A_575 : i32 to index
                %get3A_577 = tpu.vector_load %arg6[%get3A_576] {strides = array<i32>} : memref<4096xi32, #tpu.memory_space<vmem>>, vector<16xi32>,
                %shift_right_arithmetic3A_578 = arith.constant 9 : i32
                %shift_right_arithmetic3A_579 = vector.broadcast %shift_right_arithmetic3A_578 : i32 to vector<16xi32>
                %shift_right_arithmetic3A_580 = arith.shrsi %get3A_577, %shift_right_arithmetic3A_579 : vector<16xi32>
                %swap3A_581 = arith.constant 4 : i32
                %swap3A_582 = arith.index_cast %swap3A_581 : i32 to index
                %swap3A_583 = arith.constant 48 : index
                %swap3A_584 = tpu.vector_load %arg7[%swap3A_582, %swap3A_583] {strides = array<i32>} : memref<6x64xi32, #tpu.memory_space<vmem>>, vector<16xi32>,
                tpu.vector_store %arg7[%swap3A_582, %swap3A_583], %shift_right_arithmetic3A_580 {strides = array<i32>} : memref<6x64xi32, #tpu.memory_space<vmem>>, vector<16xi32>,
                %dma_start3A_585 = arith.constant 4 : i32
                %dma_start3A_586 = arith.constant 4 : i32
                %dma_start3A_587 = arith.constant 0 : i32
                %dma_start3A_588 = arith.constant 0 : i32
                %dma_start3A_589 = tpu.memref_slice %arg9[%dma_start3A_586, %dma_start3A_587, %dma_start3A_588] : memref<6x64x128xi32, #tpu.memory_space<vmem>> -> memref<1x64x128xi32, #tpu.memory_space<vmem>>
                %dma_start3A_590 = tpu.memref_squeeze %dma_start3A_589 : memref<1x64x128xi32, #tpu.memory_space<vmem>> -> memref<64x128xi32, #tpu.memory_space<vmem>>
                %dma_start3A_591 = arith.constant 0 : i32
                %dma_start3A_592 = tpu.memref_slice %arg7[%dma_start3A_585, %dma_start3A_591] : memref<6x64xi32, #tpu.memory_space<vmem>> -> memref<1x64xi32, #tpu.memory_space<vmem>>
                %dma_start3A_593 = tpu.memref_squeeze %dma_start3A_592 : memref<1x64xi32, #tpu.memory_space<vmem>> -> memref<64xi32, #tpu.memory_space<vmem>>
                %dma_start3A_594 = arith.constant 0 : i32
                %dma_start3A_595 = arith.constant 0 : i32
                %dma_start3A_596 = tpu.memref_slice %arg2[%dma_start3A_594, %dma_start3A_595] : memref<80000x128xi32, #tpu.memory_space<hbm>> -> memref<80000x128xi32, #tpu.memory_space<hbm>>
                tpu.enqueue_indirect_dma source(%dma_start3A_596 : memref<80000x128xi32, #tpu.memory_space<hbm>>) target(%dma_start3A_590 : memref<64x128xi32, #tpu.memory_space<vmem>>) offsets(%dma_start3A_593 : memref<64xi32, #tpu.memory_space<vmem>>) semaphore(%arg16 : memref<!tpu.dma_semaphore, #tpu.memory_space<semaphore_mem>>)
              } else {
              }
              %jit3A_514 = arith.constant 6 : i32
              %eq3A_515 = arith.constant 0 : i32
              %eq3A_516 = arith.cmpi eq, %jit3A_514, %eq3A_515 : i32
              %jit3A_517 = arith.constant 1 : i32
              %select_n3A_518 = arith.select %eq3A_516, %jit3A_517, %jit3A_514 : i32
              %rem3A_519 = arith.remsi %add3A_408, %select_n3A_518 : i32
              %ne3A_520 = arith.constant 0 : i32
              %ne3A_521 = arith.cmpi ne, %rem3A_519, %ne3A_520 : i32
              %lt3A_522 = arith.constant 0 : i32
              %lt3A_523 = arith.cmpi slt, %rem3A_519, %lt3A_522 : i32
              %lt3A_524 = arith.constant 0 : i32
              %lt3A_525 = arith.cmpi slt, %select_n3A_518, %lt3A_524 : i32
              %ne3A_526 = arith.xori %lt3A_523, %lt3A_525 : i1
              %and3A_527 = arith.andi %ne3A_526, %ne3A_521 : i1
              %add3A_528 = arith.addi %rem3A_519, %select_n3A_518 : i32
              %select_n3A_529 = arith.select %and3A_527, %add3A_528, %rem3A_519 : i32
              %eq3A_530 = arith.constant 5 : i32
              %eq3A_531 = arith.cmpi eq, %select_n3A_529, %eq3A_530 : i32
              %convert_element_type3A_532 = arith.extui %eq3A_531 : i1 to i32
              %cond3A_533 = arith.constant 0 : i32
              %cond3A_534 = arith.cmpi ne, %convert_element_type3A_532, %cond3A_533 : i32
              scf.if %cond3A_534 {
                %mul3A_535 = arith.constant 64 : i32
                %mul3A_536 = arith.muli %add3A_408, %mul3A_535 : i32
                %add3A_537 = arith.constant 0 : i32
                %add3A_538 = arith.addi %mul3A_536, %add3A_537 : i32
                %get3A = arith.index_cast %add3A_538 : i32 to index
                %get3A_539 = tpu.vector_load %arg6[%get3A] {strides = array<i32>} : memref<4096xi32, #tpu.memory_space<vmem>>, vector<16xi32>,
                %shift_right_arithmetic3A = arith.constant 9 : i32
                %shift_right_arithmetic3A_540 = vector.broadcast %shift_right_arithmetic3A : i32 to vector<16xi32>
                %shift_right_arithmetic3A_541 = arith.shrsi %get3A_539, %shift_right_arithmetic3A_540 : vector<16xi32>
                %swap3A_542 = arith.constant 5 : i32
                %swap3A_543 = arith.index_cast %swap3A_542 : i32 to index
                %swap3A_544 = arith.constant 0 : index
                %swap3A_545 = tpu.vector_load %arg7[%swap3A_543, %swap3A_544] {strides = array<i32>} : memref<6x64xi32, #tpu.memory_space<vmem>>, vector<16xi32>,
                tpu.vector_store %arg7[%swap3A_543, %swap3A_544], %shift_right_arithmetic3A_541 {strides = array<i32>} : memref<6x64xi32, #tpu.memory_space<vmem>>, vector<16xi32>,
                %mul3A_546 = arith.constant 64 : i32
                %mul3A_547 = arith.muli %add3A_408, %mul3A_546 : i32
                %add3A_548 = arith.constant 16 : i32
                %add3A_549 = arith.addi %mul3A_547, %add3A_548 : i32
                %get3A_550 = arith.index_cast %add3A_549 : i32 to index
                %get3A_551 = tpu.vector_load %arg6[%get3A_550] {strides = array<i32>} : memref<4096xi32, #tpu.memory_space<vmem>>, vector<16xi32>,
                %shift_right_arithmetic3A_552 = arith.constant 9 : i32
                %shift_right_arithmetic3A_553 = vector.broadcast %shift_right_arithmetic3A_552 : i32 to vector<16xi32>
                %shift_right_arithmetic3A_554 = arith.shrsi %get3A_551, %shift_right_arithmetic3A_553 : vector<16xi32>
                %swap3A_555 = arith.constant 5 : i32
                %swap3A_556 = arith.index_cast %swap3A_555 : i32 to index
                %swap3A_557 = arith.constant 16 : index
                %swap3A_558 = tpu.vector_load %arg7[%swap3A_556, %swap3A_557] {strides = array<i32>} : memref<6x64xi32, #tpu.memory_space<vmem>>, vector<16xi32>,
                tpu.vector_store %arg7[%swap3A_556, %swap3A_557], %shift_right_arithmetic3A_554 {strides = array<i32>} : memref<6x64xi32, #tpu.memory_space<vmem>>, vector<16xi32>,
                %mul3A_559 = arith.constant 64 : i32
                %mul3A_560 = arith.muli %add3A_408, %mul3A_559 : i32
                %add3A_561 = arith.constant 32 : i32
                %add3A_562 = arith.addi %mul3A_560, %add3A_561 : i32
                %get3A_563 = arith.index_cast %add3A_562 : i32 to index
                %get3A_564 = tpu.vector_load %arg6[%get3A_563] {strides = array<i32>} : memref<4096xi32, #tpu.memory_space<vmem>>, vector<16xi32>,
                %shift_right_arithmetic3A_565 = arith.constant 9 : i32
                %shift_right_arithmetic3A_566 = vector.broadcast %shift_right_arithmetic3A_565 : i32 to vector<16xi32>
                %shift_right_arithmetic3A_567 = arith.shrsi %get3A_564, %shift_right_arithmetic3A_566 : vector<16xi32>
                %swap3A_568 = arith.constant 5 : i32
                %swap3A_569 = arith.index_cast %swap3A_568 : i32 to index
                %swap3A_570 = arith.constant 32 : index
                %swap3A_571 = tpu.vector_load %arg7[%swap3A_569, %swap3A_570] {strides = array<i32>} : memref<6x64xi32, #tpu.memory_space<vmem>>, vector<16xi32>,
                tpu.vector_store %arg7[%swap3A_569, %swap3A_570], %shift_right_arithmetic3A_567 {strides = array<i32>} : memref<6x64xi32, #tpu.memory_space<vmem>>, vector<16xi32>,
                %mul3A_572 = arith.constant 64 : i32
                %mul3A_573 = arith.muli %add3A_408, %mul3A_572 : i32
                %add3A_574 = arith.constant 48 : i32
                %add3A_575 = arith.addi %mul3A_573, %add3A_574 : i32
                %get3A_576 = arith.index_cast %add3A_575 : i32 to index
                %get3A_577 = tpu.vector_load %arg6[%get3A_576] {strides = array<i32>} : memref<4096xi32, #tpu.memory_space<vmem>>, vector<16xi32>,
                %shift_right_arithmetic3A_578 = arith.constant 9 : i32
                %shift_right_arithmetic3A_579 = vector.broadcast %shift_right_arithmetic3A_578 : i32 to vector<16xi32>
                %shift_right_arithmetic3A_580 = arith.shrsi %get3A_577, %shift_right_arithmetic3A_579 : vector<16xi32>
                %swap3A_581 = arith.constant 5 : i32
                %swap3A_582 = arith.index_cast %swap3A_581 : i32 to index
                %swap3A_583 = arith.constant 48 : index
                %swap3A_584 = tpu.vector_load %arg7[%swap3A_582, %swap3A_583] {strides = array<i32>} : memref<6x64xi32, #tpu.memory_space<vmem>>, vector<16xi32>,
                tpu.vector_store %arg7[%swap3A_582, %swap3A_583], %shift_right_arithmetic3A_580 {strides = array<i32>} : memref<6x64xi32, #tpu.memory_space<vmem>>, vector<16xi32>,
                %dma_start3A_585 = arith.constant 5 : i32
                %dma_start3A_586 = arith.constant 5 : i32
                %dma_start3A_587 = arith.constant 0 : i32
                %dma_start3A_588 = arith.constant 0 : i32
                %dma_start3A_589 = tpu.memref_slice %arg9[%dma_start3A_586, %dma_start3A_587, %dma_start3A_588] : memref<6x64x128xi32, #tpu.memory_space<vmem>> -> memref<1x64x128xi32, #tpu.memory_space<vmem>>
                %dma_start3A_590 = tpu.memref_squeeze %dma_start3A_589 : memref<1x64x128xi32, #tpu.memory_space<vmem>> -> memref<64x128xi32, #tpu.memory_space<vmem>>
                %dma_start3A_591 = arith.constant 0 : i32
                %dma_start3A_592 = tpu.memref_slice %arg7[%dma_start3A_585, %dma_start3A_591] : memref<6x64xi32, #tpu.memory_space<vmem>> -> memref<1x64xi32, #tpu.memory_space<vmem>>
                %dma_start3A_593 = tpu.memref_squeeze %dma_start3A_592 : memref<1x64xi32, #tpu.memory_space<vmem>> -> memref<64xi32, #tpu.memory_space<vmem>>
                %dma_start3A_594 = arith.constant 0 : i32
                %dma_start3A_595 = arith.constant 0 : i32
                %dma_start3A_596 = tpu.memref_slice %arg2[%dma_start3A_594, %dma_start3A_595] : memref<80000x128xi32, #tpu.memory_space<hbm>> -> memref<80000x128xi32, #tpu.memory_space<hbm>>
                tpu.enqueue_indirect_dma source(%dma_start3A_596 : memref<80000x128xi32, #tpu.memory_space<hbm>>) target(%dma_start3A_590 : memref<64x128xi32, #tpu.memory_space<vmem>>) offsets(%dma_start3A_593 : memref<64xi32, #tpu.memory_space<vmem>>) semaphore(%arg17 : memref<!tpu.dma_semaphore, #tpu.memory_space<semaphore_mem>>)
              } else {
              }
            } else {
            }
            %jit3A_242 = arith.constant 6 : i32
            %eq3A_243 = arith.constant 0 : i32
            %eq3A_244 = arith.cmpi eq, %jit3A_242, %eq3A_243 : i32
            %jit3A_245 = arith.constant 1 : i32
            %select_n3A_246 = arith.select %eq3A_244, %jit3A_245, %jit3A_242 : i32
            %rem3A_247 = arith.remsi %while3A_234, %select_n3A_246 : i32
            %ne3A_248 = arith.constant 0 : i32
            %ne3A_249 = arith.cmpi ne, %rem3A_247, %ne3A_248 : i32
            %lt3A_250 = arith.constant 0 : i32
            %lt3A_251 = arith.cmpi slt, %rem3A_247, %lt3A_250 : i32
            %lt3A_252 = arith.constant 0 : i32
            %lt3A_253 = arith.cmpi slt, %select_n3A_246, %lt3A_252 : i32
            %ne3A_254 = arith.xori %lt3A_251, %lt3A_253 : i1
            %and3A_255 = arith.andi %ne3A_254, %ne3A_249 : i1
            %add3A_256 = arith.addi %rem3A_247, %select_n3A_246 : i32
            %select_n3A_257 = arith.select %and3A_255, %add3A_256, %rem3A_247 : i32
            %eq3A_258 = arith.constant 0 : i32
            %eq3A_259 = arith.cmpi eq, %select_n3A_257, %eq3A_258 : i32
            %convert_element_type3A_260 = arith.extui %eq3A_259 : i1 to i32
            %cond3A_261 = arith.constant 0 : i32
            %cond3A_262 = arith.constant 0 : i32
            %cond3A_263 = arith.cmpi ne, %convert_element_type3A_260, %cond3A_262 : i32
            scf.if %cond3A_263 {
              %dma_wait3A = arith.constant 0 : i32
              %dma_wait3A_407 = arith.constant 0 : i32
              %dma_wait3A_408 = arith.constant 0 : i32
              %dma_wait3A_409 = tpu.memref_slice %arg9[%dma_wait3A, %dma_wait3A_407, %dma_wait3A_408] : memref<6x64x128xi32, #tpu.memory_space<vmem>> -> memref<1x64x128xi32, #tpu.memory_space<vmem>>
              %dma_wait3A_410 = tpu.memref_squeeze %dma_wait3A_409 : memref<1x64x128xi32, #tpu.memory_space<vmem>> -> memref<64x128xi32, #tpu.memory_space<vmem>>
              %dma_wait3A_411 = arith.constant 0 : i32
              %dma_wait3A_412 = tpu.memref_slice %arg7[%cond3A_261, %dma_wait3A_411] : memref<6x64xi32, #tpu.memory_space<vmem>> -> memref<1x64xi32, #tpu.memory_space<vmem>>
              %dma_wait3A_413 = tpu.memref_squeeze %dma_wait3A_412 : memref<1x64xi32, #tpu.memory_space<vmem>> -> memref<64xi32, #tpu.memory_space<vmem>>
              %dma_wait3A_414 = arith.constant 0 : i32
              %dma_wait3A_415 = arith.constant 0 : i32
              %dma_wait3A_416 = tpu.memref_slice %arg2[%dma_wait3A_414, %dma_wait3A_415] : memref<80000x128xi32, #tpu.memory_space<hbm>> -> memref<80000x128xi32, #tpu.memory_space<hbm>>
              tpu.wait_indirect_dma semaphore(%arg10 : memref<!tpu.dma_semaphore, #tpu.memory_space<semaphore_mem>>) src(%dma_wait3A_416 : memref<80000x128xi32, #tpu.memory_space<hbm>>) dst(%dma_wait3A_410 : memref<64x128xi32, #tpu.memory_space<vmem>>)
            } else {
            }
            %jit3A_264 = arith.constant 6 : i32
            %eq3A_265 = arith.constant 0 : i32
            %eq3A_266 = arith.cmpi eq, %jit3A_264, %eq3A_265 : i32
            %jit3A_267 = arith.constant 1 : i32
            %select_n3A_268 = arith.select %eq3A_266, %jit3A_267, %jit3A_264 : i32
            %rem3A_269 = arith.remsi %while3A_234, %select_n3A_268 : i32
            %ne3A_270 = arith.constant 0 : i32
            %ne3A_271 = arith.cmpi ne, %rem3A_269, %ne3A_270 : i32
            %lt3A_272 = arith.constant 0 : i32
            %lt3A_273 = arith.cmpi slt, %rem3A_269, %lt3A_272 : i32
            %lt3A_274 = arith.constant 0 : i32
            %lt3A_275 = arith.cmpi slt, %select_n3A_268, %lt3A_274 : i32
            %ne3A_276 = arith.xori %lt3A_273, %lt3A_275 : i1
            %and3A_277 = arith.andi %ne3A_276, %ne3A_271 : i1
            %add3A_278 = arith.addi %rem3A_269, %select_n3A_268 : i32
            %select_n3A_279 = arith.select %and3A_277, %add3A_278, %rem3A_269 : i32
            %eq3A_280 = arith.constant 1 : i32
            %eq3A_281 = arith.cmpi eq, %select_n3A_279, %eq3A_280 : i32
            %convert_element_type3A_282 = arith.extui %eq3A_281 : i1 to i32
            %cond3A_283 = arith.constant 0 : i32
            %cond3A_284 = arith.constant 0 : i32
            %cond3A_285 = arith.cmpi ne, %convert_element_type3A_282, %cond3A_284 : i32
            scf.if %cond3A_285 {
              %dma_wait3A = arith.constant 1 : i32
              %dma_wait3A_407 = arith.constant 0 : i32
              %dma_wait3A_408 = arith.constant 0 : i32
              %dma_wait3A_409 = tpu.memref_slice %arg9[%dma_wait3A, %dma_wait3A_407, %dma_wait3A_408] : memref<6x64x128xi32, #tpu.memory_space<vmem>> -> memref<1x64x128xi32, #tpu.memory_space<vmem>>
              %dma_wait3A_410 = tpu.memref_squeeze %dma_wait3A_409 : memref<1x64x128xi32, #tpu.memory_space<vmem>> -> memref<64x128xi32, #tpu.memory_space<vmem>>
              %dma_wait3A_411 = arith.constant 0 : i32
              %dma_wait3A_412 = tpu.memref_slice %arg7[%cond3A_283, %dma_wait3A_411] : memref<6x64xi32, #tpu.memory_space<vmem>> -> memref<1x64xi32, #tpu.memory_space<vmem>>
              %dma_wait3A_413 = tpu.memref_squeeze %dma_wait3A_412 : memref<1x64xi32, #tpu.memory_space<vmem>> -> memref<64xi32, #tpu.memory_space<vmem>>
              %dma_wait3A_414 = arith.constant 0 : i32
              %dma_wait3A_415 = arith.constant 0 : i32
              %dma_wait3A_416 = tpu.memref_slice %arg2[%dma_wait3A_414, %dma_wait3A_415] : memref<80000x128xi32, #tpu.memory_space<hbm>> -> memref<80000x128xi32, #tpu.memory_space<hbm>>
              tpu.wait_indirect_dma semaphore(%arg11 : memref<!tpu.dma_semaphore, #tpu.memory_space<semaphore_mem>>) src(%dma_wait3A_416 : memref<80000x128xi32, #tpu.memory_space<hbm>>) dst(%dma_wait3A_410 : memref<64x128xi32, #tpu.memory_space<vmem>>)
            } else {
            }
            %jit3A_286 = arith.constant 6 : i32
            %eq3A_287 = arith.constant 0 : i32
            %eq3A_288 = arith.cmpi eq, %jit3A_286, %eq3A_287 : i32
            %jit3A_289 = arith.constant 1 : i32
            %select_n3A_290 = arith.select %eq3A_288, %jit3A_289, %jit3A_286 : i32
            %rem3A_291 = arith.remsi %while3A_234, %select_n3A_290 : i32
            %ne3A_292 = arith.constant 0 : i32
            %ne3A_293 = arith.cmpi ne, %rem3A_291, %ne3A_292 : i32
            %lt3A_294 = arith.constant 0 : i32
            %lt3A_295 = arith.cmpi slt, %rem3A_291, %lt3A_294 : i32
            %lt3A_296 = arith.constant 0 : i32
            %lt3A_297 = arith.cmpi slt, %select_n3A_290, %lt3A_296 : i32
            %ne3A_298 = arith.xori %lt3A_295, %lt3A_297 : i1
            %and3A_299 = arith.andi %ne3A_298, %ne3A_293 : i1
            %add3A_300 = arith.addi %rem3A_291, %select_n3A_290 : i32
            %select_n3A_301 = arith.select %and3A_299, %add3A_300, %rem3A_291 : i32
            %eq3A_302 = arith.constant 2 : i32
            %eq3A_303 = arith.cmpi eq, %select_n3A_301, %eq3A_302 : i32
            %convert_element_type3A_304 = arith.extui %eq3A_303 : i1 to i32
            %cond3A_305 = arith.constant 0 : i32
            %cond3A_306 = arith.constant 0 : i32
            %cond3A_307 = arith.cmpi ne, %convert_element_type3A_304, %cond3A_306 : i32
            scf.if %cond3A_307 {
              %dma_wait3A = arith.constant 2 : i32
              %dma_wait3A_407 = arith.constant 0 : i32
              %dma_wait3A_408 = arith.constant 0 : i32
              %dma_wait3A_409 = tpu.memref_slice %arg9[%dma_wait3A, %dma_wait3A_407, %dma_wait3A_408] : memref<6x64x128xi32, #tpu.memory_space<vmem>> -> memref<1x64x128xi32, #tpu.memory_space<vmem>>
              %dma_wait3A_410 = tpu.memref_squeeze %dma_wait3A_409 : memref<1x64x128xi32, #tpu.memory_space<vmem>> -> memref<64x128xi32, #tpu.memory_space<vmem>>
              %dma_wait3A_411 = arith.constant 0 : i32
              %dma_wait3A_412 = tpu.memref_slice %arg7[%cond3A_305, %dma_wait3A_411] : memref<6x64xi32, #tpu.memory_space<vmem>> -> memref<1x64xi32, #tpu.memory_space<vmem>>
              %dma_wait3A_413 = tpu.memref_squeeze %dma_wait3A_412 : memref<1x64xi32, #tpu.memory_space<vmem>> -> memref<64xi32, #tpu.memory_space<vmem>>
              %dma_wait3A_414 = arith.constant 0 : i32
              %dma_wait3A_415 = arith.constant 0 : i32
              %dma_wait3A_416 = tpu.memref_slice %arg2[%dma_wait3A_414, %dma_wait3A_415] : memref<80000x128xi32, #tpu.memory_space<hbm>> -> memref<80000x128xi32, #tpu.memory_space<hbm>>
              tpu.wait_indirect_dma semaphore(%arg12 : memref<!tpu.dma_semaphore, #tpu.memory_space<semaphore_mem>>) src(%dma_wait3A_416 : memref<80000x128xi32, #tpu.memory_space<hbm>>) dst(%dma_wait3A_410 : memref<64x128xi32, #tpu.memory_space<vmem>>)
            } else {
            }
            %jit3A_308 = arith.constant 6 : i32
            %eq3A_309 = arith.constant 0 : i32
            %eq3A_310 = arith.cmpi eq, %jit3A_308, %eq3A_309 : i32
            %jit3A_311 = arith.constant 1 : i32
            %select_n3A_312 = arith.select %eq3A_310, %jit3A_311, %jit3A_308 : i32
            %rem3A_313 = arith.remsi %while3A_234, %select_n3A_312 : i32
            %ne3A_314 = arith.constant 0 : i32
            %ne3A_315 = arith.cmpi ne, %rem3A_313, %ne3A_314 : i32
            %lt3A_316 = arith.constant 0 : i32
            %lt3A_317 = arith.cmpi slt, %rem3A_313, %lt3A_316 : i32
            %lt3A_318 = arith.constant 0 : i32
            %lt3A_319 = arith.cmpi slt, %select_n3A_312, %lt3A_318 : i32
            %ne3A_320 = arith.xori %lt3A_317, %lt3A_319 : i1
            %and3A_321 = arith.andi %ne3A_320, %ne3A_315 : i1
            %add3A_322 = arith.addi %rem3A_313, %select_n3A_312 : i32
            %select_n3A_323 = arith.select %and3A_321, %add3A_322, %rem3A_313 : i32
            %eq3A_324 = arith.constant 3 : i32
            %eq3A_325 = arith.cmpi eq, %select_n3A_323, %eq3A_324 : i32
            %convert_element_type3A_326 = arith.extui %eq3A_325 : i1 to i32
            %cond3A_327 = arith.constant 0 : i32
            %cond3A_328 = arith.constant 0 : i32
            %cond3A_329 = arith.cmpi ne, %convert_element_type3A_326, %cond3A_328 : i32
            scf.if %cond3A_329 {
              %dma_wait3A = arith.constant 3 : i32
              %dma_wait3A_407 = arith.constant 0 : i32
              %dma_wait3A_408 = arith.constant 0 : i32
              %dma_wait3A_409 = tpu.memref_slice %arg9[%dma_wait3A, %dma_wait3A_407, %dma_wait3A_408] : memref<6x64x128xi32, #tpu.memory_space<vmem>> -> memref<1x64x128xi32, #tpu.memory_space<vmem>>
              %dma_wait3A_410 = tpu.memref_squeeze %dma_wait3A_409 : memref<1x64x128xi32, #tpu.memory_space<vmem>> -> memref<64x128xi32, #tpu.memory_space<vmem>>
              %dma_wait3A_411 = arith.constant 0 : i32
              %dma_wait3A_412 = tpu.memref_slice %arg7[%cond3A_327, %dma_wait3A_411] : memref<6x64xi32, #tpu.memory_space<vmem>> -> memref<1x64xi32, #tpu.memory_space<vmem>>
              %dma_wait3A_413 = tpu.memref_squeeze %dma_wait3A_412 : memref<1x64xi32, #tpu.memory_space<vmem>> -> memref<64xi32, #tpu.memory_space<vmem>>
              %dma_wait3A_414 = arith.constant 0 : i32
              %dma_wait3A_415 = arith.constant 0 : i32
              %dma_wait3A_416 = tpu.memref_slice %arg2[%dma_wait3A_414, %dma_wait3A_415] : memref<80000x128xi32, #tpu.memory_space<hbm>> -> memref<80000x128xi32, #tpu.memory_space<hbm>>
              tpu.wait_indirect_dma semaphore(%arg13 : memref<!tpu.dma_semaphore, #tpu.memory_space<semaphore_mem>>) src(%dma_wait3A_416 : memref<80000x128xi32, #tpu.memory_space<hbm>>) dst(%dma_wait3A_410 : memref<64x128xi32, #tpu.memory_space<vmem>>)
            } else {
            }
            %jit3A_330 = arith.constant 6 : i32
            %eq3A_331 = arith.constant 0 : i32
            %eq3A_332 = arith.cmpi eq, %jit3A_330, %eq3A_331 : i32
            %jit3A_333 = arith.constant 1 : i32
            %select_n3A_334 = arith.select %eq3A_332, %jit3A_333, %jit3A_330 : i32
            %rem3A_335 = arith.remsi %while3A_234, %select_n3A_334 : i32
            %ne3A_336 = arith.constant 0 : i32
            %ne3A_337 = arith.cmpi ne, %rem3A_335, %ne3A_336 : i32
            %lt3A_338 = arith.constant 0 : i32
            %lt3A_339 = arith.cmpi slt, %rem3A_335, %lt3A_338 : i32
            %lt3A_340 = arith.constant 0 : i32
            %lt3A_341 = arith.cmpi slt, %select_n3A_334, %lt3A_340 : i32
            %ne3A_342 = arith.xori %lt3A_339, %lt3A_341 : i1
            %and3A_343 = arith.andi %ne3A_342, %ne3A_337 : i1
            %add3A_344 = arith.addi %rem3A_335, %select_n3A_334 : i32
            %select_n3A_345 = arith.select %and3A_343, %add3A_344, %rem3A_335 : i32
            %eq3A_346 = arith.constant 4 : i32
            %eq3A_347 = arith.cmpi eq, %select_n3A_345, %eq3A_346 : i32
            %convert_element_type3A_348 = arith.extui %eq3A_347 : i1 to i32
            %cond3A_349 = arith.constant 0 : i32
            %cond3A_350 = arith.constant 0 : i32
            %cond3A_351 = arith.cmpi ne, %convert_element_type3A_348, %cond3A_350 : i32
            scf.if %cond3A_351 {
              %dma_wait3A = arith.constant 4 : i32
              %dma_wait3A_407 = arith.constant 0 : i32
              %dma_wait3A_408 = arith.constant 0 : i32
              %dma_wait3A_409 = tpu.memref_slice %arg9[%dma_wait3A, %dma_wait3A_407, %dma_wait3A_408] : memref<6x64x128xi32, #tpu.memory_space<vmem>> -> memref<1x64x128xi32, #tpu.memory_space<vmem>>
              %dma_wait3A_410 = tpu.memref_squeeze %dma_wait3A_409 : memref<1x64x128xi32, #tpu.memory_space<vmem>> -> memref<64x128xi32, #tpu.memory_space<vmem>>
              %dma_wait3A_411 = arith.constant 0 : i32
              %dma_wait3A_412 = tpu.memref_slice %arg7[%cond3A_349, %dma_wait3A_411] : memref<6x64xi32, #tpu.memory_space<vmem>> -> memref<1x64xi32, #tpu.memory_space<vmem>>
              %dma_wait3A_413 = tpu.memref_squeeze %dma_wait3A_412 : memref<1x64xi32, #tpu.memory_space<vmem>> -> memref<64xi32, #tpu.memory_space<vmem>>
              %dma_wait3A_414 = arith.constant 0 : i32
              %dma_wait3A_415 = arith.constant 0 : i32
              %dma_wait3A_416 = tpu.memref_slice %arg2[%dma_wait3A_414, %dma_wait3A_415] : memref<80000x128xi32, #tpu.memory_space<hbm>> -> memref<80000x128xi32, #tpu.memory_space<hbm>>
              tpu.wait_indirect_dma semaphore(%arg16 : memref<!tpu.dma_semaphore, #tpu.memory_space<semaphore_mem>>) src(%dma_wait3A_416 : memref<80000x128xi32, #tpu.memory_space<hbm>>) dst(%dma_wait3A_410 : memref<64x128xi32, #tpu.memory_space<vmem>>)
            } else {
            }
            %jit3A_352 = arith.constant 6 : i32
            %eq3A_353 = arith.constant 0 : i32
            %eq3A_354 = arith.cmpi eq, %jit3A_352, %eq3A_353 : i32
            %jit3A_355 = arith.constant 1 : i32
            %select_n3A_356 = arith.select %eq3A_354, %jit3A_355, %jit3A_352 : i32
            %rem3A_357 = arith.remsi %while3A_234, %select_n3A_356 : i32
            %ne3A_358 = arith.constant 0 : i32
            %ne3A_359 = arith.cmpi ne, %rem3A_357, %ne3A_358 : i32
            %lt3A_360 = arith.constant 0 : i32
            %lt3A_361 = arith.cmpi slt, %rem3A_357, %lt3A_360 : i32
            %lt3A_362 = arith.constant 0 : i32
            %lt3A_363 = arith.cmpi slt, %select_n3A_356, %lt3A_362 : i32
            %ne3A_364 = arith.xori %lt3A_361, %lt3A_363 : i1
            %and3A_365 = arith.andi %ne3A_364, %ne3A_359 : i1
            %add3A_366 = arith.addi %rem3A_357, %select_n3A_356 : i32
            %select_n3A_367 = arith.select %and3A_365, %add3A_366, %rem3A_357 : i32
            %eq3A_368 = arith.constant 5 : i32
            %eq3A_369 = arith.cmpi eq, %select_n3A_367, %eq3A_368 : i32
            %convert_element_type3A_370 = arith.extui %eq3A_369 : i1 to i32
            %cond3A_371 = arith.constant 0 : i32
            %cond3A_372 = arith.constant 0 : i32
            %cond3A_373 = arith.cmpi ne, %convert_element_type3A_370, %cond3A_372 : i32
            scf.if %cond3A_373 {
              %dma_wait3A = arith.constant 5 : i32
              %dma_wait3A_407 = arith.constant 0 : i32
              %dma_wait3A_408 = arith.constant 0 : i32
              %dma_wait3A_409 = tpu.memref_slice %arg9[%dma_wait3A, %dma_wait3A_407, %dma_wait3A_408] : memref<6x64x128xi32, #tpu.memory_space<vmem>> -> memref<1x64x128xi32, #tpu.memory_space<vmem>>
              %dma_wait3A_410 = tpu.memref_squeeze %dma_wait3A_409 : memref<1x64x128xi32, #tpu.memory_space<vmem>> -> memref<64x128xi32, #tpu.memory_space<vmem>>
              %dma_wait3A_411 = arith.constant 0 : i32
              %dma_wait3A_412 = tpu.memref_slice %arg7[%cond3A_371, %dma_wait3A_411] : memref<6x64xi32, #tpu.memory_space<vmem>> -> memref<1x64xi32, #tpu.memory_space<vmem>>
              %dma_wait3A_413 = tpu.memref_squeeze %dma_wait3A_412 : memref<1x64xi32, #tpu.memory_space<vmem>> -> memref<64xi32, #tpu.memory_space<vmem>>
              %dma_wait3A_414 = arith.constant 0 : i32
              %dma_wait3A_415 = arith.constant 0 : i32
              %dma_wait3A_416 = tpu.memref_slice %arg2[%dma_wait3A_414, %dma_wait3A_415] : memref<80000x128xi32, #tpu.memory_space<hbm>> -> memref<80000x128xi32, #tpu.memory_space<hbm>>
              tpu.wait_indirect_dma semaphore(%arg17 : memref<!tpu.dma_semaphore, #tpu.memory_space<semaphore_mem>>) src(%dma_wait3A_416 : memref<80000x128xi32, #tpu.memory_space<hbm>>) dst(%dma_wait3A_410 : memref<64x128xi32, #tpu.memory_space<vmem>>)
            } else {
            }
            %jit3A_374 = arith.constant 6 : i32
            %eq3A_375 = arith.constant 0 : i32
            %eq3A_376 = arith.cmpi eq, %jit3A_374, %eq3A_375 : i32
            %jit3A_377 = arith.constant 1 : i32
            %select_n3A_378 = arith.select %eq3A_376, %jit3A_377, %jit3A_374 : i32
            %rem3A_379 = arith.remsi %while3A_234, %select_n3A_378 : i32
            %ne3A_380 = arith.constant 0 : i32
            %ne3A_381 = arith.cmpi ne, %rem3A_379, %ne3A_380 : i32
            %lt3A_382 = arith.constant 0 : i32
            %lt3A_383 = arith.cmpi slt, %rem3A_379, %lt3A_382 : i32
            %lt3A_384 = arith.constant 0 : i32
            %lt3A_385 = arith.cmpi slt, %select_n3A_378, %lt3A_384 : i32
            %ne3A_386 = arith.xori %lt3A_383, %lt3A_385 : i1
            %and3A_387 = arith.andi %ne3A_386, %ne3A_381 : i1
            %add3A_388 = arith.addi %rem3A_379, %select_n3A_378 : i32
            %select_n3A_389 = arith.select %and3A_387, %add3A_388, %rem3A_379 : i32
            %mul3A_390 = arith.constant 64 : i32
            %mul3A_391 = arith.muli %while3A_234, %mul3A_390 : i32
            %sub3A_392 = arith.subi %scan3A_139, %mul3A_391 : i32
            %min3A = arith.constant 64 : i32
            %min3A_393 = arith.minsi %sub3A_392, %min3A : i32
            %while3A_394 = arith.constant 0 : i32
            %while3A_395 = arith.constant 0 : i32
            %while3A_396 = arith.subi %min3A_393, %while3A_394 : i32
            %while3A_397 = arith.addi %while3A_394, %while3A_396 : i32
            %while3A_398 = arith.constant 1 : i32
            %while3A_399 = arith.divsi %while3A_396, %while3A_398 : i32
            %while3A_400 = arith.muli %while3A_399, %while3A_398 : i32
            %while3A_401 = arith.addi %while3A_394, %while3A_400 : i32
            %while3A_402 = arith.constant 1 : i32
            %while3A_403 = scf.for %while3A_407 = %while3A_394 to %while3A_401 step %while3A_402 iter_args(%while3A_408 = %while3A_395) -> (i32)  : i32 {
              %add3A_409 = arith.addi %mul3A_391, %while3A_407 : i32
              %get3A = arith.index_cast %add3A_409 : i32 to index
              %get3A_410 = tpu.vector_load %arg6[%get3A] {strides = array<i32>} : memref<4096xi32, #tpu.memory_space<vmem>>, vector<16xi32>,
              %slice3A = vector.extract_strided_slice %get3A_410 {offsets = [0], sizes = [1], strides = [1]} : vector<16xi32> to vector<1xi32>
              %squeeze3A = vector.extract %slice3A[0] : i32 from vector<1xi32>
              %and3A_411 = arith.constant 511 : i32
              %and3A_412 = arith.andi %squeeze3A, %and3A_411 : i32
              %mul3A_413 = arith.constant 128 : i32
              %mul3A_414 = arith.muli %and3A_412, %mul3A_413 : i32
              %add3A_415 = arith.constant 0 : i32
              %add3A_416 = arith.addi %mul3A_414, %add3A_415 : i32
              %get3A_417 = arith.index_cast %add3A_416 : i32 to index
              %get3A_418 = tpu.vector_load %arg8[%get3A_417] {strides = array<i32>} : memref<40064xi32, #tpu.memory_space<vmem>>, vector<16xi32>,
              %bitcast3A = vector.bitcast %get3A_418 : vector<16xi32> to vector<32xbf16>
              %get3A_419 = arith.index_cast %select_n3A_389 : i32 to index
              %get3A_420 = arith.index_cast %while3A_407 : i32 to index
              %get3A_421 = arith.constant 0 : index
              %get3A_422 = tpu.vector_load %arg9[%get3A_419, %get3A_420, %get3A_421] {strides = array<i32>} : memref<6x64x128xi32, #tpu.memory_space<vmem>>, vector<16xi32>,
              %bitcast3A_423 = vector.bitcast %get3A_422 : vector<16xi32> to vector<32xbf16>
              %max3A = arith.maximumf %bitcast3A, %bitcast3A_423 : vector<32xbf16>
              %bitcast3A_424 = vector.bitcast %max3A : vector<32xbf16> to vector<16xi32>
              %add3A_425 = arith.constant 0 : i32
              %add3A_426 = arith.addi %mul3A_414, %add3A_425 : i32
              %swap3A_427 = arith.index_cast %add3A_426 : i32 to index
              %swap3A_428 = tpu.vector_load %arg8[%swap3A_427] {strides = array<i32>} : memref<40064xi32, #tpu.memory_space<vmem>>, vector<16xi32>,
              tpu.vector_store %arg8[%swap3A_427], %bitcast3A_424 {strides = array<i32>} : memref<40064xi32, #tpu.memory_space<vmem>>, vector<16xi32>,
              %add3A_429 = arith.constant 16 : i32
              %add3A_430 = arith.addi %mul3A_414, %add3A_429 : i32
              %get3A_431 = arith.index_cast %add3A_430 : i32 to index
              %get3A_432 = tpu.vector_load %arg8[%get3A_431] {strides = array<i32>} : memref<40064xi32, #tpu.memory_space<vmem>>, vector<16xi32>,
              %bitcast3A_433 = vector.bitcast %get3A_432 : vector<16xi32> to vector<32xbf16>
              %get3A_434 = arith.index_cast %select_n3A_389 : i32 to index
              %get3A_435 = arith.index_cast %while3A_407 : i32 to index
              %get3A_436 = arith.constant 16 : index
              %get3A_437 = tpu.vector_load %arg9[%get3A_434, %get3A_435, %get3A_436] {strides = array<i32>} : memref<6x64x128xi32, #tpu.memory_space<vmem>>, vector<16xi32>,
              %bitcast3A_438 = vector.bitcast %get3A_437 : vector<16xi32> to vector<32xbf16>
              %max3A_439 = arith.maximumf %bitcast3A_433, %bitcast3A_438 : vector<32xbf16>
              %bitcast3A_440 = vector.bitcast %max3A_439 : vector<32xbf16> to vector<16xi32>
              %add3A_441 = arith.constant 16 : i32
              %add3A_442 = arith.addi %mul3A_414, %add3A_441 : i32
              %swap3A_443 = arith.index_cast %add3A_442 : i32 to index
              %swap3A_444 = tpu.vector_load %arg8[%swap3A_443] {strides = array<i32>} : memref<40064xi32, #tpu.memory_space<vmem>>, vector<16xi32>,
              tpu.vector_store %arg8[%swap3A_443], %bitcast3A_440 {strides = array<i32>} : memref<40064xi32, #tpu.memory_space<vmem>>, vector<16xi32>,
              %add3A_445 = arith.constant 32 : i32
              %add3A_446 = arith.addi %mul3A_414, %add3A_445 : i32
              %get3A_447 = arith.index_cast %add3A_446 : i32 to index
              %get3A_448 = tpu.vector_load %arg8[%get3A_447] {strides = array<i32>} : memref<40064xi32, #tpu.memory_space<vmem>>, vector<16xi32>,
              %bitcast3A_449 = vector.bitcast %get3A_448 : vector<16xi32> to vector<32xbf16>
              %get3A_450 = arith.index_cast %select_n3A_389 : i32 to index
              %get3A_451 = arith.index_cast %while3A_407 : i32 to index
              %get3A_452 = arith.constant 32 : index
              %get3A_453 = tpu.vector_load %arg9[%get3A_450, %get3A_451, %get3A_452] {strides = array<i32>} : memref<6x64x128xi32, #tpu.memory_space<vmem>>, vector<16xi32>,
              %bitcast3A_454 = vector.bitcast %get3A_453 : vector<16xi32> to vector<32xbf16>
              %max3A_455 = arith.maximumf %bitcast3A_449, %bitcast3A_454 : vector<32xbf16>
              %bitcast3A_456 = vector.bitcast %max3A_455 : vector<32xbf16> to vector<16xi32>
              %add3A_457 = arith.constant 32 : i32
              %add3A_458 = arith.addi %mul3A_414, %add3A_457 : i32
              %swap3A_459 = arith.index_cast %add3A_458 : i32 to index
              %swap3A_460 = tpu.vector_load %arg8[%swap3A_459] {strides = array<i32>} : memref<40064xi32, #tpu.memory_space<vmem>>, vector<16xi32>,
              tpu.vector_store %arg8[%swap3A_459], %bitcast3A_456 {strides = array<i32>} : memref<40064xi32, #tpu.memory_space<vmem>>, vector<16xi32>,
              %add3A_461 = arith.constant 48 : i32
              %add3A_462 = arith.addi %mul3A_414, %add3A_461 : i32
              %get3A_463 = arith.index_cast %add3A_462 : i32 to index
              %get3A_464 = tpu.vector_load %arg8[%get3A_463] {strides = array<i32>} : memref<40064xi32, #tpu.memory_space<vmem>>, vector<16xi32>,
              %bitcast3A_465 = vector.bitcast %get3A_464 : vector<16xi32> to vector<32xbf16>
              %get3A_466 = arith.index_cast %select_n3A_389 : i32 to index
              %get3A_467 = arith.index_cast %while3A_407 : i32 to index
              %get3A_468 = arith.constant 48 : index
              %get3A_469 = tpu.vector_load %arg9[%get3A_466, %get3A_467, %get3A_468] {strides = array<i32>} : memref<6x64x128xi32, #tpu.memory_space<vmem>>, vector<16xi32>,
              %bitcast3A_470 = vector.bitcast %get3A_469 : vector<16xi32> to vector<32xbf16>
              %max3A_471 = arith.maximumf %bitcast3A_465, %bitcast3A_470 : vector<32xbf16>
              %bitcast3A_472 = vector.bitcast %max3A_471 : vector<32xbf16> to vector<16xi32>
              %add3A_473 = arith.constant 48 : i32
              %add3A_474 = arith.addi %mul3A_414, %add3A_473 : i32
              %swap3A_475 = arith.index_cast %add3A_474 : i32 to index
              %swap3A_476 = tpu.vector_load %arg8[%swap3A_475] {strides = array<i32>} : memref<40064xi32, #tpu.memory_space<vmem>>, vector<16xi32>,
              tpu.vector_store %arg8[%swap3A_475], %bitcast3A_472 {strides = array<i32>} : memref<40064xi32, #tpu.memory_space<vmem>>, vector<16xi32>,
              %add3A_477 = arith.constant 64 : i32
              %add3A_478 = arith.addi %mul3A_414, %add3A_477 : i32
              %get3A_479 = arith.index_cast %add3A_478 : i32 to index
              %get3A_480 = tpu.vector_load %arg8[%get3A_479] {strides = array<i32>} : memref<40064xi32, #tpu.memory_space<vmem>>, vector<16xi32>,
              %bitcast3A_481 = vector.bitcast %get3A_480 : vector<16xi32> to vector<32xbf16>
              %get3A_482 = arith.index_cast %select_n3A_389 : i32 to index
              %get3A_483 = arith.index_cast %while3A_407 : i32 to index
              %get3A_484 = arith.constant 64 : index
              %get3A_485 = tpu.vector_load %arg9[%get3A_482, %get3A_483, %get3A_484] {strides = array<i32>} : memref<6x64x128xi32, #tpu.memory_space<vmem>>, vector<16xi32>,
              %bitcast3A_486 = vector.bitcast %get3A_485 : vector<16xi32> to vector<32xbf16>
              %max3A_487 = arith.maximumf %bitcast3A_481, %bitcast3A_486 : vector<32xbf16>
              %bitcast3A_488 = vector.bitcast %max3A_487 : vector<32xbf16> to vector<16xi32>
              %add3A_489 = arith.constant 64 : i32
              %add3A_490 = arith.addi %mul3A_414, %add3A_489 : i32
              %swap3A_491 = arith.index_cast %add3A_490 : i32 to index
              %swap3A_492 = tpu.vector_load %arg8[%swap3A_491] {strides = array<i32>} : memref<40064xi32, #tpu.memory_space<vmem>>, vector<16xi32>,
              tpu.vector_store %arg8[%swap3A_491], %bitcast3A_488 {strides = array<i32>} : memref<40064xi32, #tpu.memory_space<vmem>>, vector<16xi32>,
              %add3A_493 = arith.constant 80 : i32
              %add3A_494 = arith.addi %mul3A_414, %add3A_493 : i32
              %get3A_495 = arith.index_cast %add3A_494 : i32 to index
              %get3A_496 = tpu.vector_load %arg8[%get3A_495] {strides = array<i32>} : memref<40064xi32, #tpu.memory_space<vmem>>, vector<16xi32>,
              %bitcast3A_497 = vector.bitcast %get3A_496 : vector<16xi32> to vector<32xbf16>
              %get3A_498 = arith.index_cast %select_n3A_389 : i32 to index
              %get3A_499 = arith.index_cast %while3A_407 : i32 to index
              %get3A_500 = arith.constant 80 : index
              %get3A_501 = tpu.vector_load %arg9[%get3A_498, %get3A_499, %get3A_500] {strides = array<i32>} : memref<6x64x128xi32, #tpu.memory_space<vmem>>, vector<16xi32>,
              %bitcast3A_502 = vector.bitcast %get3A_501 : vector<16xi32> to vector<32xbf16>
              %max3A_503 = arith.maximumf %bitcast3A_497, %bitcast3A_502 : vector<32xbf16>
              %bitcast3A_504 = vector.bitcast %max3A_503 : vector<32xbf16> to vector<16xi32>
              %add3A_505 = arith.constant 80 : i32
              %add3A_506 = arith.addi %mul3A_414, %add3A_505 : i32
              %swap3A_507 = arith.index_cast %add3A_506 : i32 to index
              %swap3A_508 = tpu.vector_load %arg8[%swap3A_507] {strides = array<i32>} : memref<40064xi32, #tpu.memory_space<vmem>>, vector<16xi32>,
              tpu.vector_store %arg8[%swap3A_507], %bitcast3A_504 {strides = array<i32>} : memref<40064xi32, #tpu.memory_space<vmem>>, vector<16xi32>,
              %add3A_509 = arith.constant 96 : i32
              %add3A_510 = arith.addi %mul3A_414, %add3A_509 : i32
              %get3A_511 = arith.index_cast %add3A_510 : i32 to index
              %get3A_512 = tpu.vector_load %arg8[%get3A_511] {strides = array<i32>} : memref<40064xi32, #tpu.memory_space<vmem>>, vector<16xi32>,
              %bitcast3A_513 = vector.bitcast %get3A_512 : vector<16xi32> to vector<32xbf16>
              %get3A_514 = arith.index_cast %select_n3A_389 : i32 to index
              %get3A_515 = arith.index_cast %while3A_407 : i32 to index
              %get3A_516 = arith.constant 96 : index
              %get3A_517 = tpu.vector_load %arg9[%get3A_514, %get3A_515, %get3A_516] {strides = array<i32>} : memref<6x64x128xi32, #tpu.memory_space<vmem>>, vector<16xi32>,
              %bitcast3A_518 = vector.bitcast %get3A_517 : vector<16xi32> to vector<32xbf16>
              %max3A_519 = arith.maximumf %bitcast3A_513, %bitcast3A_518 : vector<32xbf16>
              %bitcast3A_520 = vector.bitcast %max3A_519 : vector<32xbf16> to vector<16xi32>
              %add3A_521 = arith.constant 96 : i32
              %add3A_522 = arith.addi %mul3A_414, %add3A_521 : i32
              %swap3A_523 = arith.index_cast %add3A_522 : i32 to index
              %swap3A_524 = tpu.vector_load %arg8[%swap3A_523] {strides = array<i32>} : memref<40064xi32, #tpu.memory_space<vmem>>, vector<16xi32>,
              tpu.vector_store %arg8[%swap3A_523], %bitcast3A_520 {strides = array<i32>} : memref<40064xi32, #tpu.memory_space<vmem>>, vector<16xi32>,
              %add3A_525 = arith.constant 112 : i32
              %add3A_526 = arith.addi %mul3A_414, %add3A_525 : i32
              %get3A_527 = arith.index_cast %add3A_526 : i32 to index
              %get3A_528 = tpu.vector_load %arg8[%get3A_527] {strides = array<i32>} : memref<40064xi32, #tpu.memory_space<vmem>>, vector<16xi32>,
              %bitcast3A_529 = vector.bitcast %get3A_528 : vector<16xi32> to vector<32xbf16>
              %get3A_530 = arith.index_cast %select_n3A_389 : i32 to index
              %get3A_531 = arith.index_cast %while3A_407 : i32 to index
              %get3A_532 = arith.constant 112 : index
              %get3A_533 = tpu.vector_load %arg9[%get3A_530, %get3A_531, %get3A_532] {strides = array<i32>} : memref<6x64x128xi32, #tpu.memory_space<vmem>>, vector<16xi32>,
              %bitcast3A_534 = vector.bitcast %get3A_533 : vector<16xi32> to vector<32xbf16>
              %max3A_535 = arith.maximumf %bitcast3A_529, %bitcast3A_534 : vector<32xbf16>
              %bitcast3A_536 = vector.bitcast %max3A_535 : vector<32xbf16> to vector<16xi32>
              %add3A_537 = arith.constant 112 : i32
              %add3A_538 = arith.addi %mul3A_414, %add3A_537 : i32
              %swap3A_539 = arith.index_cast %add3A_538 : i32 to index
              %swap3A_540 = tpu.vector_load %arg8[%swap3A_539] {strides = array<i32>} : memref<40064xi32, #tpu.memory_space<vmem>>, vector<16xi32>,
              tpu.vector_store %arg8[%swap3A_539], %bitcast3A_536 {strides = array<i32>} : memref<40064xi32, #tpu.memory_space<vmem>>, vector<16xi32>,
              %while3A_541 = arith.constant 0 : i32
              scf.yield %while3A_541 : i32
            }
            %while3A_404 = arith.constant 1 : i32
            %while3A_405 = scf.for %while3A_407 = %while3A_401 to %while3A_397 step %while3A_404 iter_args(%while3A_408 = %while3A_403) -> (i32)  : i32 {
              %add3A_409 = arith.addi %mul3A_391, %while3A_407 : i32
              %get3A = arith.index_cast %add3A_409 : i32 to index
              %get3A_410 = tpu.vector_load %arg6[%get3A] {strides = array<i32>} : memref<4096xi32, #tpu.memory_space<vmem>>, vector<16xi32>,
              %slice3A = vector.extract_strided_slice %get3A_410 {offsets = [0], sizes = [1], strides = [1]} : vector<16xi32> to vector<1xi32>
              %squeeze3A = vector.extract %slice3A[0] : i32 from vector<1xi32>
              %and3A_411 = arith.constant 511 : i32
              %and3A_412 = arith.andi %squeeze3A, %and3A_411 : i32
              %mul3A_413 = arith.constant 128 : i32
              %mul3A_414 = arith.muli %and3A_412, %mul3A_413 : i32
              %add3A_415 = arith.constant 0 : i32
              %add3A_416 = arith.addi %mul3A_414, %add3A_415 : i32
              %get3A_417 = arith.index_cast %add3A_416 : i32 to index
              %get3A_418 = tpu.vector_load %arg8[%get3A_417] {strides = array<i32>} : memref<40064xi32, #tpu.memory_space<vmem>>, vector<16xi32>,
              %bitcast3A = vector.bitcast %get3A_418 : vector<16xi32> to vector<32xbf16>
              %get3A_419 = arith.index_cast %select_n3A_389 : i32 to index
              %get3A_420 = arith.index_cast %while3A_407 : i32 to index
              %get3A_421 = arith.constant 0 : index
              %get3A_422 = tpu.vector_load %arg9[%get3A_419, %get3A_420, %get3A_421] {strides = array<i32>} : memref<6x64x128xi32, #tpu.memory_space<vmem>>, vector<16xi32>,
              %bitcast3A_423 = vector.bitcast %get3A_422 : vector<16xi32> to vector<32xbf16>
              %max3A = arith.maximumf %bitcast3A, %bitcast3A_423 : vector<32xbf16>
              %bitcast3A_424 = vector.bitcast %max3A : vector<32xbf16> to vector<16xi32>
              %add3A_425 = arith.constant 0 : i32
              %add3A_426 = arith.addi %mul3A_414, %add3A_425 : i32
              %swap3A_427 = arith.index_cast %add3A_426 : i32 to index
              %swap3A_428 = tpu.vector_load %arg8[%swap3A_427] {strides = array<i32>} : memref<40064xi32, #tpu.memory_space<vmem>>, vector<16xi32>,
              tpu.vector_store %arg8[%swap3A_427], %bitcast3A_424 {strides = array<i32>} : memref<40064xi32, #tpu.memory_space<vmem>>, vector<16xi32>,
              %add3A_429 = arith.constant 16 : i32
              %add3A_430 = arith.addi %mul3A_414, %add3A_429 : i32
              %get3A_431 = arith.index_cast %add3A_430 : i32 to index
              %get3A_432 = tpu.vector_load %arg8[%get3A_431] {strides = array<i32>} : memref<40064xi32, #tpu.memory_space<vmem>>, vector<16xi32>,
              %bitcast3A_433 = vector.bitcast %get3A_432 : vector<16xi32> to vector<32xbf16>
              %get3A_434 = arith.index_cast %select_n3A_389 : i32 to index
              %get3A_435 = arith.index_cast %while3A_407 : i32 to index
              %get3A_436 = arith.constant 16 : index
              %get3A_437 = tpu.vector_load %arg9[%get3A_434, %get3A_435, %get3A_436] {strides = array<i32>} : memref<6x64x128xi32, #tpu.memory_space<vmem>>, vector<16xi32>,
              %bitcast3A_438 = vector.bitcast %get3A_437 : vector<16xi32> to vector<32xbf16>
              %max3A_439 = arith.maximumf %bitcast3A_433, %bitcast3A_438 : vector<32xbf16>
              %bitcast3A_440 = vector.bitcast %max3A_439 : vector<32xbf16> to vector<16xi32>
              %add3A_441 = arith.constant 16 : i32
              %add3A_442 = arith.addi %mul3A_414, %add3A_441 : i32
              %swap3A_443 = arith.index_cast %add3A_442 : i32 to index
              %swap3A_444 = tpu.vector_load %arg8[%swap3A_443] {strides = array<i32>} : memref<40064xi32, #tpu.memory_space<vmem>>, vector<16xi32>,
              tpu.vector_store %arg8[%swap3A_443], %bitcast3A_440 {strides = array<i32>} : memref<40064xi32, #tpu.memory_space<vmem>>, vector<16xi32>,
              %add3A_445 = arith.constant 32 : i32
              %add3A_446 = arith.addi %mul3A_414, %add3A_445 : i32
              %get3A_447 = arith.index_cast %add3A_446 : i32 to index
              %get3A_448 = tpu.vector_load %arg8[%get3A_447] {strides = array<i32>} : memref<40064xi32, #tpu.memory_space<vmem>>, vector<16xi32>,
              %bitcast3A_449 = vector.bitcast %get3A_448 : vector<16xi32> to vector<32xbf16>
              %get3A_450 = arith.index_cast %select_n3A_389 : i32 to index
              %get3A_451 = arith.index_cast %while3A_407 : i32 to index
              %get3A_452 = arith.constant 32 : index
              %get3A_453 = tpu.vector_load %arg9[%get3A_450, %get3A_451, %get3A_452] {strides = array<i32>} : memref<6x64x128xi32, #tpu.memory_space<vmem>>, vector<16xi32>,
              %bitcast3A_454 = vector.bitcast %get3A_453 : vector<16xi32> to vector<32xbf16>
              %max3A_455 = arith.maximumf %bitcast3A_449, %bitcast3A_454 : vector<32xbf16>
              %bitcast3A_456 = vector.bitcast %max3A_455 : vector<32xbf16> to vector<16xi32>
              %add3A_457 = arith.constant 32 : i32
              %add3A_458 = arith.addi %mul3A_414, %add3A_457 : i32
              %swap3A_459 = arith.index_cast %add3A_458 : i32 to index
              %swap3A_460 = tpu.vector_load %arg8[%swap3A_459] {strides = array<i32>} : memref<40064xi32, #tpu.memory_space<vmem>>, vector<16xi32>,
              tpu.vector_store %arg8[%swap3A_459], %bitcast3A_456 {strides = array<i32>} : memref<40064xi32, #tpu.memory_space<vmem>>, vector<16xi32>,
              %add3A_461 = arith.constant 48 : i32
              %add3A_462 = arith.addi %mul3A_414, %add3A_461 : i32
              %get3A_463 = arith.index_cast %add3A_462 : i32 to index
              %get3A_464 = tpu.vector_load %arg8[%get3A_463] {strides = array<i32>} : memref<40064xi32, #tpu.memory_space<vmem>>, vector<16xi32>,
              %bitcast3A_465 = vector.bitcast %get3A_464 : vector<16xi32> to vector<32xbf16>
              %get3A_466 = arith.index_cast %select_n3A_389 : i32 to index
              %get3A_467 = arith.index_cast %while3A_407 : i32 to index
              %get3A_468 = arith.constant 48 : index
              %get3A_469 = tpu.vector_load %arg9[%get3A_466, %get3A_467, %get3A_468] {strides = array<i32>} : memref<6x64x128xi32, #tpu.memory_space<vmem>>, vector<16xi32>,
              %bitcast3A_470 = vector.bitcast %get3A_469 : vector<16xi32> to vector<32xbf16>
              %max3A_471 = arith.maximumf %bitcast3A_465, %bitcast3A_470 : vector<32xbf16>
              %bitcast3A_472 = vector.bitcast %max3A_471 : vector<32xbf16> to vector<16xi32>
              %add3A_473 = arith.constant 48 : i32
              %add3A_474 = arith.addi %mul3A_414, %add3A_473 : i32
              %swap3A_475 = arith.index_cast %add3A_474 : i32 to index
              %swap3A_476 = tpu.vector_load %arg8[%swap3A_475] {strides = array<i32>} : memref<40064xi32, #tpu.memory_space<vmem>>, vector<16xi32>,
              tpu.vector_store %arg8[%swap3A_475], %bitcast3A_472 {strides = array<i32>} : memref<40064xi32, #tpu.memory_space<vmem>>, vector<16xi32>,
              %add3A_477 = arith.constant 64 : i32
              %add3A_478 = arith.addi %mul3A_414, %add3A_477 : i32
              %get3A_479 = arith.index_cast %add3A_478 : i32 to index
              %get3A_480 = tpu.vector_load %arg8[%get3A_479] {strides = array<i32>} : memref<40064xi32, #tpu.memory_space<vmem>>, vector<16xi32>,
              %bitcast3A_481 = vector.bitcast %get3A_480 : vector<16xi32> to vector<32xbf16>
              %get3A_482 = arith.index_cast %select_n3A_389 : i32 to index
              %get3A_483 = arith.index_cast %while3A_407 : i32 to index
              %get3A_484 = arith.constant 64 : index
              %get3A_485 = tpu.vector_load %arg9[%get3A_482, %get3A_483, %get3A_484] {strides = array<i32>} : memref<6x64x128xi32, #tpu.memory_space<vmem>>, vector<16xi32>,
              %bitcast3A_486 = vector.bitcast %get3A_485 : vector<16xi32> to vector<32xbf16>
              %max3A_487 = arith.maximumf %bitcast3A_481, %bitcast3A_486 : vector<32xbf16>
              %bitcast3A_488 = vector.bitcast %max3A_487 : vector<32xbf16> to vector<16xi32>
              %add3A_489 = arith.constant 64 : i32
              %add3A_490 = arith.addi %mul3A_414, %add3A_489 : i32
              %swap3A_491 = arith.index_cast %add3A_490 : i32 to index
              %swap3A_492 = tpu.vector_load %arg8[%swap3A_491] {strides = array<i32>} : memref<40064xi32, #tpu.memory_space<vmem>>, vector<16xi32>,
              tpu.vector_store %arg8[%swap3A_491], %bitcast3A_488 {strides = array<i32>} : memref<40064xi32, #tpu.memory_space<vmem>>, vector<16xi32>,
              %add3A_493 = arith.constant 80 : i32
              %add3A_494 = arith.addi %mul3A_414, %add3A_493 : i32
              %get3A_495 = arith.index_cast %add3A_494 : i32 to index
              %get3A_496 = tpu.vector_load %arg8[%get3A_495] {strides = array<i32>} : memref<40064xi32, #tpu.memory_space<vmem>>, vector<16xi32>,
              %bitcast3A_497 = vector.bitcast %get3A_496 : vector<16xi32> to vector<32xbf16>
              %get3A_498 = arith.index_cast %select_n3A_389 : i32 to index
              %get3A_499 = arith.index_cast %while3A_407 : i32 to index
              %get3A_500 = arith.constant 80 : index
              %get3A_501 = tpu.vector_load %arg9[%get3A_498, %get3A_499, %get3A_500] {strides = array<i32>} : memref<6x64x128xi32, #tpu.memory_space<vmem>>, vector<16xi32>,
              %bitcast3A_502 = vector.bitcast %get3A_501 : vector<16xi32> to vector<32xbf16>
              %max3A_503 = arith.maximumf %bitcast3A_497, %bitcast3A_502 : vector<32xbf16>
              %bitcast3A_504 = vector.bitcast %max3A_503 : vector<32xbf16> to vector<16xi32>
              %add3A_505 = arith.constant 80 : i32
              %add3A_506 = arith.addi %mul3A_414, %add3A_505 : i32
              %swap3A_507 = arith.index_cast %add3A_506 : i32 to index
              %swap3A_508 = tpu.vector_load %arg8[%swap3A_507] {strides = array<i32>} : memref<40064xi32, #tpu.memory_space<vmem>>, vector<16xi32>,
              tpu.vector_store %arg8[%swap3A_507], %bitcast3A_504 {strides = array<i32>} : memref<40064xi32, #tpu.memory_space<vmem>>, vector<16xi32>,
              %add3A_509 = arith.constant 96 : i32
              %add3A_510 = arith.addi %mul3A_414, %add3A_509 : i32
              %get3A_511 = arith.index_cast %add3A_510 : i32 to index
              %get3A_512 = tpu.vector_load %arg8[%get3A_511] {strides = array<i32>} : memref<40064xi32, #tpu.memory_space<vmem>>, vector<16xi32>,
              %bitcast3A_513 = vector.bitcast %get3A_512 : vector<16xi32> to vector<32xbf16>
              %get3A_514 = arith.index_cast %select_n3A_389 : i32 to index
              %get3A_515 = arith.index_cast %while3A_407 : i32 to index
              %get3A_516 = arith.constant 96 : index
              %get3A_517 = tpu.vector_load %arg9[%get3A_514, %get3A_515, %get3A_516] {strides = array<i32>} : memref<6x64x128xi32, #tpu.memory_space<vmem>>, vector<16xi32>,
              %bitcast3A_518 = vector.bitcast %get3A_517 : vector<16xi32> to vector<32xbf16>
              %max3A_519 = arith.maximumf %bitcast3A_513, %bitcast3A_518 : vector<32xbf16>
              %bitcast3A_520 = vector.bitcast %max3A_519 : vector<32xbf16> to vector<16xi32>
              %add3A_521 = arith.constant 96 : i32
              %add3A_522 = arith.addi %mul3A_414, %add3A_521 : i32
              %swap3A_523 = arith.index_cast %add3A_522 : i32 to index
              %swap3A_524 = tpu.vector_load %arg8[%swap3A_523] {strides = array<i32>} : memref<40064xi32, #tpu.memory_space<vmem>>, vector<16xi32>,
              tpu.vector_store %arg8[%swap3A_523], %bitcast3A_520 {strides = array<i32>} : memref<40064xi32, #tpu.memory_space<vmem>>, vector<16xi32>,
              %add3A_525 = arith.constant 112 : i32
              %add3A_526 = arith.addi %mul3A_414, %add3A_525 : i32
              %get3A_527 = arith.index_cast %add3A_526 : i32 to index
              %get3A_528 = tpu.vector_load %arg8[%get3A_527] {strides = array<i32>} : memref<40064xi32, #tpu.memory_space<vmem>>, vector<16xi32>,
              %bitcast3A_529 = vector.bitcast %get3A_528 : vector<16xi32> to vector<32xbf16>
              %get3A_530 = arith.index_cast %select_n3A_389 : i32 to index
              %get3A_531 = arith.index_cast %while3A_407 : i32 to index
              %get3A_532 = arith.constant 112 : index
              %get3A_533 = tpu.vector_load %arg9[%get3A_530, %get3A_531, %get3A_532] {strides = array<i32>} : memref<6x64x128xi32, #tpu.memory_space<vmem>>, vector<16xi32>,
              %bitcast3A_534 = vector.bitcast %get3A_533 : vector<16xi32> to vector<32xbf16>
              %max3A_535 = arith.maximumf %bitcast3A_529, %bitcast3A_534 : vector<32xbf16>
              %bitcast3A_536 = vector.bitcast %max3A_535 : vector<32xbf16> to vector<16xi32>
              %add3A_537 = arith.constant 112 : i32
              %add3A_538 = arith.addi %mul3A_414, %add3A_537 : i32
              %swap3A_539 = arith.index_cast %add3A_538 : i32 to index
              %swap3A_540 = tpu.vector_load %arg8[%swap3A_539] {strides = array<i32>} : memref<40064xi32, #tpu.memory_space<vmem>>, vector<16xi32>,
              tpu.vector_store %arg8[%swap3A_539], %bitcast3A_536 {strides = array<i32>} : memref<40064xi32, #tpu.memory_space<vmem>>, vector<16xi32>,
              %while3A_541 = arith.constant 0 : i32
              scf.yield %while3A_541 : i32
            }
            %while3A_406 = arith.constant 0 : i32
            scf.yield %while3A_406 : i32
          }
          %while3A_232 = arith.constant 1 : i32
          %while3A_233 = scf.for %while3A_234 = %while3A_229 to %while3A_225 step %while3A_232 iter_args(%while3A_235 = %while3A_231) -> (i32)  : i32 {
            %add3A_236 = arith.constant 5 : i32
            %add3A_237 = arith.addi %while3A_234, %add3A_236 : i32
            %lt3A_238 = arith.cmpi slt, %add3A_237, %select_n3A_192 : i32
            %convert_element_type3A_239 = arith.extui %lt3A_238 : i1 to i32
            %cond3A_240 = arith.constant 0 : i32
            %cond3A_241 = arith.cmpi ne, %convert_element_type3A_239, %cond3A_240 : i32
            scf.if %cond3A_241 {
              %add3A_407 = arith.constant 5 : i32
              %add3A_408 = arith.addi %while3A_234, %add3A_407 : i32
              %jit3A_409 = arith.constant 6 : i32
              %eq3A_410 = arith.constant 0 : i32
              %eq3A_411 = arith.cmpi eq, %jit3A_409, %eq3A_410 : i32
              %jit3A_412 = arith.constant 1 : i32
              %select_n3A_413 = arith.select %eq3A_411, %jit3A_412, %jit3A_409 : i32
              %rem3A_414 = arith.remsi %add3A_408, %select_n3A_413 : i32
              %ne3A_415 = arith.constant 0 : i32
              %ne3A_416 = arith.cmpi ne, %rem3A_414, %ne3A_415 : i32
              %lt3A_417 = arith.constant 0 : i32
              %lt3A_418 = arith.cmpi slt, %rem3A_414, %lt3A_417 : i32
              %lt3A_419 = arith.constant 0 : i32
              %lt3A_420 = arith.cmpi slt, %select_n3A_413, %lt3A_419 : i32
              %ne3A_421 = arith.xori %lt3A_418, %lt3A_420 : i1
              %and3A_422 = arith.andi %ne3A_421, %ne3A_416 : i1
              %add3A_423 = arith.addi %rem3A_414, %select_n3A_413 : i32
              %select_n3A_424 = arith.select %and3A_422, %add3A_423, %rem3A_414 : i32
              %eq3A_425 = arith.constant 0 : i32
              %eq3A_426 = arith.cmpi eq, %select_n3A_424, %eq3A_425 : i32
              %convert_element_type3A_427 = arith.extui %eq3A_426 : i1 to i32
              %cond3A_428 = arith.constant 0 : i32
              %cond3A_429 = arith.cmpi ne, %convert_element_type3A_427, %cond3A_428 : i32
              scf.if %cond3A_429 {
                %mul3A_535 = arith.constant 64 : i32
                %mul3A_536 = arith.muli %add3A_408, %mul3A_535 : i32
                %add3A_537 = arith.constant 0 : i32
                %add3A_538 = arith.addi %mul3A_536, %add3A_537 : i32
                %get3A = arith.index_cast %add3A_538 : i32 to index
                %get3A_539 = tpu.vector_load %arg6[%get3A] {strides = array<i32>} : memref<4096xi32, #tpu.memory_space<vmem>>, vector<16xi32>,
                %shift_right_arithmetic3A = arith.constant 9 : i32
                %shift_right_arithmetic3A_540 = vector.broadcast %shift_right_arithmetic3A : i32 to vector<16xi32>
                %shift_right_arithmetic3A_541 = arith.shrsi %get3A_539, %shift_right_arithmetic3A_540 : vector<16xi32>
                %swap3A_542 = arith.constant 0 : i32
                %swap3A_543 = arith.index_cast %swap3A_542 : i32 to index
                %swap3A_544 = arith.constant 0 : index
                %swap3A_545 = tpu.vector_load %arg7[%swap3A_543, %swap3A_544] {strides = array<i32>} : memref<6x64xi32, #tpu.memory_space<vmem>>, vector<16xi32>,
                tpu.vector_store %arg7[%swap3A_543, %swap3A_544], %shift_right_arithmetic3A_541 {strides = array<i32>} : memref<6x64xi32, #tpu.memory_space<vmem>>, vector<16xi32>,
                %mul3A_546 = arith.constant 64 : i32
                %mul3A_547 = arith.muli %add3A_408, %mul3A_546 : i32
                %add3A_548 = arith.constant 16 : i32
                %add3A_549 = arith.addi %mul3A_547, %add3A_548 : i32
                %get3A_550 = arith.index_cast %add3A_549 : i32 to index
                %get3A_551 = tpu.vector_load %arg6[%get3A_550] {strides = array<i32>} : memref<4096xi32, #tpu.memory_space<vmem>>, vector<16xi32>,
                %shift_right_arithmetic3A_552 = arith.constant 9 : i32
                %shift_right_arithmetic3A_553 = vector.broadcast %shift_right_arithmetic3A_552 : i32 to vector<16xi32>
                %shift_right_arithmetic3A_554 = arith.shrsi %get3A_551, %shift_right_arithmetic3A_553 : vector<16xi32>
                %swap3A_555 = arith.constant 0 : i32
                %swap3A_556 = arith.index_cast %swap3A_555 : i32 to index
                %swap3A_557 = arith.constant 16 : index
                %swap3A_558 = tpu.vector_load %arg7[%swap3A_556, %swap3A_557] {strides = array<i32>} : memref<6x64xi32, #tpu.memory_space<vmem>>, vector<16xi32>,
                tpu.vector_store %arg7[%swap3A_556, %swap3A_557], %shift_right_arithmetic3A_554 {strides = array<i32>} : memref<6x64xi32, #tpu.memory_space<vmem>>, vector<16xi32>,
                %mul3A_559 = arith.constant 64 : i32
                %mul3A_560 = arith.muli %add3A_408, %mul3A_559 : i32
                %add3A_561 = arith.constant 32 : i32
                %add3A_562 = arith.addi %mul3A_560, %add3A_561 : i32
                %get3A_563 = arith.index_cast %add3A_562 : i32 to index
                %get3A_564 = tpu.vector_load %arg6[%get3A_563] {strides = array<i32>} : memref<4096xi32, #tpu.memory_space<vmem>>, vector<16xi32>,
                %shift_right_arithmetic3A_565 = arith.constant 9 : i32
                %shift_right_arithmetic3A_566 = vector.broadcast %shift_right_arithmetic3A_565 : i32 to vector<16xi32>
                %shift_right_arithmetic3A_567 = arith.shrsi %get3A_564, %shift_right_arithmetic3A_566 : vector<16xi32>
                %swap3A_568 = arith.constant 0 : i32
                %swap3A_569 = arith.index_cast %swap3A_568 : i32 to index
                %swap3A_570 = arith.constant 32 : index
                %swap3A_571 = tpu.vector_load %arg7[%swap3A_569, %swap3A_570] {strides = array<i32>} : memref<6x64xi32, #tpu.memory_space<vmem>>, vector<16xi32>,
                tpu.vector_store %arg7[%swap3A_569, %swap3A_570], %shift_right_arithmetic3A_567 {strides = array<i32>} : memref<6x64xi32, #tpu.memory_space<vmem>>, vector<16xi32>,
                %mul3A_572 = arith.constant 64 : i32
                %mul3A_573 = arith.muli %add3A_408, %mul3A_572 : i32
                %add3A_574 = arith.constant 48 : i32
                %add3A_575 = arith.addi %mul3A_573, %add3A_574 : i32
                %get3A_576 = arith.index_cast %add3A_575 : i32 to index
                %get3A_577 = tpu.vector_load %arg6[%get3A_576] {strides = array<i32>} : memref<4096xi32, #tpu.memory_space<vmem>>, vector<16xi32>,
                %shift_right_arithmetic3A_578 = arith.constant 9 : i32
                %shift_right_arithmetic3A_579 = vector.broadcast %shift_right_arithmetic3A_578 : i32 to vector<16xi32>
                %shift_right_arithmetic3A_580 = arith.shrsi %get3A_577, %shift_right_arithmetic3A_579 : vector<16xi32>
                %swap3A_581 = arith.constant 0 : i32
                %swap3A_582 = arith.index_cast %swap3A_581 : i32 to index
                %swap3A_583 = arith.constant 48 : index
                %swap3A_584 = tpu.vector_load %arg7[%swap3A_582, %swap3A_583] {strides = array<i32>} : memref<6x64xi32, #tpu.memory_space<vmem>>, vector<16xi32>,
                tpu.vector_store %arg7[%swap3A_582, %swap3A_583], %shift_right_arithmetic3A_580 {strides = array<i32>} : memref<6x64xi32, #tpu.memory_space<vmem>>, vector<16xi32>,
                %dma_start3A_585 = arith.constant 0 : i32
                %dma_start3A_586 = arith.constant 0 : i32
                %dma_start3A_587 = arith.constant 0 : i32
                %dma_start3A_588 = arith.constant 0 : i32
                %dma_start3A_589 = tpu.memref_slice %arg9[%dma_start3A_586, %dma_start3A_587, %dma_start3A_588] : memref<6x64x128xi32, #tpu.memory_space<vmem>> -> memref<1x64x128xi32, #tpu.memory_space<vmem>>
                %dma_start3A_590 = tpu.memref_squeeze %dma_start3A_589 : memref<1x64x128xi32, #tpu.memory_space<vmem>> -> memref<64x128xi32, #tpu.memory_space<vmem>>
                %dma_start3A_591 = arith.constant 0 : i32
                %dma_start3A_592 = tpu.memref_slice %arg7[%dma_start3A_585, %dma_start3A_591] : memref<6x64xi32, #tpu.memory_space<vmem>> -> memref<1x64xi32, #tpu.memory_space<vmem>>
                %dma_start3A_593 = tpu.memref_squeeze %dma_start3A_592 : memref<1x64xi32, #tpu.memory_space<vmem>> -> memref<64xi32, #tpu.memory_space<vmem>>
                %dma_start3A_594 = arith.constant 0 : i32
                %dma_start3A_595 = arith.constant 0 : i32
                %dma_start3A_596 = tpu.memref_slice %arg2[%dma_start3A_594, %dma_start3A_595] : memref<80000x128xi32, #tpu.memory_space<hbm>> -> memref<80000x128xi32, #tpu.memory_space<hbm>>
                tpu.enqueue_indirect_dma source(%dma_start3A_596 : memref<80000x128xi32, #tpu.memory_space<hbm>>) target(%dma_start3A_590 : memref<64x128xi32, #tpu.memory_space<vmem>>) offsets(%dma_start3A_593 : memref<64xi32, #tpu.memory_space<vmem>>) semaphore(%arg10 : memref<!tpu.dma_semaphore, #tpu.memory_space<semaphore_mem>>)
              } else {
              }
              %jit3A_430 = arith.constant 6 : i32
              %eq3A_431 = arith.constant 0 : i32
              %eq3A_432 = arith.cmpi eq, %jit3A_430, %eq3A_431 : i32
              %jit3A_433 = arith.constant 1 : i32
              %select_n3A_434 = arith.select %eq3A_432, %jit3A_433, %jit3A_430 : i32
              %rem3A_435 = arith.remsi %add3A_408, %select_n3A_434 : i32
              %ne3A_436 = arith.constant 0 : i32
              %ne3A_437 = arith.cmpi ne, %rem3A_435, %ne3A_436 : i32
              %lt3A_438 = arith.constant 0 : i32
              %lt3A_439 = arith.cmpi slt, %rem3A_435, %lt3A_438 : i32
              %lt3A_440 = arith.constant 0 : i32
              %lt3A_441 = arith.cmpi slt, %select_n3A_434, %lt3A_440 : i32
              %ne3A_442 = arith.xori %lt3A_439, %lt3A_441 : i1
              %and3A_443 = arith.andi %ne3A_442, %ne3A_437 : i1
              %add3A_444 = arith.addi %rem3A_435, %select_n3A_434 : i32
              %select_n3A_445 = arith.select %and3A_443, %add3A_444, %rem3A_435 : i32
              %eq3A_446 = arith.constant 1 : i32
              %eq3A_447 = arith.cmpi eq, %select_n3A_445, %eq3A_446 : i32
              %convert_element_type3A_448 = arith.extui %eq3A_447 : i1 to i32
              %cond3A_449 = arith.constant 0 : i32
              %cond3A_450 = arith.cmpi ne, %convert_element_type3A_448, %cond3A_449 : i32
              scf.if %cond3A_450 {
                %mul3A_535 = arith.constant 64 : i32
                %mul3A_536 = arith.muli %add3A_408, %mul3A_535 : i32
                %add3A_537 = arith.constant 0 : i32
                %add3A_538 = arith.addi %mul3A_536, %add3A_537 : i32
                %get3A = arith.index_cast %add3A_538 : i32 to index
                %get3A_539 = tpu.vector_load %arg6[%get3A] {strides = array<i32>} : memref<4096xi32, #tpu.memory_space<vmem>>, vector<16xi32>,
                %shift_right_arithmetic3A = arith.constant 9 : i32
                %shift_right_arithmetic3A_540 = vector.broadcast %shift_right_arithmetic3A : i32 to vector<16xi32>
                %shift_right_arithmetic3A_541 = arith.shrsi %get3A_539, %shift_right_arithmetic3A_540 : vector<16xi32>
                %swap3A_542 = arith.constant 1 : i32
                %swap3A_543 = arith.index_cast %swap3A_542 : i32 to index
                %swap3A_544 = arith.constant 0 : index
                %swap3A_545 = tpu.vector_load %arg7[%swap3A_543, %swap3A_544] {strides = array<i32>} : memref<6x64xi32, #tpu.memory_space<vmem>>, vector<16xi32>,
                tpu.vector_store %arg7[%swap3A_543, %swap3A_544], %shift_right_arithmetic3A_541 {strides = array<i32>} : memref<6x64xi32, #tpu.memory_space<vmem>>, vector<16xi32>,
                %mul3A_546 = arith.constant 64 : i32
                %mul3A_547 = arith.muli %add3A_408, %mul3A_546 : i32
                %add3A_548 = arith.constant 16 : i32
                %add3A_549 = arith.addi %mul3A_547, %add3A_548 : i32
                %get3A_550 = arith.index_cast %add3A_549 : i32 to index
                %get3A_551 = tpu.vector_load %arg6[%get3A_550] {strides = array<i32>} : memref<4096xi32, #tpu.memory_space<vmem>>, vector<16xi32>,
                %shift_right_arithmetic3A_552 = arith.constant 9 : i32
                %shift_right_arithmetic3A_553 = vector.broadcast %shift_right_arithmetic3A_552 : i32 to vector<16xi32>
                %shift_right_arithmetic3A_554 = arith.shrsi %get3A_551, %shift_right_arithmetic3A_553 : vector<16xi32>
                %swap3A_555 = arith.constant 1 : i32
                %swap3A_556 = arith.index_cast %swap3A_555 : i32 to index
                %swap3A_557 = arith.constant 16 : index
                %swap3A_558 = tpu.vector_load %arg7[%swap3A_556, %swap3A_557] {strides = array<i32>} : memref<6x64xi32, #tpu.memory_space<vmem>>, vector<16xi32>,
                tpu.vector_store %arg7[%swap3A_556, %swap3A_557], %shift_right_arithmetic3A_554 {strides = array<i32>} : memref<6x64xi32, #tpu.memory_space<vmem>>, vector<16xi32>,
                %mul3A_559 = arith.constant 64 : i32
                %mul3A_560 = arith.muli %add3A_408, %mul3A_559 : i32
                %add3A_561 = arith.constant 32 : i32
                %add3A_562 = arith.addi %mul3A_560, %add3A_561 : i32
                %get3A_563 = arith.index_cast %add3A_562 : i32 to index
                %get3A_564 = tpu.vector_load %arg6[%get3A_563] {strides = array<i32>} : memref<4096xi32, #tpu.memory_space<vmem>>, vector<16xi32>,
                %shift_right_arithmetic3A_565 = arith.constant 9 : i32
                %shift_right_arithmetic3A_566 = vector.broadcast %shift_right_arithmetic3A_565 : i32 to vector<16xi32>
                %shift_right_arithmetic3A_567 = arith.shrsi %get3A_564, %shift_right_arithmetic3A_566 : vector<16xi32>
                %swap3A_568 = arith.constant 1 : i32
                %swap3A_569 = arith.index_cast %swap3A_568 : i32 to index
                %swap3A_570 = arith.constant 32 : index
                %swap3A_571 = tpu.vector_load %arg7[%swap3A_569, %swap3A_570] {strides = array<i32>} : memref<6x64xi32, #tpu.memory_space<vmem>>, vector<16xi32>,
                tpu.vector_store %arg7[%swap3A_569, %swap3A_570], %shift_right_arithmetic3A_567 {strides = array<i32>} : memref<6x64xi32, #tpu.memory_space<vmem>>, vector<16xi32>,
                %mul3A_572 = arith.constant 64 : i32
                %mul3A_573 = arith.muli %add3A_408, %mul3A_572 : i32
                %add3A_574 = arith.constant 48 : i32
                %add3A_575 = arith.addi %mul3A_573, %add3A_574 : i32
                %get3A_576 = arith.index_cast %add3A_575 : i32 to index
                %get3A_577 = tpu.vector_load %arg6[%get3A_576] {strides = array<i32>} : memref<4096xi32, #tpu.memory_space<vmem>>, vector<16xi32>,
                %shift_right_arithmetic3A_578 = arith.constant 9 : i32
                %shift_right_arithmetic3A_579 = vector.broadcast %shift_right_arithmetic3A_578 : i32 to vector<16xi32>
                %shift_right_arithmetic3A_580 = arith.shrsi %get3A_577, %shift_right_arithmetic3A_579 : vector<16xi32>
                %swap3A_581 = arith.constant 1 : i32
                %swap3A_582 = arith.index_cast %swap3A_581 : i32 to index
                %swap3A_583 = arith.constant 48 : index
                %swap3A_584 = tpu.vector_load %arg7[%swap3A_582, %swap3A_583] {strides = array<i32>} : memref<6x64xi32, #tpu.memory_space<vmem>>, vector<16xi32>,
                tpu.vector_store %arg7[%swap3A_582, %swap3A_583], %shift_right_arithmetic3A_580 {strides = array<i32>} : memref<6x64xi32, #tpu.memory_space<vmem>>, vector<16xi32>,
                %dma_start3A_585 = arith.constant 1 : i32
                %dma_start3A_586 = arith.constant 1 : i32
                %dma_start3A_587 = arith.constant 0 : i32
                %dma_start3A_588 = arith.constant 0 : i32
                %dma_start3A_589 = tpu.memref_slice %arg9[%dma_start3A_586, %dma_start3A_587, %dma_start3A_588] : memref<6x64x128xi32, #tpu.memory_space<vmem>> -> memref<1x64x128xi32, #tpu.memory_space<vmem>>
                %dma_start3A_590 = tpu.memref_squeeze %dma_start3A_589 : memref<1x64x128xi32, #tpu.memory_space<vmem>> -> memref<64x128xi32, #tpu.memory_space<vmem>>
                %dma_start3A_591 = arith.constant 0 : i32
                %dma_start3A_592 = tpu.memref_slice %arg7[%dma_start3A_585, %dma_start3A_591] : memref<6x64xi32, #tpu.memory_space<vmem>> -> memref<1x64xi32, #tpu.memory_space<vmem>>
                %dma_start3A_593 = tpu.memref_squeeze %dma_start3A_592 : memref<1x64xi32, #tpu.memory_space<vmem>> -> memref<64xi32, #tpu.memory_space<vmem>>
                %dma_start3A_594 = arith.constant 0 : i32
                %dma_start3A_595 = arith.constant 0 : i32
                %dma_start3A_596 = tpu.memref_slice %arg2[%dma_start3A_594, %dma_start3A_595] : memref<80000x128xi32, #tpu.memory_space<hbm>> -> memref<80000x128xi32, #tpu.memory_space<hbm>>
                tpu.enqueue_indirect_dma source(%dma_start3A_596 : memref<80000x128xi32, #tpu.memory_space<hbm>>) target(%dma_start3A_590 : memref<64x128xi32, #tpu.memory_space<vmem>>) offsets(%dma_start3A_593 : memref<64xi32, #tpu.memory_space<vmem>>) semaphore(%arg11 : memref<!tpu.dma_semaphore, #tpu.memory_space<semaphore_mem>>)
              } else {
              }
              %jit3A_451 = arith.constant 6 : i32
              %eq3A_452 = arith.constant 0 : i32
              %eq3A_453 = arith.cmpi eq, %jit3A_451, %eq3A_452 : i32
              %jit3A_454 = arith.constant 1 : i32
              %select_n3A_455 = arith.select %eq3A_453, %jit3A_454, %jit3A_451 : i32
              %rem3A_456 = arith.remsi %add3A_408, %select_n3A_455 : i32
              %ne3A_457 = arith.constant 0 : i32
              %ne3A_458 = arith.cmpi ne, %rem3A_456, %ne3A_457 : i32
              %lt3A_459 = arith.constant 0 : i32
              %lt3A_460 = arith.cmpi slt, %rem3A_456, %lt3A_459 : i32
              %lt3A_461 = arith.constant 0 : i32
              %lt3A_462 = arith.cmpi slt, %select_n3A_455, %lt3A_461 : i32
              %ne3A_463 = arith.xori %lt3A_460, %lt3A_462 : i1
              %and3A_464 = arith.andi %ne3A_463, %ne3A_458 : i1
              %add3A_465 = arith.addi %rem3A_456, %select_n3A_455 : i32
              %select_n3A_466 = arith.select %and3A_464, %add3A_465, %rem3A_456 : i32
              %eq3A_467 = arith.constant 2 : i32
              %eq3A_468 = arith.cmpi eq, %select_n3A_466, %eq3A_467 : i32
              %convert_element_type3A_469 = arith.extui %eq3A_468 : i1 to i32
              %cond3A_470 = arith.constant 0 : i32
              %cond3A_471 = arith.cmpi ne, %convert_element_type3A_469, %cond3A_470 : i32
              scf.if %cond3A_471 {
                %mul3A_535 = arith.constant 64 : i32
                %mul3A_536 = arith.muli %add3A_408, %mul3A_535 : i32
                %add3A_537 = arith.constant 0 : i32
                %add3A_538 = arith.addi %mul3A_536, %add3A_537 : i32
                %get3A = arith.index_cast %add3A_538 : i32 to index
                %get3A_539 = tpu.vector_load %arg6[%get3A] {strides = array<i32>} : memref<4096xi32, #tpu.memory_space<vmem>>, vector<16xi32>,
                %shift_right_arithmetic3A = arith.constant 9 : i32
                %shift_right_arithmetic3A_540 = vector.broadcast %shift_right_arithmetic3A : i32 to vector<16xi32>
                %shift_right_arithmetic3A_541 = arith.shrsi %get3A_539, %shift_right_arithmetic3A_540 : vector<16xi32>
                %swap3A_542 = arith.constant 2 : i32
                %swap3A_543 = arith.index_cast %swap3A_542 : i32 to index
                %swap3A_544 = arith.constant 0 : index
                %swap3A_545 = tpu.vector_load %arg7[%swap3A_543, %swap3A_544] {strides = array<i32>} : memref<6x64xi32, #tpu.memory_space<vmem>>, vector<16xi32>,
                tpu.vector_store %arg7[%swap3A_543, %swap3A_544], %shift_right_arithmetic3A_541 {strides = array<i32>} : memref<6x64xi32, #tpu.memory_space<vmem>>, vector<16xi32>,
                %mul3A_546 = arith.constant 64 : i32
                %mul3A_547 = arith.muli %add3A_408, %mul3A_546 : i32
                %add3A_548 = arith.constant 16 : i32
                %add3A_549 = arith.addi %mul3A_547, %add3A_548 : i32
                %get3A_550 = arith.index_cast %add3A_549 : i32 to index
                %get3A_551 = tpu.vector_load %arg6[%get3A_550] {strides = array<i32>} : memref<4096xi32, #tpu.memory_space<vmem>>, vector<16xi32>,
                %shift_right_arithmetic3A_552 = arith.constant 9 : i32
                %shift_right_arithmetic3A_553 = vector.broadcast %shift_right_arithmetic3A_552 : i32 to vector<16xi32>
                %shift_right_arithmetic3A_554 = arith.shrsi %get3A_551, %shift_right_arithmetic3A_553 : vector<16xi32>
                %swap3A_555 = arith.constant 2 : i32
                %swap3A_556 = arith.index_cast %swap3A_555 : i32 to index
                %swap3A_557 = arith.constant 16 : index
                %swap3A_558 = tpu.vector_load %arg7[%swap3A_556, %swap3A_557] {strides = array<i32>} : memref<6x64xi32, #tpu.memory_space<vmem>>, vector<16xi32>,
                tpu.vector_store %arg7[%swap3A_556, %swap3A_557], %shift_right_arithmetic3A_554 {strides = array<i32>} : memref<6x64xi32, #tpu.memory_space<vmem>>, vector<16xi32>,
                %mul3A_559 = arith.constant 64 : i32
                %mul3A_560 = arith.muli %add3A_408, %mul3A_559 : i32
                %add3A_561 = arith.constant 32 : i32
                %add3A_562 = arith.addi %mul3A_560, %add3A_561 : i32
                %get3A_563 = arith.index_cast %add3A_562 : i32 to index
                %get3A_564 = tpu.vector_load %arg6[%get3A_563] {strides = array<i32>} : memref<4096xi32, #tpu.memory_space<vmem>>, vector<16xi32>,
                %shift_right_arithmetic3A_565 = arith.constant 9 : i32
                %shift_right_arithmetic3A_566 = vector.broadcast %shift_right_arithmetic3A_565 : i32 to vector<16xi32>
                %shift_right_arithmetic3A_567 = arith.shrsi %get3A_564, %shift_right_arithmetic3A_566 : vector<16xi32>
                %swap3A_568 = arith.constant 2 : i32
                %swap3A_569 = arith.index_cast %swap3A_568 : i32 to index
                %swap3A_570 = arith.constant 32 : index
                %swap3A_571 = tpu.vector_load %arg7[%swap3A_569, %swap3A_570] {strides = array<i32>} : memref<6x64xi32, #tpu.memory_space<vmem>>, vector<16xi32>,
                tpu.vector_store %arg7[%swap3A_569, %swap3A_570], %shift_right_arithmetic3A_567 {strides = array<i32>} : memref<6x64xi32, #tpu.memory_space<vmem>>, vector<16xi32>,
                %mul3A_572 = arith.constant 64 : i32
                %mul3A_573 = arith.muli %add3A_408, %mul3A_572 : i32
                %add3A_574 = arith.constant 48 : i32
                %add3A_575 = arith.addi %mul3A_573, %add3A_574 : i32
                %get3A_576 = arith.index_cast %add3A_575 : i32 to index
                %get3A_577 = tpu.vector_load %arg6[%get3A_576] {strides = array<i32>} : memref<4096xi32, #tpu.memory_space<vmem>>, vector<16xi32>,
                %shift_right_arithmetic3A_578 = arith.constant 9 : i32
                %shift_right_arithmetic3A_579 = vector.broadcast %shift_right_arithmetic3A_578 : i32 to vector<16xi32>
                %shift_right_arithmetic3A_580 = arith.shrsi %get3A_577, %shift_right_arithmetic3A_579 : vector<16xi32>
                %swap3A_581 = arith.constant 2 : i32
                %swap3A_582 = arith.index_cast %swap3A_581 : i32 to index
                %swap3A_583 = arith.constant 48 : index
                %swap3A_584 = tpu.vector_load %arg7[%swap3A_582, %swap3A_583] {strides = array<i32>} : memref<6x64xi32, #tpu.memory_space<vmem>>, vector<16xi32>,
                tpu.vector_store %arg7[%swap3A_582, %swap3A_583], %shift_right_arithmetic3A_580 {strides = array<i32>} : memref<6x64xi32, #tpu.memory_space<vmem>>, vector<16xi32>,
                %dma_start3A_585 = arith.constant 2 : i32
                %dma_start3A_586 = arith.constant 2 : i32
                %dma_start3A_587 = arith.constant 0 : i32
                %dma_start3A_588 = arith.constant 0 : i32
                %dma_start3A_589 = tpu.memref_slice %arg9[%dma_start3A_586, %dma_start3A_587, %dma_start3A_588] : memref<6x64x128xi32, #tpu.memory_space<vmem>> -> memref<1x64x128xi32, #tpu.memory_space<vmem>>
                %dma_start3A_590 = tpu.memref_squeeze %dma_start3A_589 : memref<1x64x128xi32, #tpu.memory_space<vmem>> -> memref<64x128xi32, #tpu.memory_space<vmem>>
                %dma_start3A_591 = arith.constant 0 : i32
                %dma_start3A_592 = tpu.memref_slice %arg7[%dma_start3A_585, %dma_start3A_591] : memref<6x64xi32, #tpu.memory_space<vmem>> -> memref<1x64xi32, #tpu.memory_space<vmem>>
                %dma_start3A_593 = tpu.memref_squeeze %dma_start3A_592 : memref<1x64xi32, #tpu.memory_space<vmem>> -> memref<64xi32, #tpu.memory_space<vmem>>
                %dma_start3A_594 = arith.constant 0 : i32
                %dma_start3A_595 = arith.constant 0 : i32
                %dma_start3A_596 = tpu.memref_slice %arg2[%dma_start3A_594, %dma_start3A_595] : memref<80000x128xi32, #tpu.memory_space<hbm>> -> memref<80000x128xi32, #tpu.memory_space<hbm>>
                tpu.enqueue_indirect_dma source(%dma_start3A_596 : memref<80000x128xi32, #tpu.memory_space<hbm>>) target(%dma_start3A_590 : memref<64x128xi32, #tpu.memory_space<vmem>>) offsets(%dma_start3A_593 : memref<64xi32, #tpu.memory_space<vmem>>) semaphore(%arg12 : memref<!tpu.dma_semaphore, #tpu.memory_space<semaphore_mem>>)
              } else {
              }
              %jit3A_472 = arith.constant 6 : i32
              %eq3A_473 = arith.constant 0 : i32
              %eq3A_474 = arith.cmpi eq, %jit3A_472, %eq3A_473 : i32
              %jit3A_475 = arith.constant 1 : i32
              %select_n3A_476 = arith.select %eq3A_474, %jit3A_475, %jit3A_472 : i32
              %rem3A_477 = arith.remsi %add3A_408, %select_n3A_476 : i32
              %ne3A_478 = arith.constant 0 : i32
              %ne3A_479 = arith.cmpi ne, %rem3A_477, %ne3A_478 : i32
              %lt3A_480 = arith.constant 0 : i32
              %lt3A_481 = arith.cmpi slt, %rem3A_477, %lt3A_480 : i32
              %lt3A_482 = arith.constant 0 : i32
              %lt3A_483 = arith.cmpi slt, %select_n3A_476, %lt3A_482 : i32
              %ne3A_484 = arith.xori %lt3A_481, %lt3A_483 : i1
              %and3A_485 = arith.andi %ne3A_484, %ne3A_479 : i1
              %add3A_486 = arith.addi %rem3A_477, %select_n3A_476 : i32
              %select_n3A_487 = arith.select %and3A_485, %add3A_486, %rem3A_477 : i32
              %eq3A_488 = arith.constant 3 : i32
              %eq3A_489 = arith.cmpi eq, %select_n3A_487, %eq3A_488 : i32
              %convert_element_type3A_490 = arith.extui %eq3A_489 : i1 to i32
              %cond3A_491 = arith.constant 0 : i32
              %cond3A_492 = arith.cmpi ne, %convert_element_type3A_490, %cond3A_491 : i32
              scf.if %cond3A_492 {
                %mul3A_535 = arith.constant 64 : i32
                %mul3A_536 = arith.muli %add3A_408, %mul3A_535 : i32
                %add3A_537 = arith.constant 0 : i32
                %add3A_538 = arith.addi %mul3A_536, %add3A_537 : i32
                %get3A = arith.index_cast %add3A_538 : i32 to index
                %get3A_539 = tpu.vector_load %arg6[%get3A] {strides = array<i32>} : memref<4096xi32, #tpu.memory_space<vmem>>, vector<16xi32>,
                %shift_right_arithmetic3A = arith.constant 9 : i32
                %shift_right_arithmetic3A_540 = vector.broadcast %shift_right_arithmetic3A : i32 to vector<16xi32>
                %shift_right_arithmetic3A_541 = arith.shrsi %get3A_539, %shift_right_arithmetic3A_540 : vector<16xi32>
                %swap3A_542 = arith.constant 3 : i32
                %swap3A_543 = arith.index_cast %swap3A_542 : i32 to index
                %swap3A_544 = arith.constant 0 : index
                %swap3A_545 = tpu.vector_load %arg7[%swap3A_543, %swap3A_544] {strides = array<i32>} : memref<6x64xi32, #tpu.memory_space<vmem>>, vector<16xi32>,
                tpu.vector_store %arg7[%swap3A_543, %swap3A_544], %shift_right_arithmetic3A_541 {strides = array<i32>} : memref<6x64xi32, #tpu.memory_space<vmem>>, vector<16xi32>,
                %mul3A_546 = arith.constant 64 : i32
                %mul3A_547 = arith.muli %add3A_408, %mul3A_546 : i32
                %add3A_548 = arith.constant 16 : i32
                %add3A_549 = arith.addi %mul3A_547, %add3A_548 : i32
                %get3A_550 = arith.index_cast %add3A_549 : i32 to index
                %get3A_551 = tpu.vector_load %arg6[%get3A_550] {strides = array<i32>} : memref<4096xi32, #tpu.memory_space<vmem>>, vector<16xi32>,
                %shift_right_arithmetic3A_552 = arith.constant 9 : i32
                %shift_right_arithmetic3A_553 = vector.broadcast %shift_right_arithmetic3A_552 : i32 to vector<16xi32>
                %shift_right_arithmetic3A_554 = arith.shrsi %get3A_551, %shift_right_arithmetic3A_553 : vector<16xi32>
                %swap3A_555 = arith.constant 3 : i32
                %swap3A_556 = arith.index_cast %swap3A_555 : i32 to index
                %swap3A_557 = arith.constant 16 : index
                %swap3A_558 = tpu.vector_load %arg7[%swap3A_556, %swap3A_557] {strides = array<i32>} : memref<6x64xi32, #tpu.memory_space<vmem>>, vector<16xi32>,
                tpu.vector_store %arg7[%swap3A_556, %swap3A_557], %shift_right_arithmetic3A_554 {strides = array<i32>} : memref<6x64xi32, #tpu.memory_space<vmem>>, vector<16xi32>,
                %mul3A_559 = arith.constant 64 : i32
                %mul3A_560 = arith.muli %add3A_408, %mul3A_559 : i32
                %add3A_561 = arith.constant 32 : i32
                %add3A_562 = arith.addi %mul3A_560, %add3A_561 : i32
                %get3A_563 = arith.index_cast %add3A_562 : i32 to index
                %get3A_564 = tpu.vector_load %arg6[%get3A_563] {strides = array<i32>} : memref<4096xi32, #tpu.memory_space<vmem>>, vector<16xi32>,
                %shift_right_arithmetic3A_565 = arith.constant 9 : i32
                %shift_right_arithmetic3A_566 = vector.broadcast %shift_right_arithmetic3A_565 : i32 to vector<16xi32>
                %shift_right_arithmetic3A_567 = arith.shrsi %get3A_564, %shift_right_arithmetic3A_566 : vector<16xi32>
                %swap3A_568 = arith.constant 3 : i32
                %swap3A_569 = arith.index_cast %swap3A_568 : i32 to index
                %swap3A_570 = arith.constant 32 : index
                %swap3A_571 = tpu.vector_load %arg7[%swap3A_569, %swap3A_570] {strides = array<i32>} : memref<6x64xi32, #tpu.memory_space<vmem>>, vector<16xi32>,
                tpu.vector_store %arg7[%swap3A_569, %swap3A_570], %shift_right_arithmetic3A_567 {strides = array<i32>} : memref<6x64xi32, #tpu.memory_space<vmem>>, vector<16xi32>,
                %mul3A_572 = arith.constant 64 : i32
                %mul3A_573 = arith.muli %add3A_408, %mul3A_572 : i32
                %add3A_574 = arith.constant 48 : i32
                %add3A_575 = arith.addi %mul3A_573, %add3A_574 : i32
                %get3A_576 = arith.index_cast %add3A_575 : i32 to index
                %get3A_577 = tpu.vector_load %arg6[%get3A_576] {strides = array<i32>} : memref<4096xi32, #tpu.memory_space<vmem>>, vector<16xi32>,
                %shift_right_arithmetic3A_578 = arith.constant 9 : i32
                %shift_right_arithmetic3A_579 = vector.broadcast %shift_right_arithmetic3A_578 : i32 to vector<16xi32>
                %shift_right_arithmetic3A_580 = arith.shrsi %get3A_577, %shift_right_arithmetic3A_579 : vector<16xi32>
                %swap3A_581 = arith.constant 3 : i32
                %swap3A_582 = arith.index_cast %swap3A_581 : i32 to index
                %swap3A_583 = arith.constant 48 : index
                %swap3A_584 = tpu.vector_load %arg7[%swap3A_582, %swap3A_583] {strides = array<i32>} : memref<6x64xi32, #tpu.memory_space<vmem>>, vector<16xi32>,
                tpu.vector_store %arg7[%swap3A_582, %swap3A_583], %shift_right_arithmetic3A_580 {strides = array<i32>} : memref<6x64xi32, #tpu.memory_space<vmem>>, vector<16xi32>,
                %dma_start3A_585 = arith.constant 3 : i32
                %dma_start3A_586 = arith.constant 3 : i32
                %dma_start3A_587 = arith.constant 0 : i32
                %dma_start3A_588 = arith.constant 0 : i32
                %dma_start3A_589 = tpu.memref_slice %arg9[%dma_start3A_586, %dma_start3A_587, %dma_start3A_588] : memref<6x64x128xi32, #tpu.memory_space<vmem>> -> memref<1x64x128xi32, #tpu.memory_space<vmem>>
                %dma_start3A_590 = tpu.memref_squeeze %dma_start3A_589 : memref<1x64x128xi32, #tpu.memory_space<vmem>> -> memref<64x128xi32, #tpu.memory_space<vmem>>
                %dma_start3A_591 = arith.constant 0 : i32
                %dma_start3A_592 = tpu.memref_slice %arg7[%dma_start3A_585, %dma_start3A_591] : memref<6x64xi32, #tpu.memory_space<vmem>> -> memref<1x64xi32, #tpu.memory_space<vmem>>
                %dma_start3A_593 = tpu.memref_squeeze %dma_start3A_592 : memref<1x64xi32, #tpu.memory_space<vmem>> -> memref<64xi32, #tpu.memory_space<vmem>>
                %dma_start3A_594 = arith.constant 0 : i32
                %dma_start3A_595 = arith.constant 0 : i32
                %dma_start3A_596 = tpu.memref_slice %arg2[%dma_start3A_594, %dma_start3A_595] : memref<80000x128xi32, #tpu.memory_space<hbm>> -> memref<80000x128xi32, #tpu.memory_space<hbm>>
                tpu.enqueue_indirect_dma source(%dma_start3A_596 : memref<80000x128xi32, #tpu.memory_space<hbm>>) target(%dma_start3A_590 : memref<64x128xi32, #tpu.memory_space<vmem>>) offsets(%dma_start3A_593 : memref<64xi32, #tpu.memory_space<vmem>>) semaphore(%arg13 : memref<!tpu.dma_semaphore, #tpu.memory_space<semaphore_mem>>)
              } else {
              }
              %jit3A_493 = arith.constant 6 : i32
              %eq3A_494 = arith.constant 0 : i32
              %eq3A_495 = arith.cmpi eq, %jit3A_493, %eq3A_494 : i32
              %jit3A_496 = arith.constant 1 : i32
              %select_n3A_497 = arith.select %eq3A_495, %jit3A_496, %jit3A_493 : i32
              %rem3A_498 = arith.remsi %add3A_408, %select_n3A_497 : i32
              %ne3A_499 = arith.constant 0 : i32
              %ne3A_500 = arith.cmpi ne, %rem3A_498, %ne3A_499 : i32
              %lt3A_501 = arith.constant 0 : i32
              %lt3A_502 = arith.cmpi slt, %rem3A_498, %lt3A_501 : i32
              %lt3A_503 = arith.constant 0 : i32
              %lt3A_504 = arith.cmpi slt, %select_n3A_497, %lt3A_503 : i32
              %ne3A_505 = arith.xori %lt3A_502, %lt3A_504 : i1
              %and3A_506 = arith.andi %ne3A_505, %ne3A_500 : i1
              %add3A_507 = arith.addi %rem3A_498, %select_n3A_497 : i32
              %select_n3A_508 = arith.select %and3A_506, %add3A_507, %rem3A_498 : i32
              %eq3A_509 = arith.constant 4 : i32
              %eq3A_510 = arith.cmpi eq, %select_n3A_508, %eq3A_509 : i32
              %convert_element_type3A_511 = arith.extui %eq3A_510 : i1 to i32
              %cond3A_512 = arith.constant 0 : i32
              %cond3A_513 = arith.cmpi ne, %convert_element_type3A_511, %cond3A_512 : i32
              scf.if %cond3A_513 {
                %mul3A_535 = arith.constant 64 : i32
                %mul3A_536 = arith.muli %add3A_408, %mul3A_535 : i32
                %add3A_537 = arith.constant 0 : i32
                %add3A_538 = arith.addi %mul3A_536, %add3A_537 : i32
                %get3A = arith.index_cast %add3A_538 : i32 to index
                %get3A_539 = tpu.vector_load %arg6[%get3A] {strides = array<i32>} : memref<4096xi32, #tpu.memory_space<vmem>>, vector<16xi32>,
                %shift_right_arithmetic3A = arith.constant 9 : i32
                %shift_right_arithmetic3A_540 = vector.broadcast %shift_right_arithmetic3A : i32 to vector<16xi32>
                %shift_right_arithmetic3A_541 = arith.shrsi %get3A_539, %shift_right_arithmetic3A_540 : vector<16xi32>
                %swap3A_542 = arith.constant 4 : i32
                %swap3A_543 = arith.index_cast %swap3A_542 : i32 to index
                %swap3A_544 = arith.constant 0 : index
                %swap3A_545 = tpu.vector_load %arg7[%swap3A_543, %swap3A_544] {strides = array<i32>} : memref<6x64xi32, #tpu.memory_space<vmem>>, vector<16xi32>,
                tpu.vector_store %arg7[%swap3A_543, %swap3A_544], %shift_right_arithmetic3A_541 {strides = array<i32>} : memref<6x64xi32, #tpu.memory_space<vmem>>, vector<16xi32>,
                %mul3A_546 = arith.constant 64 : i32
                %mul3A_547 = arith.muli %add3A_408, %mul3A_546 : i32
                %add3A_548 = arith.constant 16 : i32
                %add3A_549 = arith.addi %mul3A_547, %add3A_548 : i32
                %get3A_550 = arith.index_cast %add3A_549 : i32 to index
                %get3A_551 = tpu.vector_load %arg6[%get3A_550] {strides = array<i32>} : memref<4096xi32, #tpu.memory_space<vmem>>, vector<16xi32>,
                %shift_right_arithmetic3A_552 = arith.constant 9 : i32
                %shift_right_arithmetic3A_553 = vector.broadcast %shift_right_arithmetic3A_552 : i32 to vector<16xi32>
                %shift_right_arithmetic3A_554 = arith.shrsi %get3A_551, %shift_right_arithmetic3A_553 : vector<16xi32>
                %swap3A_555 = arith.constant 4 : i32
                %swap3A_556 = arith.index_cast %swap3A_555 : i32 to index
                %swap3A_557 = arith.constant 16 : index
                %swap3A_558 = tpu.vector_load %arg7[%swap3A_556, %swap3A_557] {strides = array<i32>} : memref<6x64xi32, #tpu.memory_space<vmem>>, vector<16xi32>,
                tpu.vector_store %arg7[%swap3A_556, %swap3A_557], %shift_right_arithmetic3A_554 {strides = array<i32>} : memref<6x64xi32, #tpu.memory_space<vmem>>, vector<16xi32>,
                %mul3A_559 = arith.constant 64 : i32
                %mul3A_560 = arith.muli %add3A_408, %mul3A_559 : i32
                %add3A_561 = arith.constant 32 : i32
                %add3A_562 = arith.addi %mul3A_560, %add3A_561 : i32
                %get3A_563 = arith.index_cast %add3A_562 : i32 to index
                %get3A_564 = tpu.vector_load %arg6[%get3A_563] {strides = array<i32>} : memref<4096xi32, #tpu.memory_space<vmem>>, vector<16xi32>,
                %shift_right_arithmetic3A_565 = arith.constant 9 : i32
                %shift_right_arithmetic3A_566 = vector.broadcast %shift_right_arithmetic3A_565 : i32 to vector<16xi32>
                %shift_right_arithmetic3A_567 = arith.shrsi %get3A_564, %shift_right_arithmetic3A_566 : vector<16xi32>
                %swap3A_568 = arith.constant 4 : i32
                %swap3A_569 = arith.index_cast %swap3A_568 : i32 to index
                %swap3A_570 = arith.constant 32 : index
                %swap3A_571 = tpu.vector_load %arg7[%swap3A_569, %swap3A_570] {strides = array<i32>} : memref<6x64xi32, #tpu.memory_space<vmem>>, vector<16xi32>,
                tpu.vector_store %arg7[%swap3A_569, %swap3A_570], %shift_right_arithmetic3A_567 {strides = array<i32>} : memref<6x64xi32, #tpu.memory_space<vmem>>, vector<16xi32>,
                %mul3A_572 = arith.constant 64 : i32
                %mul3A_573 = arith.muli %add3A_408, %mul3A_572 : i32
                %add3A_574 = arith.constant 48 : i32
                %add3A_575 = arith.addi %mul3A_573, %add3A_574 : i32
                %get3A_576 = arith.index_cast %add3A_575 : i32 to index
                %get3A_577 = tpu.vector_load %arg6[%get3A_576] {strides = array<i32>} : memref<4096xi32, #tpu.memory_space<vmem>>, vector<16xi32>,
                %shift_right_arithmetic3A_578 = arith.constant 9 : i32
                %shift_right_arithmetic3A_579 = vector.broadcast %shift_right_arithmetic3A_578 : i32 to vector<16xi32>
                %shift_right_arithmetic3A_580 = arith.shrsi %get3A_577, %shift_right_arithmetic3A_579 : vector<16xi32>
                %swap3A_581 = arith.constant 4 : i32
                %swap3A_582 = arith.index_cast %swap3A_581 : i32 to index
                %swap3A_583 = arith.constant 48 : index
                %swap3A_584 = tpu.vector_load %arg7[%swap3A_582, %swap3A_583] {strides = array<i32>} : memref<6x64xi32, #tpu.memory_space<vmem>>, vector<16xi32>,
                tpu.vector_store %arg7[%swap3A_582, %swap3A_583], %shift_right_arithmetic3A_580 {strides = array<i32>} : memref<6x64xi32, #tpu.memory_space<vmem>>, vector<16xi32>,
                %dma_start3A_585 = arith.constant 4 : i32
                %dma_start3A_586 = arith.constant 4 : i32
                %dma_start3A_587 = arith.constant 0 : i32
                %dma_start3A_588 = arith.constant 0 : i32
                %dma_start3A_589 = tpu.memref_slice %arg9[%dma_start3A_586, %dma_start3A_587, %dma_start3A_588] : memref<6x64x128xi32, #tpu.memory_space<vmem>> -> memref<1x64x128xi32, #tpu.memory_space<vmem>>
                %dma_start3A_590 = tpu.memref_squeeze %dma_start3A_589 : memref<1x64x128xi32, #tpu.memory_space<vmem>> -> memref<64x128xi32, #tpu.memory_space<vmem>>
                %dma_start3A_591 = arith.constant 0 : i32
                %dma_start3A_592 = tpu.memref_slice %arg7[%dma_start3A_585, %dma_start3A_591] : memref<6x64xi32, #tpu.memory_space<vmem>> -> memref<1x64xi32, #tpu.memory_space<vmem>>
                %dma_start3A_593 = tpu.memref_squeeze %dma_start3A_592 : memref<1x64xi32, #tpu.memory_space<vmem>> -> memref<64xi32, #tpu.memory_space<vmem>>
                %dma_start3A_594 = arith.constant 0 : i32
                %dma_start3A_595 = arith.constant 0 : i32
                %dma_start3A_596 = tpu.memref_slice %arg2[%dma_start3A_594, %dma_start3A_595] : memref<80000x128xi32, #tpu.memory_space<hbm>> -> memref<80000x128xi32, #tpu.memory_space<hbm>>
                tpu.enqueue_indirect_dma source(%dma_start3A_596 : memref<80000x128xi32, #tpu.memory_space<hbm>>) target(%dma_start3A_590 : memref<64x128xi32, #tpu.memory_space<vmem>>) offsets(%dma_start3A_593 : memref<64xi32, #tpu.memory_space<vmem>>) semaphore(%arg16 : memref<!tpu.dma_semaphore, #tpu.memory_space<semaphore_mem>>)
              } else {
              }
              %jit3A_514 = arith.constant 6 : i32
              %eq3A_515 = arith.constant 0 : i32
              %eq3A_516 = arith.cmpi eq, %jit3A_514, %eq3A_515 : i32
              %jit3A_517 = arith.constant 1 : i32
              %select_n3A_518 = arith.select %eq3A_516, %jit3A_517, %jit3A_514 : i32
              %rem3A_519 = arith.remsi %add3A_408, %select_n3A_518 : i32
              %ne3A_520 = arith.constant 0 : i32
              %ne3A_521 = arith.cmpi ne, %rem3A_519, %ne3A_520 : i32
              %lt3A_522 = arith.constant 0 : i32
              %lt3A_523 = arith.cmpi slt, %rem3A_519, %lt3A_522 : i32
              %lt3A_524 = arith.constant 0 : i32
              %lt3A_525 = arith.cmpi slt, %select_n3A_518, %lt3A_524 : i32
              %ne3A_526 = arith.xori %lt3A_523, %lt3A_525 : i1
              %and3A_527 = arith.andi %ne3A_526, %ne3A_521 : i1
              %add3A_528 = arith.addi %rem3A_519, %select_n3A_518 : i32
              %select_n3A_529 = arith.select %and3A_527, %add3A_528, %rem3A_519 : i32
              %eq3A_530 = arith.constant 5 : i32
              %eq3A_531 = arith.cmpi eq, %select_n3A_529, %eq3A_530 : i32
              %convert_element_type3A_532 = arith.extui %eq3A_531 : i1 to i32
              %cond3A_533 = arith.constant 0 : i32
              %cond3A_534 = arith.cmpi ne, %convert_element_type3A_532, %cond3A_533 : i32
              scf.if %cond3A_534 {
                %mul3A_535 = arith.constant 64 : i32
                %mul3A_536 = arith.muli %add3A_408, %mul3A_535 : i32
                %add3A_537 = arith.constant 0 : i32
                %add3A_538 = arith.addi %mul3A_536, %add3A_537 : i32
                %get3A = arith.index_cast %add3A_538 : i32 to index
                %get3A_539 = tpu.vector_load %arg6[%get3A] {strides = array<i32>} : memref<4096xi32, #tpu.memory_space<vmem>>, vector<16xi32>,
                %shift_right_arithmetic3A = arith.constant 9 : i32
                %shift_right_arithmetic3A_540 = vector.broadcast %shift_right_arithmetic3A : i32 to vector<16xi32>
                %shift_right_arithmetic3A_541 = arith.shrsi %get3A_539, %shift_right_arithmetic3A_540 : vector<16xi32>
                %swap3A_542 = arith.constant 5 : i32
                %swap3A_543 = arith.index_cast %swap3A_542 : i32 to index
                %swap3A_544 = arith.constant 0 : index
                %swap3A_545 = tpu.vector_load %arg7[%swap3A_543, %swap3A_544] {strides = array<i32>} : memref<6x64xi32, #tpu.memory_space<vmem>>, vector<16xi32>,
                tpu.vector_store %arg7[%swap3A_543, %swap3A_544], %shift_right_arithmetic3A_541 {strides = array<i32>} : memref<6x64xi32, #tpu.memory_space<vmem>>, vector<16xi32>,
                %mul3A_546 = arith.constant 64 : i32
                %mul3A_547 = arith.muli %add3A_408, %mul3A_546 : i32
                %add3A_548 = arith.constant 16 : i32
                %add3A_549 = arith.addi %mul3A_547, %add3A_548 : i32
                %get3A_550 = arith.index_cast %add3A_549 : i32 to index
                %get3A_551 = tpu.vector_load %arg6[%get3A_550] {strides = array<i32>} : memref<4096xi32, #tpu.memory_space<vmem>>, vector<16xi32>,
                %shift_right_arithmetic3A_552 = arith.constant 9 : i32
                %shift_right_arithmetic3A_553 = vector.broadcast %shift_right_arithmetic3A_552 : i32 to vector<16xi32>
                %shift_right_arithmetic3A_554 = arith.shrsi %get3A_551, %shift_right_arithmetic3A_553 : vector<16xi32>
                %swap3A_555 = arith.constant 5 : i32
                %swap3A_556 = arith.index_cast %swap3A_555 : i32 to index
                %swap3A_557 = arith.constant 16 : index
                %swap3A_558 = tpu.vector_load %arg7[%swap3A_556, %swap3A_557] {strides = array<i32>} : memref<6x64xi32, #tpu.memory_space<vmem>>, vector<16xi32>,
                tpu.vector_store %arg7[%swap3A_556, %swap3A_557], %shift_right_arithmetic3A_554 {strides = array<i32>} : memref<6x64xi32, #tpu.memory_space<vmem>>, vector<16xi32>,
                %mul3A_559 = arith.constant 64 : i32
                %mul3A_560 = arith.muli %add3A_408, %mul3A_559 : i32
                %add3A_561 = arith.constant 32 : i32
                %add3A_562 = arith.addi %mul3A_560, %add3A_561 : i32
                %get3A_563 = arith.index_cast %add3A_562 : i32 to index
                %get3A_564 = tpu.vector_load %arg6[%get3A_563] {strides = array<i32>} : memref<4096xi32, #tpu.memory_space<vmem>>, vector<16xi32>,
                %shift_right_arithmetic3A_565 = arith.constant 9 : i32
                %shift_right_arithmetic3A_566 = vector.broadcast %shift_right_arithmetic3A_565 : i32 to vector<16xi32>
                %shift_right_arithmetic3A_567 = arith.shrsi %get3A_564, %shift_right_arithmetic3A_566 : vector<16xi32>
                %swap3A_568 = arith.constant 5 : i32
                %swap3A_569 = arith.index_cast %swap3A_568 : i32 to index
                %swap3A_570 = arith.constant 32 : index
                %swap3A_571 = tpu.vector_load %arg7[%swap3A_569, %swap3A_570] {strides = array<i32>} : memref<6x64xi32, #tpu.memory_space<vmem>>, vector<16xi32>,
                tpu.vector_store %arg7[%swap3A_569, %swap3A_570], %shift_right_arithmetic3A_567 {strides = array<i32>} : memref<6x64xi32, #tpu.memory_space<vmem>>, vector<16xi32>,
                %mul3A_572 = arith.constant 64 : i32
                %mul3A_573 = arith.muli %add3A_408, %mul3A_572 : i32
                %add3A_574 = arith.constant 48 : i32
                %add3A_575 = arith.addi %mul3A_573, %add3A_574 : i32
                %get3A_576 = arith.index_cast %add3A_575 : i32 to index
                %get3A_577 = tpu.vector_load %arg6[%get3A_576] {strides = array<i32>} : memref<4096xi32, #tpu.memory_space<vmem>>, vector<16xi32>,
                %shift_right_arithmetic3A_578 = arith.constant 9 : i32
                %shift_right_arithmetic3A_579 = vector.broadcast %shift_right_arithmetic3A_578 : i32 to vector<16xi32>
                %shift_right_arithmetic3A_580 = arith.shrsi %get3A_577, %shift_right_arithmetic3A_579 : vector<16xi32>
                %swap3A_581 = arith.constant 5 : i32
                %swap3A_582 = arith.index_cast %swap3A_581 : i32 to index
                %swap3A_583 = arith.constant 48 : index
                %swap3A_584 = tpu.vector_load %arg7[%swap3A_582, %swap3A_583] {strides = array<i32>} : memref<6x64xi32, #tpu.memory_space<vmem>>, vector<16xi32>,
                tpu.vector_store %arg7[%swap3A_582, %swap3A_583], %shift_right_arithmetic3A_580 {strides = array<i32>} : memref<6x64xi32, #tpu.memory_space<vmem>>, vector<16xi32>,
                %dma_start3A_585 = arith.constant 5 : i32
                %dma_start3A_586 = arith.constant 5 : i32
                %dma_start3A_587 = arith.constant 0 : i32
                %dma_start3A_588 = arith.constant 0 : i32
                %dma_start3A_589 = tpu.memref_slice %arg9[%dma_start3A_586, %dma_start3A_587, %dma_start3A_588] : memref<6x64x128xi32, #tpu.memory_space<vmem>> -> memref<1x64x128xi32, #tpu.memory_space<vmem>>
                %dma_start3A_590 = tpu.memref_squeeze %dma_start3A_589 : memref<1x64x128xi32, #tpu.memory_space<vmem>> -> memref<64x128xi32, #tpu.memory_space<vmem>>
                %dma_start3A_591 = arith.constant 0 : i32
                %dma_start3A_592 = tpu.memref_slice %arg7[%dma_start3A_585, %dma_start3A_591] : memref<6x64xi32, #tpu.memory_space<vmem>> -> memref<1x64xi32, #tpu.memory_space<vmem>>
                %dma_start3A_593 = tpu.memref_squeeze %dma_start3A_592 : memref<1x64xi32, #tpu.memory_space<vmem>> -> memref<64xi32, #tpu.memory_space<vmem>>
                %dma_start3A_594 = arith.constant 0 : i32
                %dma_start3A_595 = arith.constant 0 : i32
                %dma_start3A_596 = tpu.memref_slice %arg2[%dma_start3A_594, %dma_start3A_595] : memref<80000x128xi32, #tpu.memory_space<hbm>> -> memref<80000x128xi32, #tpu.memory_space<hbm>>
                tpu.enqueue_indirect_dma source(%dma_start3A_596 : memref<80000x128xi32, #tpu.memory_space<hbm>>) target(%dma_start3A_590 : memref<64x128xi32, #tpu.memory_space<vmem>>) offsets(%dma_start3A_593 : memref<64xi32, #tpu.memory_space<vmem>>) semaphore(%arg17 : memref<!tpu.dma_semaphore, #tpu.memory_space<semaphore_mem>>)
              } else {
              }
            } else {
            }
            %jit3A_242 = arith.constant 6 : i32
            %eq3A_243 = arith.constant 0 : i32
            %eq3A_244 = arith.cmpi eq, %jit3A_242, %eq3A_243 : i32
            %jit3A_245 = arith.constant 1 : i32
            %select_n3A_246 = arith.select %eq3A_244, %jit3A_245, %jit3A_242 : i32
            %rem3A_247 = arith.remsi %while3A_234, %select_n3A_246 : i32
            %ne3A_248 = arith.constant 0 : i32
            %ne3A_249 = arith.cmpi ne, %rem3A_247, %ne3A_248 : i32
            %lt3A_250 = arith.constant 0 : i32
            %lt3A_251 = arith.cmpi slt, %rem3A_247, %lt3A_250 : i32
            %lt3A_252 = arith.constant 0 : i32
            %lt3A_253 = arith.cmpi slt, %select_n3A_246, %lt3A_252 : i32
            %ne3A_254 = arith.xori %lt3A_251, %lt3A_253 : i1
            %and3A_255 = arith.andi %ne3A_254, %ne3A_249 : i1
            %add3A_256 = arith.addi %rem3A_247, %select_n3A_246 : i32
            %select_n3A_257 = arith.select %and3A_255, %add3A_256, %rem3A_247 : i32
            %eq3A_258 = arith.constant 0 : i32
            %eq3A_259 = arith.cmpi eq, %select_n3A_257, %eq3A_258 : i32
            %convert_element_type3A_260 = arith.extui %eq3A_259 : i1 to i32
            %cond3A_261 = arith.constant 0 : i32
            %cond3A_262 = arith.constant 0 : i32
            %cond3A_263 = arith.cmpi ne, %convert_element_type3A_260, %cond3A_262 : i32
            scf.if %cond3A_263 {
              %dma_wait3A = arith.constant 0 : i32
              %dma_wait3A_407 = arith.constant 0 : i32
              %dma_wait3A_408 = arith.constant 0 : i32
              %dma_wait3A_409 = tpu.memref_slice %arg9[%dma_wait3A, %dma_wait3A_407, %dma_wait3A_408] : memref<6x64x128xi32, #tpu.memory_space<vmem>> -> memref<1x64x128xi32, #tpu.memory_space<vmem>>
              %dma_wait3A_410 = tpu.memref_squeeze %dma_wait3A_409 : memref<1x64x128xi32, #tpu.memory_space<vmem>> -> memref<64x128xi32, #tpu.memory_space<vmem>>
              %dma_wait3A_411 = arith.constant 0 : i32
              %dma_wait3A_412 = tpu.memref_slice %arg7[%cond3A_261, %dma_wait3A_411] : memref<6x64xi32, #tpu.memory_space<vmem>> -> memref<1x64xi32, #tpu.memory_space<vmem>>
              %dma_wait3A_413 = tpu.memref_squeeze %dma_wait3A_412 : memref<1x64xi32, #tpu.memory_space<vmem>> -> memref<64xi32, #tpu.memory_space<vmem>>
              %dma_wait3A_414 = arith.constant 0 : i32
              %dma_wait3A_415 = arith.constant 0 : i32
              %dma_wait3A_416 = tpu.memref_slice %arg2[%dma_wait3A_414, %dma_wait3A_415] : memref<80000x128xi32, #tpu.memory_space<hbm>> -> memref<80000x128xi32, #tpu.memory_space<hbm>>
              tpu.wait_indirect_dma semaphore(%arg10 : memref<!tpu.dma_semaphore, #tpu.memory_space<semaphore_mem>>) src(%dma_wait3A_416 : memref<80000x128xi32, #tpu.memory_space<hbm>>) dst(%dma_wait3A_410 : memref<64x128xi32, #tpu.memory_space<vmem>>)
            } else {
            }
            %jit3A_264 = arith.constant 6 : i32
            %eq3A_265 = arith.constant 0 : i32
            %eq3A_266 = arith.cmpi eq, %jit3A_264, %eq3A_265 : i32
            %jit3A_267 = arith.constant 1 : i32
            %select_n3A_268 = arith.select %eq3A_266, %jit3A_267, %jit3A_264 : i32
            %rem3A_269 = arith.remsi %while3A_234, %select_n3A_268 : i32
            %ne3A_270 = arith.constant 0 : i32
            %ne3A_271 = arith.cmpi ne, %rem3A_269, %ne3A_270 : i32
            %lt3A_272 = arith.constant 0 : i32
            %lt3A_273 = arith.cmpi slt, %rem3A_269, %lt3A_272 : i32
            %lt3A_274 = arith.constant 0 : i32
            %lt3A_275 = arith.cmpi slt, %select_n3A_268, %lt3A_274 : i32
            %ne3A_276 = arith.xori %lt3A_273, %lt3A_275 : i1
            %and3A_277 = arith.andi %ne3A_276, %ne3A_271 : i1
            %add3A_278 = arith.addi %rem3A_269, %select_n3A_268 : i32
            %select_n3A_279 = arith.select %and3A_277, %add3A_278, %rem3A_269 : i32
            %eq3A_280 = arith.constant 1 : i32
            %eq3A_281 = arith.cmpi eq, %select_n3A_279, %eq3A_280 : i32
            %convert_element_type3A_282 = arith.extui %eq3A_281 : i1 to i32
            %cond3A_283 = arith.constant 0 : i32
            %cond3A_284 = arith.constant 0 : i32
            %cond3A_285 = arith.cmpi ne, %convert_element_type3A_282, %cond3A_284 : i32
            scf.if %cond3A_285 {
              %dma_wait3A = arith.constant 1 : i32
              %dma_wait3A_407 = arith.constant 0 : i32
              %dma_wait3A_408 = arith.constant 0 : i32
              %dma_wait3A_409 = tpu.memref_slice %arg9[%dma_wait3A, %dma_wait3A_407, %dma_wait3A_408] : memref<6x64x128xi32, #tpu.memory_space<vmem>> -> memref<1x64x128xi32, #tpu.memory_space<vmem>>
              %dma_wait3A_410 = tpu.memref_squeeze %dma_wait3A_409 : memref<1x64x128xi32, #tpu.memory_space<vmem>> -> memref<64x128xi32, #tpu.memory_space<vmem>>
              %dma_wait3A_411 = arith.constant 0 : i32
              %dma_wait3A_412 = tpu.memref_slice %arg7[%cond3A_283, %dma_wait3A_411] : memref<6x64xi32, #tpu.memory_space<vmem>> -> memref<1x64xi32, #tpu.memory_space<vmem>>
              %dma_wait3A_413 = tpu.memref_squeeze %dma_wait3A_412 : memref<1x64xi32, #tpu.memory_space<vmem>> -> memref<64xi32, #tpu.memory_space<vmem>>
              %dma_wait3A_414 = arith.constant 0 : i32
              %dma_wait3A_415 = arith.constant 0 : i32
              %dma_wait3A_416 = tpu.memref_slice %arg2[%dma_wait3A_414, %dma_wait3A_415] : memref<80000x128xi32, #tpu.memory_space<hbm>> -> memref<80000x128xi32, #tpu.memory_space<hbm>>
              tpu.wait_indirect_dma semaphore(%arg11 : memref<!tpu.dma_semaphore, #tpu.memory_space<semaphore_mem>>) src(%dma_wait3A_416 : memref<80000x128xi32, #tpu.memory_space<hbm>>) dst(%dma_wait3A_410 : memref<64x128xi32, #tpu.memory_space<vmem>>)
            } else {
            }
            %jit3A_286 = arith.constant 6 : i32
            %eq3A_287 = arith.constant 0 : i32
            %eq3A_288 = arith.cmpi eq, %jit3A_286, %eq3A_287 : i32
            %jit3A_289 = arith.constant 1 : i32
            %select_n3A_290 = arith.select %eq3A_288, %jit3A_289, %jit3A_286 : i32
            %rem3A_291 = arith.remsi %while3A_234, %select_n3A_290 : i32
            %ne3A_292 = arith.constant 0 : i32
            %ne3A_293 = arith.cmpi ne, %rem3A_291, %ne3A_292 : i32
            %lt3A_294 = arith.constant 0 : i32
            %lt3A_295 = arith.cmpi slt, %rem3A_291, %lt3A_294 : i32
            %lt3A_296 = arith.constant 0 : i32
            %lt3A_297 = arith.cmpi slt, %select_n3A_290, %lt3A_296 : i32
            %ne3A_298 = arith.xori %lt3A_295, %lt3A_297 : i1
            %and3A_299 = arith.andi %ne3A_298, %ne3A_293 : i1
            %add3A_300 = arith.addi %rem3A_291, %select_n3A_290 : i32
            %select_n3A_301 = arith.select %and3A_299, %add3A_300, %rem3A_291 : i32
            %eq3A_302 = arith.constant 2 : i32
            %eq3A_303 = arith.cmpi eq, %select_n3A_301, %eq3A_302 : i32
            %convert_element_type3A_304 = arith.extui %eq3A_303 : i1 to i32
            %cond3A_305 = arith.constant 0 : i32
            %cond3A_306 = arith.constant 0 : i32
            %cond3A_307 = arith.cmpi ne, %convert_element_type3A_304, %cond3A_306 : i32
            scf.if %cond3A_307 {
              %dma_wait3A = arith.constant 2 : i32
              %dma_wait3A_407 = arith.constant 0 : i32
              %dma_wait3A_408 = arith.constant 0 : i32
              %dma_wait3A_409 = tpu.memref_slice %arg9[%dma_wait3A, %dma_wait3A_407, %dma_wait3A_408] : memref<6x64x128xi32, #tpu.memory_space<vmem>> -> memref<1x64x128xi32, #tpu.memory_space<vmem>>
              %dma_wait3A_410 = tpu.memref_squeeze %dma_wait3A_409 : memref<1x64x128xi32, #tpu.memory_space<vmem>> -> memref<64x128xi32, #tpu.memory_space<vmem>>
              %dma_wait3A_411 = arith.constant 0 : i32
              %dma_wait3A_412 = tpu.memref_slice %arg7[%cond3A_305, %dma_wait3A_411] : memref<6x64xi32, #tpu.memory_space<vmem>> -> memref<1x64xi32, #tpu.memory_space<vmem>>
              %dma_wait3A_413 = tpu.memref_squeeze %dma_wait3A_412 : memref<1x64xi32, #tpu.memory_space<vmem>> -> memref<64xi32, #tpu.memory_space<vmem>>
              %dma_wait3A_414 = arith.constant 0 : i32
              %dma_wait3A_415 = arith.constant 0 : i32
              %dma_wait3A_416 = tpu.memref_slice %arg2[%dma_wait3A_414, %dma_wait3A_415] : memref<80000x128xi32, #tpu.memory_space<hbm>> -> memref<80000x128xi32, #tpu.memory_space<hbm>>
              tpu.wait_indirect_dma semaphore(%arg12 : memref<!tpu.dma_semaphore, #tpu.memory_space<semaphore_mem>>) src(%dma_wait3A_416 : memref<80000x128xi32, #tpu.memory_space<hbm>>) dst(%dma_wait3A_410 : memref<64x128xi32, #tpu.memory_space<vmem>>)
            } else {
            }
            %jit3A_308 = arith.constant 6 : i32
            %eq3A_309 = arith.constant 0 : i32
            %eq3A_310 = arith.cmpi eq, %jit3A_308, %eq3A_309 : i32
            %jit3A_311 = arith.constant 1 : i32
            %select_n3A_312 = arith.select %eq3A_310, %jit3A_311, %jit3A_308 : i32
            %rem3A_313 = arith.remsi %while3A_234, %select_n3A_312 : i32
            %ne3A_314 = arith.constant 0 : i32
            %ne3A_315 = arith.cmpi ne, %rem3A_313, %ne3A_314 : i32
            %lt3A_316 = arith.constant 0 : i32
            %lt3A_317 = arith.cmpi slt, %rem3A_313, %lt3A_316 : i32
            %lt3A_318 = arith.constant 0 : i32
            %lt3A_319 = arith.cmpi slt, %select_n3A_312, %lt3A_318 : i32
            %ne3A_320 = arith.xori %lt3A_317, %lt3A_319 : i1
            %and3A_321 = arith.andi %ne3A_320, %ne3A_315 : i1
            %add3A_322 = arith.addi %rem3A_313, %select_n3A_312 : i32
            %select_n3A_323 = arith.select %and3A_321, %add3A_322, %rem3A_313 : i32
            %eq3A_324 = arith.constant 3 : i32
            %eq3A_325 = arith.cmpi eq, %select_n3A_323, %eq3A_324 : i32
            %convert_element_type3A_326 = arith.extui %eq3A_325 : i1 to i32
            %cond3A_327 = arith.constant 0 : i32
            %cond3A_328 = arith.constant 0 : i32
            %cond3A_329 = arith.cmpi ne, %convert_element_type3A_326, %cond3A_328 : i32
            scf.if %cond3A_329 {
              %dma_wait3A = arith.constant 3 : i32
              %dma_wait3A_407 = arith.constant 0 : i32
              %dma_wait3A_408 = arith.constant 0 : i32
              %dma_wait3A_409 = tpu.memref_slice %arg9[%dma_wait3A, %dma_wait3A_407, %dma_wait3A_408] : memref<6x64x128xi32, #tpu.memory_space<vmem>> -> memref<1x64x128xi32, #tpu.memory_space<vmem>>
              %dma_wait3A_410 = tpu.memref_squeeze %dma_wait3A_409 : memref<1x64x128xi32, #tpu.memory_space<vmem>> -> memref<64x128xi32, #tpu.memory_space<vmem>>
              %dma_wait3A_411 = arith.constant 0 : i32
              %dma_wait3A_412 = tpu.memref_slice %arg7[%cond3A_327, %dma_wait3A_411] : memref<6x64xi32, #tpu.memory_space<vmem>> -> memref<1x64xi32, #tpu.memory_space<vmem>>
              %dma_wait3A_413 = tpu.memref_squeeze %dma_wait3A_412 : memref<1x64xi32, #tpu.memory_space<vmem>> -> memref<64xi32, #tpu.memory_space<vmem>>
              %dma_wait3A_414 = arith.constant 0 : i32
              %dma_wait3A_415 = arith.constant 0 : i32
              %dma_wait3A_416 = tpu.memref_slice %arg2[%dma_wait3A_414, %dma_wait3A_415] : memref<80000x128xi32, #tpu.memory_space<hbm>> -> memref<80000x128xi32, #tpu.memory_space<hbm>>
              tpu.wait_indirect_dma semaphore(%arg13 : memref<!tpu.dma_semaphore, #tpu.memory_space<semaphore_mem>>) src(%dma_wait3A_416 : memref<80000x128xi32, #tpu.memory_space<hbm>>) dst(%dma_wait3A_410 : memref<64x128xi32, #tpu.memory_space<vmem>>)
            } else {
            }
            %jit3A_330 = arith.constant 6 : i32
            %eq3A_331 = arith.constant 0 : i32
            %eq3A_332 = arith.cmpi eq, %jit3A_330, %eq3A_331 : i32
            %jit3A_333 = arith.constant 1 : i32
            %select_n3A_334 = arith.select %eq3A_332, %jit3A_333, %jit3A_330 : i32
            %rem3A_335 = arith.remsi %while3A_234, %select_n3A_334 : i32
            %ne3A_336 = arith.constant 0 : i32
            %ne3A_337 = arith.cmpi ne, %rem3A_335, %ne3A_336 : i32
            %lt3A_338 = arith.constant 0 : i32
            %lt3A_339 = arith.cmpi slt, %rem3A_335, %lt3A_338 : i32
            %lt3A_340 = arith.constant 0 : i32
            %lt3A_341 = arith.cmpi slt, %select_n3A_334, %lt3A_340 : i32
            %ne3A_342 = arith.xori %lt3A_339, %lt3A_341 : i1
            %and3A_343 = arith.andi %ne3A_342, %ne3A_337 : i1
            %add3A_344 = arith.addi %rem3A_335, %select_n3A_334 : i32
            %select_n3A_345 = arith.select %and3A_343, %add3A_344, %rem3A_335 : i32
            %eq3A_346 = arith.constant 4 : i32
            %eq3A_347 = arith.cmpi eq, %select_n3A_345, %eq3A_346 : i32
            %convert_element_type3A_348 = arith.extui %eq3A_347 : i1 to i32
            %cond3A_349 = arith.constant 0 : i32
            %cond3A_350 = arith.constant 0 : i32
            %cond3A_351 = arith.cmpi ne, %convert_element_type3A_348, %cond3A_350 : i32
            scf.if %cond3A_351 {
              %dma_wait3A = arith.constant 4 : i32
              %dma_wait3A_407 = arith.constant 0 : i32
              %dma_wait3A_408 = arith.constant 0 : i32
              %dma_wait3A_409 = tpu.memref_slice %arg9[%dma_wait3A, %dma_wait3A_407, %dma_wait3A_408] : memref<6x64x128xi32, #tpu.memory_space<vmem>> -> memref<1x64x128xi32, #tpu.memory_space<vmem>>
              %dma_wait3A_410 = tpu.memref_squeeze %dma_wait3A_409 : memref<1x64x128xi32, #tpu.memory_space<vmem>> -> memref<64x128xi32, #tpu.memory_space<vmem>>
              %dma_wait3A_411 = arith.constant 0 : i32
              %dma_wait3A_412 = tpu.memref_slice %arg7[%cond3A_349, %dma_wait3A_411] : memref<6x64xi32, #tpu.memory_space<vmem>> -> memref<1x64xi32, #tpu.memory_space<vmem>>
              %dma_wait3A_413 = tpu.memref_squeeze %dma_wait3A_412 : memref<1x64xi32, #tpu.memory_space<vmem>> -> memref<64xi32, #tpu.memory_space<vmem>>
              %dma_wait3A_414 = arith.constant 0 : i32
              %dma_wait3A_415 = arith.constant 0 : i32
              %dma_wait3A_416 = tpu.memref_slice %arg2[%dma_wait3A_414, %dma_wait3A_415] : memref<80000x128xi32, #tpu.memory_space<hbm>> -> memref<80000x128xi32, #tpu.memory_space<hbm>>
              tpu.wait_indirect_dma semaphore(%arg16 : memref<!tpu.dma_semaphore, #tpu.memory_space<semaphore_mem>>) src(%dma_wait3A_416 : memref<80000x128xi32, #tpu.memory_space<hbm>>) dst(%dma_wait3A_410 : memref<64x128xi32, #tpu.memory_space<vmem>>)
            } else {
            }
            %jit3A_352 = arith.constant 6 : i32
            %eq3A_353 = arith.constant 0 : i32
            %eq3A_354 = arith.cmpi eq, %jit3A_352, %eq3A_353 : i32
            %jit3A_355 = arith.constant 1 : i32
            %select_n3A_356 = arith.select %eq3A_354, %jit3A_355, %jit3A_352 : i32
            %rem3A_357 = arith.remsi %while3A_234, %select_n3A_356 : i32
            %ne3A_358 = arith.constant 0 : i32
            %ne3A_359 = arith.cmpi ne, %rem3A_357, %ne3A_358 : i32
            %lt3A_360 = arith.constant 0 : i32
            %lt3A_361 = arith.cmpi slt, %rem3A_357, %lt3A_360 : i32
            %lt3A_362 = arith.constant 0 : i32
            %lt3A_363 = arith.cmpi slt, %select_n3A_356, %lt3A_362 : i32
            %ne3A_364 = arith.xori %lt3A_361, %lt3A_363 : i1
            %and3A_365 = arith.andi %ne3A_364, %ne3A_359 : i1
            %add3A_366 = arith.addi %rem3A_357, %select_n3A_356 : i32
            %select_n3A_367 = arith.select %and3A_365, %add3A_366, %rem3A_357 : i32
            %eq3A_368 = arith.constant 5 : i32
            %eq3A_369 = arith.cmpi eq, %select_n3A_367, %eq3A_368 : i32
            %convert_element_type3A_370 = arith.extui %eq3A_369 : i1 to i32
            %cond3A_371 = arith.constant 0 : i32
            %cond3A_372 = arith.constant 0 : i32
            %cond3A_373 = arith.cmpi ne, %convert_element_type3A_370, %cond3A_372 : i32
            scf.if %cond3A_373 {
              %dma_wait3A = arith.constant 5 : i32
              %dma_wait3A_407 = arith.constant 0 : i32
              %dma_wait3A_408 = arith.constant 0 : i32
              %dma_wait3A_409 = tpu.memref_slice %arg9[%dma_wait3A, %dma_wait3A_407, %dma_wait3A_408] : memref<6x64x128xi32, #tpu.memory_space<vmem>> -> memref<1x64x128xi32, #tpu.memory_space<vmem>>
              %dma_wait3A_410 = tpu.memref_squeeze %dma_wait3A_409 : memref<1x64x128xi32, #tpu.memory_space<vmem>> -> memref<64x128xi32, #tpu.memory_space<vmem>>
              %dma_wait3A_411 = arith.constant 0 : i32
              %dma_wait3A_412 = tpu.memref_slice %arg7[%cond3A_371, %dma_wait3A_411] : memref<6x64xi32, #tpu.memory_space<vmem>> -> memref<1x64xi32, #tpu.memory_space<vmem>>
              %dma_wait3A_413 = tpu.memref_squeeze %dma_wait3A_412 : memref<1x64xi32, #tpu.memory_space<vmem>> -> memref<64xi32, #tpu.memory_space<vmem>>
              %dma_wait3A_414 = arith.constant 0 : i32
              %dma_wait3A_415 = arith.constant 0 : i32
              %dma_wait3A_416 = tpu.memref_slice %arg2[%dma_wait3A_414, %dma_wait3A_415] : memref<80000x128xi32, #tpu.memory_space<hbm>> -> memref<80000x128xi32, #tpu.memory_space<hbm>>
              tpu.wait_indirect_dma semaphore(%arg17 : memref<!tpu.dma_semaphore, #tpu.memory_space<semaphore_mem>>) src(%dma_wait3A_416 : memref<80000x128xi32, #tpu.memory_space<hbm>>) dst(%dma_wait3A_410 : memref<64x128xi32, #tpu.memory_space<vmem>>)
            } else {
            }
            %jit3A_374 = arith.constant 6 : i32
            %eq3A_375 = arith.constant 0 : i32
            %eq3A_376 = arith.cmpi eq, %jit3A_374, %eq3A_375 : i32
            %jit3A_377 = arith.constant 1 : i32
            %select_n3A_378 = arith.select %eq3A_376, %jit3A_377, %jit3A_374 : i32
            %rem3A_379 = arith.remsi %while3A_234, %select_n3A_378 : i32
            %ne3A_380 = arith.constant 0 : i32
            %ne3A_381 = arith.cmpi ne, %rem3A_379, %ne3A_380 : i32
            %lt3A_382 = arith.constant 0 : i32
            %lt3A_383 = arith.cmpi slt, %rem3A_379, %lt3A_382 : i32
            %lt3A_384 = arith.constant 0 : i32
            %lt3A_385 = arith.cmpi slt, %select_n3A_378, %lt3A_384 : i32
            %ne3A_386 = arith.xori %lt3A_383, %lt3A_385 : i1
            %and3A_387 = arith.andi %ne3A_386, %ne3A_381 : i1
            %add3A_388 = arith.addi %rem3A_379, %select_n3A_378 : i32
            %select_n3A_389 = arith.select %and3A_387, %add3A_388, %rem3A_379 : i32
            %mul3A_390 = arith.constant 64 : i32
            %mul3A_391 = arith.muli %while3A_234, %mul3A_390 : i32
            %sub3A_392 = arith.subi %scan3A_139, %mul3A_391 : i32
            %min3A = arith.constant 64 : i32
            %min3A_393 = arith.minsi %sub3A_392, %min3A : i32
            %while3A_394 = arith.constant 0 : i32
            %while3A_395 = arith.constant 0 : i32
            %while3A_396 = arith.subi %min3A_393, %while3A_394 : i32
            %while3A_397 = arith.addi %while3A_394, %while3A_396 : i32
            %while3A_398 = arith.constant 1 : i32
            %while3A_399 = arith.divsi %while3A_396, %while3A_398 : i32
            %while3A_400 = arith.muli %while3A_399, %while3A_398 : i32
            %while3A_401 = arith.addi %while3A_394, %while3A_400 : i32
            %while3A_402 = arith.constant 1 : i32
            %while3A_403 = scf.for %while3A_407 = %while3A_394 to %while3A_401 step %while3A_402 iter_args(%while3A_408 = %while3A_395) -> (i32)  : i32 {
              %add3A_409 = arith.addi %mul3A_391, %while3A_407 : i32
              %get3A = arith.index_cast %add3A_409 : i32 to index
              %get3A_410 = tpu.vector_load %arg6[%get3A] {strides = array<i32>} : memref<4096xi32, #tpu.memory_space<vmem>>, vector<16xi32>,
              %slice3A = vector.extract_strided_slice %get3A_410 {offsets = [0], sizes = [1], strides = [1]} : vector<16xi32> to vector<1xi32>
              %squeeze3A = vector.extract %slice3A[0] : i32 from vector<1xi32>
              %and3A_411 = arith.constant 511 : i32
              %and3A_412 = arith.andi %squeeze3A, %and3A_411 : i32
              %mul3A_413 = arith.constant 128 : i32
              %mul3A_414 = arith.muli %and3A_412, %mul3A_413 : i32
              %add3A_415 = arith.constant 0 : i32
              %add3A_416 = arith.addi %mul3A_414, %add3A_415 : i32
              %get3A_417 = arith.index_cast %add3A_416 : i32 to index
              %get3A_418 = tpu.vector_load %arg8[%get3A_417] {strides = array<i32>} : memref<40064xi32, #tpu.memory_space<vmem>>, vector<16xi32>,
              %bitcast3A = vector.bitcast %get3A_418 : vector<16xi32> to vector<32xbf16>
              %get3A_419 = arith.index_cast %select_n3A_389 : i32 to index
              %get3A_420 = arith.index_cast %while3A_407 : i32 to index
              %get3A_421 = arith.constant 0 : index
              %get3A_422 = tpu.vector_load %arg9[%get3A_419, %get3A_420, %get3A_421] {strides = array<i32>} : memref<6x64x128xi32, #tpu.memory_space<vmem>>, vector<16xi32>,
              %bitcast3A_423 = vector.bitcast %get3A_422 : vector<16xi32> to vector<32xbf16>
              %max3A = arith.maximumf %bitcast3A, %bitcast3A_423 : vector<32xbf16>
              %bitcast3A_424 = vector.bitcast %max3A : vector<32xbf16> to vector<16xi32>
              %add3A_425 = arith.constant 0 : i32
              %add3A_426 = arith.addi %mul3A_414, %add3A_425 : i32
              %swap3A_427 = arith.index_cast %add3A_426 : i32 to index
              %swap3A_428 = tpu.vector_load %arg8[%swap3A_427] {strides = array<i32>} : memref<40064xi32, #tpu.memory_space<vmem>>, vector<16xi32>,
              tpu.vector_store %arg8[%swap3A_427], %bitcast3A_424 {strides = array<i32>} : memref<40064xi32, #tpu.memory_space<vmem>>, vector<16xi32>,
              %add3A_429 = arith.constant 16 : i32
              %add3A_430 = arith.addi %mul3A_414, %add3A_429 : i32
              %get3A_431 = arith.index_cast %add3A_430 : i32 to index
              %get3A_432 = tpu.vector_load %arg8[%get3A_431] {strides = array<i32>} : memref<40064xi32, #tpu.memory_space<vmem>>, vector<16xi32>,
              %bitcast3A_433 = vector.bitcast %get3A_432 : vector<16xi32> to vector<32xbf16>
              %get3A_434 = arith.index_cast %select_n3A_389 : i32 to index
              %get3A_435 = arith.index_cast %while3A_407 : i32 to index
              %get3A_436 = arith.constant 16 : index
              %get3A_437 = tpu.vector_load %arg9[%get3A_434, %get3A_435, %get3A_436] {strides = array<i32>} : memref<6x64x128xi32, #tpu.memory_space<vmem>>, vector<16xi32>,
              %bitcast3A_438 = vector.bitcast %get3A_437 : vector<16xi32> to vector<32xbf16>
              %max3A_439 = arith.maximumf %bitcast3A_433, %bitcast3A_438 : vector<32xbf16>
              %bitcast3A_440 = vector.bitcast %max3A_439 : vector<32xbf16> to vector<16xi32>
              %add3A_441 = arith.constant 16 : i32
              %add3A_442 = arith.addi %mul3A_414, %add3A_441 : i32
              %swap3A_443 = arith.index_cast %add3A_442 : i32 to index
              %swap3A_444 = tpu.vector_load %arg8[%swap3A_443] {strides = array<i32>} : memref<40064xi32, #tpu.memory_space<vmem>>, vector<16xi32>,
              tpu.vector_store %arg8[%swap3A_443], %bitcast3A_440 {strides = array<i32>} : memref<40064xi32, #tpu.memory_space<vmem>>, vector<16xi32>,
              %add3A_445 = arith.constant 32 : i32
              %add3A_446 = arith.addi %mul3A_414, %add3A_445 : i32
              %get3A_447 = arith.index_cast %add3A_446 : i32 to index
              %get3A_448 = tpu.vector_load %arg8[%get3A_447] {strides = array<i32>} : memref<40064xi32, #tpu.memory_space<vmem>>, vector<16xi32>,
              %bitcast3A_449 = vector.bitcast %get3A_448 : vector<16xi32> to vector<32xbf16>
              %get3A_450 = arith.index_cast %select_n3A_389 : i32 to index
              %get3A_451 = arith.index_cast %while3A_407 : i32 to index
              %get3A_452 = arith.constant 32 : index
              %get3A_453 = tpu.vector_load %arg9[%get3A_450, %get3A_451, %get3A_452] {strides = array<i32>} : memref<6x64x128xi32, #tpu.memory_space<vmem>>, vector<16xi32>,
              %bitcast3A_454 = vector.bitcast %get3A_453 : vector<16xi32> to vector<32xbf16>
              %max3A_455 = arith.maximumf %bitcast3A_449, %bitcast3A_454 : vector<32xbf16>
              %bitcast3A_456 = vector.bitcast %max3A_455 : vector<32xbf16> to vector<16xi32>
              %add3A_457 = arith.constant 32 : i32
              %add3A_458 = arith.addi %mul3A_414, %add3A_457 : i32
              %swap3A_459 = arith.index_cast %add3A_458 : i32 to index
              %swap3A_460 = tpu.vector_load %arg8[%swap3A_459] {strides = array<i32>} : memref<40064xi32, #tpu.memory_space<vmem>>, vector<16xi32>,
              tpu.vector_store %arg8[%swap3A_459], %bitcast3A_456 {strides = array<i32>} : memref<40064xi32, #tpu.memory_space<vmem>>, vector<16xi32>,
              %add3A_461 = arith.constant 48 : i32
              %add3A_462 = arith.addi %mul3A_414, %add3A_461 : i32
              %get3A_463 = arith.index_cast %add3A_462 : i32 to index
              %get3A_464 = tpu.vector_load %arg8[%get3A_463] {strides = array<i32>} : memref<40064xi32, #tpu.memory_space<vmem>>, vector<16xi32>,
              %bitcast3A_465 = vector.bitcast %get3A_464 : vector<16xi32> to vector<32xbf16>
              %get3A_466 = arith.index_cast %select_n3A_389 : i32 to index
              %get3A_467 = arith.index_cast %while3A_407 : i32 to index
              %get3A_468 = arith.constant 48 : index
              %get3A_469 = tpu.vector_load %arg9[%get3A_466, %get3A_467, %get3A_468] {strides = array<i32>} : memref<6x64x128xi32, #tpu.memory_space<vmem>>, vector<16xi32>,
              %bitcast3A_470 = vector.bitcast %get3A_469 : vector<16xi32> to vector<32xbf16>
              %max3A_471 = arith.maximumf %bitcast3A_465, %bitcast3A_470 : vector<32xbf16>
              %bitcast3A_472 = vector.bitcast %max3A_471 : vector<32xbf16> to vector<16xi32>
              %add3A_473 = arith.constant 48 : i32
              %add3A_474 = arith.addi %mul3A_414, %add3A_473 : i32
              %swap3A_475 = arith.index_cast %add3A_474 : i32 to index
              %swap3A_476 = tpu.vector_load %arg8[%swap3A_475] {strides = array<i32>} : memref<40064xi32, #tpu.memory_space<vmem>>, vector<16xi32>,
              tpu.vector_store %arg8[%swap3A_475], %bitcast3A_472 {strides = array<i32>} : memref<40064xi32, #tpu.memory_space<vmem>>, vector<16xi32>,
              %add3A_477 = arith.constant 64 : i32
              %add3A_478 = arith.addi %mul3A_414, %add3A_477 : i32
              %get3A_479 = arith.index_cast %add3A_478 : i32 to index
              %get3A_480 = tpu.vector_load %arg8[%get3A_479] {strides = array<i32>} : memref<40064xi32, #tpu.memory_space<vmem>>, vector<16xi32>,
              %bitcast3A_481 = vector.bitcast %get3A_480 : vector<16xi32> to vector<32xbf16>
              %get3A_482 = arith.index_cast %select_n3A_389 : i32 to index
              %get3A_483 = arith.index_cast %while3A_407 : i32 to index
              %get3A_484 = arith.constant 64 : index
              %get3A_485 = tpu.vector_load %arg9[%get3A_482, %get3A_483, %get3A_484] {strides = array<i32>} : memref<6x64x128xi32, #tpu.memory_space<vmem>>, vector<16xi32>,
              %bitcast3A_486 = vector.bitcast %get3A_485 : vector<16xi32> to vector<32xbf16>
              %max3A_487 = arith.maximumf %bitcast3A_481, %bitcast3A_486 : vector<32xbf16>
              %bitcast3A_488 = vector.bitcast %max3A_487 : vector<32xbf16> to vector<16xi32>
              %add3A_489 = arith.constant 64 : i32
              %add3A_490 = arith.addi %mul3A_414, %add3A_489 : i32
              %swap3A_491 = arith.index_cast %add3A_490 : i32 to index
              %swap3A_492 = tpu.vector_load %arg8[%swap3A_491] {strides = array<i32>} : memref<40064xi32, #tpu.memory_space<vmem>>, vector<16xi32>,
              tpu.vector_store %arg8[%swap3A_491], %bitcast3A_488 {strides = array<i32>} : memref<40064xi32, #tpu.memory_space<vmem>>, vector<16xi32>,
              %add3A_493 = arith.constant 80 : i32
              %add3A_494 = arith.addi %mul3A_414, %add3A_493 : i32
              %get3A_495 = arith.index_cast %add3A_494 : i32 to index
              %get3A_496 = tpu.vector_load %arg8[%get3A_495] {strides = array<i32>} : memref<40064xi32, #tpu.memory_space<vmem>>, vector<16xi32>,
              %bitcast3A_497 = vector.bitcast %get3A_496 : vector<16xi32> to vector<32xbf16>
              %get3A_498 = arith.index_cast %select_n3A_389 : i32 to index
              %get3A_499 = arith.index_cast %while3A_407 : i32 to index
              %get3A_500 = arith.constant 80 : index
              %get3A_501 = tpu.vector_load %arg9[%get3A_498, %get3A_499, %get3A_500] {strides = array<i32>} : memref<6x64x128xi32, #tpu.memory_space<vmem>>, vector<16xi32>,
              %bitcast3A_502 = vector.bitcast %get3A_501 : vector<16xi32> to vector<32xbf16>
              %max3A_503 = arith.maximumf %bitcast3A_497, %bitcast3A_502 : vector<32xbf16>
              %bitcast3A_504 = vector.bitcast %max3A_503 : vector<32xbf16> to vector<16xi32>
              %add3A_505 = arith.constant 80 : i32
              %add3A_506 = arith.addi %mul3A_414, %add3A_505 : i32
              %swap3A_507 = arith.index_cast %add3A_506 : i32 to index
              %swap3A_508 = tpu.vector_load %arg8[%swap3A_507] {strides = array<i32>} : memref<40064xi32, #tpu.memory_space<vmem>>, vector<16xi32>,
              tpu.vector_store %arg8[%swap3A_507], %bitcast3A_504 {strides = array<i32>} : memref<40064xi32, #tpu.memory_space<vmem>>, vector<16xi32>,
              %add3A_509 = arith.constant 96 : i32
              %add3A_510 = arith.addi %mul3A_414, %add3A_509 : i32
              %get3A_511 = arith.index_cast %add3A_510 : i32 to index
              %get3A_512 = tpu.vector_load %arg8[%get3A_511] {strides = array<i32>} : memref<40064xi32, #tpu.memory_space<vmem>>, vector<16xi32>,
              %bitcast3A_513 = vector.bitcast %get3A_512 : vector<16xi32> to vector<32xbf16>
              %get3A_514 = arith.index_cast %select_n3A_389 : i32 to index
              %get3A_515 = arith.index_cast %while3A_407 : i32 to index
              %get3A_516 = arith.constant 96 : index
              %get3A_517 = tpu.vector_load %arg9[%get3A_514, %get3A_515, %get3A_516] {strides = array<i32>} : memref<6x64x128xi32, #tpu.memory_space<vmem>>, vector<16xi32>,
              %bitcast3A_518 = vector.bitcast %get3A_517 : vector<16xi32> to vector<32xbf16>
              %max3A_519 = arith.maximumf %bitcast3A_513, %bitcast3A_518 : vector<32xbf16>
              %bitcast3A_520 = vector.bitcast %max3A_519 : vector<32xbf16> to vector<16xi32>
              %add3A_521 = arith.constant 96 : i32
              %add3A_522 = arith.addi %mul3A_414, %add3A_521 : i32
              %swap3A_523 = arith.index_cast %add3A_522 : i32 to index
              %swap3A_524 = tpu.vector_load %arg8[%swap3A_523] {strides = array<i32>} : memref<40064xi32, #tpu.memory_space<vmem>>, vector<16xi32>,
              tpu.vector_store %arg8[%swap3A_523], %bitcast3A_520 {strides = array<i32>} : memref<40064xi32, #tpu.memory_space<vmem>>, vector<16xi32>,
              %add3A_525 = arith.constant 112 : i32
              %add3A_526 = arith.addi %mul3A_414, %add3A_525 : i32
              %get3A_527 = arith.index_cast %add3A_526 : i32 to index
              %get3A_528 = tpu.vector_load %arg8[%get3A_527] {strides = array<i32>} : memref<40064xi32, #tpu.memory_space<vmem>>, vector<16xi32>,
              %bitcast3A_529 = vector.bitcast %get3A_528 : vector<16xi32> to vector<32xbf16>
              %get3A_530 = arith.index_cast %select_n3A_389 : i32 to index
              %get3A_531 = arith.index_cast %while3A_407 : i32 to index
              %get3A_532 = arith.constant 112 : index
              %get3A_533 = tpu.vector_load %arg9[%get3A_530, %get3A_531, %get3A_532] {strides = array<i32>} : memref<6x64x128xi32, #tpu.memory_space<vmem>>, vector<16xi32>,
              %bitcast3A_534 = vector.bitcast %get3A_533 : vector<16xi32> to vector<32xbf16>
              %max3A_535 = arith.maximumf %bitcast3A_529, %bitcast3A_534 : vector<32xbf16>
              %bitcast3A_536 = vector.bitcast %max3A_535 : vector<32xbf16> to vector<16xi32>
              %add3A_537 = arith.constant 112 : i32
              %add3A_538 = arith.addi %mul3A_414, %add3A_537 : i32
              %swap3A_539 = arith.index_cast %add3A_538 : i32 to index
              %swap3A_540 = tpu.vector_load %arg8[%swap3A_539] {strides = array<i32>} : memref<40064xi32, #tpu.memory_space<vmem>>, vector<16xi32>,
              tpu.vector_store %arg8[%swap3A_539], %bitcast3A_536 {strides = array<i32>} : memref<40064xi32, #tpu.memory_space<vmem>>, vector<16xi32>,
              %while3A_541 = arith.constant 0 : i32
              scf.yield %while3A_541 : i32
            }
            %while3A_404 = arith.constant 1 : i32
            %while3A_405 = scf.for %while3A_407 = %while3A_401 to %while3A_397 step %while3A_404 iter_args(%while3A_408 = %while3A_403) -> (i32)  : i32 {
              %add3A_409 = arith.addi %mul3A_391, %while3A_407 : i32
              %get3A = arith.index_cast %add3A_409 : i32 to index
              %get3A_410 = tpu.vector_load %arg6[%get3A] {strides = array<i32>} : memref<4096xi32, #tpu.memory_space<vmem>>, vector<16xi32>,
              %slice3A = vector.extract_strided_slice %get3A_410 {offsets = [0], sizes = [1], strides = [1]} : vector<16xi32> to vector<1xi32>
              %squeeze3A = vector.extract %slice3A[0] : i32 from vector<1xi32>
              %and3A_411 = arith.constant 511 : i32
              %and3A_412 = arith.andi %squeeze3A, %and3A_411 : i32
              %mul3A_413 = arith.constant 128 : i32
              %mul3A_414 = arith.muli %and3A_412, %mul3A_413 : i32
              %add3A_415 = arith.constant 0 : i32
              %add3A_416 = arith.addi %mul3A_414, %add3A_415 : i32
              %get3A_417 = arith.index_cast %add3A_416 : i32 to index
              %get3A_418 = tpu.vector_load %arg8[%get3A_417] {strides = array<i32>} : memref<40064xi32, #tpu.memory_space<vmem>>, vector<16xi32>,
              %bitcast3A = vector.bitcast %get3A_418 : vector<16xi32> to vector<32xbf16>
              %get3A_419 = arith.index_cast %select_n3A_389 : i32 to index
              %get3A_420 = arith.index_cast %while3A_407 : i32 to index
              %get3A_421 = arith.constant 0 : index
              %get3A_422 = tpu.vector_load %arg9[%get3A_419, %get3A_420, %get3A_421] {strides = array<i32>} : memref<6x64x128xi32, #tpu.memory_space<vmem>>, vector<16xi32>,
              %bitcast3A_423 = vector.bitcast %get3A_422 : vector<16xi32> to vector<32xbf16>
              %max3A = arith.maximumf %bitcast3A, %bitcast3A_423 : vector<32xbf16>
              %bitcast3A_424 = vector.bitcast %max3A : vector<32xbf16> to vector<16xi32>
              %add3A_425 = arith.constant 0 : i32
              %add3A_426 = arith.addi %mul3A_414, %add3A_425 : i32
              %swap3A_427 = arith.index_cast %add3A_426 : i32 to index
              %swap3A_428 = tpu.vector_load %arg8[%swap3A_427] {strides = array<i32>} : memref<40064xi32, #tpu.memory_space<vmem>>, vector<16xi32>,
              tpu.vector_store %arg8[%swap3A_427], %bitcast3A_424 {strides = array<i32>} : memref<40064xi32, #tpu.memory_space<vmem>>, vector<16xi32>,
              %add3A_429 = arith.constant 16 : i32
              %add3A_430 = arith.addi %mul3A_414, %add3A_429 : i32
              %get3A_431 = arith.index_cast %add3A_430 : i32 to index
              %get3A_432 = tpu.vector_load %arg8[%get3A_431] {strides = array<i32>} : memref<40064xi32, #tpu.memory_space<vmem>>, vector<16xi32>,
              %bitcast3A_433 = vector.bitcast %get3A_432 : vector<16xi32> to vector<32xbf16>
              %get3A_434 = arith.index_cast %select_n3A_389 : i32 to index
              %get3A_435 = arith.index_cast %while3A_407 : i32 to index
              %get3A_436 = arith.constant 16 : index
              %get3A_437 = tpu.vector_load %arg9[%get3A_434, %get3A_435, %get3A_436] {strides = array<i32>} : memref<6x64x128xi32, #tpu.memory_space<vmem>>, vector<16xi32>,
              %bitcast3A_438 = vector.bitcast %get3A_437 : vector<16xi32> to vector<32xbf16>
              %max3A_439 = arith.maximumf %bitcast3A_433, %bitcast3A_438 : vector<32xbf16>
              %bitcast3A_440 = vector.bitcast %max3A_439 : vector<32xbf16> to vector<16xi32>
              %add3A_441 = arith.constant 16 : i32
              %add3A_442 = arith.addi %mul3A_414, %add3A_441 : i32
              %swap3A_443 = arith.index_cast %add3A_442 : i32 to index
              %swap3A_444 = tpu.vector_load %arg8[%swap3A_443] {strides = array<i32>} : memref<40064xi32, #tpu.memory_space<vmem>>, vector<16xi32>,
              tpu.vector_store %arg8[%swap3A_443], %bitcast3A_440 {strides = array<i32>} : memref<40064xi32, #tpu.memory_space<vmem>>, vector<16xi32>,
              %add3A_445 = arith.constant 32 : i32
              %add3A_446 = arith.addi %mul3A_414, %add3A_445 : i32
              %get3A_447 = arith.index_cast %add3A_446 : i32 to index
              %get3A_448 = tpu.vector_load %arg8[%get3A_447] {strides = array<i32>} : memref<40064xi32, #tpu.memory_space<vmem>>, vector<16xi32>,
              %bitcast3A_449 = vector.bitcast %get3A_448 : vector<16xi32> to vector<32xbf16>
              %get3A_450 = arith.index_cast %select_n3A_389 : i32 to index
              %get3A_451 = arith.index_cast %while3A_407 : i32 to index
              %get3A_452 = arith.constant 32 : index
              %get3A_453 = tpu.vector_load %arg9[%get3A_450, %get3A_451, %get3A_452] {strides = array<i32>} : memref<6x64x128xi32, #tpu.memory_space<vmem>>, vector<16xi32>,
              %bitcast3A_454 = vector.bitcast %get3A_453 : vector<16xi32> to vector<32xbf16>
              %max3A_455 = arith.maximumf %bitcast3A_449, %bitcast3A_454 : vector<32xbf16>
              %bitcast3A_456 = vector.bitcast %max3A_455 : vector<32xbf16> to vector<16xi32>
              %add3A_457 = arith.constant 32 : i32
              %add3A_458 = arith.addi %mul3A_414, %add3A_457 : i32
              %swap3A_459 = arith.index_cast %add3A_458 : i32 to index
              %swap3A_460 = tpu.vector_load %arg8[%swap3A_459] {strides = array<i32>} : memref<40064xi32, #tpu.memory_space<vmem>>, vector<16xi32>,
              tpu.vector_store %arg8[%swap3A_459], %bitcast3A_456 {strides = array<i32>} : memref<40064xi32, #tpu.memory_space<vmem>>, vector<16xi32>,
              %add3A_461 = arith.constant 48 : i32
              %add3A_462 = arith.addi %mul3A_414, %add3A_461 : i32
              %get3A_463 = arith.index_cast %add3A_462 : i32 to index
              %get3A_464 = tpu.vector_load %arg8[%get3A_463] {strides = array<i32>} : memref<40064xi32, #tpu.memory_space<vmem>>, vector<16xi32>,
              %bitcast3A_465 = vector.bitcast %get3A_464 : vector<16xi32> to vector<32xbf16>
              %get3A_466 = arith.index_cast %select_n3A_389 : i32 to index
              %get3A_467 = arith.index_cast %while3A_407 : i32 to index
              %get3A_468 = arith.constant 48 : index
              %get3A_469 = tpu.vector_load %arg9[%get3A_466, %get3A_467, %get3A_468] {strides = array<i32>} : memref<6x64x128xi32, #tpu.memory_space<vmem>>, vector<16xi32>,
              %bitcast3A_470 = vector.bitcast %get3A_469 : vector<16xi32> to vector<32xbf16>
              %max3A_471 = arith.maximumf %bitcast3A_465, %bitcast3A_470 : vector<32xbf16>
              %bitcast3A_472 = vector.bitcast %max3A_471 : vector<32xbf16> to vector<16xi32>
              %add3A_473 = arith.constant 48 : i32
              %add3A_474 = arith.addi %mul3A_414, %add3A_473 : i32
              %swap3A_475 = arith.index_cast %add3A_474 : i32 to index
              %swap3A_476 = tpu.vector_load %arg8[%swap3A_475] {strides = array<i32>} : memref<40064xi32, #tpu.memory_space<vmem>>, vector<16xi32>,
              tpu.vector_store %arg8[%swap3A_475], %bitcast3A_472 {strides = array<i32>} : memref<40064xi32, #tpu.memory_space<vmem>>, vector<16xi32>,
              %add3A_477 = arith.constant 64 : i32
              %add3A_478 = arith.addi %mul3A_414, %add3A_477 : i32
              %get3A_479 = arith.index_cast %add3A_478 : i32 to index
              %get3A_480 = tpu.vector_load %arg8[%get3A_479] {strides = array<i32>} : memref<40064xi32, #tpu.memory_space<vmem>>, vector<16xi32>,
              %bitcast3A_481 = vector.bitcast %get3A_480 : vector<16xi32> to vector<32xbf16>
              %get3A_482 = arith.index_cast %select_n3A_389 : i32 to index
              %get3A_483 = arith.index_cast %while3A_407 : i32 to index
              %get3A_484 = arith.constant 64 : index
              %get3A_485 = tpu.vector_load %arg9[%get3A_482, %get3A_483, %get3A_484] {strides = array<i32>} : memref<6x64x128xi32, #tpu.memory_space<vmem>>, vector<16xi32>,
              %bitcast3A_486 = vector.bitcast %get3A_485 : vector<16xi32> to vector<32xbf16>
              %max3A_487 = arith.maximumf %bitcast3A_481, %bitcast3A_486 : vector<32xbf16>
              %bitcast3A_488 = vector.bitcast %max3A_487 : vector<32xbf16> to vector<16xi32>
              %add3A_489 = arith.constant 64 : i32
              %add3A_490 = arith.addi %mul3A_414, %add3A_489 : i32
              %swap3A_491 = arith.index_cast %add3A_490 : i32 to index
              %swap3A_492 = tpu.vector_load %arg8[%swap3A_491] {strides = array<i32>} : memref<40064xi32, #tpu.memory_space<vmem>>, vector<16xi32>,
              tpu.vector_store %arg8[%swap3A_491], %bitcast3A_488 {strides = array<i32>} : memref<40064xi32, #tpu.memory_space<vmem>>, vector<16xi32>,
              %add3A_493 = arith.constant 80 : i32
              %add3A_494 = arith.addi %mul3A_414, %add3A_493 : i32
              %get3A_495 = arith.index_cast %add3A_494 : i32 to index
              %get3A_496 = tpu.vector_load %arg8[%get3A_495] {strides = array<i32>} : memref<40064xi32, #tpu.memory_space<vmem>>, vector<16xi32>,
              %bitcast3A_497 = vector.bitcast %get3A_496 : vector<16xi32> to vector<32xbf16>
              %get3A_498 = arith.index_cast %select_n3A_389 : i32 to index
              %get3A_499 = arith.index_cast %while3A_407 : i32 to index
              %get3A_500 = arith.constant 80 : index
              %get3A_501 = tpu.vector_load %arg9[%get3A_498, %get3A_499, %get3A_500] {strides = array<i32>} : memref<6x64x128xi32, #tpu.memory_space<vmem>>, vector<16xi32>,
              %bitcast3A_502 = vector.bitcast %get3A_501 : vector<16xi32> to vector<32xbf16>
              %max3A_503 = arith.maximumf %bitcast3A_497, %bitcast3A_502 : vector<32xbf16>
              %bitcast3A_504 = vector.bitcast %max3A_503 : vector<32xbf16> to vector<16xi32>
              %add3A_505 = arith.constant 80 : i32
              %add3A_506 = arith.addi %mul3A_414, %add3A_505 : i32
              %swap3A_507 = arith.index_cast %add3A_506 : i32 to index
              %swap3A_508 = tpu.vector_load %arg8[%swap3A_507] {strides = array<i32>} : memref<40064xi32, #tpu.memory_space<vmem>>, vector<16xi32>,
              tpu.vector_store %arg8[%swap3A_507], %bitcast3A_504 {strides = array<i32>} : memref<40064xi32, #tpu.memory_space<vmem>>, vector<16xi32>,
              %add3A_509 = arith.constant 96 : i32
              %add3A_510 = arith.addi %mul3A_414, %add3A_509 : i32
              %get3A_511 = arith.index_cast %add3A_510 : i32 to index
              %get3A_512 = tpu.vector_load %arg8[%get3A_511] {strides = array<i32>} : memref<40064xi32, #tpu.memory_space<vmem>>, vector<16xi32>,
              %bitcast3A_513 = vector.bitcast %get3A_512 : vector<16xi32> to vector<32xbf16>
              %get3A_514 = arith.index_cast %select_n3A_389 : i32 to index
              %get3A_515 = arith.index_cast %while3A_407 : i32 to index
              %get3A_516 = arith.constant 96 : index
              %get3A_517 = tpu.vector_load %arg9[%get3A_514, %get3A_515, %get3A_516] {strides = array<i32>} : memref<6x64x128xi32, #tpu.memory_space<vmem>>, vector<16xi32>,
              %bitcast3A_518 = vector.bitcast %get3A_517 : vector<16xi32> to vector<32xbf16>
              %max3A_519 = arith.maximumf %bitcast3A_513, %bitcast3A_518 : vector<32xbf16>
              %bitcast3A_520 = vector.bitcast %max3A_519 : vector<32xbf16> to vector<16xi32>
              %add3A_521 = arith.constant 96 : i32
              %add3A_522 = arith.addi %mul3A_414, %add3A_521 : i32
              %swap3A_523 = arith.index_cast %add3A_522 : i32 to index
              %swap3A_524 = tpu.vector_load %arg8[%swap3A_523] {strides = array<i32>} : memref<40064xi32, #tpu.memory_space<vmem>>, vector<16xi32>,
              tpu.vector_store %arg8[%swap3A_523], %bitcast3A_520 {strides = array<i32>} : memref<40064xi32, #tpu.memory_space<vmem>>, vector<16xi32>,
              %add3A_525 = arith.constant 112 : i32
              %add3A_526 = arith.addi %mul3A_414, %add3A_525 : i32
              %get3A_527 = arith.index_cast %add3A_526 : i32 to index
              %get3A_528 = tpu.vector_load %arg8[%get3A_527] {strides = array<i32>} : memref<40064xi32, #tpu.memory_space<vmem>>, vector<16xi32>,
              %bitcast3A_529 = vector.bitcast %get3A_528 : vector<16xi32> to vector<32xbf16>
              %get3A_530 = arith.index_cast %select_n3A_389 : i32 to index
              %get3A_531 = arith.index_cast %while3A_407 : i32 to index
              %get3A_532 = arith.constant 112 : index
              %get3A_533 = tpu.vector_load %arg9[%get3A_530, %get3A_531, %get3A_532] {strides = array<i32>} : memref<6x64x128xi32, #tpu.memory_space<vmem>>, vector<16xi32>,
              %bitcast3A_534 = vector.bitcast %get3A_533 : vector<16xi32> to vector<32xbf16>
              %max3A_535 = arith.maximumf %bitcast3A_529, %bitcast3A_534 : vector<32xbf16>
              %bitcast3A_536 = vector.bitcast %max3A_535 : vector<32xbf16> to vector<16xi32>
              %add3A_537 = arith.constant 112 : i32
              %add3A_538 = arith.addi %mul3A_414, %add3A_537 : i32
              %swap3A_539 = arith.index_cast %add3A_538 : i32 to index
              %swap3A_540 = tpu.vector_load %arg8[%swap3A_539] {strides = array<i32>} : memref<40064xi32, #tpu.memory_space<vmem>>, vector<16xi32>,
              tpu.vector_store %arg8[%swap3A_539], %bitcast3A_536 {strides = array<i32>} : memref<40064xi32, #tpu.memory_space<vmem>>, vector<16xi32>,
              %while3A_541 = arith.constant 0 : i32
              scf.yield %while3A_541 : i32
            }
            %while3A_406 = arith.constant 0 : i32
            scf.yield %while3A_406 : i32
          }
        } else {
        }
      } else {
      }
      %ge3A_145 = arith.constant 832 : i32
      %ge3A_146 = arith.cmpi sge, %scan3A_139, %ge3A_145 : i32
      %jit3A_147 = arith.constant 0 : i32
      %select_n3A_148 = arith.select %ge3A_146, %jit3A_147, %scan3A_139 : i32
      scf.yield %select_n3A_148 : i32
    }
    %scan3A_30 = arith.constant 50 : i32
    %broadcast_in_dim3A_31 = arith.constant 0 : i32
    %broadcast_in_dim3A_32 = vector.broadcast %broadcast_in_dim3A_31 : i32 to vector<16xi32>
    %add3A_33 = arith.constant 0 : i32
    %add3A_34 = arith.addi %scan3A_29, %add3A_33 : i32
    %swap3A = arith.index_cast %add3A_34 : i32 to index
    %swap3A_35 = tpu.vector_load %arg6[%swap3A] {strides = array<i32>} : memref<4096xi32, #tpu.memory_space<vmem>>, vector<16xi32>,
    tpu.vector_store %arg6[%swap3A], %broadcast_in_dim3A_32 {strides = array<i32>} : memref<4096xi32, #tpu.memory_space<vmem>>, vector<16xi32>,
    %add3A_36 = arith.constant 16 : i32
    %add3A_37 = arith.addi %scan3A_29, %add3A_36 : i32
    %swap3A_38 = arith.index_cast %add3A_37 : i32 to index
    %swap3A_39 = tpu.vector_load %arg6[%swap3A_38] {strides = array<i32>} : memref<4096xi32, #tpu.memory_space<vmem>>, vector<16xi32>,
    tpu.vector_store %arg6[%swap3A_38], %broadcast_in_dim3A_32 {strides = array<i32>} : memref<4096xi32, #tpu.memory_space<vmem>>, vector<16xi32>,
    %add3A_40 = arith.constant 32 : i32
    %add3A_41 = arith.addi %scan3A_29, %add3A_40 : i32
    %swap3A_42 = arith.index_cast %add3A_41 : i32 to index
    %swap3A_43 = tpu.vector_load %arg6[%swap3A_42] {strides = array<i32>} : memref<4096xi32, #tpu.memory_space<vmem>>, vector<16xi32>,
    tpu.vector_store %arg6[%swap3A_42], %broadcast_in_dim3A_32 {strides = array<i32>} : memref<4096xi32, #tpu.memory_space<vmem>>, vector<16xi32>,
    %add3A_44 = arith.constant 48 : i32
    %add3A_45 = arith.addi %scan3A_29, %add3A_44 : i32
    %swap3A_46 = arith.index_cast %add3A_45 : i32 to index
    %swap3A_47 = tpu.vector_load %arg6[%swap3A_46] {strides = array<i32>} : memref<4096xi32, #tpu.memory_space<vmem>>, vector<16xi32>,
    tpu.vector_store %arg6[%swap3A_46], %broadcast_in_dim3A_32 {strides = array<i32>} : memref<4096xi32, #tpu.memory_space<vmem>>, vector<16xi32>,
    %add3A_48 = arith.constant 63 : i32
    %add3A_49 = arith.addi %scan3A_29, %add3A_48 : i32
    %jit3A = arith.constant 64 : i32
    %div3A = arith.divsi %add3A_49, %jit3A : i32
    %sign3A = arith.constant 0 : i32
    %sign3A_50 = arith.cmpi sgt, %add3A_49, %sign3A : i32
    %sign3A_51 = arith.extui %sign3A_50 : i1 to i32
    %sign3A_52 = arith.constant 0 : i32
    %sign3A_53 = arith.cmpi slt, %add3A_49, %sign3A_52 : i32
    %sign3A_54 = arith.extui %sign3A_53 : i1 to i32
    %sign3A_55 = arith.subi %sign3A_51, %sign3A_54 : i32
    %sign3A_56 = arith.constant 0 : i32
    %sign3A_57 = arith.cmpi sgt, %jit3A, %sign3A_56 : i32
    %sign3A_58 = arith.extui %sign3A_57 : i1 to i32
    %sign3A_59 = arith.constant 0 : i32
    %sign3A_60 = arith.cmpi slt, %jit3A, %sign3A_59 : i32
    %sign3A_61 = arith.extui %sign3A_60 : i1 to i32
    %sign3A_62 = arith.subi %sign3A_58, %sign3A_61 : i32
    %ne3A = arith.cmpi ne, %sign3A_55, %sign3A_62 : i32
    %rem3A = arith.remsi %add3A_49, %jit3A : i32
    %ne3A_63 = arith.constant 0 : i32
    %ne3A_64 = arith.cmpi ne, %rem3A, %ne3A_63 : i32
    %and3A = arith.andi %ne3A, %ne3A_64 : i1
    %sub3A = arith.constant 1 : i32
    %sub3A_65 = arith.subi %div3A, %sub3A : i32
    %select_n3A = arith.select %and3A, %sub3A_65, %div3A : i32
    %gt3A = arith.constant 0 : i32
    %gt3A_66 = arith.cmpi sgt, %select_n3A, %gt3A : i32
    %convert_element_type3A = arith.extui %gt3A_66 : i1 to i32
    %cond3A = arith.constant 0 : i32
    %cond3A_67 = arith.cmpi ne, %convert_element_type3A, %cond3A : i32
    scf.if %cond3A_67 {
      %gt3A_70 = arith.constant 0 : i32
      %gt3A_71 = arith.cmpi sgt, %select_n3A, %gt3A_70 : i32
      %convert_element_type3A_72 = arith.extui %gt3A_71 : i1 to i32
      %cond3A_73 = arith.constant 0 : i32
      %cond3A_74 = arith.cmpi ne, %convert_element_type3A_72, %cond3A_73 : i32
      scf.if %cond3A_74 {
        %get3A = arith.constant 0 : index
        %get3A_106 = tpu.vector_load %arg6[%get3A] {strides = array<i32>} : memref<4096xi32, #tpu.memory_space<vmem>>, vector<16xi32>,
        %shift_right_arithmetic3A = arith.constant 9 : i32
        %shift_right_arithmetic3A_107 = vector.broadcast %shift_right_arithmetic3A : i32 to vector<16xi32>
        %shift_right_arithmetic3A_108 = arith.shrsi %get3A_106, %shift_right_arithmetic3A_107 : vector<16xi32>
        %swap3A_109 = arith.constant 0 : i32
        %swap3A_110 = arith.index_cast %swap3A_109 : i32 to index
        %swap3A_111 = arith.constant 0 : index
        %swap3A_112 = tpu.vector_load %arg7[%swap3A_110, %swap3A_111] {strides = array<i32>} : memref<6x64xi32, #tpu.memory_space<vmem>>, vector<16xi32>,
        tpu.vector_store %arg7[%swap3A_110, %swap3A_111], %shift_right_arithmetic3A_108 {strides = array<i32>} : memref<6x64xi32, #tpu.memory_space<vmem>>, vector<16xi32>,
        %get3A_113 = arith.constant 16 : index
        %get3A_114 = tpu.vector_load %arg6[%get3A_113] {strides = array<i32>} : memref<4096xi32, #tpu.memory_space<vmem>>, vector<16xi32>,
        %shift_right_arithmetic3A_115 = arith.constant 9 : i32
        %shift_right_arithmetic3A_116 = vector.broadcast %shift_right_arithmetic3A_115 : i32 to vector<16xi32>
        %shift_right_arithmetic3A_117 = arith.shrsi %get3A_114, %shift_right_arithmetic3A_116 : vector<16xi32>
        %swap3A_118 = arith.constant 0 : i32
        %swap3A_119 = arith.index_cast %swap3A_118 : i32 to index
        %swap3A_120 = arith.constant 16 : index
        %swap3A_121 = tpu.vector_load %arg7[%swap3A_119, %swap3A_120] {strides = array<i32>} : memref<6x64xi32, #tpu.memory_space<vmem>>, vector<16xi32>,
        tpu.vector_store %arg7[%swap3A_119, %swap3A_120], %shift_right_arithmetic3A_117 {strides = array<i32>} : memref<6x64xi32, #tpu.memory_space<vmem>>, vector<16xi32>,
        %get3A_122 = arith.constant 32 : index
        %get3A_123 = tpu.vector_load %arg6[%get3A_122] {strides = array<i32>} : memref<4096xi32, #tpu.memory_space<vmem>>, vector<16xi32>,
        %shift_right_arithmetic3A_124 = arith.constant 9 : i32
        %shift_right_arithmetic3A_125 = vector.broadcast %shift_right_arithmetic3A_124 : i32 to vector<16xi32>
        %shift_right_arithmetic3A_126 = arith.shrsi %get3A_123, %shift_right_arithmetic3A_125 : vector<16xi32>
        %swap3A_127 = arith.constant 0 : i32
        %swap3A_128 = arith.index_cast %swap3A_127 : i32 to index
        %swap3A_129 = arith.constant 32 : index
        %swap3A_130 = tpu.vector_load %arg7[%swap3A_128, %swap3A_129] {strides = array<i32>} : memref<6x64xi32, #tpu.memory_space<vmem>>, vector<16xi32>,
        tpu.vector_store %arg7[%swap3A_128, %swap3A_129], %shift_right_arithmetic3A_126 {strides = array<i32>} : memref<6x64xi32, #tpu.memory_space<vmem>>, vector<16xi32>,
        %get3A_131 = arith.constant 48 : index
        %get3A_132 = tpu.vector_load %arg6[%get3A_131] {strides = array<i32>} : memref<4096xi32, #tpu.memory_space<vmem>>, vector<16xi32>,
        %shift_right_arithmetic3A_133 = arith.constant 9 : i32
        %shift_right_arithmetic3A_134 = vector.broadcast %shift_right_arithmetic3A_133 : i32 to vector<16xi32>
        %shift_right_arithmetic3A_135 = arith.shrsi %get3A_132, %shift_right_arithmetic3A_134 : vector<16xi32>
        %swap3A_136 = arith.constant 0 : i32
        %swap3A_137 = arith.index_cast %swap3A_136 : i32 to index
        %swap3A_138 = arith.constant 48 : index
        %swap3A_139 = tpu.vector_load %arg7[%swap3A_137, %swap3A_138] {strides = array<i32>} : memref<6x64xi32, #tpu.memory_space<vmem>>, vector<16xi32>,
        tpu.vector_store %arg7[%swap3A_137, %swap3A_138], %shift_right_arithmetic3A_135 {strides = array<i32>} : memref<6x64xi32, #tpu.memory_space<vmem>>, vector<16xi32>,
        %dma_start3A_140 = arith.constant 0 : i32
        %dma_start3A_141 = arith.constant 0 : i32
        %dma_start3A_142 = arith.constant 0 : i32
        %dma_start3A_143 = arith.constant 0 : i32
        %dma_start3A_144 = tpu.memref_slice %arg9[%dma_start3A_141, %dma_start3A_142, %dma_start3A_143] : memref<6x64x128xi32, #tpu.memory_space<vmem>> -> memref<1x64x128xi32, #tpu.memory_space<vmem>>
        %dma_start3A_145 = tpu.memref_squeeze %dma_start3A_144 : memref<1x64x128xi32, #tpu.memory_space<vmem>> -> memref<64x128xi32, #tpu.memory_space<vmem>>
        %dma_start3A_146 = arith.constant 0 : i32
        %dma_start3A_147 = tpu.memref_slice %arg7[%dma_start3A_140, %dma_start3A_146] : memref<6x64xi32, #tpu.memory_space<vmem>> -> memref<1x64xi32, #tpu.memory_space<vmem>>
        %dma_start3A_148 = tpu.memref_squeeze %dma_start3A_147 : memref<1x64xi32, #tpu.memory_space<vmem>> -> memref<64xi32, #tpu.memory_space<vmem>>
        %dma_start3A_149 = arith.constant 0 : i32
        %dma_start3A_150 = arith.constant 0 : i32
        %dma_start3A_151 = tpu.memref_slice %arg2[%dma_start3A_149, %dma_start3A_150] : memref<80000x128xi32, #tpu.memory_space<hbm>> -> memref<80000x128xi32, #tpu.memory_space<hbm>>
        tpu.enqueue_indirect_dma source(%dma_start3A_151 : memref<80000x128xi32, #tpu.memory_space<hbm>>) target(%dma_start3A_145 : memref<64x128xi32, #tpu.memory_space<vmem>>) offsets(%dma_start3A_148 : memref<64xi32, #tpu.memory_space<vmem>>) semaphore(%arg10 : memref<!tpu.dma_semaphore, #tpu.memory_space<semaphore_mem>>)
      } else {
      }
      %gt3A_75 = arith.constant 1 : i32
      %gt3A_76 = arith.cmpi sgt, %select_n3A, %gt3A_75 : i32
      %convert_element_type3A_77 = arith.extui %gt3A_76 : i1 to i32
      %cond3A_78 = arith.constant 0 : i32
      %cond3A_79 = arith.cmpi ne, %convert_element_type3A_77, %cond3A_78 : i32
      scf.if %cond3A_79 {
        %get3A = arith.constant 64 : index
        %get3A_106 = tpu.vector_load %arg6[%get3A] {strides = array<i32>} : memref<4096xi32, #tpu.memory_space<vmem>>, vector<16xi32>,
        %shift_right_arithmetic3A = arith.constant 9 : i32
        %shift_right_arithmetic3A_107 = vector.broadcast %shift_right_arithmetic3A : i32 to vector<16xi32>
        %shift_right_arithmetic3A_108 = arith.shrsi %get3A_106, %shift_right_arithmetic3A_107 : vector<16xi32>
        %swap3A_109 = arith.constant 1 : i32
        %swap3A_110 = arith.index_cast %swap3A_109 : i32 to index
        %swap3A_111 = arith.constant 0 : index
        %swap3A_112 = tpu.vector_load %arg7[%swap3A_110, %swap3A_111] {strides = array<i32>} : memref<6x64xi32, #tpu.memory_space<vmem>>, vector<16xi32>,
        tpu.vector_store %arg7[%swap3A_110, %swap3A_111], %shift_right_arithmetic3A_108 {strides = array<i32>} : memref<6x64xi32, #tpu.memory_space<vmem>>, vector<16xi32>,
        %get3A_113 = arith.constant 80 : index
        %get3A_114 = tpu.vector_load %arg6[%get3A_113] {strides = array<i32>} : memref<4096xi32, #tpu.memory_space<vmem>>, vector<16xi32>,
        %shift_right_arithmetic3A_115 = arith.constant 9 : i32
        %shift_right_arithmetic3A_116 = vector.broadcast %shift_right_arithmetic3A_115 : i32 to vector<16xi32>
        %shift_right_arithmetic3A_117 = arith.shrsi %get3A_114, %shift_right_arithmetic3A_116 : vector<16xi32>
        %swap3A_118 = arith.constant 1 : i32
        %swap3A_119 = arith.index_cast %swap3A_118 : i32 to index
        %swap3A_120 = arith.constant 16 : index
        %swap3A_121 = tpu.vector_load %arg7[%swap3A_119, %swap3A_120] {strides = array<i32>} : memref<6x64xi32, #tpu.memory_space<vmem>>, vector<16xi32>,
        tpu.vector_store %arg7[%swap3A_119, %swap3A_120], %shift_right_arithmetic3A_117 {strides = array<i32>} : memref<6x64xi32, #tpu.memory_space<vmem>>, vector<16xi32>,
        %get3A_122 = arith.constant 96 : index
        %get3A_123 = tpu.vector_load %arg6[%get3A_122] {strides = array<i32>} : memref<4096xi32, #tpu.memory_space<vmem>>, vector<16xi32>,
        %shift_right_arithmetic3A_124 = arith.constant 9 : i32
        %shift_right_arithmetic3A_125 = vector.broadcast %shift_right_arithmetic3A_124 : i32 to vector<16xi32>
        %shift_right_arithmetic3A_126 = arith.shrsi %get3A_123, %shift_right_arithmetic3A_125 : vector<16xi32>
        %swap3A_127 = arith.constant 1 : i32
        %swap3A_128 = arith.index_cast %swap3A_127 : i32 to index
        %swap3A_129 = arith.constant 32 : index
        %swap3A_130 = tpu.vector_load %arg7[%swap3A_128, %swap3A_129] {strides = array<i32>} : memref<6x64xi32, #tpu.memory_space<vmem>>, vector<16xi32>,
        tpu.vector_store %arg7[%swap3A_128, %swap3A_129], %shift_right_arithmetic3A_126 {strides = array<i32>} : memref<6x64xi32, #tpu.memory_space<vmem>>, vector<16xi32>,
        %get3A_131 = arith.constant 112 : index
        %get3A_132 = tpu.vector_load %arg6[%get3A_131] {strides = array<i32>} : memref<4096xi32, #tpu.memory_space<vmem>>, vector<16xi32>,
        %shift_right_arithmetic3A_133 = arith.constant 9 : i32
        %shift_right_arithmetic3A_134 = vector.broadcast %shift_right_arithmetic3A_133 : i32 to vector<16xi32>
        %shift_right_arithmetic3A_135 = arith.shrsi %get3A_132, %shift_right_arithmetic3A_134 : vector<16xi32>
        %swap3A_136 = arith.constant 1 : i32
        %swap3A_137 = arith.index_cast %swap3A_136 : i32 to index
        %swap3A_138 = arith.constant 48 : index
        %swap3A_139 = tpu.vector_load %arg7[%swap3A_137, %swap3A_138] {strides = array<i32>} : memref<6x64xi32, #tpu.memory_space<vmem>>, vector<16xi32>,
        tpu.vector_store %arg7[%swap3A_137, %swap3A_138], %shift_right_arithmetic3A_135 {strides = array<i32>} : memref<6x64xi32, #tpu.memory_space<vmem>>, vector<16xi32>,
        %dma_start3A_140 = arith.constant 1 : i32
        %dma_start3A_141 = arith.constant 1 : i32
        %dma_start3A_142 = arith.constant 0 : i32
        %dma_start3A_143 = arith.constant 0 : i32
        %dma_start3A_144 = tpu.memref_slice %arg9[%dma_start3A_141, %dma_start3A_142, %dma_start3A_143] : memref<6x64x128xi32, #tpu.memory_space<vmem>> -> memref<1x64x128xi32, #tpu.memory_space<vmem>>
        %dma_start3A_145 = tpu.memref_squeeze %dma_start3A_144 : memref<1x64x128xi32, #tpu.memory_space<vmem>> -> memref<64x128xi32, #tpu.memory_space<vmem>>
        %dma_start3A_146 = arith.constant 0 : i32
        %dma_start3A_147 = tpu.memref_slice %arg7[%dma_start3A_140, %dma_start3A_146] : memref<6x64xi32, #tpu.memory_space<vmem>> -> memref<1x64xi32, #tpu.memory_space<vmem>>
        %dma_start3A_148 = tpu.memref_squeeze %dma_start3A_147 : memref<1x64xi32, #tpu.memory_space<vmem>> -> memref<64xi32, #tpu.memory_space<vmem>>
        %dma_start3A_149 = arith.constant 0 : i32
        %dma_start3A_150 = arith.constant 0 : i32
        %dma_start3A_151 = tpu.memref_slice %arg2[%dma_start3A_149, %dma_start3A_150] : memref<80000x128xi32, #tpu.memory_space<hbm>> -> memref<80000x128xi32, #tpu.memory_space<hbm>>
        tpu.enqueue_indirect_dma source(%dma_start3A_151 : memref<80000x128xi32, #tpu.memory_space<hbm>>) target(%dma_start3A_145 : memref<64x128xi32, #tpu.memory_space<vmem>>) offsets(%dma_start3A_148 : memref<64xi32, #tpu.memory_space<vmem>>) semaphore(%arg11 : memref<!tpu.dma_semaphore, #tpu.memory_space<semaphore_mem>>)
      } else {
      }
      %gt3A_80 = arith.constant 2 : i32
      %gt3A_81 = arith.cmpi sgt, %select_n3A, %gt3A_80 : i32
      %convert_element_type3A_82 = arith.extui %gt3A_81 : i1 to i32
      %cond3A_83 = arith.constant 0 : i32
      %cond3A_84 = arith.cmpi ne, %convert_element_type3A_82, %cond3A_83 : i32
      scf.if %cond3A_84 {
        %get3A = arith.constant 128 : index
        %get3A_106 = tpu.vector_load %arg6[%get3A] {strides = array<i32>} : memref<4096xi32, #tpu.memory_space<vmem>>, vector<16xi32>,
        %shift_right_arithmetic3A = arith.constant 9 : i32
        %shift_right_arithmetic3A_107 = vector.broadcast %shift_right_arithmetic3A : i32 to vector<16xi32>
        %shift_right_arithmetic3A_108 = arith.shrsi %get3A_106, %shift_right_arithmetic3A_107 : vector<16xi32>
        %swap3A_109 = arith.constant 2 : i32
        %swap3A_110 = arith.index_cast %swap3A_109 : i32 to index
        %swap3A_111 = arith.constant 0 : index
        %swap3A_112 = tpu.vector_load %arg7[%swap3A_110, %swap3A_111] {strides = array<i32>} : memref<6x64xi32, #tpu.memory_space<vmem>>, vector<16xi32>,
        tpu.vector_store %arg7[%swap3A_110, %swap3A_111], %shift_right_arithmetic3A_108 {strides = array<i32>} : memref<6x64xi32, #tpu.memory_space<vmem>>, vector<16xi32>,
        %get3A_113 = arith.constant 144 : index
        %get3A_114 = tpu.vector_load %arg6[%get3A_113] {strides = array<i32>} : memref<4096xi32, #tpu.memory_space<vmem>>, vector<16xi32>,
        %shift_right_arithmetic3A_115 = arith.constant 9 : i32
        %shift_right_arithmetic3A_116 = vector.broadcast %shift_right_arithmetic3A_115 : i32 to vector<16xi32>
        %shift_right_arithmetic3A_117 = arith.shrsi %get3A_114, %shift_right_arithmetic3A_116 : vector<16xi32>
        %swap3A_118 = arith.constant 2 : i32
        %swap3A_119 = arith.index_cast %swap3A_118 : i32 to index
        %swap3A_120 = arith.constant 16 : index
        %swap3A_121 = tpu.vector_load %arg7[%swap3A_119, %swap3A_120] {strides = array<i32>} : memref<6x64xi32, #tpu.memory_space<vmem>>, vector<16xi32>,
        tpu.vector_store %arg7[%swap3A_119, %swap3A_120], %shift_right_arithmetic3A_117 {strides = array<i32>} : memref<6x64xi32, #tpu.memory_space<vmem>>, vector<16xi32>,
        %get3A_122 = arith.constant 160 : index
        %get3A_123 = tpu.vector_load %arg6[%get3A_122] {strides = array<i32>} : memref<4096xi32, #tpu.memory_space<vmem>>, vector<16xi32>,
        %shift_right_arithmetic3A_124 = arith.constant 9 : i32
        %shift_right_arithmetic3A_125 = vector.broadcast %shift_right_arithmetic3A_124 : i32 to vector<16xi32>
        %shift_right_arithmetic3A_126 = arith.shrsi %get3A_123, %shift_right_arithmetic3A_125 : vector<16xi32>
        %swap3A_127 = arith.constant 2 : i32
        %swap3A_128 = arith.index_cast %swap3A_127 : i32 to index
        %swap3A_129 = arith.constant 32 : index
        %swap3A_130 = tpu.vector_load %arg7[%swap3A_128, %swap3A_129] {strides = array<i32>} : memref<6x64xi32, #tpu.memory_space<vmem>>, vector<16xi32>,
        tpu.vector_store %arg7[%swap3A_128, %swap3A_129], %shift_right_arithmetic3A_126 {strides = array<i32>} : memref<6x64xi32, #tpu.memory_space<vmem>>, vector<16xi32>,
        %get3A_131 = arith.constant 176 : index
        %get3A_132 = tpu.vector_load %arg6[%get3A_131] {strides = array<i32>} : memref<4096xi32, #tpu.memory_space<vmem>>, vector<16xi32>,
        %shift_right_arithmetic3A_133 = arith.constant 9 : i32
        %shift_right_arithmetic3A_134 = vector.broadcast %shift_right_arithmetic3A_133 : i32 to vector<16xi32>
        %shift_right_arithmetic3A_135 = arith.shrsi %get3A_132, %shift_right_arithmetic3A_134 : vector<16xi32>
        %swap3A_136 = arith.constant 2 : i32
        %swap3A_137 = arith.index_cast %swap3A_136 : i32 to index
        %swap3A_138 = arith.constant 48 : index
        %swap3A_139 = tpu.vector_load %arg7[%swap3A_137, %swap3A_138] {strides = array<i32>} : memref<6x64xi32, #tpu.memory_space<vmem>>, vector<16xi32>,
        tpu.vector_store %arg7[%swap3A_137, %swap3A_138], %shift_right_arithmetic3A_135 {strides = array<i32>} : memref<6x64xi32, #tpu.memory_space<vmem>>, vector<16xi32>,
        %dma_start3A_140 = arith.constant 2 : i32
        %dma_start3A_141 = arith.constant 2 : i32
        %dma_start3A_142 = arith.constant 0 : i32
        %dma_start3A_143 = arith.constant 0 : i32
        %dma_start3A_144 = tpu.memref_slice %arg9[%dma_start3A_141, %dma_start3A_142, %dma_start3A_143] : memref<6x64x128xi32, #tpu.memory_space<vmem>> -> memref<1x64x128xi32, #tpu.memory_space<vmem>>
        %dma_start3A_145 = tpu.memref_squeeze %dma_start3A_144 : memref<1x64x128xi32, #tpu.memory_space<vmem>> -> memref<64x128xi32, #tpu.memory_space<vmem>>
        %dma_start3A_146 = arith.constant 0 : i32
        %dma_start3A_147 = tpu.memref_slice %arg7[%dma_start3A_140, %dma_start3A_146] : memref<6x64xi32, #tpu.memory_space<vmem>> -> memref<1x64xi32, #tpu.memory_space<vmem>>
        %dma_start3A_148 = tpu.memref_squeeze %dma_start3A_147 : memref<1x64xi32, #tpu.memory_space<vmem>> -> memref<64xi32, #tpu.memory_space<vmem>>
        %dma_start3A_149 = arith.constant 0 : i32
        %dma_start3A_150 = arith.constant 0 : i32
        %dma_start3A_151 = tpu.memref_slice %arg2[%dma_start3A_149, %dma_start3A_150] : memref<80000x128xi32, #tpu.memory_space<hbm>> -> memref<80000x128xi32, #tpu.memory_space<hbm>>
        tpu.enqueue_indirect_dma source(%dma_start3A_151 : memref<80000x128xi32, #tpu.memory_space<hbm>>) target(%dma_start3A_145 : memref<64x128xi32, #tpu.memory_space<vmem>>) offsets(%dma_start3A_148 : memref<64xi32, #tpu.memory_space<vmem>>) semaphore(%arg12 : memref<!tpu.dma_semaphore, #tpu.memory_space<semaphore_mem>>)
      } else {
      }
      %gt3A_85 = arith.constant 3 : i32
      %gt3A_86 = arith.cmpi sgt, %select_n3A, %gt3A_85 : i32
      %convert_element_type3A_87 = arith.extui %gt3A_86 : i1 to i32
      %cond3A_88 = arith.constant 0 : i32
      %cond3A_89 = arith.cmpi ne, %convert_element_type3A_87, %cond3A_88 : i32
      scf.if %cond3A_89 {
        %get3A = arith.constant 192 : index
        %get3A_106 = tpu.vector_load %arg6[%get3A] {strides = array<i32>} : memref<4096xi32, #tpu.memory_space<vmem>>, vector<16xi32>,
        %shift_right_arithmetic3A = arith.constant 9 : i32
        %shift_right_arithmetic3A_107 = vector.broadcast %shift_right_arithmetic3A : i32 to vector<16xi32>
        %shift_right_arithmetic3A_108 = arith.shrsi %get3A_106, %shift_right_arithmetic3A_107 : vector<16xi32>
        %swap3A_109 = arith.constant 3 : i32
        %swap3A_110 = arith.index_cast %swap3A_109 : i32 to index
        %swap3A_111 = arith.constant 0 : index
        %swap3A_112 = tpu.vector_load %arg7[%swap3A_110, %swap3A_111] {strides = array<i32>} : memref<6x64xi32, #tpu.memory_space<vmem>>, vector<16xi32>,
        tpu.vector_store %arg7[%swap3A_110, %swap3A_111], %shift_right_arithmetic3A_108 {strides = array<i32>} : memref<6x64xi32, #tpu.memory_space<vmem>>, vector<16xi32>,
        %get3A_113 = arith.constant 208 : index
        %get3A_114 = tpu.vector_load %arg6[%get3A_113] {strides = array<i32>} : memref<4096xi32, #tpu.memory_space<vmem>>, vector<16xi32>,
        %shift_right_arithmetic3A_115 = arith.constant 9 : i32
        %shift_right_arithmetic3A_116 = vector.broadcast %shift_right_arithmetic3A_115 : i32 to vector<16xi32>
        %shift_right_arithmetic3A_117 = arith.shrsi %get3A_114, %shift_right_arithmetic3A_116 : vector<16xi32>
        %swap3A_118 = arith.constant 3 : i32
        %swap3A_119 = arith.index_cast %swap3A_118 : i32 to index
        %swap3A_120 = arith.constant 16 : index
        %swap3A_121 = tpu.vector_load %arg7[%swap3A_119, %swap3A_120] {strides = array<i32>} : memref<6x64xi32, #tpu.memory_space<vmem>>, vector<16xi32>,
        tpu.vector_store %arg7[%swap3A_119, %swap3A_120], %shift_right_arithmetic3A_117 {strides = array<i32>} : memref<6x64xi32, #tpu.memory_space<vmem>>, vector<16xi32>,
        %get3A_122 = arith.constant 224 : index
        %get3A_123 = tpu.vector_load %arg6[%get3A_122] {strides = array<i32>} : memref<4096xi32, #tpu.memory_space<vmem>>, vector<16xi32>,
        %shift_right_arithmetic3A_124 = arith.constant 9 : i32
        %shift_right_arithmetic3A_125 = vector.broadcast %shift_right_arithmetic3A_124 : i32 to vector<16xi32>
        %shift_right_arithmetic3A_126 = arith.shrsi %get3A_123, %shift_right_arithmetic3A_125 : vector<16xi32>
        %swap3A_127 = arith.constant 3 : i32
        %swap3A_128 = arith.index_cast %swap3A_127 : i32 to index
        %swap3A_129 = arith.constant 32 : index
        %swap3A_130 = tpu.vector_load %arg7[%swap3A_128, %swap3A_129] {strides = array<i32>} : memref<6x64xi32, #tpu.memory_space<vmem>>, vector<16xi32>,
        tpu.vector_store %arg7[%swap3A_128, %swap3A_129], %shift_right_arithmetic3A_126 {strides = array<i32>} : memref<6x64xi32, #tpu.memory_space<vmem>>, vector<16xi32>,
        %get3A_131 = arith.constant 240 : index
        %get3A_132 = tpu.vector_load %arg6[%get3A_131] {strides = array<i32>} : memref<4096xi32, #tpu.memory_space<vmem>>, vector<16xi32>,
        %shift_right_arithmetic3A_133 = arith.constant 9 : i32
        %shift_right_arithmetic3A_134 = vector.broadcast %shift_right_arithmetic3A_133 : i32 to vector<16xi32>
        %shift_right_arithmetic3A_135 = arith.shrsi %get3A_132, %shift_right_arithmetic3A_134 : vector<16xi32>
        %swap3A_136 = arith.constant 3 : i32
        %swap3A_137 = arith.index_cast %swap3A_136 : i32 to index
        %swap3A_138 = arith.constant 48 : index
        %swap3A_139 = tpu.vector_load %arg7[%swap3A_137, %swap3A_138] {strides = array<i32>} : memref<6x64xi32, #tpu.memory_space<vmem>>, vector<16xi32>,
        tpu.vector_store %arg7[%swap3A_137, %swap3A_138], %shift_right_arithmetic3A_135 {strides = array<i32>} : memref<6x64xi32, #tpu.memory_space<vmem>>, vector<16xi32>,
        %dma_start3A_140 = arith.constant 3 : i32
        %dma_start3A_141 = arith.constant 3 : i32
        %dma_start3A_142 = arith.constant 0 : i32
        %dma_start3A_143 = arith.constant 0 : i32
        %dma_start3A_144 = tpu.memref_slice %arg9[%dma_start3A_141, %dma_start3A_142, %dma_start3A_143] : memref<6x64x128xi32, #tpu.memory_space<vmem>> -> memref<1x64x128xi32, #tpu.memory_space<vmem>>
        %dma_start3A_145 = tpu.memref_squeeze %dma_start3A_144 : memref<1x64x128xi32, #tpu.memory_space<vmem>> -> memref<64x128xi32, #tpu.memory_space<vmem>>
        %dma_start3A_146 = arith.constant 0 : i32
        %dma_start3A_147 = tpu.memref_slice %arg7[%dma_start3A_140, %dma_start3A_146] : memref<6x64xi32, #tpu.memory_space<vmem>> -> memref<1x64xi32, #tpu.memory_space<vmem>>
        %dma_start3A_148 = tpu.memref_squeeze %dma_start3A_147 : memref<1x64xi32, #tpu.memory_space<vmem>> -> memref<64xi32, #tpu.memory_space<vmem>>
        %dma_start3A_149 = arith.constant 0 : i32
        %dma_start3A_150 = arith.constant 0 : i32
        %dma_start3A_151 = tpu.memref_slice %arg2[%dma_start3A_149, %dma_start3A_150] : memref<80000x128xi32, #tpu.memory_space<hbm>> -> memref<80000x128xi32, #tpu.memory_space<hbm>>
        tpu.enqueue_indirect_dma source(%dma_start3A_151 : memref<80000x128xi32, #tpu.memory_space<hbm>>) target(%dma_start3A_145 : memref<64x128xi32, #tpu.memory_space<vmem>>) offsets(%dma_start3A_148 : memref<64xi32, #tpu.memory_space<vmem>>) semaphore(%arg13 : memref<!tpu.dma_semaphore, #tpu.memory_space<semaphore_mem>>)
      } else {
      }
      %gt3A_90 = arith.constant 4 : i32
      %gt3A_91 = arith.cmpi sgt, %select_n3A, %gt3A_90 : i32
      %convert_element_type3A_92 = arith.extui %gt3A_91 : i1 to i32
      %cond3A_93 = arith.constant 0 : i32
      %cond3A_94 = arith.cmpi ne, %convert_element_type3A_92, %cond3A_93 : i32
      scf.if %cond3A_94 {
        %get3A = arith.constant 256 : index
        %get3A_106 = tpu.vector_load %arg6[%get3A] {strides = array<i32>} : memref<4096xi32, #tpu.memory_space<vmem>>, vector<16xi32>,
        %shift_right_arithmetic3A = arith.constant 9 : i32
        %shift_right_arithmetic3A_107 = vector.broadcast %shift_right_arithmetic3A : i32 to vector<16xi32>
        %shift_right_arithmetic3A_108 = arith.shrsi %get3A_106, %shift_right_arithmetic3A_107 : vector<16xi32>
        %swap3A_109 = arith.constant 4 : i32
        %swap3A_110 = arith.index_cast %swap3A_109 : i32 to index
        %swap3A_111 = arith.constant 0 : index
        %swap3A_112 = tpu.vector_load %arg7[%swap3A_110, %swap3A_111] {strides = array<i32>} : memref<6x64xi32, #tpu.memory_space<vmem>>, vector<16xi32>,
        tpu.vector_store %arg7[%swap3A_110, %swap3A_111], %shift_right_arithmetic3A_108 {strides = array<i32>} : memref<6x64xi32, #tpu.memory_space<vmem>>, vector<16xi32>,
        %get3A_113 = arith.constant 272 : index
        %get3A_114 = tpu.vector_load %arg6[%get3A_113] {strides = array<i32>} : memref<4096xi32, #tpu.memory_space<vmem>>, vector<16xi32>,
        %shift_right_arithmetic3A_115 = arith.constant 9 : i32
        %shift_right_arithmetic3A_116 = vector.broadcast %shift_right_arithmetic3A_115 : i32 to vector<16xi32>
        %shift_right_arithmetic3A_117 = arith.shrsi %get3A_114, %shift_right_arithmetic3A_116 : vector<16xi32>
        %swap3A_118 = arith.constant 4 : i32
        %swap3A_119 = arith.index_cast %swap3A_118 : i32 to index
        %swap3A_120 = arith.constant 16 : index
        %swap3A_121 = tpu.vector_load %arg7[%swap3A_119, %swap3A_120] {strides = array<i32>} : memref<6x64xi32, #tpu.memory_space<vmem>>, vector<16xi32>,
        tpu.vector_store %arg7[%swap3A_119, %swap3A_120], %shift_right_arithmetic3A_117 {strides = array<i32>} : memref<6x64xi32, #tpu.memory_space<vmem>>, vector<16xi32>,
        %get3A_122 = arith.constant 288 : index
        %get3A_123 = tpu.vector_load %arg6[%get3A_122] {strides = array<i32>} : memref<4096xi32, #tpu.memory_space<vmem>>, vector<16xi32>,
        %shift_right_arithmetic3A_124 = arith.constant 9 : i32
        %shift_right_arithmetic3A_125 = vector.broadcast %shift_right_arithmetic3A_124 : i32 to vector<16xi32>
        %shift_right_arithmetic3A_126 = arith.shrsi %get3A_123, %shift_right_arithmetic3A_125 : vector<16xi32>
        %swap3A_127 = arith.constant 4 : i32
        %swap3A_128 = arith.index_cast %swap3A_127 : i32 to index
        %swap3A_129 = arith.constant 32 : index
        %swap3A_130 = tpu.vector_load %arg7[%swap3A_128, %swap3A_129] {strides = array<i32>} : memref<6x64xi32, #tpu.memory_space<vmem>>, vector<16xi32>,
        tpu.vector_store %arg7[%swap3A_128, %swap3A_129], %shift_right_arithmetic3A_126 {strides = array<i32>} : memref<6x64xi32, #tpu.memory_space<vmem>>, vector<16xi32>,
        %get3A_131 = arith.constant 304 : index
        %get3A_132 = tpu.vector_load %arg6[%get3A_131] {strides = array<i32>} : memref<4096xi32, #tpu.memory_space<vmem>>, vector<16xi32>,
        %shift_right_arithmetic3A_133 = arith.constant 9 : i32
        %shift_right_arithmetic3A_134 = vector.broadcast %shift_right_arithmetic3A_133 : i32 to vector<16xi32>
        %shift_right_arithmetic3A_135 = arith.shrsi %get3A_132, %shift_right_arithmetic3A_134 : vector<16xi32>
        %swap3A_136 = arith.constant 4 : i32
        %swap3A_137 = arith.index_cast %swap3A_136 : i32 to index
        %swap3A_138 = arith.constant 48 : index
        %swap3A_139 = tpu.vector_load %arg7[%swap3A_137, %swap3A_138] {strides = array<i32>} : memref<6x64xi32, #tpu.memory_space<vmem>>, vector<16xi32>,
        tpu.vector_store %arg7[%swap3A_137, %swap3A_138], %shift_right_arithmetic3A_135 {strides = array<i32>} : memref<6x64xi32, #tpu.memory_space<vmem>>, vector<16xi32>,
        %dma_start3A_140 = arith.constant 4 : i32
        %dma_start3A_141 = arith.constant 4 : i32
        %dma_start3A_142 = arith.constant 0 : i32
        %dma_start3A_143 = arith.constant 0 : i32
        %dma_start3A_144 = tpu.memref_slice %arg9[%dma_start3A_141, %dma_start3A_142, %dma_start3A_143] : memref<6x64x128xi32, #tpu.memory_space<vmem>> -> memref<1x64x128xi32, #tpu.memory_space<vmem>>
        %dma_start3A_145 = tpu.memref_squeeze %dma_start3A_144 : memref<1x64x128xi32, #tpu.memory_space<vmem>> -> memref<64x128xi32, #tpu.memory_space<vmem>>
        %dma_start3A_146 = arith.constant 0 : i32
        %dma_start3A_147 = tpu.memref_slice %arg7[%dma_start3A_140, %dma_start3A_146] : memref<6x64xi32, #tpu.memory_space<vmem>> -> memref<1x64xi32, #tpu.memory_space<vmem>>
        %dma_start3A_148 = tpu.memref_squeeze %dma_start3A_147 : memref<1x64xi32, #tpu.memory_space<vmem>> -> memref<64xi32, #tpu.memory_space<vmem>>
        %dma_start3A_149 = arith.constant 0 : i32
        %dma_start3A_150 = arith.constant 0 : i32
        %dma_start3A_151 = tpu.memref_slice %arg2[%dma_start3A_149, %dma_start3A_150] : memref<80000x128xi32, #tpu.memory_space<hbm>> -> memref<80000x128xi32, #tpu.memory_space<hbm>>
        tpu.enqueue_indirect_dma source(%dma_start3A_151 : memref<80000x128xi32, #tpu.memory_space<hbm>>) target(%dma_start3A_145 : memref<64x128xi32, #tpu.memory_space<vmem>>) offsets(%dma_start3A_148 : memref<64xi32, #tpu.memory_space<vmem>>) semaphore(%arg16 : memref<!tpu.dma_semaphore, #tpu.memory_space<semaphore_mem>>)
      } else {
      }
      %while3A = arith.constant 0 : i32
      %while3A_95 = arith.constant 0 : i32
      %while3A_96 = arith.subi %select_n3A, %while3A : i32
      %while3A_97 = arith.addi %while3A, %while3A_96 : i32
      %while3A_98 = arith.constant 1 : i32
      %while3A_99 = arith.divsi %while3A_96, %while3A_98 : i32
      %while3A_100 = arith.muli %while3A_99, %while3A_98 : i32
      %while3A_101 = arith.addi %while3A, %while3A_100 : i32
      %while3A_102 = arith.constant 1 : i32
      %while3A_103 = scf.for %while3A_106 = %while3A to %while3A_101 step %while3A_102 iter_args(%while3A_107 = %while3A_95) -> (i32)  : i32 {
        %add3A_108 = arith.constant 5 : i32
        %add3A_109 = arith.addi %while3A_106, %add3A_108 : i32
        %lt3A = arith.cmpi slt, %add3A_109, %select_n3A : i32
        %convert_element_type3A_110 = arith.extui %lt3A : i1 to i32
        %cond3A_111 = arith.constant 0 : i32
        %cond3A_112 = arith.cmpi ne, %convert_element_type3A_110, %cond3A_111 : i32
        scf.if %cond3A_112 {
          %add3A_277 = arith.constant 5 : i32
          %add3A_278 = arith.addi %while3A_106, %add3A_277 : i32
          %jit3A_279 = arith.constant 6 : i32
          %eq3A_280 = arith.constant 0 : i32
          %eq3A_281 = arith.cmpi eq, %jit3A_279, %eq3A_280 : i32
          %jit3A_282 = arith.constant 1 : i32
          %select_n3A_283 = arith.select %eq3A_281, %jit3A_282, %jit3A_279 : i32
          %rem3A_284 = arith.remsi %add3A_278, %select_n3A_283 : i32
          %ne3A_285 = arith.constant 0 : i32
          %ne3A_286 = arith.cmpi ne, %rem3A_284, %ne3A_285 : i32
          %lt3A_287 = arith.constant 0 : i32
          %lt3A_288 = arith.cmpi slt, %rem3A_284, %lt3A_287 : i32
          %lt3A_289 = arith.constant 0 : i32
          %lt3A_290 = arith.cmpi slt, %select_n3A_283, %lt3A_289 : i32
          %ne3A_291 = arith.xori %lt3A_288, %lt3A_290 : i1
          %and3A_292 = arith.andi %ne3A_291, %ne3A_286 : i1
          %add3A_293 = arith.addi %rem3A_284, %select_n3A_283 : i32
          %select_n3A_294 = arith.select %and3A_292, %add3A_293, %rem3A_284 : i32
          %eq3A_295 = arith.constant 0 : i32
          %eq3A_296 = arith.cmpi eq, %select_n3A_294, %eq3A_295 : i32
          %convert_element_type3A_297 = arith.extui %eq3A_296 : i1 to i32
          %cond3A_298 = arith.constant 0 : i32
          %cond3A_299 = arith.cmpi ne, %convert_element_type3A_297, %cond3A_298 : i32
          scf.if %cond3A_299 {
            %mul3A_405 = arith.constant 64 : i32
            %mul3A_406 = arith.muli %add3A_278, %mul3A_405 : i32
            %add3A_407 = arith.constant 0 : i32
            %add3A_408 = arith.addi %mul3A_406, %add3A_407 : i32
            %get3A = arith.index_cast %add3A_408 : i32 to index
            %get3A_409 = tpu.vector_load %arg6[%get3A] {strides = array<i32>} : memref<4096xi32, #tpu.memory_space<vmem>>, vector<16xi32>,
            %shift_right_arithmetic3A = arith.constant 9 : i32
            %shift_right_arithmetic3A_410 = vector.broadcast %shift_right_arithmetic3A : i32 to vector<16xi32>
            %shift_right_arithmetic3A_411 = arith.shrsi %get3A_409, %shift_right_arithmetic3A_410 : vector<16xi32>
            %swap3A_412 = arith.constant 0 : i32
            %swap3A_413 = arith.index_cast %swap3A_412 : i32 to index
            %swap3A_414 = arith.constant 0 : index
            %swap3A_415 = tpu.vector_load %arg7[%swap3A_413, %swap3A_414] {strides = array<i32>} : memref<6x64xi32, #tpu.memory_space<vmem>>, vector<16xi32>,
            tpu.vector_store %arg7[%swap3A_413, %swap3A_414], %shift_right_arithmetic3A_411 {strides = array<i32>} : memref<6x64xi32, #tpu.memory_space<vmem>>, vector<16xi32>,
            %mul3A_416 = arith.constant 64 : i32
            %mul3A_417 = arith.muli %add3A_278, %mul3A_416 : i32
            %add3A_418 = arith.constant 16 : i32
            %add3A_419 = arith.addi %mul3A_417, %add3A_418 : i32
            %get3A_420 = arith.index_cast %add3A_419 : i32 to index
            %get3A_421 = tpu.vector_load %arg6[%get3A_420] {strides = array<i32>} : memref<4096xi32, #tpu.memory_space<vmem>>, vector<16xi32>,
            %shift_right_arithmetic3A_422 = arith.constant 9 : i32
            %shift_right_arithmetic3A_423 = vector.broadcast %shift_right_arithmetic3A_422 : i32 to vector<16xi32>
            %shift_right_arithmetic3A_424 = arith.shrsi %get3A_421, %shift_right_arithmetic3A_423 : vector<16xi32>
            %swap3A_425 = arith.constant 0 : i32
            %swap3A_426 = arith.index_cast %swap3A_425 : i32 to index
            %swap3A_427 = arith.constant 16 : index
            %swap3A_428 = tpu.vector_load %arg7[%swap3A_426, %swap3A_427] {strides = array<i32>} : memref<6x64xi32, #tpu.memory_space<vmem>>, vector<16xi32>,
            tpu.vector_store %arg7[%swap3A_426, %swap3A_427], %shift_right_arithmetic3A_424 {strides = array<i32>} : memref<6x64xi32, #tpu.memory_space<vmem>>, vector<16xi32>,
            %mul3A_429 = arith.constant 64 : i32
            %mul3A_430 = arith.muli %add3A_278, %mul3A_429 : i32
            %add3A_431 = arith.constant 32 : i32
            %add3A_432 = arith.addi %mul3A_430, %add3A_431 : i32
            %get3A_433 = arith.index_cast %add3A_432 : i32 to index
            %get3A_434 = tpu.vector_load %arg6[%get3A_433] {strides = array<i32>} : memref<4096xi32, #tpu.memory_space<vmem>>, vector<16xi32>,
            %shift_right_arithmetic3A_435 = arith.constant 9 : i32
            %shift_right_arithmetic3A_436 = vector.broadcast %shift_right_arithmetic3A_435 : i32 to vector<16xi32>
            %shift_right_arithmetic3A_437 = arith.shrsi %get3A_434, %shift_right_arithmetic3A_436 : vector<16xi32>
            %swap3A_438 = arith.constant 0 : i32
            %swap3A_439 = arith.index_cast %swap3A_438 : i32 to index
            %swap3A_440 = arith.constant 32 : index
            %swap3A_441 = tpu.vector_load %arg7[%swap3A_439, %swap3A_440] {strides = array<i32>} : memref<6x64xi32, #tpu.memory_space<vmem>>, vector<16xi32>,
            tpu.vector_store %arg7[%swap3A_439, %swap3A_440], %shift_right_arithmetic3A_437 {strides = array<i32>} : memref<6x64xi32, #tpu.memory_space<vmem>>, vector<16xi32>,
            %mul3A_442 = arith.constant 64 : i32
            %mul3A_443 = arith.muli %add3A_278, %mul3A_442 : i32
            %add3A_444 = arith.constant 48 : i32
            %add3A_445 = arith.addi %mul3A_443, %add3A_444 : i32
            %get3A_446 = arith.index_cast %add3A_445 : i32 to index
            %get3A_447 = tpu.vector_load %arg6[%get3A_446] {strides = array<i32>} : memref<4096xi32, #tpu.memory_space<vmem>>, vector<16xi32>,
            %shift_right_arithmetic3A_448 = arith.constant 9 : i32
            %shift_right_arithmetic3A_449 = vector.broadcast %shift_right_arithmetic3A_448 : i32 to vector<16xi32>
            %shift_right_arithmetic3A_450 = arith.shrsi %get3A_447, %shift_right_arithmetic3A_449 : vector<16xi32>
            %swap3A_451 = arith.constant 0 : i32
            %swap3A_452 = arith.index_cast %swap3A_451 : i32 to index
            %swap3A_453 = arith.constant 48 : index
            %swap3A_454 = tpu.vector_load %arg7[%swap3A_452, %swap3A_453] {strides = array<i32>} : memref<6x64xi32, #tpu.memory_space<vmem>>, vector<16xi32>,
            tpu.vector_store %arg7[%swap3A_452, %swap3A_453], %shift_right_arithmetic3A_450 {strides = array<i32>} : memref<6x64xi32, #tpu.memory_space<vmem>>, vector<16xi32>,
            %dma_start3A_455 = arith.constant 0 : i32
            %dma_start3A_456 = arith.constant 0 : i32
            %dma_start3A_457 = arith.constant 0 : i32
            %dma_start3A_458 = arith.constant 0 : i32
            %dma_start3A_459 = tpu.memref_slice %arg9[%dma_start3A_456, %dma_start3A_457, %dma_start3A_458] : memref<6x64x128xi32, #tpu.memory_space<vmem>> -> memref<1x64x128xi32, #tpu.memory_space<vmem>>
            %dma_start3A_460 = tpu.memref_squeeze %dma_start3A_459 : memref<1x64x128xi32, #tpu.memory_space<vmem>> -> memref<64x128xi32, #tpu.memory_space<vmem>>
            %dma_start3A_461 = arith.constant 0 : i32
            %dma_start3A_462 = tpu.memref_slice %arg7[%dma_start3A_455, %dma_start3A_461] : memref<6x64xi32, #tpu.memory_space<vmem>> -> memref<1x64xi32, #tpu.memory_space<vmem>>
            %dma_start3A_463 = tpu.memref_squeeze %dma_start3A_462 : memref<1x64xi32, #tpu.memory_space<vmem>> -> memref<64xi32, #tpu.memory_space<vmem>>
            %dma_start3A_464 = arith.constant 0 : i32
            %dma_start3A_465 = arith.constant 0 : i32
            %dma_start3A_466 = tpu.memref_slice %arg2[%dma_start3A_464, %dma_start3A_465] : memref<80000x128xi32, #tpu.memory_space<hbm>> -> memref<80000x128xi32, #tpu.memory_space<hbm>>
            tpu.enqueue_indirect_dma source(%dma_start3A_466 : memref<80000x128xi32, #tpu.memory_space<hbm>>) target(%dma_start3A_460 : memref<64x128xi32, #tpu.memory_space<vmem>>) offsets(%dma_start3A_463 : memref<64xi32, #tpu.memory_space<vmem>>) semaphore(%arg10 : memref<!tpu.dma_semaphore, #tpu.memory_space<semaphore_mem>>)
          } else {
          }
          %jit3A_300 = arith.constant 6 : i32
          %eq3A_301 = arith.constant 0 : i32
          %eq3A_302 = arith.cmpi eq, %jit3A_300, %eq3A_301 : i32
          %jit3A_303 = arith.constant 1 : i32
          %select_n3A_304 = arith.select %eq3A_302, %jit3A_303, %jit3A_300 : i32
          %rem3A_305 = arith.remsi %add3A_278, %select_n3A_304 : i32
          %ne3A_306 = arith.constant 0 : i32
          %ne3A_307 = arith.cmpi ne, %rem3A_305, %ne3A_306 : i32
          %lt3A_308 = arith.constant 0 : i32
          %lt3A_309 = arith.cmpi slt, %rem3A_305, %lt3A_308 : i32
          %lt3A_310 = arith.constant 0 : i32
          %lt3A_311 = arith.cmpi slt, %select_n3A_304, %lt3A_310 : i32
          %ne3A_312 = arith.xori %lt3A_309, %lt3A_311 : i1
          %and3A_313 = arith.andi %ne3A_312, %ne3A_307 : i1
          %add3A_314 = arith.addi %rem3A_305, %select_n3A_304 : i32
          %select_n3A_315 = arith.select %and3A_313, %add3A_314, %rem3A_305 : i32
          %eq3A_316 = arith.constant 1 : i32
          %eq3A_317 = arith.cmpi eq, %select_n3A_315, %eq3A_316 : i32
          %convert_element_type3A_318 = arith.extui %eq3A_317 : i1 to i32
          %cond3A_319 = arith.constant 0 : i32
          %cond3A_320 = arith.cmpi ne, %convert_element_type3A_318, %cond3A_319 : i32
          scf.if %cond3A_320 {
            %mul3A_405 = arith.constant 64 : i32
            %mul3A_406 = arith.muli %add3A_278, %mul3A_405 : i32
            %add3A_407 = arith.constant 0 : i32
            %add3A_408 = arith.addi %mul3A_406, %add3A_407 : i32
            %get3A = arith.index_cast %add3A_408 : i32 to index
            %get3A_409 = tpu.vector_load %arg6[%get3A] {strides = array<i32>} : memref<4096xi32, #tpu.memory_space<vmem>>, vector<16xi32>,
            %shift_right_arithmetic3A = arith.constant 9 : i32
            %shift_right_arithmetic3A_410 = vector.broadcast %shift_right_arithmetic3A : i32 to vector<16xi32>
            %shift_right_arithmetic3A_411 = arith.shrsi %get3A_409, %shift_right_arithmetic3A_410 : vector<16xi32>
            %swap3A_412 = arith.constant 1 : i32
            %swap3A_413 = arith.index_cast %swap3A_412 : i32 to index
            %swap3A_414 = arith.constant 0 : index
            %swap3A_415 = tpu.vector_load %arg7[%swap3A_413, %swap3A_414] {strides = array<i32>} : memref<6x64xi32, #tpu.memory_space<vmem>>, vector<16xi32>,
            tpu.vector_store %arg7[%swap3A_413, %swap3A_414], %shift_right_arithmetic3A_411 {strides = array<i32>} : memref<6x64xi32, #tpu.memory_space<vmem>>, vector<16xi32>,
            %mul3A_416 = arith.constant 64 : i32
            %mul3A_417 = arith.muli %add3A_278, %mul3A_416 : i32
            %add3A_418 = arith.constant 16 : i32
            %add3A_419 = arith.addi %mul3A_417, %add3A_418 : i32
            %get3A_420 = arith.index_cast %add3A_419 : i32 to index
            %get3A_421 = tpu.vector_load %arg6[%get3A_420] {strides = array<i32>} : memref<4096xi32, #tpu.memory_space<vmem>>, vector<16xi32>,
            %shift_right_arithmetic3A_422 = arith.constant 9 : i32
            %shift_right_arithmetic3A_423 = vector.broadcast %shift_right_arithmetic3A_422 : i32 to vector<16xi32>
            %shift_right_arithmetic3A_424 = arith.shrsi %get3A_421, %shift_right_arithmetic3A_423 : vector<16xi32>
            %swap3A_425 = arith.constant 1 : i32
            %swap3A_426 = arith.index_cast %swap3A_425 : i32 to index
            %swap3A_427 = arith.constant 16 : index
            %swap3A_428 = tpu.vector_load %arg7[%swap3A_426, %swap3A_427] {strides = array<i32>} : memref<6x64xi32, #tpu.memory_space<vmem>>, vector<16xi32>,
            tpu.vector_store %arg7[%swap3A_426, %swap3A_427], %shift_right_arithmetic3A_424 {strides = array<i32>} : memref<6x64xi32, #tpu.memory_space<vmem>>, vector<16xi32>,
            %mul3A_429 = arith.constant 64 : i32
            %mul3A_430 = arith.muli %add3A_278, %mul3A_429 : i32
            %add3A_431 = arith.constant 32 : i32
            %add3A_432 = arith.addi %mul3A_430, %add3A_431 : i32
            %get3A_433 = arith.index_cast %add3A_432 : i32 to index
            %get3A_434 = tpu.vector_load %arg6[%get3A_433] {strides = array<i32>} : memref<4096xi32, #tpu.memory_space<vmem>>, vector<16xi32>,
            %shift_right_arithmetic3A_435 = arith.constant 9 : i32
            %shift_right_arithmetic3A_436 = vector.broadcast %shift_right_arithmetic3A_435 : i32 to vector<16xi32>
            %shift_right_arithmetic3A_437 = arith.shrsi %get3A_434, %shift_right_arithmetic3A_436 : vector<16xi32>
            %swap3A_438 = arith.constant 1 : i32
            %swap3A_439 = arith.index_cast %swap3A_438 : i32 to index
            %swap3A_440 = arith.constant 32 : index
            %swap3A_441 = tpu.vector_load %arg7[%swap3A_439, %swap3A_440] {strides = array<i32>} : memref<6x64xi32, #tpu.memory_space<vmem>>, vector<16xi32>,
            tpu.vector_store %arg7[%swap3A_439, %swap3A_440], %shift_right_arithmetic3A_437 {strides = array<i32>} : memref<6x64xi32, #tpu.memory_space<vmem>>, vector<16xi32>,
            %mul3A_442 = arith.constant 64 : i32
            %mul3A_443 = arith.muli %add3A_278, %mul3A_442 : i32
            %add3A_444 = arith.constant 48 : i32
            %add3A_445 = arith.addi %mul3A_443, %add3A_444 : i32
            %get3A_446 = arith.index_cast %add3A_445 : i32 to index
            %get3A_447 = tpu.vector_load %arg6[%get3A_446] {strides = array<i32>} : memref<4096xi32, #tpu.memory_space<vmem>>, vector<16xi32>,
            %shift_right_arithmetic3A_448 = arith.constant 9 : i32
            %shift_right_arithmetic3A_449 = vector.broadcast %shift_right_arithmetic3A_448 : i32 to vector<16xi32>
            %shift_right_arithmetic3A_450 = arith.shrsi %get3A_447, %shift_right_arithmetic3A_449 : vector<16xi32>
            %swap3A_451 = arith.constant 1 : i32
            %swap3A_452 = arith.index_cast %swap3A_451 : i32 to index
            %swap3A_453 = arith.constant 48 : index
            %swap3A_454 = tpu.vector_load %arg7[%swap3A_452, %swap3A_453] {strides = array<i32>} : memref<6x64xi32, #tpu.memory_space<vmem>>, vector<16xi32>,
            tpu.vector_store %arg7[%swap3A_452, %swap3A_453], %shift_right_arithmetic3A_450 {strides = array<i32>} : memref<6x64xi32, #tpu.memory_space<vmem>>, vector<16xi32>,
            %dma_start3A_455 = arith.constant 1 : i32
            %dma_start3A_456 = arith.constant 1 : i32
            %dma_start3A_457 = arith.constant 0 : i32
            %dma_start3A_458 = arith.constant 0 : i32
            %dma_start3A_459 = tpu.memref_slice %arg9[%dma_start3A_456, %dma_start3A_457, %dma_start3A_458] : memref<6x64x128xi32, #tpu.memory_space<vmem>> -> memref<1x64x128xi32, #tpu.memory_space<vmem>>
            %dma_start3A_460 = tpu.memref_squeeze %dma_start3A_459 : memref<1x64x128xi32, #tpu.memory_space<vmem>> -> memref<64x128xi32, #tpu.memory_space<vmem>>
            %dma_start3A_461 = arith.constant 0 : i32
            %dma_start3A_462 = tpu.memref_slice %arg7[%dma_start3A_455, %dma_start3A_461] : memref<6x64xi32, #tpu.memory_space<vmem>> -> memref<1x64xi32, #tpu.memory_space<vmem>>
            %dma_start3A_463 = tpu.memref_squeeze %dma_start3A_462 : memref<1x64xi32, #tpu.memory_space<vmem>> -> memref<64xi32, #tpu.memory_space<vmem>>
            %dma_start3A_464 = arith.constant 0 : i32
            %dma_start3A_465 = arith.constant 0 : i32
            %dma_start3A_466 = tpu.memref_slice %arg2[%dma_start3A_464, %dma_start3A_465] : memref<80000x128xi32, #tpu.memory_space<hbm>> -> memref<80000x128xi32, #tpu.memory_space<hbm>>
            tpu.enqueue_indirect_dma source(%dma_start3A_466 : memref<80000x128xi32, #tpu.memory_space<hbm>>) target(%dma_start3A_460 : memref<64x128xi32, #tpu.memory_space<vmem>>) offsets(%dma_start3A_463 : memref<64xi32, #tpu.memory_space<vmem>>) semaphore(%arg11 : memref<!tpu.dma_semaphore, #tpu.memory_space<semaphore_mem>>)
          } else {
          }
          %jit3A_321 = arith.constant 6 : i32
          %eq3A_322 = arith.constant 0 : i32
          %eq3A_323 = arith.cmpi eq, %jit3A_321, %eq3A_322 : i32
          %jit3A_324 = arith.constant 1 : i32
          %select_n3A_325 = arith.select %eq3A_323, %jit3A_324, %jit3A_321 : i32
          %rem3A_326 = arith.remsi %add3A_278, %select_n3A_325 : i32
          %ne3A_327 = arith.constant 0 : i32
          %ne3A_328 = arith.cmpi ne, %rem3A_326, %ne3A_327 : i32
          %lt3A_329 = arith.constant 0 : i32
          %lt3A_330 = arith.cmpi slt, %rem3A_326, %lt3A_329 : i32
          %lt3A_331 = arith.constant 0 : i32
          %lt3A_332 = arith.cmpi slt, %select_n3A_325, %lt3A_331 : i32
          %ne3A_333 = arith.xori %lt3A_330, %lt3A_332 : i1
          %and3A_334 = arith.andi %ne3A_333, %ne3A_328 : i1
          %add3A_335 = arith.addi %rem3A_326, %select_n3A_325 : i32
          %select_n3A_336 = arith.select %and3A_334, %add3A_335, %rem3A_326 : i32
          %eq3A_337 = arith.constant 2 : i32
          %eq3A_338 = arith.cmpi eq, %select_n3A_336, %eq3A_337 : i32
          %convert_element_type3A_339 = arith.extui %eq3A_338 : i1 to i32
          %cond3A_340 = arith.constant 0 : i32
          %cond3A_341 = arith.cmpi ne, %convert_element_type3A_339, %cond3A_340 : i32
          scf.if %cond3A_341 {
            %mul3A_405 = arith.constant 64 : i32
            %mul3A_406 = arith.muli %add3A_278, %mul3A_405 : i32
            %add3A_407 = arith.constant 0 : i32
            %add3A_408 = arith.addi %mul3A_406, %add3A_407 : i32
            %get3A = arith.index_cast %add3A_408 : i32 to index
            %get3A_409 = tpu.vector_load %arg6[%get3A] {strides = array<i32>} : memref<4096xi32, #tpu.memory_space<vmem>>, vector<16xi32>,
            %shift_right_arithmetic3A = arith.constant 9 : i32
            %shift_right_arithmetic3A_410 = vector.broadcast %shift_right_arithmetic3A : i32 to vector<16xi32>
            %shift_right_arithmetic3A_411 = arith.shrsi %get3A_409, %shift_right_arithmetic3A_410 : vector<16xi32>
            %swap3A_412 = arith.constant 2 : i32
            %swap3A_413 = arith.index_cast %swap3A_412 : i32 to index
            %swap3A_414 = arith.constant 0 : index
            %swap3A_415 = tpu.vector_load %arg7[%swap3A_413, %swap3A_414] {strides = array<i32>} : memref<6x64xi32, #tpu.memory_space<vmem>>, vector<16xi32>,
            tpu.vector_store %arg7[%swap3A_413, %swap3A_414], %shift_right_arithmetic3A_411 {strides = array<i32>} : memref<6x64xi32, #tpu.memory_space<vmem>>, vector<16xi32>,
            %mul3A_416 = arith.constant 64 : i32
            %mul3A_417 = arith.muli %add3A_278, %mul3A_416 : i32
            %add3A_418 = arith.constant 16 : i32
            %add3A_419 = arith.addi %mul3A_417, %add3A_418 : i32
            %get3A_420 = arith.index_cast %add3A_419 : i32 to index
            %get3A_421 = tpu.vector_load %arg6[%get3A_420] {strides = array<i32>} : memref<4096xi32, #tpu.memory_space<vmem>>, vector<16xi32>,
            %shift_right_arithmetic3A_422 = arith.constant 9 : i32
            %shift_right_arithmetic3A_423 = vector.broadcast %shift_right_arithmetic3A_422 : i32 to vector<16xi32>
            %shift_right_arithmetic3A_424 = arith.shrsi %get3A_421, %shift_right_arithmetic3A_423 : vector<16xi32>
            %swap3A_425 = arith.constant 2 : i32
            %swap3A_426 = arith.index_cast %swap3A_425 : i32 to index
            %swap3A_427 = arith.constant 16 : index
            %swap3A_428 = tpu.vector_load %arg7[%swap3A_426, %swap3A_427] {strides = array<i32>} : memref<6x64xi32, #tpu.memory_space<vmem>>, vector<16xi32>,
            tpu.vector_store %arg7[%swap3A_426, %swap3A_427], %shift_right_arithmetic3A_424 {strides = array<i32>} : memref<6x64xi32, #tpu.memory_space<vmem>>, vector<16xi32>,
            %mul3A_429 = arith.constant 64 : i32
            %mul3A_430 = arith.muli %add3A_278, %mul3A_429 : i32
            %add3A_431 = arith.constant 32 : i32
            %add3A_432 = arith.addi %mul3A_430, %add3A_431 : i32
            %get3A_433 = arith.index_cast %add3A_432 : i32 to index
            %get3A_434 = tpu.vector_load %arg6[%get3A_433] {strides = array<i32>} : memref<4096xi32, #tpu.memory_space<vmem>>, vector<16xi32>,
            %shift_right_arithmetic3A_435 = arith.constant 9 : i32
            %shift_right_arithmetic3A_436 = vector.broadcast %shift_right_arithmetic3A_435 : i32 to vector<16xi32>
            %shift_right_arithmetic3A_437 = arith.shrsi %get3A_434, %shift_right_arithmetic3A_436 : vector<16xi32>
            %swap3A_438 = arith.constant 2 : i32
            %swap3A_439 = arith.index_cast %swap3A_438 : i32 to index
            %swap3A_440 = arith.constant 32 : index
            %swap3A_441 = tpu.vector_load %arg7[%swap3A_439, %swap3A_440] {strides = array<i32>} : memref<6x64xi32, #tpu.memory_space<vmem>>, vector<16xi32>,
            tpu.vector_store %arg7[%swap3A_439, %swap3A_440], %shift_right_arithmetic3A_437 {strides = array<i32>} : memref<6x64xi32, #tpu.memory_space<vmem>>, vector<16xi32>,
            %mul3A_442 = arith.constant 64 : i32
            %mul3A_443 = arith.muli %add3A_278, %mul3A_442 : i32
            %add3A_444 = arith.constant 48 : i32
            %add3A_445 = arith.addi %mul3A_443, %add3A_444 : i32
            %get3A_446 = arith.index_cast %add3A_445 : i32 to index
            %get3A_447 = tpu.vector_load %arg6[%get3A_446] {strides = array<i32>} : memref<4096xi32, #tpu.memory_space<vmem>>, vector<16xi32>,
            %shift_right_arithmetic3A_448 = arith.constant 9 : i32
            %shift_right_arithmetic3A_449 = vector.broadcast %shift_right_arithmetic3A_448 : i32 to vector<16xi32>
            %shift_right_arithmetic3A_450 = arith.shrsi %get3A_447, %shift_right_arithmetic3A_449 : vector<16xi32>
            %swap3A_451 = arith.constant 2 : i32
            %swap3A_452 = arith.index_cast %swap3A_451 : i32 to index
            %swap3A_453 = arith.constant 48 : index
            %swap3A_454 = tpu.vector_load %arg7[%swap3A_452, %swap3A_453] {strides = array<i32>} : memref<6x64xi32, #tpu.memory_space<vmem>>, vector<16xi32>,
            tpu.vector_store %arg7[%swap3A_452, %swap3A_453], %shift_right_arithmetic3A_450 {strides = array<i32>} : memref<6x64xi32, #tpu.memory_space<vmem>>, vector<16xi32>,
            %dma_start3A_455 = arith.constant 2 : i32
            %dma_start3A_456 = arith.constant 2 : i32
            %dma_start3A_457 = arith.constant 0 : i32
            %dma_start3A_458 = arith.constant 0 : i32
            %dma_start3A_459 = tpu.memref_slice %arg9[%dma_start3A_456, %dma_start3A_457, %dma_start3A_458] : memref<6x64x128xi32, #tpu.memory_space<vmem>> -> memref<1x64x128xi32, #tpu.memory_space<vmem>>
            %dma_start3A_460 = tpu.memref_squeeze %dma_start3A_459 : memref<1x64x128xi32, #tpu.memory_space<vmem>> -> memref<64x128xi32, #tpu.memory_space<vmem>>
            %dma_start3A_461 = arith.constant 0 : i32
            %dma_start3A_462 = tpu.memref_slice %arg7[%dma_start3A_455, %dma_start3A_461] : memref<6x64xi32, #tpu.memory_space<vmem>> -> memref<1x64xi32, #tpu.memory_space<vmem>>
            %dma_start3A_463 = tpu.memref_squeeze %dma_start3A_462 : memref<1x64xi32, #tpu.memory_space<vmem>> -> memref<64xi32, #tpu.memory_space<vmem>>
            %dma_start3A_464 = arith.constant 0 : i32
            %dma_start3A_465 = arith.constant 0 : i32
            %dma_start3A_466 = tpu.memref_slice %arg2[%dma_start3A_464, %dma_start3A_465] : memref<80000x128xi32, #tpu.memory_space<hbm>> -> memref<80000x128xi32, #tpu.memory_space<hbm>>
            tpu.enqueue_indirect_dma source(%dma_start3A_466 : memref<80000x128xi32, #tpu.memory_space<hbm>>) target(%dma_start3A_460 : memref<64x128xi32, #tpu.memory_space<vmem>>) offsets(%dma_start3A_463 : memref<64xi32, #tpu.memory_space<vmem>>) semaphore(%arg12 : memref<!tpu.dma_semaphore, #tpu.memory_space<semaphore_mem>>)
          } else {
          }
          %jit3A_342 = arith.constant 6 : i32
          %eq3A_343 = arith.constant 0 : i32
          %eq3A_344 = arith.cmpi eq, %jit3A_342, %eq3A_343 : i32
          %jit3A_345 = arith.constant 1 : i32
          %select_n3A_346 = arith.select %eq3A_344, %jit3A_345, %jit3A_342 : i32
          %rem3A_347 = arith.remsi %add3A_278, %select_n3A_346 : i32
          %ne3A_348 = arith.constant 0 : i32
          %ne3A_349 = arith.cmpi ne, %rem3A_347, %ne3A_348 : i32
          %lt3A_350 = arith.constant 0 : i32
          %lt3A_351 = arith.cmpi slt, %rem3A_347, %lt3A_350 : i32
          %lt3A_352 = arith.constant 0 : i32
          %lt3A_353 = arith.cmpi slt, %select_n3A_346, %lt3A_352 : i32
          %ne3A_354 = arith.xori %lt3A_351, %lt3A_353 : i1
          %and3A_355 = arith.andi %ne3A_354, %ne3A_349 : i1
          %add3A_356 = arith.addi %rem3A_347, %select_n3A_346 : i32
          %select_n3A_357 = arith.select %and3A_355, %add3A_356, %rem3A_347 : i32
          %eq3A_358 = arith.constant 3 : i32
          %eq3A_359 = arith.cmpi eq, %select_n3A_357, %eq3A_358 : i32
          %convert_element_type3A_360 = arith.extui %eq3A_359 : i1 to i32
          %cond3A_361 = arith.constant 0 : i32
          %cond3A_362 = arith.cmpi ne, %convert_element_type3A_360, %cond3A_361 : i32
          scf.if %cond3A_362 {
            %mul3A_405 = arith.constant 64 : i32
            %mul3A_406 = arith.muli %add3A_278, %mul3A_405 : i32
            %add3A_407 = arith.constant 0 : i32
            %add3A_408 = arith.addi %mul3A_406, %add3A_407 : i32
            %get3A = arith.index_cast %add3A_408 : i32 to index
            %get3A_409 = tpu.vector_load %arg6[%get3A] {strides = array<i32>} : memref<4096xi32, #tpu.memory_space<vmem>>, vector<16xi32>,
            %shift_right_arithmetic3A = arith.constant 9 : i32
            %shift_right_arithmetic3A_410 = vector.broadcast %shift_right_arithmetic3A : i32 to vector<16xi32>
            %shift_right_arithmetic3A_411 = arith.shrsi %get3A_409, %shift_right_arithmetic3A_410 : vector<16xi32>
            %swap3A_412 = arith.constant 3 : i32
            %swap3A_413 = arith.index_cast %swap3A_412 : i32 to index
            %swap3A_414 = arith.constant 0 : index
            %swap3A_415 = tpu.vector_load %arg7[%swap3A_413, %swap3A_414] {strides = array<i32>} : memref<6x64xi32, #tpu.memory_space<vmem>>, vector<16xi32>,
            tpu.vector_store %arg7[%swap3A_413, %swap3A_414], %shift_right_arithmetic3A_411 {strides = array<i32>} : memref<6x64xi32, #tpu.memory_space<vmem>>, vector<16xi32>,
            %mul3A_416 = arith.constant 64 : i32
            %mul3A_417 = arith.muli %add3A_278, %mul3A_416 : i32
            %add3A_418 = arith.constant 16 : i32
            %add3A_419 = arith.addi %mul3A_417, %add3A_418 : i32
            %get3A_420 = arith.index_cast %add3A_419 : i32 to index
            %get3A_421 = tpu.vector_load %arg6[%get3A_420] {strides = array<i32>} : memref<4096xi32, #tpu.memory_space<vmem>>, vector<16xi32>,
            %shift_right_arithmetic3A_422 = arith.constant 9 : i32
            %shift_right_arithmetic3A_423 = vector.broadcast %shift_right_arithmetic3A_422 : i32 to vector<16xi32>
            %shift_right_arithmetic3A_424 = arith.shrsi %get3A_421, %shift_right_arithmetic3A_423 : vector<16xi32>
            %swap3A_425 = arith.constant 3 : i32
            %swap3A_426 = arith.index_cast %swap3A_425 : i32 to index
            %swap3A_427 = arith.constant 16 : index
            %swap3A_428 = tpu.vector_load %arg7[%swap3A_426, %swap3A_427] {strides = array<i32>} : memref<6x64xi32, #tpu.memory_space<vmem>>, vector<16xi32>,
            tpu.vector_store %arg7[%swap3A_426, %swap3A_427], %shift_right_arithmetic3A_424 {strides = array<i32>} : memref<6x64xi32, #tpu.memory_space<vmem>>, vector<16xi32>,
            %mul3A_429 = arith.constant 64 : i32
            %mul3A_430 = arith.muli %add3A_278, %mul3A_429 : i32
            %add3A_431 = arith.constant 32 : i32
            %add3A_432 = arith.addi %mul3A_430, %add3A_431 : i32
            %get3A_433 = arith.index_cast %add3A_432 : i32 to index
            %get3A_434 = tpu.vector_load %arg6[%get3A_433] {strides = array<i32>} : memref<4096xi32, #tpu.memory_space<vmem>>, vector<16xi32>,
            %shift_right_arithmetic3A_435 = arith.constant 9 : i32
            %shift_right_arithmetic3A_436 = vector.broadcast %shift_right_arithmetic3A_435 : i32 to vector<16xi32>
            %shift_right_arithmetic3A_437 = arith.shrsi %get3A_434, %shift_right_arithmetic3A_436 : vector<16xi32>
            %swap3A_438 = arith.constant 3 : i32
            %swap3A_439 = arith.index_cast %swap3A_438 : i32 to index
            %swap3A_440 = arith.constant 32 : index
            %swap3A_441 = tpu.vector_load %arg7[%swap3A_439, %swap3A_440] {strides = array<i32>} : memref<6x64xi32, #tpu.memory_space<vmem>>, vector<16xi32>,
            tpu.vector_store %arg7[%swap3A_439, %swap3A_440], %shift_right_arithmetic3A_437 {strides = array<i32>} : memref<6x64xi32, #tpu.memory_space<vmem>>, vector<16xi32>,
            %mul3A_442 = arith.constant 64 : i32
            %mul3A_443 = arith.muli %add3A_278, %mul3A_442 : i32
            %add3A_444 = arith.constant 48 : i32
            %add3A_445 = arith.addi %mul3A_443, %add3A_444 : i32
            %get3A_446 = arith.index_cast %add3A_445 : i32 to index
            %get3A_447 = tpu.vector_load %arg6[%get3A_446] {strides = array<i32>} : memref<4096xi32, #tpu.memory_space<vmem>>, vector<16xi32>,
            %shift_right_arithmetic3A_448 = arith.constant 9 : i32
            %shift_right_arithmetic3A_449 = vector.broadcast %shift_right_arithmetic3A_448 : i32 to vector<16xi32>
            %shift_right_arithmetic3A_450 = arith.shrsi %get3A_447, %shift_right_arithmetic3A_449 : vector<16xi32>
            %swap3A_451 = arith.constant 3 : i32
            %swap3A_452 = arith.index_cast %swap3A_451 : i32 to index
            %swap3A_453 = arith.constant 48 : index
            %swap3A_454 = tpu.vector_load %arg7[%swap3A_452, %swap3A_453] {strides = array<i32>} : memref<6x64xi32, #tpu.memory_space<vmem>>, vector<16xi32>,
            tpu.vector_store %arg7[%swap3A_452, %swap3A_453], %shift_right_arithmetic3A_450 {strides = array<i32>} : memref<6x64xi32, #tpu.memory_space<vmem>>, vector<16xi32>,
            %dma_start3A_455 = arith.constant 3 : i32
            %dma_start3A_456 = arith.constant 3 : i32
            %dma_start3A_457 = arith.constant 0 : i32
            %dma_start3A_458 = arith.constant 0 : i32
            %dma_start3A_459 = tpu.memref_slice %arg9[%dma_start3A_456, %dma_start3A_457, %dma_start3A_458] : memref<6x64x128xi32, #tpu.memory_space<vmem>> -> memref<1x64x128xi32, #tpu.memory_space<vmem>>
            %dma_start3A_460 = tpu.memref_squeeze %dma_start3A_459 : memref<1x64x128xi32, #tpu.memory_space<vmem>> -> memref<64x128xi32, #tpu.memory_space<vmem>>
            %dma_start3A_461 = arith.constant 0 : i32
            %dma_start3A_462 = tpu.memref_slice %arg7[%dma_start3A_455, %dma_start3A_461] : memref<6x64xi32, #tpu.memory_space<vmem>> -> memref<1x64xi32, #tpu.memory_space<vmem>>
            %dma_start3A_463 = tpu.memref_squeeze %dma_start3A_462 : memref<1x64xi32, #tpu.memory_space<vmem>> -> memref<64xi32, #tpu.memory_space<vmem>>
            %dma_start3A_464 = arith.constant 0 : i32
            %dma_start3A_465 = arith.constant 0 : i32
            %dma_start3A_466 = tpu.memref_slice %arg2[%dma_start3A_464, %dma_start3A_465] : memref<80000x128xi32, #tpu.memory_space<hbm>> -> memref<80000x128xi32, #tpu.memory_space<hbm>>
            tpu.enqueue_indirect_dma source(%dma_start3A_466 : memref<80000x128xi32, #tpu.memory_space<hbm>>) target(%dma_start3A_460 : memref<64x128xi32, #tpu.memory_space<vmem>>) offsets(%dma_start3A_463 : memref<64xi32, #tpu.memory_space<vmem>>) semaphore(%arg13 : memref<!tpu.dma_semaphore, #tpu.memory_space<semaphore_mem>>)
          } else {
          }
          %jit3A_363 = arith.constant 6 : i32
          %eq3A_364 = arith.constant 0 : i32
          %eq3A_365 = arith.cmpi eq, %jit3A_363, %eq3A_364 : i32
          %jit3A_366 = arith.constant 1 : i32
          %select_n3A_367 = arith.select %eq3A_365, %jit3A_366, %jit3A_363 : i32
          %rem3A_368 = arith.remsi %add3A_278, %select_n3A_367 : i32
          %ne3A_369 = arith.constant 0 : i32
          %ne3A_370 = arith.cmpi ne, %rem3A_368, %ne3A_369 : i32
          %lt3A_371 = arith.constant 0 : i32
          %lt3A_372 = arith.cmpi slt, %rem3A_368, %lt3A_371 : i32
          %lt3A_373 = arith.constant 0 : i32
          %lt3A_374 = arith.cmpi slt, %select_n3A_367, %lt3A_373 : i32
          %ne3A_375 = arith.xori %lt3A_372, %lt3A_374 : i1
          %and3A_376 = arith.andi %ne3A_375, %ne3A_370 : i1
          %add3A_377 = arith.addi %rem3A_368, %select_n3A_367 : i32
          %select_n3A_378 = arith.select %and3A_376, %add3A_377, %rem3A_368 : i32
          %eq3A_379 = arith.constant 4 : i32
          %eq3A_380 = arith.cmpi eq, %select_n3A_378, %eq3A_379 : i32
          %convert_element_type3A_381 = arith.extui %eq3A_380 : i1 to i32
          %cond3A_382 = arith.constant 0 : i32
          %cond3A_383 = arith.cmpi ne, %convert_element_type3A_381, %cond3A_382 : i32
          scf.if %cond3A_383 {
            %mul3A_405 = arith.constant 64 : i32
            %mul3A_406 = arith.muli %add3A_278, %mul3A_405 : i32
            %add3A_407 = arith.constant 0 : i32
            %add3A_408 = arith.addi %mul3A_406, %add3A_407 : i32
            %get3A = arith.index_cast %add3A_408 : i32 to index
            %get3A_409 = tpu.vector_load %arg6[%get3A] {strides = array<i32>} : memref<4096xi32, #tpu.memory_space<vmem>>, vector<16xi32>,
            %shift_right_arithmetic3A = arith.constant 9 : i32
            %shift_right_arithmetic3A_410 = vector.broadcast %shift_right_arithmetic3A : i32 to vector<16xi32>
            %shift_right_arithmetic3A_411 = arith.shrsi %get3A_409, %shift_right_arithmetic3A_410 : vector<16xi32>
            %swap3A_412 = arith.constant 4 : i32
            %swap3A_413 = arith.index_cast %swap3A_412 : i32 to index
            %swap3A_414 = arith.constant 0 : index
            %swap3A_415 = tpu.vector_load %arg7[%swap3A_413, %swap3A_414] {strides = array<i32>} : memref<6x64xi32, #tpu.memory_space<vmem>>, vector<16xi32>,
            tpu.vector_store %arg7[%swap3A_413, %swap3A_414], %shift_right_arithmetic3A_411 {strides = array<i32>} : memref<6x64xi32, #tpu.memory_space<vmem>>, vector<16xi32>,
            %mul3A_416 = arith.constant 64 : i32
            %mul3A_417 = arith.muli %add3A_278, %mul3A_416 : i32
            %add3A_418 = arith.constant 16 : i32
            %add3A_419 = arith.addi %mul3A_417, %add3A_418 : i32
            %get3A_420 = arith.index_cast %add3A_419 : i32 to index
            %get3A_421 = tpu.vector_load %arg6[%get3A_420] {strides = array<i32>} : memref<4096xi32, #tpu.memory_space<vmem>>, vector<16xi32>,
            %shift_right_arithmetic3A_422 = arith.constant 9 : i32
            %shift_right_arithmetic3A_423 = vector.broadcast %shift_right_arithmetic3A_422 : i32 to vector<16xi32>
            %shift_right_arithmetic3A_424 = arith.shrsi %get3A_421, %shift_right_arithmetic3A_423 : vector<16xi32>
            %swap3A_425 = arith.constant 4 : i32
            %swap3A_426 = arith.index_cast %swap3A_425 : i32 to index
            %swap3A_427 = arith.constant 16 : index
            %swap3A_428 = tpu.vector_load %arg7[%swap3A_426, %swap3A_427] {strides = array<i32>} : memref<6x64xi32, #tpu.memory_space<vmem>>, vector<16xi32>,
            tpu.vector_store %arg7[%swap3A_426, %swap3A_427], %shift_right_arithmetic3A_424 {strides = array<i32>} : memref<6x64xi32, #tpu.memory_space<vmem>>, vector<16xi32>,
            %mul3A_429 = arith.constant 64 : i32
            %mul3A_430 = arith.muli %add3A_278, %mul3A_429 : i32
            %add3A_431 = arith.constant 32 : i32
            %add3A_432 = arith.addi %mul3A_430, %add3A_431 : i32
            %get3A_433 = arith.index_cast %add3A_432 : i32 to index
            %get3A_434 = tpu.vector_load %arg6[%get3A_433] {strides = array<i32>} : memref<4096xi32, #tpu.memory_space<vmem>>, vector<16xi32>,
            %shift_right_arithmetic3A_435 = arith.constant 9 : i32
            %shift_right_arithmetic3A_436 = vector.broadcast %shift_right_arithmetic3A_435 : i32 to vector<16xi32>
            %shift_right_arithmetic3A_437 = arith.shrsi %get3A_434, %shift_right_arithmetic3A_436 : vector<16xi32>
            %swap3A_438 = arith.constant 4 : i32
            %swap3A_439 = arith.index_cast %swap3A_438 : i32 to index
            %swap3A_440 = arith.constant 32 : index
            %swap3A_441 = tpu.vector_load %arg7[%swap3A_439, %swap3A_440] {strides = array<i32>} : memref<6x64xi32, #tpu.memory_space<vmem>>, vector<16xi32>,
            tpu.vector_store %arg7[%swap3A_439, %swap3A_440], %shift_right_arithmetic3A_437 {strides = array<i32>} : memref<6x64xi32, #tpu.memory_space<vmem>>, vector<16xi32>,
            %mul3A_442 = arith.constant 64 : i32
            %mul3A_443 = arith.muli %add3A_278, %mul3A_442 : i32
            %add3A_444 = arith.constant 48 : i32
            %add3A_445 = arith.addi %mul3A_443, %add3A_444 : i32
            %get3A_446 = arith.index_cast %add3A_445 : i32 to index
            %get3A_447 = tpu.vector_load %arg6[%get3A_446] {strides = array<i32>} : memref<4096xi32, #tpu.memory_space<vmem>>, vector<16xi32>,
            %shift_right_arithmetic3A_448 = arith.constant 9 : i32
            %shift_right_arithmetic3A_449 = vector.broadcast %shift_right_arithmetic3A_448 : i32 to vector<16xi32>
            %shift_right_arithmetic3A_450 = arith.shrsi %get3A_447, %shift_right_arithmetic3A_449 : vector<16xi32>
            %swap3A_451 = arith.constant 4 : i32
            %swap3A_452 = arith.index_cast %swap3A_451 : i32 to index
            %swap3A_453 = arith.constant 48 : index
            %swap3A_454 = tpu.vector_load %arg7[%swap3A_452, %swap3A_453] {strides = array<i32>} : memref<6x64xi32, #tpu.memory_space<vmem>>, vector<16xi32>,
            tpu.vector_store %arg7[%swap3A_452, %swap3A_453], %shift_right_arithmetic3A_450 {strides = array<i32>} : memref<6x64xi32, #tpu.memory_space<vmem>>, vector<16xi32>,
            %dma_start3A_455 = arith.constant 4 : i32
            %dma_start3A_456 = arith.constant 4 : i32
            %dma_start3A_457 = arith.constant 0 : i32
            %dma_start3A_458 = arith.constant 0 : i32
            %dma_start3A_459 = tpu.memref_slice %arg9[%dma_start3A_456, %dma_start3A_457, %dma_start3A_458] : memref<6x64x128xi32, #tpu.memory_space<vmem>> -> memref<1x64x128xi32, #tpu.memory_space<vmem>>
            %dma_start3A_460 = tpu.memref_squeeze %dma_start3A_459 : memref<1x64x128xi32, #tpu.memory_space<vmem>> -> memref<64x128xi32, #tpu.memory_space<vmem>>
            %dma_start3A_461 = arith.constant 0 : i32
            %dma_start3A_462 = tpu.memref_slice %arg7[%dma_start3A_455, %dma_start3A_461] : memref<6x64xi32, #tpu.memory_space<vmem>> -> memref<1x64xi32, #tpu.memory_space<vmem>>
            %dma_start3A_463 = tpu.memref_squeeze %dma_start3A_462 : memref<1x64xi32, #tpu.memory_space<vmem>> -> memref<64xi32, #tpu.memory_space<vmem>>
            %dma_start3A_464 = arith.constant 0 : i32
            %dma_start3A_465 = arith.constant 0 : i32
            %dma_start3A_466 = tpu.memref_slice %arg2[%dma_start3A_464, %dma_start3A_465] : memref<80000x128xi32, #tpu.memory_space<hbm>> -> memref<80000x128xi32, #tpu.memory_space<hbm>>
            tpu.enqueue_indirect_dma source(%dma_start3A_466 : memref<80000x128xi32, #tpu.memory_space<hbm>>) target(%dma_start3A_460 : memref<64x128xi32, #tpu.memory_space<vmem>>) offsets(%dma_start3A_463 : memref<64xi32, #tpu.memory_space<vmem>>) semaphore(%arg16 : memref<!tpu.dma_semaphore, #tpu.memory_space<semaphore_mem>>)
          } else {
          }
          %jit3A_384 = arith.constant 6 : i32
          %eq3A_385 = arith.constant 0 : i32
          %eq3A_386 = arith.cmpi eq, %jit3A_384, %eq3A_385 : i32
          %jit3A_387 = arith.constant 1 : i32
          %select_n3A_388 = arith.select %eq3A_386, %jit3A_387, %jit3A_384 : i32
          %rem3A_389 = arith.remsi %add3A_278, %select_n3A_388 : i32
          %ne3A_390 = arith.constant 0 : i32
          %ne3A_391 = arith.cmpi ne, %rem3A_389, %ne3A_390 : i32
          %lt3A_392 = arith.constant 0 : i32
          %lt3A_393 = arith.cmpi slt, %rem3A_389, %lt3A_392 : i32
          %lt3A_394 = arith.constant 0 : i32
          %lt3A_395 = arith.cmpi slt, %select_n3A_388, %lt3A_394 : i32
          %ne3A_396 = arith.xori %lt3A_393, %lt3A_395 : i1
          %and3A_397 = arith.andi %ne3A_396, %ne3A_391 : i1
          %add3A_398 = arith.addi %rem3A_389, %select_n3A_388 : i32
          %select_n3A_399 = arith.select %and3A_397, %add3A_398, %rem3A_389 : i32
          %eq3A_400 = arith.constant 5 : i32
          %eq3A_401 = arith.cmpi eq, %select_n3A_399, %eq3A_400 : i32
          %convert_element_type3A_402 = arith.extui %eq3A_401 : i1 to i32
          %cond3A_403 = arith.constant 0 : i32
          %cond3A_404 = arith.cmpi ne, %convert_element_type3A_402, %cond3A_403 : i32
          scf.if %cond3A_404 {
            %mul3A_405 = arith.constant 64 : i32
            %mul3A_406 = arith.muli %add3A_278, %mul3A_405 : i32
            %add3A_407 = arith.constant 0 : i32
            %add3A_408 = arith.addi %mul3A_406, %add3A_407 : i32
            %get3A = arith.index_cast %add3A_408 : i32 to index
            %get3A_409 = tpu.vector_load %arg6[%get3A] {strides = array<i32>} : memref<4096xi32, #tpu.memory_space<vmem>>, vector<16xi32>,
            %shift_right_arithmetic3A = arith.constant 9 : i32
            %shift_right_arithmetic3A_410 = vector.broadcast %shift_right_arithmetic3A : i32 to vector<16xi32>
            %shift_right_arithmetic3A_411 = arith.shrsi %get3A_409, %shift_right_arithmetic3A_410 : vector<16xi32>
            %swap3A_412 = arith.constant 5 : i32
            %swap3A_413 = arith.index_cast %swap3A_412 : i32 to index
            %swap3A_414 = arith.constant 0 : index
            %swap3A_415 = tpu.vector_load %arg7[%swap3A_413, %swap3A_414] {strides = array<i32>} : memref<6x64xi32, #tpu.memory_space<vmem>>, vector<16xi32>,
            tpu.vector_store %arg7[%swap3A_413, %swap3A_414], %shift_right_arithmetic3A_411 {strides = array<i32>} : memref<6x64xi32, #tpu.memory_space<vmem>>, vector<16xi32>,
            %mul3A_416 = arith.constant 64 : i32
            %mul3A_417 = arith.muli %add3A_278, %mul3A_416 : i32
            %add3A_418 = arith.constant 16 : i32
            %add3A_419 = arith.addi %mul3A_417, %add3A_418 : i32
            %get3A_420 = arith.index_cast %add3A_419 : i32 to index
            %get3A_421 = tpu.vector_load %arg6[%get3A_420] {strides = array<i32>} : memref<4096xi32, #tpu.memory_space<vmem>>, vector<16xi32>,
            %shift_right_arithmetic3A_422 = arith.constant 9 : i32
            %shift_right_arithmetic3A_423 = vector.broadcast %shift_right_arithmetic3A_422 : i32 to vector<16xi32>
            %shift_right_arithmetic3A_424 = arith.shrsi %get3A_421, %shift_right_arithmetic3A_423 : vector<16xi32>
            %swap3A_425 = arith.constant 5 : i32
            %swap3A_426 = arith.index_cast %swap3A_425 : i32 to index
            %swap3A_427 = arith.constant 16 : index
            %swap3A_428 = tpu.vector_load %arg7[%swap3A_426, %swap3A_427] {strides = array<i32>} : memref<6x64xi32, #tpu.memory_space<vmem>>, vector<16xi32>,
            tpu.vector_store %arg7[%swap3A_426, %swap3A_427], %shift_right_arithmetic3A_424 {strides = array<i32>} : memref<6x64xi32, #tpu.memory_space<vmem>>, vector<16xi32>,
            %mul3A_429 = arith.constant 64 : i32
            %mul3A_430 = arith.muli %add3A_278, %mul3A_429 : i32
            %add3A_431 = arith.constant 32 : i32
            %add3A_432 = arith.addi %mul3A_430, %add3A_431 : i32
            %get3A_433 = arith.index_cast %add3A_432 : i32 to index
            %get3A_434 = tpu.vector_load %arg6[%get3A_433] {strides = array<i32>} : memref<4096xi32, #tpu.memory_space<vmem>>, vector<16xi32>,
            %shift_right_arithmetic3A_435 = arith.constant 9 : i32
            %shift_right_arithmetic3A_436 = vector.broadcast %shift_right_arithmetic3A_435 : i32 to vector<16xi32>
            %shift_right_arithmetic3A_437 = arith.shrsi %get3A_434, %shift_right_arithmetic3A_436 : vector<16xi32>
            %swap3A_438 = arith.constant 5 : i32
            %swap3A_439 = arith.index_cast %swap3A_438 : i32 to index
            %swap3A_440 = arith.constant 32 : index
            %swap3A_441 = tpu.vector_load %arg7[%swap3A_439, %swap3A_440] {strides = array<i32>} : memref<6x64xi32, #tpu.memory_space<vmem>>, vector<16xi32>,
            tpu.vector_store %arg7[%swap3A_439, %swap3A_440], %shift_right_arithmetic3A_437 {strides = array<i32>} : memref<6x64xi32, #tpu.memory_space<vmem>>, vector<16xi32>,
            %mul3A_442 = arith.constant 64 : i32
            %mul3A_443 = arith.muli %add3A_278, %mul3A_442 : i32
            %add3A_444 = arith.constant 48 : i32
            %add3A_445 = arith.addi %mul3A_443, %add3A_444 : i32
            %get3A_446 = arith.index_cast %add3A_445 : i32 to index
            %get3A_447 = tpu.vector_load %arg6[%get3A_446] {strides = array<i32>} : memref<4096xi32, #tpu.memory_space<vmem>>, vector<16xi32>,
            %shift_right_arithmetic3A_448 = arith.constant 9 : i32
            %shift_right_arithmetic3A_449 = vector.broadcast %shift_right_arithmetic3A_448 : i32 to vector<16xi32>
            %shift_right_arithmetic3A_450 = arith.shrsi %get3A_447, %shift_right_arithmetic3A_449 : vector<16xi32>
            %swap3A_451 = arith.constant 5 : i32
            %swap3A_452 = arith.index_cast %swap3A_451 : i32 to index
            %swap3A_453 = arith.constant 48 : index
            %swap3A_454 = tpu.vector_load %arg7[%swap3A_452, %swap3A_453] {strides = array<i32>} : memref<6x64xi32, #tpu.memory_space<vmem>>, vector<16xi32>,
            tpu.vector_store %arg7[%swap3A_452, %swap3A_453], %shift_right_arithmetic3A_450 {strides = array<i32>} : memref<6x64xi32, #tpu.memory_space<vmem>>, vector<16xi32>,
            %dma_start3A_455 = arith.constant 5 : i32
            %dma_start3A_456 = arith.constant 5 : i32
            %dma_start3A_457 = arith.constant 0 : i32
            %dma_start3A_458 = arith.constant 0 : i32
            %dma_start3A_459 = tpu.memref_slice %arg9[%dma_start3A_456, %dma_start3A_457, %dma_start3A_458] : memref<6x64x128xi32, #tpu.memory_space<vmem>> -> memref<1x64x128xi32, #tpu.memory_space<vmem>>
            %dma_start3A_460 = tpu.memref_squeeze %dma_start3A_459 : memref<1x64x128xi32, #tpu.memory_space<vmem>> -> memref<64x128xi32, #tpu.memory_space<vmem>>
            %dma_start3A_461 = arith.constant 0 : i32
            %dma_start3A_462 = tpu.memref_slice %arg7[%dma_start3A_455, %dma_start3A_461] : memref<6x64xi32, #tpu.memory_space<vmem>> -> memref<1x64xi32, #tpu.memory_space<vmem>>
            %dma_start3A_463 = tpu.memref_squeeze %dma_start3A_462 : memref<1x64xi32, #tpu.memory_space<vmem>> -> memref<64xi32, #tpu.memory_space<vmem>>
            %dma_start3A_464 = arith.constant 0 : i32
            %dma_start3A_465 = arith.constant 0 : i32
            %dma_start3A_466 = tpu.memref_slice %arg2[%dma_start3A_464, %dma_start3A_465] : memref<80000x128xi32, #tpu.memory_space<hbm>> -> memref<80000x128xi32, #tpu.memory_space<hbm>>
            tpu.enqueue_indirect_dma source(%dma_start3A_466 : memref<80000x128xi32, #tpu.memory_space<hbm>>) target(%dma_start3A_460 : memref<64x128xi32, #tpu.memory_space<vmem>>) offsets(%dma_start3A_463 : memref<64xi32, #tpu.memory_space<vmem>>) semaphore(%arg17 : memref<!tpu.dma_semaphore, #tpu.memory_space<semaphore_mem>>)
          } else {
          }
        } else {
        }
        %jit3A_113 = arith.constant 6 : i32
        %eq3A = arith.constant 0 : i32
        %eq3A_114 = arith.cmpi eq, %jit3A_113, %eq3A : i32
        %jit3A_115 = arith.constant 1 : i32
        %select_n3A_116 = arith.select %eq3A_114, %jit3A_115, %jit3A_113 : i32
        %rem3A_117 = arith.remsi %while3A_106, %select_n3A_116 : i32
        %ne3A_118 = arith.constant 0 : i32
        %ne3A_119 = arith.cmpi ne, %rem3A_117, %ne3A_118 : i32
        %lt3A_120 = arith.constant 0 : i32
        %lt3A_121 = arith.cmpi slt, %rem3A_117, %lt3A_120 : i32
        %lt3A_122 = arith.constant 0 : i32
        %lt3A_123 = arith.cmpi slt, %select_n3A_116, %lt3A_122 : i32
        %ne3A_124 = arith.xori %lt3A_121, %lt3A_123 : i1
        %and3A_125 = arith.andi %ne3A_124, %ne3A_119 : i1
        %add3A_126 = arith.addi %rem3A_117, %select_n3A_116 : i32
        %select_n3A_127 = arith.select %and3A_125, %add3A_126, %rem3A_117 : i32
        %eq3A_128 = arith.constant 0 : i32
        %eq3A_129 = arith.cmpi eq, %select_n3A_127, %eq3A_128 : i32
        %convert_element_type3A_130 = arith.extui %eq3A_129 : i1 to i32
        %cond3A_131 = arith.constant 0 : i32
        %cond3A_132 = arith.constant 0 : i32
        %cond3A_133 = arith.cmpi ne, %convert_element_type3A_130, %cond3A_132 : i32
        scf.if %cond3A_133 {
          %dma_wait3A = arith.constant 0 : i32
          %dma_wait3A_277 = arith.constant 0 : i32
          %dma_wait3A_278 = arith.constant 0 : i32
          %dma_wait3A_279 = tpu.memref_slice %arg9[%dma_wait3A, %dma_wait3A_277, %dma_wait3A_278] : memref<6x64x128xi32, #tpu.memory_space<vmem>> -> memref<1x64x128xi32, #tpu.memory_space<vmem>>
          %dma_wait3A_280 = tpu.memref_squeeze %dma_wait3A_279 : memref<1x64x128xi32, #tpu.memory_space<vmem>> -> memref<64x128xi32, #tpu.memory_space<vmem>>
          %dma_wait3A_281 = arith.constant 0 : i32
          %dma_wait3A_282 = tpu.memref_slice %arg7[%cond3A_131, %dma_wait3A_281] : memref<6x64xi32, #tpu.memory_space<vmem>> -> memref<1x64xi32, #tpu.memory_space<vmem>>
          %dma_wait3A_283 = tpu.memref_squeeze %dma_wait3A_282 : memref<1x64xi32, #tpu.memory_space<vmem>> -> memref<64xi32, #tpu.memory_space<vmem>>
          %dma_wait3A_284 = arith.constant 0 : i32
          %dma_wait3A_285 = arith.constant 0 : i32
          %dma_wait3A_286 = tpu.memref_slice %arg2[%dma_wait3A_284, %dma_wait3A_285] : memref<80000x128xi32, #tpu.memory_space<hbm>> -> memref<80000x128xi32, #tpu.memory_space<hbm>>
          tpu.wait_indirect_dma semaphore(%arg10 : memref<!tpu.dma_semaphore, #tpu.memory_space<semaphore_mem>>) src(%dma_wait3A_286 : memref<80000x128xi32, #tpu.memory_space<hbm>>) dst(%dma_wait3A_280 : memref<64x128xi32, #tpu.memory_space<vmem>>)
        } else {
        }
        %jit3A_134 = arith.constant 6 : i32
        %eq3A_135 = arith.constant 0 : i32
        %eq3A_136 = arith.cmpi eq, %jit3A_134, %eq3A_135 : i32
        %jit3A_137 = arith.constant 1 : i32
        %select_n3A_138 = arith.select %eq3A_136, %jit3A_137, %jit3A_134 : i32
        %rem3A_139 = arith.remsi %while3A_106, %select_n3A_138 : i32
        %ne3A_140 = arith.constant 0 : i32
        %ne3A_141 = arith.cmpi ne, %rem3A_139, %ne3A_140 : i32
        %lt3A_142 = arith.constant 0 : i32
        %lt3A_143 = arith.cmpi slt, %rem3A_139, %lt3A_142 : i32
        %lt3A_144 = arith.constant 0 : i32
        %lt3A_145 = arith.cmpi slt, %select_n3A_138, %lt3A_144 : i32
        %ne3A_146 = arith.xori %lt3A_143, %lt3A_145 : i1
        %and3A_147 = arith.andi %ne3A_146, %ne3A_141 : i1
        %add3A_148 = arith.addi %rem3A_139, %select_n3A_138 : i32
        %select_n3A_149 = arith.select %and3A_147, %add3A_148, %rem3A_139 : i32
        %eq3A_150 = arith.constant 1 : i32
        %eq3A_151 = arith.cmpi eq, %select_n3A_149, %eq3A_150 : i32
        %convert_element_type3A_152 = arith.extui %eq3A_151 : i1 to i32
        %cond3A_153 = arith.constant 0 : i32
        %cond3A_154 = arith.constant 0 : i32
        %cond3A_155 = arith.cmpi ne, %convert_element_type3A_152, %cond3A_154 : i32
        scf.if %cond3A_155 {
          %dma_wait3A = arith.constant 1 : i32
          %dma_wait3A_277 = arith.constant 0 : i32
          %dma_wait3A_278 = arith.constant 0 : i32
          %dma_wait3A_279 = tpu.memref_slice %arg9[%dma_wait3A, %dma_wait3A_277, %dma_wait3A_278] : memref<6x64x128xi32, #tpu.memory_space<vmem>> -> memref<1x64x128xi32, #tpu.memory_space<vmem>>
          %dma_wait3A_280 = tpu.memref_squeeze %dma_wait3A_279 : memref<1x64x128xi32, #tpu.memory_space<vmem>> -> memref<64x128xi32, #tpu.memory_space<vmem>>
          %dma_wait3A_281 = arith.constant 0 : i32
          %dma_wait3A_282 = tpu.memref_slice %arg7[%cond3A_153, %dma_wait3A_281] : memref<6x64xi32, #tpu.memory_space<vmem>> -> memref<1x64xi32, #tpu.memory_space<vmem>>
          %dma_wait3A_283 = tpu.memref_squeeze %dma_wait3A_282 : memref<1x64xi32, #tpu.memory_space<vmem>> -> memref<64xi32, #tpu.memory_space<vmem>>
          %dma_wait3A_284 = arith.constant 0 : i32
          %dma_wait3A_285 = arith.constant 0 : i32
          %dma_wait3A_286 = tpu.memref_slice %arg2[%dma_wait3A_284, %dma_wait3A_285] : memref<80000x128xi32, #tpu.memory_space<hbm>> -> memref<80000x128xi32, #tpu.memory_space<hbm>>
          tpu.wait_indirect_dma semaphore(%arg11 : memref<!tpu.dma_semaphore, #tpu.memory_space<semaphore_mem>>) src(%dma_wait3A_286 : memref<80000x128xi32, #tpu.memory_space<hbm>>) dst(%dma_wait3A_280 : memref<64x128xi32, #tpu.memory_space<vmem>>)
        } else {
        }
        %jit3A_156 = arith.constant 6 : i32
        %eq3A_157 = arith.constant 0 : i32
        %eq3A_158 = arith.cmpi eq, %jit3A_156, %eq3A_157 : i32
        %jit3A_159 = arith.constant 1 : i32
        %select_n3A_160 = arith.select %eq3A_158, %jit3A_159, %jit3A_156 : i32
        %rem3A_161 = arith.remsi %while3A_106, %select_n3A_160 : i32
        %ne3A_162 = arith.constant 0 : i32
        %ne3A_163 = arith.cmpi ne, %rem3A_161, %ne3A_162 : i32
        %lt3A_164 = arith.constant 0 : i32
        %lt3A_165 = arith.cmpi slt, %rem3A_161, %lt3A_164 : i32
        %lt3A_166 = arith.constant 0 : i32
        %lt3A_167 = arith.cmpi slt, %select_n3A_160, %lt3A_166 : i32
        %ne3A_168 = arith.xori %lt3A_165, %lt3A_167 : i1
        %and3A_169 = arith.andi %ne3A_168, %ne3A_163 : i1
        %add3A_170 = arith.addi %rem3A_161, %select_n3A_160 : i32
        %select_n3A_171 = arith.select %and3A_169, %add3A_170, %rem3A_161 : i32
        %eq3A_172 = arith.constant 2 : i32
        %eq3A_173 = arith.cmpi eq, %select_n3A_171, %eq3A_172 : i32
        %convert_element_type3A_174 = arith.extui %eq3A_173 : i1 to i32
        %cond3A_175 = arith.constant 0 : i32
        %cond3A_176 = arith.constant 0 : i32
        %cond3A_177 = arith.cmpi ne, %convert_element_type3A_174, %cond3A_176 : i32
        scf.if %cond3A_177 {
          %dma_wait3A = arith.constant 2 : i32
          %dma_wait3A_277 = arith.constant 0 : i32
          %dma_wait3A_278 = arith.constant 0 : i32
          %dma_wait3A_279 = tpu.memref_slice %arg9[%dma_wait3A, %dma_wait3A_277, %dma_wait3A_278] : memref<6x64x128xi32, #tpu.memory_space<vmem>> -> memref<1x64x128xi32, #tpu.memory_space<vmem>>
          %dma_wait3A_280 = tpu.memref_squeeze %dma_wait3A_279 : memref<1x64x128xi32, #tpu.memory_space<vmem>> -> memref<64x128xi32, #tpu.memory_space<vmem>>
          %dma_wait3A_281 = arith.constant 0 : i32
          %dma_wait3A_282 = tpu.memref_slice %arg7[%cond3A_175, %dma_wait3A_281] : memref<6x64xi32, #tpu.memory_space<vmem>> -> memref<1x64xi32, #tpu.memory_space<vmem>>
          %dma_wait3A_283 = tpu.memref_squeeze %dma_wait3A_282 : memref<1x64xi32, #tpu.memory_space<vmem>> -> memref<64xi32, #tpu.memory_space<vmem>>
          %dma_wait3A_284 = arith.constant 0 : i32
          %dma_wait3A_285 = arith.constant 0 : i32
          %dma_wait3A_286 = tpu.memref_slice %arg2[%dma_wait3A_284, %dma_wait3A_285] : memref<80000x128xi32, #tpu.memory_space<hbm>> -> memref<80000x128xi32, #tpu.memory_space<hbm>>
          tpu.wait_indirect_dma semaphore(%arg12 : memref<!tpu.dma_semaphore, #tpu.memory_space<semaphore_mem>>) src(%dma_wait3A_286 : memref<80000x128xi32, #tpu.memory_space<hbm>>) dst(%dma_wait3A_280 : memref<64x128xi32, #tpu.memory_space<vmem>>)
        } else {
        }
        %jit3A_178 = arith.constant 6 : i32
        %eq3A_179 = arith.constant 0 : i32
        %eq3A_180 = arith.cmpi eq, %jit3A_178, %eq3A_179 : i32
        %jit3A_181 = arith.constant 1 : i32
        %select_n3A_182 = arith.select %eq3A_180, %jit3A_181, %jit3A_178 : i32
        %rem3A_183 = arith.remsi %while3A_106, %select_n3A_182 : i32
        %ne3A_184 = arith.constant 0 : i32
        %ne3A_185 = arith.cmpi ne, %rem3A_183, %ne3A_184 : i32
        %lt3A_186 = arith.constant 0 : i32
        %lt3A_187 = arith.cmpi slt, %rem3A_183, %lt3A_186 : i32
        %lt3A_188 = arith.constant 0 : i32
        %lt3A_189 = arith.cmpi slt, %select_n3A_182, %lt3A_188 : i32
        %ne3A_190 = arith.xori %lt3A_187, %lt3A_189 : i1
        %and3A_191 = arith.andi %ne3A_190, %ne3A_185 : i1
        %add3A_192 = arith.addi %rem3A_183, %select_n3A_182 : i32
        %select_n3A_193 = arith.select %and3A_191, %add3A_192, %rem3A_183 : i32
        %eq3A_194 = arith.constant 3 : i32
        %eq3A_195 = arith.cmpi eq, %select_n3A_193, %eq3A_194 : i32
        %convert_element_type3A_196 = arith.extui %eq3A_195 : i1 to i32
        %cond3A_197 = arith.constant 0 : i32
        %cond3A_198 = arith.constant 0 : i32
        %cond3A_199 = arith.cmpi ne, %convert_element_type3A_196, %cond3A_198 : i32
        scf.if %cond3A_199 {
          %dma_wait3A = arith.constant 3 : i32
          %dma_wait3A_277 = arith.constant 0 : i32
          %dma_wait3A_278 = arith.constant 0 : i32
          %dma_wait3A_279 = tpu.memref_slice %arg9[%dma_wait3A, %dma_wait3A_277, %dma_wait3A_278] : memref<6x64x128xi32, #tpu.memory_space<vmem>> -> memref<1x64x128xi32, #tpu.memory_space<vmem>>
          %dma_wait3A_280 = tpu.memref_squeeze %dma_wait3A_279 : memref<1x64x128xi32, #tpu.memory_space<vmem>> -> memref<64x128xi32, #tpu.memory_space<vmem>>
          %dma_wait3A_281 = arith.constant 0 : i32
          %dma_wait3A_282 = tpu.memref_slice %arg7[%cond3A_197, %dma_wait3A_281] : memref<6x64xi32, #tpu.memory_space<vmem>> -> memref<1x64xi32, #tpu.memory_space<vmem>>
          %dma_wait3A_283 = tpu.memref_squeeze %dma_wait3A_282 : memref<1x64xi32, #tpu.memory_space<vmem>> -> memref<64xi32, #tpu.memory_space<vmem>>
          %dma_wait3A_284 = arith.constant 0 : i32
          %dma_wait3A_285 = arith.constant 0 : i32
          %dma_wait3A_286 = tpu.memref_slice %arg2[%dma_wait3A_284, %dma_wait3A_285] : memref<80000x128xi32, #tpu.memory_space<hbm>> -> memref<80000x128xi32, #tpu.memory_space<hbm>>
          tpu.wait_indirect_dma semaphore(%arg13 : memref<!tpu.dma_semaphore, #tpu.memory_space<semaphore_mem>>) src(%dma_wait3A_286 : memref<80000x128xi32, #tpu.memory_space<hbm>>) dst(%dma_wait3A_280 : memref<64x128xi32, #tpu.memory_space<vmem>>)
        } else {
        }
        %jit3A_200 = arith.constant 6 : i32
        %eq3A_201 = arith.constant 0 : i32
        %eq3A_202 = arith.cmpi eq, %jit3A_200, %eq3A_201 : i32
        %jit3A_203 = arith.constant 1 : i32
        %select_n3A_204 = arith.select %eq3A_202, %jit3A_203, %jit3A_200 : i32
        %rem3A_205 = arith.remsi %while3A_106, %select_n3A_204 : i32
        %ne3A_206 = arith.constant 0 : i32
        %ne3A_207 = arith.cmpi ne, %rem3A_205, %ne3A_206 : i32
        %lt3A_208 = arith.constant 0 : i32
        %lt3A_209 = arith.cmpi slt, %rem3A_205, %lt3A_208 : i32
        %lt3A_210 = arith.constant 0 : i32
        %lt3A_211 = arith.cmpi slt, %select_n3A_204, %lt3A_210 : i32
        %ne3A_212 = arith.xori %lt3A_209, %lt3A_211 : i1
        %and3A_213 = arith.andi %ne3A_212, %ne3A_207 : i1
        %add3A_214 = arith.addi %rem3A_205, %select_n3A_204 : i32
        %select_n3A_215 = arith.select %and3A_213, %add3A_214, %rem3A_205 : i32
        %eq3A_216 = arith.constant 4 : i32
        %eq3A_217 = arith.cmpi eq, %select_n3A_215, %eq3A_216 : i32
        %convert_element_type3A_218 = arith.extui %eq3A_217 : i1 to i32
        %cond3A_219 = arith.constant 0 : i32
        %cond3A_220 = arith.constant 0 : i32
        %cond3A_221 = arith.cmpi ne, %convert_element_type3A_218, %cond3A_220 : i32
        scf.if %cond3A_221 {
          %dma_wait3A = arith.constant 4 : i32
          %dma_wait3A_277 = arith.constant 0 : i32
          %dma_wait3A_278 = arith.constant 0 : i32
          %dma_wait3A_279 = tpu.memref_slice %arg9[%dma_wait3A, %dma_wait3A_277, %dma_wait3A_278] : memref<6x64x128xi32, #tpu.memory_space<vmem>> -> memref<1x64x128xi32, #tpu.memory_space<vmem>>
          %dma_wait3A_280 = tpu.memref_squeeze %dma_wait3A_279 : memref<1x64x128xi32, #tpu.memory_space<vmem>> -> memref<64x128xi32, #tpu.memory_space<vmem>>
          %dma_wait3A_281 = arith.constant 0 : i32
          %dma_wait3A_282 = tpu.memref_slice %arg7[%cond3A_219, %dma_wait3A_281] : memref<6x64xi32, #tpu.memory_space<vmem>> -> memref<1x64xi32, #tpu.memory_space<vmem>>
          %dma_wait3A_283 = tpu.memref_squeeze %dma_wait3A_282 : memref<1x64xi32, #tpu.memory_space<vmem>> -> memref<64xi32, #tpu.memory_space<vmem>>
          %dma_wait3A_284 = arith.constant 0 : i32
          %dma_wait3A_285 = arith.constant 0 : i32
          %dma_wait3A_286 = tpu.memref_slice %arg2[%dma_wait3A_284, %dma_wait3A_285] : memref<80000x128xi32, #tpu.memory_space<hbm>> -> memref<80000x128xi32, #tpu.memory_space<hbm>>
          tpu.wait_indirect_dma semaphore(%arg16 : memref<!tpu.dma_semaphore, #tpu.memory_space<semaphore_mem>>) src(%dma_wait3A_286 : memref<80000x128xi32, #tpu.memory_space<hbm>>) dst(%dma_wait3A_280 : memref<64x128xi32, #tpu.memory_space<vmem>>)
        } else {
        }
        %jit3A_222 = arith.constant 6 : i32
        %eq3A_223 = arith.constant 0 : i32
        %eq3A_224 = arith.cmpi eq, %jit3A_222, %eq3A_223 : i32
        %jit3A_225 = arith.constant 1 : i32
        %select_n3A_226 = arith.select %eq3A_224, %jit3A_225, %jit3A_222 : i32
        %rem3A_227 = arith.remsi %while3A_106, %select_n3A_226 : i32
        %ne3A_228 = arith.constant 0 : i32
        %ne3A_229 = arith.cmpi ne, %rem3A_227, %ne3A_228 : i32
        %lt3A_230 = arith.constant 0 : i32
        %lt3A_231 = arith.cmpi slt, %rem3A_227, %lt3A_230 : i32
        %lt3A_232 = arith.constant 0 : i32
        %lt3A_233 = arith.cmpi slt, %select_n3A_226, %lt3A_232 : i32
        %ne3A_234 = arith.xori %lt3A_231, %lt3A_233 : i1
        %and3A_235 = arith.andi %ne3A_234, %ne3A_229 : i1
        %add3A_236 = arith.addi %rem3A_227, %select_n3A_226 : i32
        %select_n3A_237 = arith.select %and3A_235, %add3A_236, %rem3A_227 : i32
        %eq3A_238 = arith.constant 5 : i32
        %eq3A_239 = arith.cmpi eq, %select_n3A_237, %eq3A_238 : i32
        %convert_element_type3A_240 = arith.extui %eq3A_239 : i1 to i32
        %cond3A_241 = arith.constant 0 : i32
        %cond3A_242 = arith.constant 0 : i32
        %cond3A_243 = arith.cmpi ne, %convert_element_type3A_240, %cond3A_242 : i32
        scf.if %cond3A_243 {
          %dma_wait3A = arith.constant 5 : i32
          %dma_wait3A_277 = arith.constant 0 : i32
          %dma_wait3A_278 = arith.constant 0 : i32
          %dma_wait3A_279 = tpu.memref_slice %arg9[%dma_wait3A, %dma_wait3A_277, %dma_wait3A_278] : memref<6x64x128xi32, #tpu.memory_space<vmem>> -> memref<1x64x128xi32, #tpu.memory_space<vmem>>
          %dma_wait3A_280 = tpu.memref_squeeze %dma_wait3A_279 : memref<1x64x128xi32, #tpu.memory_space<vmem>> -> memref<64x128xi32, #tpu.memory_space<vmem>>
          %dma_wait3A_281 = arith.constant 0 : i32
          %dma_wait3A_282 = tpu.memref_slice %arg7[%cond3A_241, %dma_wait3A_281] : memref<6x64xi32, #tpu.memory_space<vmem>> -> memref<1x64xi32, #tpu.memory_space<vmem>>
          %dma_wait3A_283 = tpu.memref_squeeze %dma_wait3A_282 : memref<1x64xi32, #tpu.memory_space<vmem>> -> memref<64xi32, #tpu.memory_space<vmem>>
          %dma_wait3A_284 = arith.constant 0 : i32
          %dma_wait3A_285 = arith.constant 0 : i32
          %dma_wait3A_286 = tpu.memref_slice %arg2[%dma_wait3A_284, %dma_wait3A_285] : memref<80000x128xi32, #tpu.memory_space<hbm>> -> memref<80000x128xi32, #tpu.memory_space<hbm>>
          tpu.wait_indirect_dma semaphore(%arg17 : memref<!tpu.dma_semaphore, #tpu.memory_space<semaphore_mem>>) src(%dma_wait3A_286 : memref<80000x128xi32, #tpu.memory_space<hbm>>) dst(%dma_wait3A_280 : memref<64x128xi32, #tpu.memory_space<vmem>>)
        } else {
        }
        %jit3A_244 = arith.constant 6 : i32
        %eq3A_245 = arith.constant 0 : i32
        %eq3A_246 = arith.cmpi eq, %jit3A_244, %eq3A_245 : i32
        %jit3A_247 = arith.constant 1 : i32
        %select_n3A_248 = arith.select %eq3A_246, %jit3A_247, %jit3A_244 : i32
        %rem3A_249 = arith.remsi %while3A_106, %select_n3A_248 : i32
        %ne3A_250 = arith.constant 0 : i32
        %ne3A_251 = arith.cmpi ne, %rem3A_249, %ne3A_250 : i32
        %lt3A_252 = arith.constant 0 : i32
        %lt3A_253 = arith.cmpi slt, %rem3A_249, %lt3A_252 : i32
        %lt3A_254 = arith.constant 0 : i32
        %lt3A_255 = arith.cmpi slt, %select_n3A_248, %lt3A_254 : i32
        %ne3A_256 = arith.xori %lt3A_253, %lt3A_255 : i1
        %and3A_257 = arith.andi %ne3A_256, %ne3A_251 : i1
        %add3A_258 = arith.addi %rem3A_249, %select_n3A_248 : i32
        %select_n3A_259 = arith.select %and3A_257, %add3A_258, %rem3A_249 : i32
        %mul3A_260 = arith.constant 64 : i32
        %mul3A_261 = arith.muli %while3A_106, %mul3A_260 : i32
        %sub3A_262 = arith.subi %scan3A_29, %mul3A_261 : i32
        %min3A = arith.constant 64 : i32
        %min3A_263 = arith.minsi %sub3A_262, %min3A : i32
        %while3A_264 = arith.constant 0 : i32
        %while3A_265 = arith.constant 0 : i32
        %while3A_266 = arith.subi %min3A_263, %while3A_264 : i32
        %while3A_267 = arith.addi %while3A_264, %while3A_266 : i32
        %while3A_268 = arith.constant 1 : i32
        %while3A_269 = arith.divsi %while3A_266, %while3A_268 : i32
        %while3A_270 = arith.muli %while3A_269, %while3A_268 : i32
        %while3A_271 = arith.addi %while3A_264, %while3A_270 : i32
        %while3A_272 = arith.constant 1 : i32
        %while3A_273 = scf.for %while3A_277 = %while3A_264 to %while3A_271 step %while3A_272 iter_args(%while3A_278 = %while3A_265) -> (i32)  : i32 {
          %add3A_279 = arith.addi %mul3A_261, %while3A_277 : i32
          %get3A = arith.index_cast %add3A_279 : i32 to index
          %get3A_280 = tpu.vector_load %arg6[%get3A] {strides = array<i32>} : memref<4096xi32, #tpu.memory_space<vmem>>, vector<16xi32>,
          %slice3A = vector.extract_strided_slice %get3A_280 {offsets = [0], sizes = [1], strides = [1]} : vector<16xi32> to vector<1xi32>
          %squeeze3A = vector.extract %slice3A[0] : i32 from vector<1xi32>
          %and3A_281 = arith.constant 511 : i32
          %and3A_282 = arith.andi %squeeze3A, %and3A_281 : i32
          %mul3A_283 = arith.constant 128 : i32
          %mul3A_284 = arith.muli %and3A_282, %mul3A_283 : i32
          %add3A_285 = arith.constant 0 : i32
          %add3A_286 = arith.addi %mul3A_284, %add3A_285 : i32
          %get3A_287 = arith.index_cast %add3A_286 : i32 to index
          %get3A_288 = tpu.vector_load %arg8[%get3A_287] {strides = array<i32>} : memref<40064xi32, #tpu.memory_space<vmem>>, vector<16xi32>,
          %bitcast3A = vector.bitcast %get3A_288 : vector<16xi32> to vector<32xbf16>
          %get3A_289 = arith.index_cast %select_n3A_259 : i32 to index
          %get3A_290 = arith.index_cast %while3A_277 : i32 to index
          %get3A_291 = arith.constant 0 : index
          %get3A_292 = tpu.vector_load %arg9[%get3A_289, %get3A_290, %get3A_291] {strides = array<i32>} : memref<6x64x128xi32, #tpu.memory_space<vmem>>, vector<16xi32>,
          %bitcast3A_293 = vector.bitcast %get3A_292 : vector<16xi32> to vector<32xbf16>
          %max3A = arith.maximumf %bitcast3A, %bitcast3A_293 : vector<32xbf16>
          %bitcast3A_294 = vector.bitcast %max3A : vector<32xbf16> to vector<16xi32>
          %add3A_295 = arith.constant 0 : i32
          %add3A_296 = arith.addi %mul3A_284, %add3A_295 : i32
          %swap3A_297 = arith.index_cast %add3A_296 : i32 to index
          %swap3A_298 = tpu.vector_load %arg8[%swap3A_297] {strides = array<i32>} : memref<40064xi32, #tpu.memory_space<vmem>>, vector<16xi32>,
          tpu.vector_store %arg8[%swap3A_297], %bitcast3A_294 {strides = array<i32>} : memref<40064xi32, #tpu.memory_space<vmem>>, vector<16xi32>,
          %add3A_299 = arith.constant 16 : i32
          %add3A_300 = arith.addi %mul3A_284, %add3A_299 : i32
          %get3A_301 = arith.index_cast %add3A_300 : i32 to index
          %get3A_302 = tpu.vector_load %arg8[%get3A_301] {strides = array<i32>} : memref<40064xi32, #tpu.memory_space<vmem>>, vector<16xi32>,
          %bitcast3A_303 = vector.bitcast %get3A_302 : vector<16xi32> to vector<32xbf16>
          %get3A_304 = arith.index_cast %select_n3A_259 : i32 to index
          %get3A_305 = arith.index_cast %while3A_277 : i32 to index
          %get3A_306 = arith.constant 16 : index
          %get3A_307 = tpu.vector_load %arg9[%get3A_304, %get3A_305, %get3A_306] {strides = array<i32>} : memref<6x64x128xi32, #tpu.memory_space<vmem>>, vector<16xi32>,
          %bitcast3A_308 = vector.bitcast %get3A_307 : vector<16xi32> to vector<32xbf16>
          %max3A_309 = arith.maximumf %bitcast3A_303, %bitcast3A_308 : vector<32xbf16>
          %bitcast3A_310 = vector.bitcast %max3A_309 : vector<32xbf16> to vector<16xi32>
          %add3A_311 = arith.constant 16 : i32
          %add3A_312 = arith.addi %mul3A_284, %add3A_311 : i32
          %swap3A_313 = arith.index_cast %add3A_312 : i32 to index
          %swap3A_314 = tpu.vector_load %arg8[%swap3A_313] {strides = array<i32>} : memref<40064xi32, #tpu.memory_space<vmem>>, vector<16xi32>,
          tpu.vector_store %arg8[%swap3A_313], %bitcast3A_310 {strides = array<i32>} : memref<40064xi32, #tpu.memory_space<vmem>>, vector<16xi32>,
          %add3A_315 = arith.constant 32 : i32
          %add3A_316 = arith.addi %mul3A_284, %add3A_315 : i32
          %get3A_317 = arith.index_cast %add3A_316 : i32 to index
          %get3A_318 = tpu.vector_load %arg8[%get3A_317] {strides = array<i32>} : memref<40064xi32, #tpu.memory_space<vmem>>, vector<16xi32>,
          %bitcast3A_319 = vector.bitcast %get3A_318 : vector<16xi32> to vector<32xbf16>
          %get3A_320 = arith.index_cast %select_n3A_259 : i32 to index
          %get3A_321 = arith.index_cast %while3A_277 : i32 to index
          %get3A_322 = arith.constant 32 : index
          %get3A_323 = tpu.vector_load %arg9[%get3A_320, %get3A_321, %get3A_322] {strides = array<i32>} : memref<6x64x128xi32, #tpu.memory_space<vmem>>, vector<16xi32>,
          %bitcast3A_324 = vector.bitcast %get3A_323 : vector<16xi32> to vector<32xbf16>
          %max3A_325 = arith.maximumf %bitcast3A_319, %bitcast3A_324 : vector<32xbf16>
          %bitcast3A_326 = vector.bitcast %max3A_325 : vector<32xbf16> to vector<16xi32>
          %add3A_327 = arith.constant 32 : i32
          %add3A_328 = arith.addi %mul3A_284, %add3A_327 : i32
          %swap3A_329 = arith.index_cast %add3A_328 : i32 to index
          %swap3A_330 = tpu.vector_load %arg8[%swap3A_329] {strides = array<i32>} : memref<40064xi32, #tpu.memory_space<vmem>>, vector<16xi32>,
          tpu.vector_store %arg8[%swap3A_329], %bitcast3A_326 {strides = array<i32>} : memref<40064xi32, #tpu.memory_space<vmem>>, vector<16xi32>,
          %add3A_331 = arith.constant 48 : i32
          %add3A_332 = arith.addi %mul3A_284, %add3A_331 : i32
          %get3A_333 = arith.index_cast %add3A_332 : i32 to index
          %get3A_334 = tpu.vector_load %arg8[%get3A_333] {strides = array<i32>} : memref<40064xi32, #tpu.memory_space<vmem>>, vector<16xi32>,
          %bitcast3A_335 = vector.bitcast %get3A_334 : vector<16xi32> to vector<32xbf16>
          %get3A_336 = arith.index_cast %select_n3A_259 : i32 to index
          %get3A_337 = arith.index_cast %while3A_277 : i32 to index
          %get3A_338 = arith.constant 48 : index
          %get3A_339 = tpu.vector_load %arg9[%get3A_336, %get3A_337, %get3A_338] {strides = array<i32>} : memref<6x64x128xi32, #tpu.memory_space<vmem>>, vector<16xi32>,
          %bitcast3A_340 = vector.bitcast %get3A_339 : vector<16xi32> to vector<32xbf16>
          %max3A_341 = arith.maximumf %bitcast3A_335, %bitcast3A_340 : vector<32xbf16>
          %bitcast3A_342 = vector.bitcast %max3A_341 : vector<32xbf16> to vector<16xi32>
          %add3A_343 = arith.constant 48 : i32
          %add3A_344 = arith.addi %mul3A_284, %add3A_343 : i32
          %swap3A_345 = arith.index_cast %add3A_344 : i32 to index
          %swap3A_346 = tpu.vector_load %arg8[%swap3A_345] {strides = array<i32>} : memref<40064xi32, #tpu.memory_space<vmem>>, vector<16xi32>,
          tpu.vector_store %arg8[%swap3A_345], %bitcast3A_342 {strides = array<i32>} : memref<40064xi32, #tpu.memory_space<vmem>>, vector<16xi32>,
          %add3A_347 = arith.constant 64 : i32
          %add3A_348 = arith.addi %mul3A_284, %add3A_347 : i32
          %get3A_349 = arith.index_cast %add3A_348 : i32 to index
          %get3A_350 = tpu.vector_load %arg8[%get3A_349] {strides = array<i32>} : memref<40064xi32, #tpu.memory_space<vmem>>, vector<16xi32>,
          %bitcast3A_351 = vector.bitcast %get3A_350 : vector<16xi32> to vector<32xbf16>
          %get3A_352 = arith.index_cast %select_n3A_259 : i32 to index
          %get3A_353 = arith.index_cast %while3A_277 : i32 to index
          %get3A_354 = arith.constant 64 : index
          %get3A_355 = tpu.vector_load %arg9[%get3A_352, %get3A_353, %get3A_354] {strides = array<i32>} : memref<6x64x128xi32, #tpu.memory_space<vmem>>, vector<16xi32>,
          %bitcast3A_356 = vector.bitcast %get3A_355 : vector<16xi32> to vector<32xbf16>
          %max3A_357 = arith.maximumf %bitcast3A_351, %bitcast3A_356 : vector<32xbf16>
          %bitcast3A_358 = vector.bitcast %max3A_357 : vector<32xbf16> to vector<16xi32>
          %add3A_359 = arith.constant 64 : i32
          %add3A_360 = arith.addi %mul3A_284, %add3A_359 : i32
          %swap3A_361 = arith.index_cast %add3A_360 : i32 to index
          %swap3A_362 = tpu.vector_load %arg8[%swap3A_361] {strides = array<i32>} : memref<40064xi32, #tpu.memory_space<vmem>>, vector<16xi32>,
          tpu.vector_store %arg8[%swap3A_361], %bitcast3A_358 {strides = array<i32>} : memref<40064xi32, #tpu.memory_space<vmem>>, vector<16xi32>,
          %add3A_363 = arith.constant 80 : i32
          %add3A_364 = arith.addi %mul3A_284, %add3A_363 : i32
          %get3A_365 = arith.index_cast %add3A_364 : i32 to index
          %get3A_366 = tpu.vector_load %arg8[%get3A_365] {strides = array<i32>} : memref<40064xi32, #tpu.memory_space<vmem>>, vector<16xi32>,
          %bitcast3A_367 = vector.bitcast %get3A_366 : vector<16xi32> to vector<32xbf16>
          %get3A_368 = arith.index_cast %select_n3A_259 : i32 to index
          %get3A_369 = arith.index_cast %while3A_277 : i32 to index
          %get3A_370 = arith.constant 80 : index
          %get3A_371 = tpu.vector_load %arg9[%get3A_368, %get3A_369, %get3A_370] {strides = array<i32>} : memref<6x64x128xi32, #tpu.memory_space<vmem>>, vector<16xi32>,
          %bitcast3A_372 = vector.bitcast %get3A_371 : vector<16xi32> to vector<32xbf16>
          %max3A_373 = arith.maximumf %bitcast3A_367, %bitcast3A_372 : vector<32xbf16>
          %bitcast3A_374 = vector.bitcast %max3A_373 : vector<32xbf16> to vector<16xi32>
          %add3A_375 = arith.constant 80 : i32
          %add3A_376 = arith.addi %mul3A_284, %add3A_375 : i32
          %swap3A_377 = arith.index_cast %add3A_376 : i32 to index
          %swap3A_378 = tpu.vector_load %arg8[%swap3A_377] {strides = array<i32>} : memref<40064xi32, #tpu.memory_space<vmem>>, vector<16xi32>,
          tpu.vector_store %arg8[%swap3A_377], %bitcast3A_374 {strides = array<i32>} : memref<40064xi32, #tpu.memory_space<vmem>>, vector<16xi32>,
          %add3A_379 = arith.constant 96 : i32
          %add3A_380 = arith.addi %mul3A_284, %add3A_379 : i32
          %get3A_381 = arith.index_cast %add3A_380 : i32 to index
          %get3A_382 = tpu.vector_load %arg8[%get3A_381] {strides = array<i32>} : memref<40064xi32, #tpu.memory_space<vmem>>, vector<16xi32>,
          %bitcast3A_383 = vector.bitcast %get3A_382 : vector<16xi32> to vector<32xbf16>
          %get3A_384 = arith.index_cast %select_n3A_259 : i32 to index
          %get3A_385 = arith.index_cast %while3A_277 : i32 to index
          %get3A_386 = arith.constant 96 : index
          %get3A_387 = tpu.vector_load %arg9[%get3A_384, %get3A_385, %get3A_386] {strides = array<i32>} : memref<6x64x128xi32, #tpu.memory_space<vmem>>, vector<16xi32>,
          %bitcast3A_388 = vector.bitcast %get3A_387 : vector<16xi32> to vector<32xbf16>
          %max3A_389 = arith.maximumf %bitcast3A_383, %bitcast3A_388 : vector<32xbf16>
          %bitcast3A_390 = vector.bitcast %max3A_389 : vector<32xbf16> to vector<16xi32>
          %add3A_391 = arith.constant 96 : i32
          %add3A_392 = arith.addi %mul3A_284, %add3A_391 : i32
          %swap3A_393 = arith.index_cast %add3A_392 : i32 to index
          %swap3A_394 = tpu.vector_load %arg8[%swap3A_393] {strides = array<i32>} : memref<40064xi32, #tpu.memory_space<vmem>>, vector<16xi32>,
          tpu.vector_store %arg8[%swap3A_393], %bitcast3A_390 {strides = array<i32>} : memref<40064xi32, #tpu.memory_space<vmem>>, vector<16xi32>,
          %add3A_395 = arith.constant 112 : i32
          %add3A_396 = arith.addi %mul3A_284, %add3A_395 : i32
          %get3A_397 = arith.index_cast %add3A_396 : i32 to index
          %get3A_398 = tpu.vector_load %arg8[%get3A_397] {strides = array<i32>} : memref<40064xi32, #tpu.memory_space<vmem>>, vector<16xi32>,
          %bitcast3A_399 = vector.bitcast %get3A_398 : vector<16xi32> to vector<32xbf16>
          %get3A_400 = arith.index_cast %select_n3A_259 : i32 to index
          %get3A_401 = arith.index_cast %while3A_277 : i32 to index
          %get3A_402 = arith.constant 112 : index
          %get3A_403 = tpu.vector_load %arg9[%get3A_400, %get3A_401, %get3A_402] {strides = array<i32>} : memref<6x64x128xi32, #tpu.memory_space<vmem>>, vector<16xi32>,
          %bitcast3A_404 = vector.bitcast %get3A_403 : vector<16xi32> to vector<32xbf16>
          %max3A_405 = arith.maximumf %bitcast3A_399, %bitcast3A_404 : vector<32xbf16>
          %bitcast3A_406 = vector.bitcast %max3A_405 : vector<32xbf16> to vector<16xi32>
          %add3A_407 = arith.constant 112 : i32
          %add3A_408 = arith.addi %mul3A_284, %add3A_407 : i32
          %swap3A_409 = arith.index_cast %add3A_408 : i32 to index
          %swap3A_410 = tpu.vector_load %arg8[%swap3A_409] {strides = array<i32>} : memref<40064xi32, #tpu.memory_space<vmem>>, vector<16xi32>,
          tpu.vector_store %arg8[%swap3A_409], %bitcast3A_406 {strides = array<i32>} : memref<40064xi32, #tpu.memory_space<vmem>>, vector<16xi32>,
          %while3A_411 = arith.constant 0 : i32
          scf.yield %while3A_411 : i32
        }
        %while3A_274 = arith.constant 1 : i32
        %while3A_275 = scf.for %while3A_277 = %while3A_271 to %while3A_267 step %while3A_274 iter_args(%while3A_278 = %while3A_273) -> (i32)  : i32 {
          %add3A_279 = arith.addi %mul3A_261, %while3A_277 : i32
          %get3A = arith.index_cast %add3A_279 : i32 to index
          %get3A_280 = tpu.vector_load %arg6[%get3A] {strides = array<i32>} : memref<4096xi32, #tpu.memory_space<vmem>>, vector<16xi32>,
          %slice3A = vector.extract_strided_slice %get3A_280 {offsets = [0], sizes = [1], strides = [1]} : vector<16xi32> to vector<1xi32>
          %squeeze3A = vector.extract %slice3A[0] : i32 from vector<1xi32>
          %and3A_281 = arith.constant 511 : i32
          %and3A_282 = arith.andi %squeeze3A, %and3A_281 : i32
          %mul3A_283 = arith.constant 128 : i32
          %mul3A_284 = arith.muli %and3A_282, %mul3A_283 : i32
          %add3A_285 = arith.constant 0 : i32
          %add3A_286 = arith.addi %mul3A_284, %add3A_285 : i32
          %get3A_287 = arith.index_cast %add3A_286 : i32 to index
          %get3A_288 = tpu.vector_load %arg8[%get3A_287] {strides = array<i32>} : memref<40064xi32, #tpu.memory_space<vmem>>, vector<16xi32>,
          %bitcast3A = vector.bitcast %get3A_288 : vector<16xi32> to vector<32xbf16>
          %get3A_289 = arith.index_cast %select_n3A_259 : i32 to index
          %get3A_290 = arith.index_cast %while3A_277 : i32 to index
          %get3A_291 = arith.constant 0 : index
          %get3A_292 = tpu.vector_load %arg9[%get3A_289, %get3A_290, %get3A_291] {strides = array<i32>} : memref<6x64x128xi32, #tpu.memory_space<vmem>>, vector<16xi32>,
          %bitcast3A_293 = vector.bitcast %get3A_292 : vector<16xi32> to vector<32xbf16>
          %max3A = arith.maximumf %bitcast3A, %bitcast3A_293 : vector<32xbf16>
          %bitcast3A_294 = vector.bitcast %max3A : vector<32xbf16> to vector<16xi32>
          %add3A_295 = arith.constant 0 : i32
          %add3A_296 = arith.addi %mul3A_284, %add3A_295 : i32
          %swap3A_297 = arith.index_cast %add3A_296 : i32 to index
          %swap3A_298 = tpu.vector_load %arg8[%swap3A_297] {strides = array<i32>} : memref<40064xi32, #tpu.memory_space<vmem>>, vector<16xi32>,
          tpu.vector_store %arg8[%swap3A_297], %bitcast3A_294 {strides = array<i32>} : memref<40064xi32, #tpu.memory_space<vmem>>, vector<16xi32>,
          %add3A_299 = arith.constant 16 : i32
          %add3A_300 = arith.addi %mul3A_284, %add3A_299 : i32
          %get3A_301 = arith.index_cast %add3A_300 : i32 to index
          %get3A_302 = tpu.vector_load %arg8[%get3A_301] {strides = array<i32>} : memref<40064xi32, #tpu.memory_space<vmem>>, vector<16xi32>,
          %bitcast3A_303 = vector.bitcast %get3A_302 : vector<16xi32> to vector<32xbf16>
          %get3A_304 = arith.index_cast %select_n3A_259 : i32 to index
          %get3A_305 = arith.index_cast %while3A_277 : i32 to index
          %get3A_306 = arith.constant 16 : index
          %get3A_307 = tpu.vector_load %arg9[%get3A_304, %get3A_305, %get3A_306] {strides = array<i32>} : memref<6x64x128xi32, #tpu.memory_space<vmem>>, vector<16xi32>,
          %bitcast3A_308 = vector.bitcast %get3A_307 : vector<16xi32> to vector<32xbf16>
          %max3A_309 = arith.maximumf %bitcast3A_303, %bitcast3A_308 : vector<32xbf16>
          %bitcast3A_310 = vector.bitcast %max3A_309 : vector<32xbf16> to vector<16xi32>
          %add3A_311 = arith.constant 16 : i32
          %add3A_312 = arith.addi %mul3A_284, %add3A_311 : i32
          %swap3A_313 = arith.index_cast %add3A_312 : i32 to index
          %swap3A_314 = tpu.vector_load %arg8[%swap3A_313] {strides = array<i32>} : memref<40064xi32, #tpu.memory_space<vmem>>, vector<16xi32>,
          tpu.vector_store %arg8[%swap3A_313], %bitcast3A_310 {strides = array<i32>} : memref<40064xi32, #tpu.memory_space<vmem>>, vector<16xi32>,
          %add3A_315 = arith.constant 32 : i32
          %add3A_316 = arith.addi %mul3A_284, %add3A_315 : i32
          %get3A_317 = arith.index_cast %add3A_316 : i32 to index
          %get3A_318 = tpu.vector_load %arg8[%get3A_317] {strides = array<i32>} : memref<40064xi32, #tpu.memory_space<vmem>>, vector<16xi32>,
          %bitcast3A_319 = vector.bitcast %get3A_318 : vector<16xi32> to vector<32xbf16>
          %get3A_320 = arith.index_cast %select_n3A_259 : i32 to index
          %get3A_321 = arith.index_cast %while3A_277 : i32 to index
          %get3A_322 = arith.constant 32 : index
          %get3A_323 = tpu.vector_load %arg9[%get3A_320, %get3A_321, %get3A_322] {strides = array<i32>} : memref<6x64x128xi32, #tpu.memory_space<vmem>>, vector<16xi32>,
          %bitcast3A_324 = vector.bitcast %get3A_323 : vector<16xi32> to vector<32xbf16>
          %max3A_325 = arith.maximumf %bitcast3A_319, %bitcast3A_324 : vector<32xbf16>
          %bitcast3A_326 = vector.bitcast %max3A_325 : vector<32xbf16> to vector<16xi32>
          %add3A_327 = arith.constant 32 : i32
          %add3A_328 = arith.addi %mul3A_284, %add3A_327 : i32
          %swap3A_329 = arith.index_cast %add3A_328 : i32 to index
          %swap3A_330 = tpu.vector_load %arg8[%swap3A_329] {strides = array<i32>} : memref<40064xi32, #tpu.memory_space<vmem>>, vector<16xi32>,
          tpu.vector_store %arg8[%swap3A_329], %bitcast3A_326 {strides = array<i32>} : memref<40064xi32, #tpu.memory_space<vmem>>, vector<16xi32>,
          %add3A_331 = arith.constant 48 : i32
          %add3A_332 = arith.addi %mul3A_284, %add3A_331 : i32
          %get3A_333 = arith.index_cast %add3A_332 : i32 to index
          %get3A_334 = tpu.vector_load %arg8[%get3A_333] {strides = array<i32>} : memref<40064xi32, #tpu.memory_space<vmem>>, vector<16xi32>,
          %bitcast3A_335 = vector.bitcast %get3A_334 : vector<16xi32> to vector<32xbf16>
          %get3A_336 = arith.index_cast %select_n3A_259 : i32 to index
          %get3A_337 = arith.index_cast %while3A_277 : i32 to index
          %get3A_338 = arith.constant 48 : index
          %get3A_339 = tpu.vector_load %arg9[%get3A_336, %get3A_337, %get3A_338] {strides = array<i32>} : memref<6x64x128xi32, #tpu.memory_space<vmem>>, vector<16xi32>,
          %bitcast3A_340 = vector.bitcast %get3A_339 : vector<16xi32> to vector<32xbf16>
          %max3A_341 = arith.maximumf %bitcast3A_335, %bitcast3A_340 : vector<32xbf16>
          %bitcast3A_342 = vector.bitcast %max3A_341 : vector<32xbf16> to vector<16xi32>
          %add3A_343 = arith.constant 48 : i32
          %add3A_344 = arith.addi %mul3A_284, %add3A_343 : i32
          %swap3A_345 = arith.index_cast %add3A_344 : i32 to index
          %swap3A_346 = tpu.vector_load %arg8[%swap3A_345] {strides = array<i32>} : memref<40064xi32, #tpu.memory_space<vmem>>, vector<16xi32>,
          tpu.vector_store %arg8[%swap3A_345], %bitcast3A_342 {strides = array<i32>} : memref<40064xi32, #tpu.memory_space<vmem>>, vector<16xi32>,
          %add3A_347 = arith.constant 64 : i32
          %add3A_348 = arith.addi %mul3A_284, %add3A_347 : i32
          %get3A_349 = arith.index_cast %add3A_348 : i32 to index
          %get3A_350 = tpu.vector_load %arg8[%get3A_349] {strides = array<i32>} : memref<40064xi32, #tpu.memory_space<vmem>>, vector<16xi32>,
          %bitcast3A_351 = vector.bitcast %get3A_350 : vector<16xi32> to vector<32xbf16>
          %get3A_352 = arith.index_cast %select_n3A_259 : i32 to index
          %get3A_353 = arith.index_cast %while3A_277 : i32 to index
          %get3A_354 = arith.constant 64 : index
          %get3A_355 = tpu.vector_load %arg9[%get3A_352, %get3A_353, %get3A_354] {strides = array<i32>} : memref<6x64x128xi32, #tpu.memory_space<vmem>>, vector<16xi32>,
          %bitcast3A_356 = vector.bitcast %get3A_355 : vector<16xi32> to vector<32xbf16>
          %max3A_357 = arith.maximumf %bitcast3A_351, %bitcast3A_356 : vector<32xbf16>
          %bitcast3A_358 = vector.bitcast %max3A_357 : vector<32xbf16> to vector<16xi32>
          %add3A_359 = arith.constant 64 : i32
          %add3A_360 = arith.addi %mul3A_284, %add3A_359 : i32
          %swap3A_361 = arith.index_cast %add3A_360 : i32 to index
          %swap3A_362 = tpu.vector_load %arg8[%swap3A_361] {strides = array<i32>} : memref<40064xi32, #tpu.memory_space<vmem>>, vector<16xi32>,
          tpu.vector_store %arg8[%swap3A_361], %bitcast3A_358 {strides = array<i32>} : memref<40064xi32, #tpu.memory_space<vmem>>, vector<16xi32>,
          %add3A_363 = arith.constant 80 : i32
          %add3A_364 = arith.addi %mul3A_284, %add3A_363 : i32
          %get3A_365 = arith.index_cast %add3A_364 : i32 to index
          %get3A_366 = tpu.vector_load %arg8[%get3A_365] {strides = array<i32>} : memref<40064xi32, #tpu.memory_space<vmem>>, vector<16xi32>,
          %bitcast3A_367 = vector.bitcast %get3A_366 : vector<16xi32> to vector<32xbf16>
          %get3A_368 = arith.index_cast %select_n3A_259 : i32 to index
          %get3A_369 = arith.index_cast %while3A_277 : i32 to index
          %get3A_370 = arith.constant 80 : index
          %get3A_371 = tpu.vector_load %arg9[%get3A_368, %get3A_369, %get3A_370] {strides = array<i32>} : memref<6x64x128xi32, #tpu.memory_space<vmem>>, vector<16xi32>,
          %bitcast3A_372 = vector.bitcast %get3A_371 : vector<16xi32> to vector<32xbf16>
          %max3A_373 = arith.maximumf %bitcast3A_367, %bitcast3A_372 : vector<32xbf16>
          %bitcast3A_374 = vector.bitcast %max3A_373 : vector<32xbf16> to vector<16xi32>
          %add3A_375 = arith.constant 80 : i32
          %add3A_376 = arith.addi %mul3A_284, %add3A_375 : i32
          %swap3A_377 = arith.index_cast %add3A_376 : i32 to index
          %swap3A_378 = tpu.vector_load %arg8[%swap3A_377] {strides = array<i32>} : memref<40064xi32, #tpu.memory_space<vmem>>, vector<16xi32>,
          tpu.vector_store %arg8[%swap3A_377], %bitcast3A_374 {strides = array<i32>} : memref<40064xi32, #tpu.memory_space<vmem>>, vector<16xi32>,
          %add3A_379 = arith.constant 96 : i32
          %add3A_380 = arith.addi %mul3A_284, %add3A_379 : i32
          %get3A_381 = arith.index_cast %add3A_380 : i32 to index
          %get3A_382 = tpu.vector_load %arg8[%get3A_381] {strides = array<i32>} : memref<40064xi32, #tpu.memory_space<vmem>>, vector<16xi32>,
          %bitcast3A_383 = vector.bitcast %get3A_382 : vector<16xi32> to vector<32xbf16>
          %get3A_384 = arith.index_cast %select_n3A_259 : i32 to index
          %get3A_385 = arith.index_cast %while3A_277 : i32 to index
          %get3A_386 = arith.constant 96 : index
          %get3A_387 = tpu.vector_load %arg9[%get3A_384, %get3A_385, %get3A_386] {strides = array<i32>} : memref<6x64x128xi32, #tpu.memory_space<vmem>>, vector<16xi32>,
          %bitcast3A_388 = vector.bitcast %get3A_387 : vector<16xi32> to vector<32xbf16>
          %max3A_389 = arith.maximumf %bitcast3A_383, %bitcast3A_388 : vector<32xbf16>
          %bitcast3A_390 = vector.bitcast %max3A_389 : vector<32xbf16> to vector<16xi32>
          %add3A_391 = arith.constant 96 : i32
          %add3A_392 = arith.addi %mul3A_284, %add3A_391 : i32
          %swap3A_393 = arith.index_cast %add3A_392 : i32 to index
          %swap3A_394 = tpu.vector_load %arg8[%swap3A_393] {strides = array<i32>} : memref<40064xi32, #tpu.memory_space<vmem>>, vector<16xi32>,
          tpu.vector_store %arg8[%swap3A_393], %bitcast3A_390 {strides = array<i32>} : memref<40064xi32, #tpu.memory_space<vmem>>, vector<16xi32>,
          %add3A_395 = arith.constant 112 : i32
          %add3A_396 = arith.addi %mul3A_284, %add3A_395 : i32
          %get3A_397 = arith.index_cast %add3A_396 : i32 to index
          %get3A_398 = tpu.vector_load %arg8[%get3A_397] {strides = array<i32>} : memref<40064xi32, #tpu.memory_space<vmem>>, vector<16xi32>,
          %bitcast3A_399 = vector.bitcast %get3A_398 : vector<16xi32> to vector<32xbf16>
          %get3A_400 = arith.index_cast %select_n3A_259 : i32 to index
          %get3A_401 = arith.index_cast %while3A_277 : i32 to index
          %get3A_402 = arith.constant 112 : index
          %get3A_403 = tpu.vector_load %arg9[%get3A_400, %get3A_401, %get3A_402] {strides = array<i32>} : memref<6x64x128xi32, #tpu.memory_space<vmem>>, vector<16xi32>,
          %bitcast3A_404 = vector.bitcast %get3A_403 : vector<16xi32> to vector<32xbf16>
          %max3A_405 = arith.maximumf %bitcast3A_399, %bitcast3A_404 : vector<32xbf16>
          %bitcast3A_406 = vector.bitcast %max3A_405 : vector<32xbf16> to vector<16xi32>
          %add3A_407 = arith.constant 112 : i32
          %add3A_408 = arith.addi %mul3A_284, %add3A_407 : i32
          %swap3A_409 = arith.index_cast %add3A_408 : i32 to index
          %swap3A_410 = tpu.vector_load %arg8[%swap3A_409] {strides = array<i32>} : memref<40064xi32, #tpu.memory_space<vmem>>, vector<16xi32>,
          tpu.vector_store %arg8[%swap3A_409], %bitcast3A_406 {strides = array<i32>} : memref<40064xi32, #tpu.memory_space<vmem>>, vector<16xi32>,
          %while3A_411 = arith.constant 0 : i32
          scf.yield %while3A_411 : i32
        }
        %while3A_276 = arith.constant 0 : i32
        scf.yield %while3A_276 : i32
      }
      %while3A_104 = arith.constant 1 : i32
      %while3A_105 = scf.for %while3A_106 = %while3A_101 to %while3A_97 step %while3A_104 iter_args(%while3A_107 = %while3A_103) -> (i32)  : i32 {
        %add3A_108 = arith.constant 5 : i32
        %add3A_109 = arith.addi %while3A_106, %add3A_108 : i32
        %lt3A = arith.cmpi slt, %add3A_109, %select_n3A : i32
        %convert_element_type3A_110 = arith.extui %lt3A : i1 to i32
        %cond3A_111 = arith.constant 0 : i32
        %cond3A_112 = arith.cmpi ne, %convert_element_type3A_110, %cond3A_111 : i32
        scf.if %cond3A_112 {
          %add3A_277 = arith.constant 5 : i32
          %add3A_278 = arith.addi %while3A_106, %add3A_277 : i32
          %jit3A_279 = arith.constant 6 : i32
          %eq3A_280 = arith.constant 0 : i32
          %eq3A_281 = arith.cmpi eq, %jit3A_279, %eq3A_280 : i32
          %jit3A_282 = arith.constant 1 : i32
          %select_n3A_283 = arith.select %eq3A_281, %jit3A_282, %jit3A_279 : i32
          %rem3A_284 = arith.remsi %add3A_278, %select_n3A_283 : i32
          %ne3A_285 = arith.constant 0 : i32
          %ne3A_286 = arith.cmpi ne, %rem3A_284, %ne3A_285 : i32
          %lt3A_287 = arith.constant 0 : i32
          %lt3A_288 = arith.cmpi slt, %rem3A_284, %lt3A_287 : i32
          %lt3A_289 = arith.constant 0 : i32
          %lt3A_290 = arith.cmpi slt, %select_n3A_283, %lt3A_289 : i32
          %ne3A_291 = arith.xori %lt3A_288, %lt3A_290 : i1
          %and3A_292 = arith.andi %ne3A_291, %ne3A_286 : i1
          %add3A_293 = arith.addi %rem3A_284, %select_n3A_283 : i32
          %select_n3A_294 = arith.select %and3A_292, %add3A_293, %rem3A_284 : i32
          %eq3A_295 = arith.constant 0 : i32
          %eq3A_296 = arith.cmpi eq, %select_n3A_294, %eq3A_295 : i32
          %convert_element_type3A_297 = arith.extui %eq3A_296 : i1 to i32
          %cond3A_298 = arith.constant 0 : i32
          %cond3A_299 = arith.cmpi ne, %convert_element_type3A_297, %cond3A_298 : i32
          scf.if %cond3A_299 {
            %mul3A_405 = arith.constant 64 : i32
            %mul3A_406 = arith.muli %add3A_278, %mul3A_405 : i32
            %add3A_407 = arith.constant 0 : i32
            %add3A_408 = arith.addi %mul3A_406, %add3A_407 : i32
            %get3A = arith.index_cast %add3A_408 : i32 to index
            %get3A_409 = tpu.vector_load %arg6[%get3A] {strides = array<i32>} : memref<4096xi32, #tpu.memory_space<vmem>>, vector<16xi32>,
            %shift_right_arithmetic3A = arith.constant 9 : i32
            %shift_right_arithmetic3A_410 = vector.broadcast %shift_right_arithmetic3A : i32 to vector<16xi32>
            %shift_right_arithmetic3A_411 = arith.shrsi %get3A_409, %shift_right_arithmetic3A_410 : vector<16xi32>
            %swap3A_412 = arith.constant 0 : i32
            %swap3A_413 = arith.index_cast %swap3A_412 : i32 to index
            %swap3A_414 = arith.constant 0 : index
            %swap3A_415 = tpu.vector_load %arg7[%swap3A_413, %swap3A_414] {strides = array<i32>} : memref<6x64xi32, #tpu.memory_space<vmem>>, vector<16xi32>,
            tpu.vector_store %arg7[%swap3A_413, %swap3A_414], %shift_right_arithmetic3A_411 {strides = array<i32>} : memref<6x64xi32, #tpu.memory_space<vmem>>, vector<16xi32>,
            %mul3A_416 = arith.constant 64 : i32
            %mul3A_417 = arith.muli %add3A_278, %mul3A_416 : i32
            %add3A_418 = arith.constant 16 : i32
            %add3A_419 = arith.addi %mul3A_417, %add3A_418 : i32
            %get3A_420 = arith.index_cast %add3A_419 : i32 to index
            %get3A_421 = tpu.vector_load %arg6[%get3A_420] {strides = array<i32>} : memref<4096xi32, #tpu.memory_space<vmem>>, vector<16xi32>,
            %shift_right_arithmetic3A_422 = arith.constant 9 : i32
            %shift_right_arithmetic3A_423 = vector.broadcast %shift_right_arithmetic3A_422 : i32 to vector<16xi32>
            %shift_right_arithmetic3A_424 = arith.shrsi %get3A_421, %shift_right_arithmetic3A_423 : vector<16xi32>
            %swap3A_425 = arith.constant 0 : i32
            %swap3A_426 = arith.index_cast %swap3A_425 : i32 to index
            %swap3A_427 = arith.constant 16 : index
            %swap3A_428 = tpu.vector_load %arg7[%swap3A_426, %swap3A_427] {strides = array<i32>} : memref<6x64xi32, #tpu.memory_space<vmem>>, vector<16xi32>,
            tpu.vector_store %arg7[%swap3A_426, %swap3A_427], %shift_right_arithmetic3A_424 {strides = array<i32>} : memref<6x64xi32, #tpu.memory_space<vmem>>, vector<16xi32>,
            %mul3A_429 = arith.constant 64 : i32
            %mul3A_430 = arith.muli %add3A_278, %mul3A_429 : i32
            %add3A_431 = arith.constant 32 : i32
            %add3A_432 = arith.addi %mul3A_430, %add3A_431 : i32
            %get3A_433 = arith.index_cast %add3A_432 : i32 to index
            %get3A_434 = tpu.vector_load %arg6[%get3A_433] {strides = array<i32>} : memref<4096xi32, #tpu.memory_space<vmem>>, vector<16xi32>,
            %shift_right_arithmetic3A_435 = arith.constant 9 : i32
            %shift_right_arithmetic3A_436 = vector.broadcast %shift_right_arithmetic3A_435 : i32 to vector<16xi32>
            %shift_right_arithmetic3A_437 = arith.shrsi %get3A_434, %shift_right_arithmetic3A_436 : vector<16xi32>
            %swap3A_438 = arith.constant 0 : i32
            %swap3A_439 = arith.index_cast %swap3A_438 : i32 to index
            %swap3A_440 = arith.constant 32 : index
            %swap3A_441 = tpu.vector_load %arg7[%swap3A_439, %swap3A_440] {strides = array<i32>} : memref<6x64xi32, #tpu.memory_space<vmem>>, vector<16xi32>,
            tpu.vector_store %arg7[%swap3A_439, %swap3A_440], %shift_right_arithmetic3A_437 {strides = array<i32>} : memref<6x64xi32, #tpu.memory_space<vmem>>, vector<16xi32>,
            %mul3A_442 = arith.constant 64 : i32
            %mul3A_443 = arith.muli %add3A_278, %mul3A_442 : i32
            %add3A_444 = arith.constant 48 : i32
            %add3A_445 = arith.addi %mul3A_443, %add3A_444 : i32
            %get3A_446 = arith.index_cast %add3A_445 : i32 to index
            %get3A_447 = tpu.vector_load %arg6[%get3A_446] {strides = array<i32>} : memref<4096xi32, #tpu.memory_space<vmem>>, vector<16xi32>,
            %shift_right_arithmetic3A_448 = arith.constant 9 : i32
            %shift_right_arithmetic3A_449 = vector.broadcast %shift_right_arithmetic3A_448 : i32 to vector<16xi32>
            %shift_right_arithmetic3A_450 = arith.shrsi %get3A_447, %shift_right_arithmetic3A_449 : vector<16xi32>
            %swap3A_451 = arith.constant 0 : i32
            %swap3A_452 = arith.index_cast %swap3A_451 : i32 to index
            %swap3A_453 = arith.constant 48 : index
            %swap3A_454 = tpu.vector_load %arg7[%swap3A_452, %swap3A_453] {strides = array<i32>} : memref<6x64xi32, #tpu.memory_space<vmem>>, vector<16xi32>,
            tpu.vector_store %arg7[%swap3A_452, %swap3A_453], %shift_right_arithmetic3A_450 {strides = array<i32>} : memref<6x64xi32, #tpu.memory_space<vmem>>, vector<16xi32>,
            %dma_start3A_455 = arith.constant 0 : i32
            %dma_start3A_456 = arith.constant 0 : i32
            %dma_start3A_457 = arith.constant 0 : i32
            %dma_start3A_458 = arith.constant 0 : i32
            %dma_start3A_459 = tpu.memref_slice %arg9[%dma_start3A_456, %dma_start3A_457, %dma_start3A_458] : memref<6x64x128xi32, #tpu.memory_space<vmem>> -> memref<1x64x128xi32, #tpu.memory_space<vmem>>
            %dma_start3A_460 = tpu.memref_squeeze %dma_start3A_459 : memref<1x64x128xi32, #tpu.memory_space<vmem>> -> memref<64x128xi32, #tpu.memory_space<vmem>>
            %dma_start3A_461 = arith.constant 0 : i32
            %dma_start3A_462 = tpu.memref_slice %arg7[%dma_start3A_455, %dma_start3A_461] : memref<6x64xi32, #tpu.memory_space<vmem>> -> memref<1x64xi32, #tpu.memory_space<vmem>>
            %dma_start3A_463 = tpu.memref_squeeze %dma_start3A_462 : memref<1x64xi32, #tpu.memory_space<vmem>> -> memref<64xi32, #tpu.memory_space<vmem>>
            %dma_start3A_464 = arith.constant 0 : i32
            %dma_start3A_465 = arith.constant 0 : i32
            %dma_start3A_466 = tpu.memref_slice %arg2[%dma_start3A_464, %dma_start3A_465] : memref<80000x128xi32, #tpu.memory_space<hbm>> -> memref<80000x128xi32, #tpu.memory_space<hbm>>
            tpu.enqueue_indirect_dma source(%dma_start3A_466 : memref<80000x128xi32, #tpu.memory_space<hbm>>) target(%dma_start3A_460 : memref<64x128xi32, #tpu.memory_space<vmem>>) offsets(%dma_start3A_463 : memref<64xi32, #tpu.memory_space<vmem>>) semaphore(%arg10 : memref<!tpu.dma_semaphore, #tpu.memory_space<semaphore_mem>>)
          } else {
          }
          %jit3A_300 = arith.constant 6 : i32
          %eq3A_301 = arith.constant 0 : i32
          %eq3A_302 = arith.cmpi eq, %jit3A_300, %eq3A_301 : i32
          %jit3A_303 = arith.constant 1 : i32
          %select_n3A_304 = arith.select %eq3A_302, %jit3A_303, %jit3A_300 : i32
          %rem3A_305 = arith.remsi %add3A_278, %select_n3A_304 : i32
          %ne3A_306 = arith.constant 0 : i32
          %ne3A_307 = arith.cmpi ne, %rem3A_305, %ne3A_306 : i32
          %lt3A_308 = arith.constant 0 : i32
          %lt3A_309 = arith.cmpi slt, %rem3A_305, %lt3A_308 : i32
          %lt3A_310 = arith.constant 0 : i32
          %lt3A_311 = arith.cmpi slt, %select_n3A_304, %lt3A_310 : i32
          %ne3A_312 = arith.xori %lt3A_309, %lt3A_311 : i1
          %and3A_313 = arith.andi %ne3A_312, %ne3A_307 : i1
          %add3A_314 = arith.addi %rem3A_305, %select_n3A_304 : i32
          %select_n3A_315 = arith.select %and3A_313, %add3A_314, %rem3A_305 : i32
          %eq3A_316 = arith.constant 1 : i32
          %eq3A_317 = arith.cmpi eq, %select_n3A_315, %eq3A_316 : i32
          %convert_element_type3A_318 = arith.extui %eq3A_317 : i1 to i32
          %cond3A_319 = arith.constant 0 : i32
          %cond3A_320 = arith.cmpi ne, %convert_element_type3A_318, %cond3A_319 : i32
          scf.if %cond3A_320 {
            %mul3A_405 = arith.constant 64 : i32
            %mul3A_406 = arith.muli %add3A_278, %mul3A_405 : i32
            %add3A_407 = arith.constant 0 : i32
            %add3A_408 = arith.addi %mul3A_406, %add3A_407 : i32
            %get3A = arith.index_cast %add3A_408 : i32 to index
            %get3A_409 = tpu.vector_load %arg6[%get3A] {strides = array<i32>} : memref<4096xi32, #tpu.memory_space<vmem>>, vector<16xi32>,
            %shift_right_arithmetic3A = arith.constant 9 : i32
            %shift_right_arithmetic3A_410 = vector.broadcast %shift_right_arithmetic3A : i32 to vector<16xi32>
            %shift_right_arithmetic3A_411 = arith.shrsi %get3A_409, %shift_right_arithmetic3A_410 : vector<16xi32>
            %swap3A_412 = arith.constant 1 : i32
            %swap3A_413 = arith.index_cast %swap3A_412 : i32 to index
            %swap3A_414 = arith.constant 0 : index
            %swap3A_415 = tpu.vector_load %arg7[%swap3A_413, %swap3A_414] {strides = array<i32>} : memref<6x64xi32, #tpu.memory_space<vmem>>, vector<16xi32>,
            tpu.vector_store %arg7[%swap3A_413, %swap3A_414], %shift_right_arithmetic3A_411 {strides = array<i32>} : memref<6x64xi32, #tpu.memory_space<vmem>>, vector<16xi32>,
            %mul3A_416 = arith.constant 64 : i32
            %mul3A_417 = arith.muli %add3A_278, %mul3A_416 : i32
            %add3A_418 = arith.constant 16 : i32
            %add3A_419 = arith.addi %mul3A_417, %add3A_418 : i32
            %get3A_420 = arith.index_cast %add3A_419 : i32 to index
            %get3A_421 = tpu.vector_load %arg6[%get3A_420] {strides = array<i32>} : memref<4096xi32, #tpu.memory_space<vmem>>, vector<16xi32>,
            %shift_right_arithmetic3A_422 = arith.constant 9 : i32
            %shift_right_arithmetic3A_423 = vector.broadcast %shift_right_arithmetic3A_422 : i32 to vector<16xi32>
            %shift_right_arithmetic3A_424 = arith.shrsi %get3A_421, %shift_right_arithmetic3A_423 : vector<16xi32>
            %swap3A_425 = arith.constant 1 : i32
            %swap3A_426 = arith.index_cast %swap3A_425 : i32 to index
            %swap3A_427 = arith.constant 16 : index
            %swap3A_428 = tpu.vector_load %arg7[%swap3A_426, %swap3A_427] {strides = array<i32>} : memref<6x64xi32, #tpu.memory_space<vmem>>, vector<16xi32>,
            tpu.vector_store %arg7[%swap3A_426, %swap3A_427], %shift_right_arithmetic3A_424 {strides = array<i32>} : memref<6x64xi32, #tpu.memory_space<vmem>>, vector<16xi32>,
            %mul3A_429 = arith.constant 64 : i32
            %mul3A_430 = arith.muli %add3A_278, %mul3A_429 : i32
            %add3A_431 = arith.constant 32 : i32
            %add3A_432 = arith.addi %mul3A_430, %add3A_431 : i32
            %get3A_433 = arith.index_cast %add3A_432 : i32 to index
            %get3A_434 = tpu.vector_load %arg6[%get3A_433] {strides = array<i32>} : memref<4096xi32, #tpu.memory_space<vmem>>, vector<16xi32>,
            %shift_right_arithmetic3A_435 = arith.constant 9 : i32
            %shift_right_arithmetic3A_436 = vector.broadcast %shift_right_arithmetic3A_435 : i32 to vector<16xi32>
            %shift_right_arithmetic3A_437 = arith.shrsi %get3A_434, %shift_right_arithmetic3A_436 : vector<16xi32>
            %swap3A_438 = arith.constant 1 : i32
            %swap3A_439 = arith.index_cast %swap3A_438 : i32 to index
            %swap3A_440 = arith.constant 32 : index
            %swap3A_441 = tpu.vector_load %arg7[%swap3A_439, %swap3A_440] {strides = array<i32>} : memref<6x64xi32, #tpu.memory_space<vmem>>, vector<16xi32>,
            tpu.vector_store %arg7[%swap3A_439, %swap3A_440], %shift_right_arithmetic3A_437 {strides = array<i32>} : memref<6x64xi32, #tpu.memory_space<vmem>>, vector<16xi32>,
            %mul3A_442 = arith.constant 64 : i32
            %mul3A_443 = arith.muli %add3A_278, %mul3A_442 : i32
            %add3A_444 = arith.constant 48 : i32
            %add3A_445 = arith.addi %mul3A_443, %add3A_444 : i32
            %get3A_446 = arith.index_cast %add3A_445 : i32 to index
            %get3A_447 = tpu.vector_load %arg6[%get3A_446] {strides = array<i32>} : memref<4096xi32, #tpu.memory_space<vmem>>, vector<16xi32>,
            %shift_right_arithmetic3A_448 = arith.constant 9 : i32
            %shift_right_arithmetic3A_449 = vector.broadcast %shift_right_arithmetic3A_448 : i32 to vector<16xi32>
            %shift_right_arithmetic3A_450 = arith.shrsi %get3A_447, %shift_right_arithmetic3A_449 : vector<16xi32>
            %swap3A_451 = arith.constant 1 : i32
            %swap3A_452 = arith.index_cast %swap3A_451 : i32 to index
            %swap3A_453 = arith.constant 48 : index
            %swap3A_454 = tpu.vector_load %arg7[%swap3A_452, %swap3A_453] {strides = array<i32>} : memref<6x64xi32, #tpu.memory_space<vmem>>, vector<16xi32>,
            tpu.vector_store %arg7[%swap3A_452, %swap3A_453], %shift_right_arithmetic3A_450 {strides = array<i32>} : memref<6x64xi32, #tpu.memory_space<vmem>>, vector<16xi32>,
            %dma_start3A_455 = arith.constant 1 : i32
            %dma_start3A_456 = arith.constant 1 : i32
            %dma_start3A_457 = arith.constant 0 : i32
            %dma_start3A_458 = arith.constant 0 : i32
            %dma_start3A_459 = tpu.memref_slice %arg9[%dma_start3A_456, %dma_start3A_457, %dma_start3A_458] : memref<6x64x128xi32, #tpu.memory_space<vmem>> -> memref<1x64x128xi32, #tpu.memory_space<vmem>>
            %dma_start3A_460 = tpu.memref_squeeze %dma_start3A_459 : memref<1x64x128xi32, #tpu.memory_space<vmem>> -> memref<64x128xi32, #tpu.memory_space<vmem>>
            %dma_start3A_461 = arith.constant 0 : i32
            %dma_start3A_462 = tpu.memref_slice %arg7[%dma_start3A_455, %dma_start3A_461] : memref<6x64xi32, #tpu.memory_space<vmem>> -> memref<1x64xi32, #tpu.memory_space<vmem>>
            %dma_start3A_463 = tpu.memref_squeeze %dma_start3A_462 : memref<1x64xi32, #tpu.memory_space<vmem>> -> memref<64xi32, #tpu.memory_space<vmem>>
            %dma_start3A_464 = arith.constant 0 : i32
            %dma_start3A_465 = arith.constant 0 : i32
            %dma_start3A_466 = tpu.memref_slice %arg2[%dma_start3A_464, %dma_start3A_465] : memref<80000x128xi32, #tpu.memory_space<hbm>> -> memref<80000x128xi32, #tpu.memory_space<hbm>>
            tpu.enqueue_indirect_dma source(%dma_start3A_466 : memref<80000x128xi32, #tpu.memory_space<hbm>>) target(%dma_start3A_460 : memref<64x128xi32, #tpu.memory_space<vmem>>) offsets(%dma_start3A_463 : memref<64xi32, #tpu.memory_space<vmem>>) semaphore(%arg11 : memref<!tpu.dma_semaphore, #tpu.memory_space<semaphore_mem>>)
          } else {
          }
          %jit3A_321 = arith.constant 6 : i32
          %eq3A_322 = arith.constant 0 : i32
          %eq3A_323 = arith.cmpi eq, %jit3A_321, %eq3A_322 : i32
          %jit3A_324 = arith.constant 1 : i32
          %select_n3A_325 = arith.select %eq3A_323, %jit3A_324, %jit3A_321 : i32
          %rem3A_326 = arith.remsi %add3A_278, %select_n3A_325 : i32
          %ne3A_327 = arith.constant 0 : i32
          %ne3A_328 = arith.cmpi ne, %rem3A_326, %ne3A_327 : i32
          %lt3A_329 = arith.constant 0 : i32
          %lt3A_330 = arith.cmpi slt, %rem3A_326, %lt3A_329 : i32
          %lt3A_331 = arith.constant 0 : i32
          %lt3A_332 = arith.cmpi slt, %select_n3A_325, %lt3A_331 : i32
          %ne3A_333 = arith.xori %lt3A_330, %lt3A_332 : i1
          %and3A_334 = arith.andi %ne3A_333, %ne3A_328 : i1
          %add3A_335 = arith.addi %rem3A_326, %select_n3A_325 : i32
          %select_n3A_336 = arith.select %and3A_334, %add3A_335, %rem3A_326 : i32
          %eq3A_337 = arith.constant 2 : i32
          %eq3A_338 = arith.cmpi eq, %select_n3A_336, %eq3A_337 : i32
          %convert_element_type3A_339 = arith.extui %eq3A_338 : i1 to i32
          %cond3A_340 = arith.constant 0 : i32
          %cond3A_341 = arith.cmpi ne, %convert_element_type3A_339, %cond3A_340 : i32
          scf.if %cond3A_341 {
            %mul3A_405 = arith.constant 64 : i32
            %mul3A_406 = arith.muli %add3A_278, %mul3A_405 : i32
            %add3A_407 = arith.constant 0 : i32
            %add3A_408 = arith.addi %mul3A_406, %add3A_407 : i32
            %get3A = arith.index_cast %add3A_408 : i32 to index
            %get3A_409 = tpu.vector_load %arg6[%get3A] {strides = array<i32>} : memref<4096xi32, #tpu.memory_space<vmem>>, vector<16xi32>,
            %shift_right_arithmetic3A = arith.constant 9 : i32
            %shift_right_arithmetic3A_410 = vector.broadcast %shift_right_arithmetic3A : i32 to vector<16xi32>
            %shift_right_arithmetic3A_411 = arith.shrsi %get3A_409, %shift_right_arithmetic3A_410 : vector<16xi32>
            %swap3A_412 = arith.constant 2 : i32
            %swap3A_413 = arith.index_cast %swap3A_412 : i32 to index
            %swap3A_414 = arith.constant 0 : index
            %swap3A_415 = tpu.vector_load %arg7[%swap3A_413, %swap3A_414] {strides = array<i32>} : memref<6x64xi32, #tpu.memory_space<vmem>>, vector<16xi32>,
            tpu.vector_store %arg7[%swap3A_413, %swap3A_414], %shift_right_arithmetic3A_411 {strides = array<i32>} : memref<6x64xi32, #tpu.memory_space<vmem>>, vector<16xi32>,
            %mul3A_416 = arith.constant 64 : i32
            %mul3A_417 = arith.muli %add3A_278, %mul3A_416 : i32
            %add3A_418 = arith.constant 16 : i32
            %add3A_419 = arith.addi %mul3A_417, %add3A_418 : i32
            %get3A_420 = arith.index_cast %add3A_419 : i32 to index
            %get3A_421 = tpu.vector_load %arg6[%get3A_420] {strides = array<i32>} : memref<4096xi32, #tpu.memory_space<vmem>>, vector<16xi32>,
            %shift_right_arithmetic3A_422 = arith.constant 9 : i32
            %shift_right_arithmetic3A_423 = vector.broadcast %shift_right_arithmetic3A_422 : i32 to vector<16xi32>
            %shift_right_arithmetic3A_424 = arith.shrsi %get3A_421, %shift_right_arithmetic3A_423 : vector<16xi32>
            %swap3A_425 = arith.constant 2 : i32
            %swap3A_426 = arith.index_cast %swap3A_425 : i32 to index
            %swap3A_427 = arith.constant 16 : index
            %swap3A_428 = tpu.vector_load %arg7[%swap3A_426, %swap3A_427] {strides = array<i32>} : memref<6x64xi32, #tpu.memory_space<vmem>>, vector<16xi32>,
            tpu.vector_store %arg7[%swap3A_426, %swap3A_427], %shift_right_arithmetic3A_424 {strides = array<i32>} : memref<6x64xi32, #tpu.memory_space<vmem>>, vector<16xi32>,
            %mul3A_429 = arith.constant 64 : i32
            %mul3A_430 = arith.muli %add3A_278, %mul3A_429 : i32
            %add3A_431 = arith.constant 32 : i32
            %add3A_432 = arith.addi %mul3A_430, %add3A_431 : i32
            %get3A_433 = arith.index_cast %add3A_432 : i32 to index
            %get3A_434 = tpu.vector_load %arg6[%get3A_433] {strides = array<i32>} : memref<4096xi32, #tpu.memory_space<vmem>>, vector<16xi32>,
            %shift_right_arithmetic3A_435 = arith.constant 9 : i32
            %shift_right_arithmetic3A_436 = vector.broadcast %shift_right_arithmetic3A_435 : i32 to vector<16xi32>
            %shift_right_arithmetic3A_437 = arith.shrsi %get3A_434, %shift_right_arithmetic3A_436 : vector<16xi32>
            %swap3A_438 = arith.constant 2 : i32
            %swap3A_439 = arith.index_cast %swap3A_438 : i32 to index
            %swap3A_440 = arith.constant 32 : index
            %swap3A_441 = tpu.vector_load %arg7[%swap3A_439, %swap3A_440] {strides = array<i32>} : memref<6x64xi32, #tpu.memory_space<vmem>>, vector<16xi32>,
            tpu.vector_store %arg7[%swap3A_439, %swap3A_440], %shift_right_arithmetic3A_437 {strides = array<i32>} : memref<6x64xi32, #tpu.memory_space<vmem>>, vector<16xi32>,
            %mul3A_442 = arith.constant 64 : i32
            %mul3A_443 = arith.muli %add3A_278, %mul3A_442 : i32
            %add3A_444 = arith.constant 48 : i32
            %add3A_445 = arith.addi %mul3A_443, %add3A_444 : i32
            %get3A_446 = arith.index_cast %add3A_445 : i32 to index
            %get3A_447 = tpu.vector_load %arg6[%get3A_446] {strides = array<i32>} : memref<4096xi32, #tpu.memory_space<vmem>>, vector<16xi32>,
            %shift_right_arithmetic3A_448 = arith.constant 9 : i32
            %shift_right_arithmetic3A_449 = vector.broadcast %shift_right_arithmetic3A_448 : i32 to vector<16xi32>
            %shift_right_arithmetic3A_450 = arith.shrsi %get3A_447, %shift_right_arithmetic3A_449 : vector<16xi32>
            %swap3A_451 = arith.constant 2 : i32
            %swap3A_452 = arith.index_cast %swap3A_451 : i32 to index
            %swap3A_453 = arith.constant 48 : index
            %swap3A_454 = tpu.vector_load %arg7[%swap3A_452, %swap3A_453] {strides = array<i32>} : memref<6x64xi32, #tpu.memory_space<vmem>>, vector<16xi32>,
            tpu.vector_store %arg7[%swap3A_452, %swap3A_453], %shift_right_arithmetic3A_450 {strides = array<i32>} : memref<6x64xi32, #tpu.memory_space<vmem>>, vector<16xi32>,
            %dma_start3A_455 = arith.constant 2 : i32
            %dma_start3A_456 = arith.constant 2 : i32
            %dma_start3A_457 = arith.constant 0 : i32
            %dma_start3A_458 = arith.constant 0 : i32
            %dma_start3A_459 = tpu.memref_slice %arg9[%dma_start3A_456, %dma_start3A_457, %dma_start3A_458] : memref<6x64x128xi32, #tpu.memory_space<vmem>> -> memref<1x64x128xi32, #tpu.memory_space<vmem>>
            %dma_start3A_460 = tpu.memref_squeeze %dma_start3A_459 : memref<1x64x128xi32, #tpu.memory_space<vmem>> -> memref<64x128xi32, #tpu.memory_space<vmem>>
            %dma_start3A_461 = arith.constant 0 : i32
            %dma_start3A_462 = tpu.memref_slice %arg7[%dma_start3A_455, %dma_start3A_461] : memref<6x64xi32, #tpu.memory_space<vmem>> -> memref<1x64xi32, #tpu.memory_space<vmem>>
            %dma_start3A_463 = tpu.memref_squeeze %dma_start3A_462 : memref<1x64xi32, #tpu.memory_space<vmem>> -> memref<64xi32, #tpu.memory_space<vmem>>
            %dma_start3A_464 = arith.constant 0 : i32
            %dma_start3A_465 = arith.constant 0 : i32
            %dma_start3A_466 = tpu.memref_slice %arg2[%dma_start3A_464, %dma_start3A_465] : memref<80000x128xi32, #tpu.memory_space<hbm>> -> memref<80000x128xi32, #tpu.memory_space<hbm>>
            tpu.enqueue_indirect_dma source(%dma_start3A_466 : memref<80000x128xi32, #tpu.memory_space<hbm>>) target(%dma_start3A_460 : memref<64x128xi32, #tpu.memory_space<vmem>>) offsets(%dma_start3A_463 : memref<64xi32, #tpu.memory_space<vmem>>) semaphore(%arg12 : memref<!tpu.dma_semaphore, #tpu.memory_space<semaphore_mem>>)
          } else {
          }
          %jit3A_342 = arith.constant 6 : i32
          %eq3A_343 = arith.constant 0 : i32
          %eq3A_344 = arith.cmpi eq, %jit3A_342, %eq3A_343 : i32
          %jit3A_345 = arith.constant 1 : i32
          %select_n3A_346 = arith.select %eq3A_344, %jit3A_345, %jit3A_342 : i32
          %rem3A_347 = arith.remsi %add3A_278, %select_n3A_346 : i32
          %ne3A_348 = arith.constant 0 : i32
          %ne3A_349 = arith.cmpi ne, %rem3A_347, %ne3A_348 : i32
          %lt3A_350 = arith.constant 0 : i32
          %lt3A_351 = arith.cmpi slt, %rem3A_347, %lt3A_350 : i32
          %lt3A_352 = arith.constant 0 : i32
          %lt3A_353 = arith.cmpi slt, %select_n3A_346, %lt3A_352 : i32
          %ne3A_354 = arith.xori %lt3A_351, %lt3A_353 : i1
          %and3A_355 = arith.andi %ne3A_354, %ne3A_349 : i1
          %add3A_356 = arith.addi %rem3A_347, %select_n3A_346 : i32
          %select_n3A_357 = arith.select %and3A_355, %add3A_356, %rem3A_347 : i32
          %eq3A_358 = arith.constant 3 : i32
          %eq3A_359 = arith.cmpi eq, %select_n3A_357, %eq3A_358 : i32
          %convert_element_type3A_360 = arith.extui %eq3A_359 : i1 to i32
          %cond3A_361 = arith.constant 0 : i32
          %cond3A_362 = arith.cmpi ne, %convert_element_type3A_360, %cond3A_361 : i32
          scf.if %cond3A_362 {
            %mul3A_405 = arith.constant 64 : i32
            %mul3A_406 = arith.muli %add3A_278, %mul3A_405 : i32
            %add3A_407 = arith.constant 0 : i32
            %add3A_408 = arith.addi %mul3A_406, %add3A_407 : i32
            %get3A = arith.index_cast %add3A_408 : i32 to index
            %get3A_409 = tpu.vector_load %arg6[%get3A] {strides = array<i32>} : memref<4096xi32, #tpu.memory_space<vmem>>, vector<16xi32>,
            %shift_right_arithmetic3A = arith.constant 9 : i32
            %shift_right_arithmetic3A_410 = vector.broadcast %shift_right_arithmetic3A : i32 to vector<16xi32>
            %shift_right_arithmetic3A_411 = arith.shrsi %get3A_409, %shift_right_arithmetic3A_410 : vector<16xi32>
            %swap3A_412 = arith.constant 3 : i32
            %swap3A_413 = arith.index_cast %swap3A_412 : i32 to index
            %swap3A_414 = arith.constant 0 : index
            %swap3A_415 = tpu.vector_load %arg7[%swap3A_413, %swap3A_414] {strides = array<i32>} : memref<6x64xi32, #tpu.memory_space<vmem>>, vector<16xi32>,
            tpu.vector_store %arg7[%swap3A_413, %swap3A_414], %shift_right_arithmetic3A_411 {strides = array<i32>} : memref<6x64xi32, #tpu.memory_space<vmem>>, vector<16xi32>,
            %mul3A_416 = arith.constant 64 : i32
            %mul3A_417 = arith.muli %add3A_278, %mul3A_416 : i32
            %add3A_418 = arith.constant 16 : i32
            %add3A_419 = arith.addi %mul3A_417, %add3A_418 : i32
            %get3A_420 = arith.index_cast %add3A_419 : i32 to index
            %get3A_421 = tpu.vector_load %arg6[%get3A_420] {strides = array<i32>} : memref<4096xi32, #tpu.memory_space<vmem>>, vector<16xi32>,
            %shift_right_arithmetic3A_422 = arith.constant 9 : i32
            %shift_right_arithmetic3A_423 = vector.broadcast %shift_right_arithmetic3A_422 : i32 to vector<16xi32>
            %shift_right_arithmetic3A_424 = arith.shrsi %get3A_421, %shift_right_arithmetic3A_423 : vector<16xi32>
            %swap3A_425 = arith.constant 3 : i32
            %swap3A_426 = arith.index_cast %swap3A_425 : i32 to index
            %swap3A_427 = arith.constant 16 : index
            %swap3A_428 = tpu.vector_load %arg7[%swap3A_426, %swap3A_427] {strides = array<i32>} : memref<6x64xi32, #tpu.memory_space<vmem>>, vector<16xi32>,
            tpu.vector_store %arg7[%swap3A_426, %swap3A_427], %shift_right_arithmetic3A_424 {strides = array<i32>} : memref<6x64xi32, #tpu.memory_space<vmem>>, vector<16xi32>,
            %mul3A_429 = arith.constant 64 : i32
            %mul3A_430 = arith.muli %add3A_278, %mul3A_429 : i32
            %add3A_431 = arith.constant 32 : i32
            %add3A_432 = arith.addi %mul3A_430, %add3A_431 : i32
            %get3A_433 = arith.index_cast %add3A_432 : i32 to index
            %get3A_434 = tpu.vector_load %arg6[%get3A_433] {strides = array<i32>} : memref<4096xi32, #tpu.memory_space<vmem>>, vector<16xi32>,
            %shift_right_arithmetic3A_435 = arith.constant 9 : i32
            %shift_right_arithmetic3A_436 = vector.broadcast %shift_right_arithmetic3A_435 : i32 to vector<16xi32>
            %shift_right_arithmetic3A_437 = arith.shrsi %get3A_434, %shift_right_arithmetic3A_436 : vector<16xi32>
            %swap3A_438 = arith.constant 3 : i32
            %swap3A_439 = arith.index_cast %swap3A_438 : i32 to index
            %swap3A_440 = arith.constant 32 : index
            %swap3A_441 = tpu.vector_load %arg7[%swap3A_439, %swap3A_440] {strides = array<i32>} : memref<6x64xi32, #tpu.memory_space<vmem>>, vector<16xi32>,
            tpu.vector_store %arg7[%swap3A_439, %swap3A_440], %shift_right_arithmetic3A_437 {strides = array<i32>} : memref<6x64xi32, #tpu.memory_space<vmem>>, vector<16xi32>,
            %mul3A_442 = arith.constant 64 : i32
            %mul3A_443 = arith.muli %add3A_278, %mul3A_442 : i32
            %add3A_444 = arith.constant 48 : i32
            %add3A_445 = arith.addi %mul3A_443, %add3A_444 : i32
            %get3A_446 = arith.index_cast %add3A_445 : i32 to index
            %get3A_447 = tpu.vector_load %arg6[%get3A_446] {strides = array<i32>} : memref<4096xi32, #tpu.memory_space<vmem>>, vector<16xi32>,
            %shift_right_arithmetic3A_448 = arith.constant 9 : i32
            %shift_right_arithmetic3A_449 = vector.broadcast %shift_right_arithmetic3A_448 : i32 to vector<16xi32>
            %shift_right_arithmetic3A_450 = arith.shrsi %get3A_447, %shift_right_arithmetic3A_449 : vector<16xi32>
            %swap3A_451 = arith.constant 3 : i32
            %swap3A_452 = arith.index_cast %swap3A_451 : i32 to index
            %swap3A_453 = arith.constant 48 : index
            %swap3A_454 = tpu.vector_load %arg7[%swap3A_452, %swap3A_453] {strides = array<i32>} : memref<6x64xi32, #tpu.memory_space<vmem>>, vector<16xi32>,
            tpu.vector_store %arg7[%swap3A_452, %swap3A_453], %shift_right_arithmetic3A_450 {strides = array<i32>} : memref<6x64xi32, #tpu.memory_space<vmem>>, vector<16xi32>,
            %dma_start3A_455 = arith.constant 3 : i32
            %dma_start3A_456 = arith.constant 3 : i32
            %dma_start3A_457 = arith.constant 0 : i32
            %dma_start3A_458 = arith.constant 0 : i32
            %dma_start3A_459 = tpu.memref_slice %arg9[%dma_start3A_456, %dma_start3A_457, %dma_start3A_458] : memref<6x64x128xi32, #tpu.memory_space<vmem>> -> memref<1x64x128xi32, #tpu.memory_space<vmem>>
            %dma_start3A_460 = tpu.memref_squeeze %dma_start3A_459 : memref<1x64x128xi32, #tpu.memory_space<vmem>> -> memref<64x128xi32, #tpu.memory_space<vmem>>
            %dma_start3A_461 = arith.constant 0 : i32
            %dma_start3A_462 = tpu.memref_slice %arg7[%dma_start3A_455, %dma_start3A_461] : memref<6x64xi32, #tpu.memory_space<vmem>> -> memref<1x64xi32, #tpu.memory_space<vmem>>
            %dma_start3A_463 = tpu.memref_squeeze %dma_start3A_462 : memref<1x64xi32, #tpu.memory_space<vmem>> -> memref<64xi32, #tpu.memory_space<vmem>>
            %dma_start3A_464 = arith.constant 0 : i32
            %dma_start3A_465 = arith.constant 0 : i32
            %dma_start3A_466 = tpu.memref_slice %arg2[%dma_start3A_464, %dma_start3A_465] : memref<80000x128xi32, #tpu.memory_space<hbm>> -> memref<80000x128xi32, #tpu.memory_space<hbm>>
            tpu.enqueue_indirect_dma source(%dma_start3A_466 : memref<80000x128xi32, #tpu.memory_space<hbm>>) target(%dma_start3A_460 : memref<64x128xi32, #tpu.memory_space<vmem>>) offsets(%dma_start3A_463 : memref<64xi32, #tpu.memory_space<vmem>>) semaphore(%arg13 : memref<!tpu.dma_semaphore, #tpu.memory_space<semaphore_mem>>)
          } else {
          }
          %jit3A_363 = arith.constant 6 : i32
          %eq3A_364 = arith.constant 0 : i32
          %eq3A_365 = arith.cmpi eq, %jit3A_363, %eq3A_364 : i32
          %jit3A_366 = arith.constant 1 : i32
          %select_n3A_367 = arith.select %eq3A_365, %jit3A_366, %jit3A_363 : i32
          %rem3A_368 = arith.remsi %add3A_278, %select_n3A_367 : i32
          %ne3A_369 = arith.constant 0 : i32
          %ne3A_370 = arith.cmpi ne, %rem3A_368, %ne3A_369 : i32
          %lt3A_371 = arith.constant 0 : i32
          %lt3A_372 = arith.cmpi slt, %rem3A_368, %lt3A_371 : i32
          %lt3A_373 = arith.constant 0 : i32
          %lt3A_374 = arith.cmpi slt, %select_n3A_367, %lt3A_373 : i32
          %ne3A_375 = arith.xori %lt3A_372, %lt3A_374 : i1
          %and3A_376 = arith.andi %ne3A_375, %ne3A_370 : i1
          %add3A_377 = arith.addi %rem3A_368, %select_n3A_367 : i32
          %select_n3A_378 = arith.select %and3A_376, %add3A_377, %rem3A_368 : i32
          %eq3A_379 = arith.constant 4 : i32
          %eq3A_380 = arith.cmpi eq, %select_n3A_378, %eq3A_379 : i32
          %convert_element_type3A_381 = arith.extui %eq3A_380 : i1 to i32
          %cond3A_382 = arith.constant 0 : i32
          %cond3A_383 = arith.cmpi ne, %convert_element_type3A_381, %cond3A_382 : i32
          scf.if %cond3A_383 {
            %mul3A_405 = arith.constant 64 : i32
            %mul3A_406 = arith.muli %add3A_278, %mul3A_405 : i32
            %add3A_407 = arith.constant 0 : i32
            %add3A_408 = arith.addi %mul3A_406, %add3A_407 : i32
            %get3A = arith.index_cast %add3A_408 : i32 to index
            %get3A_409 = tpu.vector_load %arg6[%get3A] {strides = array<i32>} : memref<4096xi32, #tpu.memory_space<vmem>>, vector<16xi32>,
            %shift_right_arithmetic3A = arith.constant 9 : i32
            %shift_right_arithmetic3A_410 = vector.broadcast %shift_right_arithmetic3A : i32 to vector<16xi32>
            %shift_right_arithmetic3A_411 = arith.shrsi %get3A_409, %shift_right_arithmetic3A_410 : vector<16xi32>
            %swap3A_412 = arith.constant 4 : i32
            %swap3A_413 = arith.index_cast %swap3A_412 : i32 to index
            %swap3A_414 = arith.constant 0 : index
            %swap3A_415 = tpu.vector_load %arg7[%swap3A_413, %swap3A_414] {strides = array<i32>} : memref<6x64xi32, #tpu.memory_space<vmem>>, vector<16xi32>,
            tpu.vector_store %arg7[%swap3A_413, %swap3A_414], %shift_right_arithmetic3A_411 {strides = array<i32>} : memref<6x64xi32, #tpu.memory_space<vmem>>, vector<16xi32>,
            %mul3A_416 = arith.constant 64 : i32
            %mul3A_417 = arith.muli %add3A_278, %mul3A_416 : i32
            %add3A_418 = arith.constant 16 : i32
            %add3A_419 = arith.addi %mul3A_417, %add3A_418 : i32
            %get3A_420 = arith.index_cast %add3A_419 : i32 to index
            %get3A_421 = tpu.vector_load %arg6[%get3A_420] {strides = array<i32>} : memref<4096xi32, #tpu.memory_space<vmem>>, vector<16xi32>,
            %shift_right_arithmetic3A_422 = arith.constant 9 : i32
            %shift_right_arithmetic3A_423 = vector.broadcast %shift_right_arithmetic3A_422 : i32 to vector<16xi32>
            %shift_right_arithmetic3A_424 = arith.shrsi %get3A_421, %shift_right_arithmetic3A_423 : vector<16xi32>
            %swap3A_425 = arith.constant 4 : i32
            %swap3A_426 = arith.index_cast %swap3A_425 : i32 to index
            %swap3A_427 = arith.constant 16 : index
            %swap3A_428 = tpu.vector_load %arg7[%swap3A_426, %swap3A_427] {strides = array<i32>} : memref<6x64xi32, #tpu.memory_space<vmem>>, vector<16xi32>,
            tpu.vector_store %arg7[%swap3A_426, %swap3A_427], %shift_right_arithmetic3A_424 {strides = array<i32>} : memref<6x64xi32, #tpu.memory_space<vmem>>, vector<16xi32>,
            %mul3A_429 = arith.constant 64 : i32
            %mul3A_430 = arith.muli %add3A_278, %mul3A_429 : i32
            %add3A_431 = arith.constant 32 : i32
            %add3A_432 = arith.addi %mul3A_430, %add3A_431 : i32
            %get3A_433 = arith.index_cast %add3A_432 : i32 to index
            %get3A_434 = tpu.vector_load %arg6[%get3A_433] {strides = array<i32>} : memref<4096xi32, #tpu.memory_space<vmem>>, vector<16xi32>,
            %shift_right_arithmetic3A_435 = arith.constant 9 : i32
            %shift_right_arithmetic3A_436 = vector.broadcast %shift_right_arithmetic3A_435 : i32 to vector<16xi32>
            %shift_right_arithmetic3A_437 = arith.shrsi %get3A_434, %shift_right_arithmetic3A_436 : vector<16xi32>
            %swap3A_438 = arith.constant 4 : i32
            %swap3A_439 = arith.index_cast %swap3A_438 : i32 to index
            %swap3A_440 = arith.constant 32 : index
            %swap3A_441 = tpu.vector_load %arg7[%swap3A_439, %swap3A_440] {strides = array<i32>} : memref<6x64xi32, #tpu.memory_space<vmem>>, vector<16xi32>,
            tpu.vector_store %arg7[%swap3A_439, %swap3A_440], %shift_right_arithmetic3A_437 {strides = array<i32>} : memref<6x64xi32, #tpu.memory_space<vmem>>, vector<16xi32>,
            %mul3A_442 = arith.constant 64 : i32
            %mul3A_443 = arith.muli %add3A_278, %mul3A_442 : i32
            %add3A_444 = arith.constant 48 : i32
            %add3A_445 = arith.addi %mul3A_443, %add3A_444 : i32
            %get3A_446 = arith.index_cast %add3A_445 : i32 to index
            %get3A_447 = tpu.vector_load %arg6[%get3A_446] {strides = array<i32>} : memref<4096xi32, #tpu.memory_space<vmem>>, vector<16xi32>,
            %shift_right_arithmetic3A_448 = arith.constant 9 : i32
            %shift_right_arithmetic3A_449 = vector.broadcast %shift_right_arithmetic3A_448 : i32 to vector<16xi32>
            %shift_right_arithmetic3A_450 = arith.shrsi %get3A_447, %shift_right_arithmetic3A_449 : vector<16xi32>
            %swap3A_451 = arith.constant 4 : i32
            %swap3A_452 = arith.index_cast %swap3A_451 : i32 to index
            %swap3A_453 = arith.constant 48 : index
            %swap3A_454 = tpu.vector_load %arg7[%swap3A_452, %swap3A_453] {strides = array<i32>} : memref<6x64xi32, #tpu.memory_space<vmem>>, vector<16xi32>,
            tpu.vector_store %arg7[%swap3A_452, %swap3A_453], %shift_right_arithmetic3A_450 {strides = array<i32>} : memref<6x64xi32, #tpu.memory_space<vmem>>, vector<16xi32>,
            %dma_start3A_455 = arith.constant 4 : i32
            %dma_start3A_456 = arith.constant 4 : i32
            %dma_start3A_457 = arith.constant 0 : i32
            %dma_start3A_458 = arith.constant 0 : i32
            %dma_start3A_459 = tpu.memref_slice %arg9[%dma_start3A_456, %dma_start3A_457, %dma_start3A_458] : memref<6x64x128xi32, #tpu.memory_space<vmem>> -> memref<1x64x128xi32, #tpu.memory_space<vmem>>
            %dma_start3A_460 = tpu.memref_squeeze %dma_start3A_459 : memref<1x64x128xi32, #tpu.memory_space<vmem>> -> memref<64x128xi32, #tpu.memory_space<vmem>>
            %dma_start3A_461 = arith.constant 0 : i32
            %dma_start3A_462 = tpu.memref_slice %arg7[%dma_start3A_455, %dma_start3A_461] : memref<6x64xi32, #tpu.memory_space<vmem>> -> memref<1x64xi32, #tpu.memory_space<vmem>>
            %dma_start3A_463 = tpu.memref_squeeze %dma_start3A_462 : memref<1x64xi32, #tpu.memory_space<vmem>> -> memref<64xi32, #tpu.memory_space<vmem>>
            %dma_start3A_464 = arith.constant 0 : i32
            %dma_start3A_465 = arith.constant 0 : i32
            %dma_start3A_466 = tpu.memref_slice %arg2[%dma_start3A_464, %dma_start3A_465] : memref<80000x128xi32, #tpu.memory_space<hbm>> -> memref<80000x128xi32, #tpu.memory_space<hbm>>
            tpu.enqueue_indirect_dma source(%dma_start3A_466 : memref<80000x128xi32, #tpu.memory_space<hbm>>) target(%dma_start3A_460 : memref<64x128xi32, #tpu.memory_space<vmem>>) offsets(%dma_start3A_463 : memref<64xi32, #tpu.memory_space<vmem>>) semaphore(%arg16 : memref<!tpu.dma_semaphore, #tpu.memory_space<semaphore_mem>>)
          } else {
          }
          %jit3A_384 = arith.constant 6 : i32
          %eq3A_385 = arith.constant 0 : i32
          %eq3A_386 = arith.cmpi eq, %jit3A_384, %eq3A_385 : i32
          %jit3A_387 = arith.constant 1 : i32
          %select_n3A_388 = arith.select %eq3A_386, %jit3A_387, %jit3A_384 : i32
          %rem3A_389 = arith.remsi %add3A_278, %select_n3A_388 : i32
          %ne3A_390 = arith.constant 0 : i32
          %ne3A_391 = arith.cmpi ne, %rem3A_389, %ne3A_390 : i32
          %lt3A_392 = arith.constant 0 : i32
          %lt3A_393 = arith.cmpi slt, %rem3A_389, %lt3A_392 : i32
          %lt3A_394 = arith.constant 0 : i32
          %lt3A_395 = arith.cmpi slt, %select_n3A_388, %lt3A_394 : i32
          %ne3A_396 = arith.xori %lt3A_393, %lt3A_395 : i1
          %and3A_397 = arith.andi %ne3A_396, %ne3A_391 : i1
          %add3A_398 = arith.addi %rem3A_389, %select_n3A_388 : i32
          %select_n3A_399 = arith.select %and3A_397, %add3A_398, %rem3A_389 : i32
          %eq3A_400 = arith.constant 5 : i32
          %eq3A_401 = arith.cmpi eq, %select_n3A_399, %eq3A_400 : i32
          %convert_element_type3A_402 = arith.extui %eq3A_401 : i1 to i32
          %cond3A_403 = arith.constant 0 : i32
          %cond3A_404 = arith.cmpi ne, %convert_element_type3A_402, %cond3A_403 : i32
          scf.if %cond3A_404 {
            %mul3A_405 = arith.constant 64 : i32
            %mul3A_406 = arith.muli %add3A_278, %mul3A_405 : i32
            %add3A_407 = arith.constant 0 : i32
            %add3A_408 = arith.addi %mul3A_406, %add3A_407 : i32
            %get3A = arith.index_cast %add3A_408 : i32 to index
            %get3A_409 = tpu.vector_load %arg6[%get3A] {strides = array<i32>} : memref<4096xi32, #tpu.memory_space<vmem>>, vector<16xi32>,
            %shift_right_arithmetic3A = arith.constant 9 : i32
            %shift_right_arithmetic3A_410 = vector.broadcast %shift_right_arithmetic3A : i32 to vector<16xi32>
            %shift_right_arithmetic3A_411 = arith.shrsi %get3A_409, %shift_right_arithmetic3A_410 : vector<16xi32>
            %swap3A_412 = arith.constant 5 : i32
            %swap3A_413 = arith.index_cast %swap3A_412 : i32 to index
            %swap3A_414 = arith.constant 0 : index
            %swap3A_415 = tpu.vector_load %arg7[%swap3A_413, %swap3A_414] {strides = array<i32>} : memref<6x64xi32, #tpu.memory_space<vmem>>, vector<16xi32>,
            tpu.vector_store %arg7[%swap3A_413, %swap3A_414], %shift_right_arithmetic3A_411 {strides = array<i32>} : memref<6x64xi32, #tpu.memory_space<vmem>>, vector<16xi32>,
            %mul3A_416 = arith.constant 64 : i32
            %mul3A_417 = arith.muli %add3A_278, %mul3A_416 : i32
            %add3A_418 = arith.constant 16 : i32
            %add3A_419 = arith.addi %mul3A_417, %add3A_418 : i32
            %get3A_420 = arith.index_cast %add3A_419 : i32 to index
            %get3A_421 = tpu.vector_load %arg6[%get3A_420] {strides = array<i32>} : memref<4096xi32, #tpu.memory_space<vmem>>, vector<16xi32>,
            %shift_right_arithmetic3A_422 = arith.constant 9 : i32
            %shift_right_arithmetic3A_423 = vector.broadcast %shift_right_arithmetic3A_422 : i32 to vector<16xi32>
            %shift_right_arithmetic3A_424 = arith.shrsi %get3A_421, %shift_right_arithmetic3A_423 : vector<16xi32>
            %swap3A_425 = arith.constant 5 : i32
            %swap3A_426 = arith.index_cast %swap3A_425 : i32 to index
            %swap3A_427 = arith.constant 16 : index
            %swap3A_428 = tpu.vector_load %arg7[%swap3A_426, %swap3A_427] {strides = array<i32>} : memref<6x64xi32, #tpu.memory_space<vmem>>, vector<16xi32>,
            tpu.vector_store %arg7[%swap3A_426, %swap3A_427], %shift_right_arithmetic3A_424 {strides = array<i32>} : memref<6x64xi32, #tpu.memory_space<vmem>>, vector<16xi32>,
            %mul3A_429 = arith.constant 64 : i32
            %mul3A_430 = arith.muli %add3A_278, %mul3A_429 : i32
            %add3A_431 = arith.constant 32 : i32
            %add3A_432 = arith.addi %mul3A_430, %add3A_431 : i32
            %get3A_433 = arith.index_cast %add3A_432 : i32 to index
            %get3A_434 = tpu.vector_load %arg6[%get3A_433] {strides = array<i32>} : memref<4096xi32, #tpu.memory_space<vmem>>, vector<16xi32>,
            %shift_right_arithmetic3A_435 = arith.constant 9 : i32
            %shift_right_arithmetic3A_436 = vector.broadcast %shift_right_arithmetic3A_435 : i32 to vector<16xi32>
            %shift_right_arithmetic3A_437 = arith.shrsi %get3A_434, %shift_right_arithmetic3A_436 : vector<16xi32>
            %swap3A_438 = arith.constant 5 : i32
            %swap3A_439 = arith.index_cast %swap3A_438 : i32 to index
            %swap3A_440 = arith.constant 32 : index
            %swap3A_441 = tpu.vector_load %arg7[%swap3A_439, %swap3A_440] {strides = array<i32>} : memref<6x64xi32, #tpu.memory_space<vmem>>, vector<16xi32>,
            tpu.vector_store %arg7[%swap3A_439, %swap3A_440], %shift_right_arithmetic3A_437 {strides = array<i32>} : memref<6x64xi32, #tpu.memory_space<vmem>>, vector<16xi32>,
            %mul3A_442 = arith.constant 64 : i32
            %mul3A_443 = arith.muli %add3A_278, %mul3A_442 : i32
            %add3A_444 = arith.constant 48 : i32
            %add3A_445 = arith.addi %mul3A_443, %add3A_444 : i32
            %get3A_446 = arith.index_cast %add3A_445 : i32 to index
            %get3A_447 = tpu.vector_load %arg6[%get3A_446] {strides = array<i32>} : memref<4096xi32, #tpu.memory_space<vmem>>, vector<16xi32>,
            %shift_right_arithmetic3A_448 = arith.constant 9 : i32
            %shift_right_arithmetic3A_449 = vector.broadcast %shift_right_arithmetic3A_448 : i32 to vector<16xi32>
            %shift_right_arithmetic3A_450 = arith.shrsi %get3A_447, %shift_right_arithmetic3A_449 : vector<16xi32>
            %swap3A_451 = arith.constant 5 : i32
            %swap3A_452 = arith.index_cast %swap3A_451 : i32 to index
            %swap3A_453 = arith.constant 48 : index
            %swap3A_454 = tpu.vector_load %arg7[%swap3A_452, %swap3A_453] {strides = array<i32>} : memref<6x64xi32, #tpu.memory_space<vmem>>, vector<16xi32>,
            tpu.vector_store %arg7[%swap3A_452, %swap3A_453], %shift_right_arithmetic3A_450 {strides = array<i32>} : memref<6x64xi32, #tpu.memory_space<vmem>>, vector<16xi32>,
            %dma_start3A_455 = arith.constant 5 : i32
            %dma_start3A_456 = arith.constant 5 : i32
            %dma_start3A_457 = arith.constant 0 : i32
            %dma_start3A_458 = arith.constant 0 : i32
            %dma_start3A_459 = tpu.memref_slice %arg9[%dma_start3A_456, %dma_start3A_457, %dma_start3A_458] : memref<6x64x128xi32, #tpu.memory_space<vmem>> -> memref<1x64x128xi32, #tpu.memory_space<vmem>>
            %dma_start3A_460 = tpu.memref_squeeze %dma_start3A_459 : memref<1x64x128xi32, #tpu.memory_space<vmem>> -> memref<64x128xi32, #tpu.memory_space<vmem>>
            %dma_start3A_461 = arith.constant 0 : i32
            %dma_start3A_462 = tpu.memref_slice %arg7[%dma_start3A_455, %dma_start3A_461] : memref<6x64xi32, #tpu.memory_space<vmem>> -> memref<1x64xi32, #tpu.memory_space<vmem>>
            %dma_start3A_463 = tpu.memref_squeeze %dma_start3A_462 : memref<1x64xi32, #tpu.memory_space<vmem>> -> memref<64xi32, #tpu.memory_space<vmem>>
            %dma_start3A_464 = arith.constant 0 : i32
            %dma_start3A_465 = arith.constant 0 : i32
            %dma_start3A_466 = tpu.memref_slice %arg2[%dma_start3A_464, %dma_start3A_465] : memref<80000x128xi32, #tpu.memory_space<hbm>> -> memref<80000x128xi32, #tpu.memory_space<hbm>>
            tpu.enqueue_indirect_dma source(%dma_start3A_466 : memref<80000x128xi32, #tpu.memory_space<hbm>>) target(%dma_start3A_460 : memref<64x128xi32, #tpu.memory_space<vmem>>) offsets(%dma_start3A_463 : memref<64xi32, #tpu.memory_space<vmem>>) semaphore(%arg17 : memref<!tpu.dma_semaphore, #tpu.memory_space<semaphore_mem>>)
          } else {
          }
        } else {
        }
        %jit3A_113 = arith.constant 6 : i32
        %eq3A = arith.constant 0 : i32
        %eq3A_114 = arith.cmpi eq, %jit3A_113, %eq3A : i32
        %jit3A_115 = arith.constant 1 : i32
        %select_n3A_116 = arith.select %eq3A_114, %jit3A_115, %jit3A_113 : i32
        %rem3A_117 = arith.remsi %while3A_106, %select_n3A_116 : i32
        %ne3A_118 = arith.constant 0 : i32
        %ne3A_119 = arith.cmpi ne, %rem3A_117, %ne3A_118 : i32
        %lt3A_120 = arith.constant 0 : i32
        %lt3A_121 = arith.cmpi slt, %rem3A_117, %lt3A_120 : i32
        %lt3A_122 = arith.constant 0 : i32
        %lt3A_123 = arith.cmpi slt, %select_n3A_116, %lt3A_122 : i32
        %ne3A_124 = arith.xori %lt3A_121, %lt3A_123 : i1
        %and3A_125 = arith.andi %ne3A_124, %ne3A_119 : i1
        %add3A_126 = arith.addi %rem3A_117, %select_n3A_116 : i32
        %select_n3A_127 = arith.select %and3A_125, %add3A_126, %rem3A_117 : i32
        %eq3A_128 = arith.constant 0 : i32
        %eq3A_129 = arith.cmpi eq, %select_n3A_127, %eq3A_128 : i32
        %convert_element_type3A_130 = arith.extui %eq3A_129 : i1 to i32
        %cond3A_131 = arith.constant 0 : i32
        %cond3A_132 = arith.constant 0 : i32
        %cond3A_133 = arith.cmpi ne, %convert_element_type3A_130, %cond3A_132 : i32
        scf.if %cond3A_133 {
          %dma_wait3A = arith.constant 0 : i32
          %dma_wait3A_277 = arith.constant 0 : i32
          %dma_wait3A_278 = arith.constant 0 : i32
          %dma_wait3A_279 = tpu.memref_slice %arg9[%dma_wait3A, %dma_wait3A_277, %dma_wait3A_278] : memref<6x64x128xi32, #tpu.memory_space<vmem>> -> memref<1x64x128xi32, #tpu.memory_space<vmem>>
          %dma_wait3A_280 = tpu.memref_squeeze %dma_wait3A_279 : memref<1x64x128xi32, #tpu.memory_space<vmem>> -> memref<64x128xi32, #tpu.memory_space<vmem>>
          %dma_wait3A_281 = arith.constant 0 : i32
          %dma_wait3A_282 = tpu.memref_slice %arg7[%cond3A_131, %dma_wait3A_281] : memref<6x64xi32, #tpu.memory_space<vmem>> -> memref<1x64xi32, #tpu.memory_space<vmem>>
          %dma_wait3A_283 = tpu.memref_squeeze %dma_wait3A_282 : memref<1x64xi32, #tpu.memory_space<vmem>> -> memref<64xi32, #tpu.memory_space<vmem>>
          %dma_wait3A_284 = arith.constant 0 : i32
          %dma_wait3A_285 = arith.constant 0 : i32
          %dma_wait3A_286 = tpu.memref_slice %arg2[%dma_wait3A_284, %dma_wait3A_285] : memref<80000x128xi32, #tpu.memory_space<hbm>> -> memref<80000x128xi32, #tpu.memory_space<hbm>>
          tpu.wait_indirect_dma semaphore(%arg10 : memref<!tpu.dma_semaphore, #tpu.memory_space<semaphore_mem>>) src(%dma_wait3A_286 : memref<80000x128xi32, #tpu.memory_space<hbm>>) dst(%dma_wait3A_280 : memref<64x128xi32, #tpu.memory_space<vmem>>)
        } else {
        }
        %jit3A_134 = arith.constant 6 : i32
        %eq3A_135 = arith.constant 0 : i32
        %eq3A_136 = arith.cmpi eq, %jit3A_134, %eq3A_135 : i32
        %jit3A_137 = arith.constant 1 : i32
        %select_n3A_138 = arith.select %eq3A_136, %jit3A_137, %jit3A_134 : i32
        %rem3A_139 = arith.remsi %while3A_106, %select_n3A_138 : i32
        %ne3A_140 = arith.constant 0 : i32
        %ne3A_141 = arith.cmpi ne, %rem3A_139, %ne3A_140 : i32
        %lt3A_142 = arith.constant 0 : i32
        %lt3A_143 = arith.cmpi slt, %rem3A_139, %lt3A_142 : i32
        %lt3A_144 = arith.constant 0 : i32
        %lt3A_145 = arith.cmpi slt, %select_n3A_138, %lt3A_144 : i32
        %ne3A_146 = arith.xori %lt3A_143, %lt3A_145 : i1
        %and3A_147 = arith.andi %ne3A_146, %ne3A_141 : i1
        %add3A_148 = arith.addi %rem3A_139, %select_n3A_138 : i32
        %select_n3A_149 = arith.select %and3A_147, %add3A_148, %rem3A_139 : i32
        %eq3A_150 = arith.constant 1 : i32
        %eq3A_151 = arith.cmpi eq, %select_n3A_149, %eq3A_150 : i32
        %convert_element_type3A_152 = arith.extui %eq3A_151 : i1 to i32
        %cond3A_153 = arith.constant 0 : i32
        %cond3A_154 = arith.constant 0 : i32
        %cond3A_155 = arith.cmpi ne, %convert_element_type3A_152, %cond3A_154 : i32
        scf.if %cond3A_155 {
          %dma_wait3A = arith.constant 1 : i32
          %dma_wait3A_277 = arith.constant 0 : i32
          %dma_wait3A_278 = arith.constant 0 : i32
          %dma_wait3A_279 = tpu.memref_slice %arg9[%dma_wait3A, %dma_wait3A_277, %dma_wait3A_278] : memref<6x64x128xi32, #tpu.memory_space<vmem>> -> memref<1x64x128xi32, #tpu.memory_space<vmem>>
          %dma_wait3A_280 = tpu.memref_squeeze %dma_wait3A_279 : memref<1x64x128xi32, #tpu.memory_space<vmem>> -> memref<64x128xi32, #tpu.memory_space<vmem>>
          %dma_wait3A_281 = arith.constant 0 : i32
          %dma_wait3A_282 = tpu.memref_slice %arg7[%cond3A_153, %dma_wait3A_281] : memref<6x64xi32, #tpu.memory_space<vmem>> -> memref<1x64xi32, #tpu.memory_space<vmem>>
          %dma_wait3A_283 = tpu.memref_squeeze %dma_wait3A_282 : memref<1x64xi32, #tpu.memory_space<vmem>> -> memref<64xi32, #tpu.memory_space<vmem>>
          %dma_wait3A_284 = arith.constant 0 : i32
          %dma_wait3A_285 = arith.constant 0 : i32
          %dma_wait3A_286 = tpu.memref_slice %arg2[%dma_wait3A_284, %dma_wait3A_285] : memref<80000x128xi32, #tpu.memory_space<hbm>> -> memref<80000x128xi32, #tpu.memory_space<hbm>>
          tpu.wait_indirect_dma semaphore(%arg11 : memref<!tpu.dma_semaphore, #tpu.memory_space<semaphore_mem>>) src(%dma_wait3A_286 : memref<80000x128xi32, #tpu.memory_space<hbm>>) dst(%dma_wait3A_280 : memref<64x128xi32, #tpu.memory_space<vmem>>)
        } else {
        }
        %jit3A_156 = arith.constant 6 : i32
        %eq3A_157 = arith.constant 0 : i32
        %eq3A_158 = arith.cmpi eq, %jit3A_156, %eq3A_157 : i32
        %jit3A_159 = arith.constant 1 : i32
        %select_n3A_160 = arith.select %eq3A_158, %jit3A_159, %jit3A_156 : i32
        %rem3A_161 = arith.remsi %while3A_106, %select_n3A_160 : i32
        %ne3A_162 = arith.constant 0 : i32
        %ne3A_163 = arith.cmpi ne, %rem3A_161, %ne3A_162 : i32
        %lt3A_164 = arith.constant 0 : i32
        %lt3A_165 = arith.cmpi slt, %rem3A_161, %lt3A_164 : i32
        %lt3A_166 = arith.constant 0 : i32
        %lt3A_167 = arith.cmpi slt, %select_n3A_160, %lt3A_166 : i32
        %ne3A_168 = arith.xori %lt3A_165, %lt3A_167 : i1
        %and3A_169 = arith.andi %ne3A_168, %ne3A_163 : i1
        %add3A_170 = arith.addi %rem3A_161, %select_n3A_160 : i32
        %select_n3A_171 = arith.select %and3A_169, %add3A_170, %rem3A_161 : i32
        %eq3A_172 = arith.constant 2 : i32
        %eq3A_173 = arith.cmpi eq, %select_n3A_171, %eq3A_172 : i32
        %convert_element_type3A_174 = arith.extui %eq3A_173 : i1 to i32
        %cond3A_175 = arith.constant 0 : i32
        %cond3A_176 = arith.constant 0 : i32
        %cond3A_177 = arith.cmpi ne, %convert_element_type3A_174, %cond3A_176 : i32
        scf.if %cond3A_177 {
          %dma_wait3A = arith.constant 2 : i32
          %dma_wait3A_277 = arith.constant 0 : i32
          %dma_wait3A_278 = arith.constant 0 : i32
          %dma_wait3A_279 = tpu.memref_slice %arg9[%dma_wait3A, %dma_wait3A_277, %dma_wait3A_278] : memref<6x64x128xi32, #tpu.memory_space<vmem>> -> memref<1x64x128xi32, #tpu.memory_space<vmem>>
          %dma_wait3A_280 = tpu.memref_squeeze %dma_wait3A_279 : memref<1x64x128xi32, #tpu.memory_space<vmem>> -> memref<64x128xi32, #tpu.memory_space<vmem>>
          %dma_wait3A_281 = arith.constant 0 : i32
          %dma_wait3A_282 = tpu.memref_slice %arg7[%cond3A_175, %dma_wait3A_281] : memref<6x64xi32, #tpu.memory_space<vmem>> -> memref<1x64xi32, #tpu.memory_space<vmem>>
          %dma_wait3A_283 = tpu.memref_squeeze %dma_wait3A_282 : memref<1x64xi32, #tpu.memory_space<vmem>> -> memref<64xi32, #tpu.memory_space<vmem>>
          %dma_wait3A_284 = arith.constant 0 : i32
          %dma_wait3A_285 = arith.constant 0 : i32
          %dma_wait3A_286 = tpu.memref_slice %arg2[%dma_wait3A_284, %dma_wait3A_285] : memref<80000x128xi32, #tpu.memory_space<hbm>> -> memref<80000x128xi32, #tpu.memory_space<hbm>>
          tpu.wait_indirect_dma semaphore(%arg12 : memref<!tpu.dma_semaphore, #tpu.memory_space<semaphore_mem>>) src(%dma_wait3A_286 : memref<80000x128xi32, #tpu.memory_space<hbm>>) dst(%dma_wait3A_280 : memref<64x128xi32, #tpu.memory_space<vmem>>)
        } else {
        }
        %jit3A_178 = arith.constant 6 : i32
        %eq3A_179 = arith.constant 0 : i32
        %eq3A_180 = arith.cmpi eq, %jit3A_178, %eq3A_179 : i32
        %jit3A_181 = arith.constant 1 : i32
        %select_n3A_182 = arith.select %eq3A_180, %jit3A_181, %jit3A_178 : i32
        %rem3A_183 = arith.remsi %while3A_106, %select_n3A_182 : i32
        %ne3A_184 = arith.constant 0 : i32
        %ne3A_185 = arith.cmpi ne, %rem3A_183, %ne3A_184 : i32
        %lt3A_186 = arith.constant 0 : i32
        %lt3A_187 = arith.cmpi slt, %rem3A_183, %lt3A_186 : i32
        %lt3A_188 = arith.constant 0 : i32
        %lt3A_189 = arith.cmpi slt, %select_n3A_182, %lt3A_188 : i32
        %ne3A_190 = arith.xori %lt3A_187, %lt3A_189 : i1
        %and3A_191 = arith.andi %ne3A_190, %ne3A_185 : i1
        %add3A_192 = arith.addi %rem3A_183, %select_n3A_182 : i32
        %select_n3A_193 = arith.select %and3A_191, %add3A_192, %rem3A_183 : i32
        %eq3A_194 = arith.constant 3 : i32
        %eq3A_195 = arith.cmpi eq, %select_n3A_193, %eq3A_194 : i32
        %convert_element_type3A_196 = arith.extui %eq3A_195 : i1 to i32
        %cond3A_197 = arith.constant 0 : i32
        %cond3A_198 = arith.constant 0 : i32
        %cond3A_199 = arith.cmpi ne, %convert_element_type3A_196, %cond3A_198 : i32
        scf.if %cond3A_199 {
          %dma_wait3A = arith.constant 3 : i32
          %dma_wait3A_277 = arith.constant 0 : i32
          %dma_wait3A_278 = arith.constant 0 : i32
          %dma_wait3A_279 = tpu.memref_slice %arg9[%dma_wait3A, %dma_wait3A_277, %dma_wait3A_278] : memref<6x64x128xi32, #tpu.memory_space<vmem>> -> memref<1x64x128xi32, #tpu.memory_space<vmem>>
          %dma_wait3A_280 = tpu.memref_squeeze %dma_wait3A_279 : memref<1x64x128xi32, #tpu.memory_space<vmem>> -> memref<64x128xi32, #tpu.memory_space<vmem>>
          %dma_wait3A_281 = arith.constant 0 : i32
          %dma_wait3A_282 = tpu.memref_slice %arg7[%cond3A_197, %dma_wait3A_281] : memref<6x64xi32, #tpu.memory_space<vmem>> -> memref<1x64xi32, #tpu.memory_space<vmem>>
          %dma_wait3A_283 = tpu.memref_squeeze %dma_wait3A_282 : memref<1x64xi32, #tpu.memory_space<vmem>> -> memref<64xi32, #tpu.memory_space<vmem>>
          %dma_wait3A_284 = arith.constant 0 : i32
          %dma_wait3A_285 = arith.constant 0 : i32
          %dma_wait3A_286 = tpu.memref_slice %arg2[%dma_wait3A_284, %dma_wait3A_285] : memref<80000x128xi32, #tpu.memory_space<hbm>> -> memref<80000x128xi32, #tpu.memory_space<hbm>>
          tpu.wait_indirect_dma semaphore(%arg13 : memref<!tpu.dma_semaphore, #tpu.memory_space<semaphore_mem>>) src(%dma_wait3A_286 : memref<80000x128xi32, #tpu.memory_space<hbm>>) dst(%dma_wait3A_280 : memref<64x128xi32, #tpu.memory_space<vmem>>)
        } else {
        }
        %jit3A_200 = arith.constant 6 : i32
        %eq3A_201 = arith.constant 0 : i32
        %eq3A_202 = arith.cmpi eq, %jit3A_200, %eq3A_201 : i32
        %jit3A_203 = arith.constant 1 : i32
        %select_n3A_204 = arith.select %eq3A_202, %jit3A_203, %jit3A_200 : i32
        %rem3A_205 = arith.remsi %while3A_106, %select_n3A_204 : i32
        %ne3A_206 = arith.constant 0 : i32
        %ne3A_207 = arith.cmpi ne, %rem3A_205, %ne3A_206 : i32
        %lt3A_208 = arith.constant 0 : i32
        %lt3A_209 = arith.cmpi slt, %rem3A_205, %lt3A_208 : i32
        %lt3A_210 = arith.constant 0 : i32
        %lt3A_211 = arith.cmpi slt, %select_n3A_204, %lt3A_210 : i32
        %ne3A_212 = arith.xori %lt3A_209, %lt3A_211 : i1
        %and3A_213 = arith.andi %ne3A_212, %ne3A_207 : i1
        %add3A_214 = arith.addi %rem3A_205, %select_n3A_204 : i32
        %select_n3A_215 = arith.select %and3A_213, %add3A_214, %rem3A_205 : i32
        %eq3A_216 = arith.constant 4 : i32
        %eq3A_217 = arith.cmpi eq, %select_n3A_215, %eq3A_216 : i32
        %convert_element_type3A_218 = arith.extui %eq3A_217 : i1 to i32
        %cond3A_219 = arith.constant 0 : i32
        %cond3A_220 = arith.constant 0 : i32
        %cond3A_221 = arith.cmpi ne, %convert_element_type3A_218, %cond3A_220 : i32
        scf.if %cond3A_221 {
          %dma_wait3A = arith.constant 4 : i32
          %dma_wait3A_277 = arith.constant 0 : i32
          %dma_wait3A_278 = arith.constant 0 : i32
          %dma_wait3A_279 = tpu.memref_slice %arg9[%dma_wait3A, %dma_wait3A_277, %dma_wait3A_278] : memref<6x64x128xi32, #tpu.memory_space<vmem>> -> memref<1x64x128xi32, #tpu.memory_space<vmem>>
          %dma_wait3A_280 = tpu.memref_squeeze %dma_wait3A_279 : memref<1x64x128xi32, #tpu.memory_space<vmem>> -> memref<64x128xi32, #tpu.memory_space<vmem>>
          %dma_wait3A_281 = arith.constant 0 : i32
          %dma_wait3A_282 = tpu.memref_slice %arg7[%cond3A_219, %dma_wait3A_281] : memref<6x64xi32, #tpu.memory_space<vmem>> -> memref<1x64xi32, #tpu.memory_space<vmem>>
          %dma_wait3A_283 = tpu.memref_squeeze %dma_wait3A_282 : memref<1x64xi32, #tpu.memory_space<vmem>> -> memref<64xi32, #tpu.memory_space<vmem>>
          %dma_wait3A_284 = arith.constant 0 : i32
          %dma_wait3A_285 = arith.constant 0 : i32
          %dma_wait3A_286 = tpu.memref_slice %arg2[%dma_wait3A_284, %dma_wait3A_285] : memref<80000x128xi32, #tpu.memory_space<hbm>> -> memref<80000x128xi32, #tpu.memory_space<hbm>>
          tpu.wait_indirect_dma semaphore(%arg16 : memref<!tpu.dma_semaphore, #tpu.memory_space<semaphore_mem>>) src(%dma_wait3A_286 : memref<80000x128xi32, #tpu.memory_space<hbm>>) dst(%dma_wait3A_280 : memref<64x128xi32, #tpu.memory_space<vmem>>)
        } else {
        }
        %jit3A_222 = arith.constant 6 : i32
        %eq3A_223 = arith.constant 0 : i32
        %eq3A_224 = arith.cmpi eq, %jit3A_222, %eq3A_223 : i32
        %jit3A_225 = arith.constant 1 : i32
        %select_n3A_226 = arith.select %eq3A_224, %jit3A_225, %jit3A_222 : i32
        %rem3A_227 = arith.remsi %while3A_106, %select_n3A_226 : i32
        %ne3A_228 = arith.constant 0 : i32
        %ne3A_229 = arith.cmpi ne, %rem3A_227, %ne3A_228 : i32
        %lt3A_230 = arith.constant 0 : i32
        %lt3A_231 = arith.cmpi slt, %rem3A_227, %lt3A_230 : i32
        %lt3A_232 = arith.constant 0 : i32
        %lt3A_233 = arith.cmpi slt, %select_n3A_226, %lt3A_232 : i32
        %ne3A_234 = arith.xori %lt3A_231, %lt3A_233 : i1
        %and3A_235 = arith.andi %ne3A_234, %ne3A_229 : i1
        %add3A_236 = arith.addi %rem3A_227, %select_n3A_226 : i32
        %select_n3A_237 = arith.select %and3A_235, %add3A_236, %rem3A_227 : i32
        %eq3A_238 = arith.constant 5 : i32
        %eq3A_239 = arith.cmpi eq, %select_n3A_237, %eq3A_238 : i32
        %convert_element_type3A_240 = arith.extui %eq3A_239 : i1 to i32
        %cond3A_241 = arith.constant 0 : i32
        %cond3A_242 = arith.constant 0 : i32
        %cond3A_243 = arith.cmpi ne, %convert_element_type3A_240, %cond3A_242 : i32
        scf.if %cond3A_243 {
          %dma_wait3A = arith.constant 5 : i32
          %dma_wait3A_277 = arith.constant 0 : i32
          %dma_wait3A_278 = arith.constant 0 : i32
          %dma_wait3A_279 = tpu.memref_slice %arg9[%dma_wait3A, %dma_wait3A_277, %dma_wait3A_278] : memref<6x64x128xi32, #tpu.memory_space<vmem>> -> memref<1x64x128xi32, #tpu.memory_space<vmem>>
          %dma_wait3A_280 = tpu.memref_squeeze %dma_wait3A_279 : memref<1x64x128xi32, #tpu.memory_space<vmem>> -> memref<64x128xi32, #tpu.memory_space<vmem>>
          %dma_wait3A_281 = arith.constant 0 : i32
          %dma_wait3A_282 = tpu.memref_slice %arg7[%cond3A_241, %dma_wait3A_281] : memref<6x64xi32, #tpu.memory_space<vmem>> -> memref<1x64xi32, #tpu.memory_space<vmem>>
          %dma_wait3A_283 = tpu.memref_squeeze %dma_wait3A_282 : memref<1x64xi32, #tpu.memory_space<vmem>> -> memref<64xi32, #tpu.memory_space<vmem>>
          %dma_wait3A_284 = arith.constant 0 : i32
          %dma_wait3A_285 = arith.constant 0 : i32
          %dma_wait3A_286 = tpu.memref_slice %arg2[%dma_wait3A_284, %dma_wait3A_285] : memref<80000x128xi32, #tpu.memory_space<hbm>> -> memref<80000x128xi32, #tpu.memory_space<hbm>>
          tpu.wait_indirect_dma semaphore(%arg17 : memref<!tpu.dma_semaphore, #tpu.memory_space<semaphore_mem>>) src(%dma_wait3A_286 : memref<80000x128xi32, #tpu.memory_space<hbm>>) dst(%dma_wait3A_280 : memref<64x128xi32, #tpu.memory_space<vmem>>)
        } else {
        }
        %jit3A_244 = arith.constant 6 : i32
        %eq3A_245 = arith.constant 0 : i32
        %eq3A_246 = arith.cmpi eq, %jit3A_244, %eq3A_245 : i32
        %jit3A_247 = arith.constant 1 : i32
        %select_n3A_248 = arith.select %eq3A_246, %jit3A_247, %jit3A_244 : i32
        %rem3A_249 = arith.remsi %while3A_106, %select_n3A_248 : i32
        %ne3A_250 = arith.constant 0 : i32
        %ne3A_251 = arith.cmpi ne, %rem3A_249, %ne3A_250 : i32
        %lt3A_252 = arith.constant 0 : i32
        %lt3A_253 = arith.cmpi slt, %rem3A_249, %lt3A_252 : i32
        %lt3A_254 = arith.constant 0 : i32
        %lt3A_255 = arith.cmpi slt, %select_n3A_248, %lt3A_254 : i32
        %ne3A_256 = arith.xori %lt3A_253, %lt3A_255 : i1
        %and3A_257 = arith.andi %ne3A_256, %ne3A_251 : i1
        %add3A_258 = arith.addi %rem3A_249, %select_n3A_248 : i32
        %select_n3A_259 = arith.select %and3A_257, %add3A_258, %rem3A_249 : i32
        %mul3A_260 = arith.constant 64 : i32
        %mul3A_261 = arith.muli %while3A_106, %mul3A_260 : i32
        %sub3A_262 = arith.subi %scan3A_29, %mul3A_261 : i32
        %min3A = arith.constant 64 : i32
        %min3A_263 = arith.minsi %sub3A_262, %min3A : i32
        %while3A_264 = arith.constant 0 : i32
        %while3A_265 = arith.constant 0 : i32
        %while3A_266 = arith.subi %min3A_263, %while3A_264 : i32
        %while3A_267 = arith.addi %while3A_264, %while3A_266 : i32
        %while3A_268 = arith.constant 1 : i32
        %while3A_269 = arith.divsi %while3A_266, %while3A_268 : i32
        %while3A_270 = arith.muli %while3A_269, %while3A_268 : i32
        %while3A_271 = arith.addi %while3A_264, %while3A_270 : i32
        %while3A_272 = arith.constant 1 : i32
        %while3A_273 = scf.for %while3A_277 = %while3A_264 to %while3A_271 step %while3A_272 iter_args(%while3A_278 = %while3A_265) -> (i32)  : i32 {
          %add3A_279 = arith.addi %mul3A_261, %while3A_277 : i32
          %get3A = arith.index_cast %add3A_279 : i32 to index
          %get3A_280 = tpu.vector_load %arg6[%get3A] {strides = array<i32>} : memref<4096xi32, #tpu.memory_space<vmem>>, vector<16xi32>,
          %slice3A = vector.extract_strided_slice %get3A_280 {offsets = [0], sizes = [1], strides = [1]} : vector<16xi32> to vector<1xi32>
          %squeeze3A = vector.extract %slice3A[0] : i32 from vector<1xi32>
          %and3A_281 = arith.constant 511 : i32
          %and3A_282 = arith.andi %squeeze3A, %and3A_281 : i32
          %mul3A_283 = arith.constant 128 : i32
          %mul3A_284 = arith.muli %and3A_282, %mul3A_283 : i32
          %add3A_285 = arith.constant 0 : i32
          %add3A_286 = arith.addi %mul3A_284, %add3A_285 : i32
          %get3A_287 = arith.index_cast %add3A_286 : i32 to index
          %get3A_288 = tpu.vector_load %arg8[%get3A_287] {strides = array<i32>} : memref<40064xi32, #tpu.memory_space<vmem>>, vector<16xi32>,
          %bitcast3A = vector.bitcast %get3A_288 : vector<16xi32> to vector<32xbf16>
          %get3A_289 = arith.index_cast %select_n3A_259 : i32 to index
          %get3A_290 = arith.index_cast %while3A_277 : i32 to index
          %get3A_291 = arith.constant 0 : index
          %get3A_292 = tpu.vector_load %arg9[%get3A_289, %get3A_290, %get3A_291] {strides = array<i32>} : memref<6x64x128xi32, #tpu.memory_space<vmem>>, vector<16xi32>,
          %bitcast3A_293 = vector.bitcast %get3A_292 : vector<16xi32> to vector<32xbf16>
          %max3A = arith.maximumf %bitcast3A, %bitcast3A_293 : vector<32xbf16>
          %bitcast3A_294 = vector.bitcast %max3A : vector<32xbf16> to vector<16xi32>
          %add3A_295 = arith.constant 0 : i32
          %add3A_296 = arith.addi %mul3A_284, %add3A_295 : i32
          %swap3A_297 = arith.index_cast %add3A_296 : i32 to index
          %swap3A_298 = tpu.vector_load %arg8[%swap3A_297] {strides = array<i32>} : memref<40064xi32, #tpu.memory_space<vmem>>, vector<16xi32>,
          tpu.vector_store %arg8[%swap3A_297], %bitcast3A_294 {strides = array<i32>} : memref<40064xi32, #tpu.memory_space<vmem>>, vector<16xi32>,
          %add3A_299 = arith.constant 16 : i32
          %add3A_300 = arith.addi %mul3A_284, %add3A_299 : i32
          %get3A_301 = arith.index_cast %add3A_300 : i32 to index
          %get3A_302 = tpu.vector_load %arg8[%get3A_301] {strides = array<i32>} : memref<40064xi32, #tpu.memory_space<vmem>>, vector<16xi32>,
          %bitcast3A_303 = vector.bitcast %get3A_302 : vector<16xi32> to vector<32xbf16>
          %get3A_304 = arith.index_cast %select_n3A_259 : i32 to index
          %get3A_305 = arith.index_cast %while3A_277 : i32 to index
          %get3A_306 = arith.constant 16 : index
          %get3A_307 = tpu.vector_load %arg9[%get3A_304, %get3A_305, %get3A_306] {strides = array<i32>} : memref<6x64x128xi32, #tpu.memory_space<vmem>>, vector<16xi32>,
          %bitcast3A_308 = vector.bitcast %get3A_307 : vector<16xi32> to vector<32xbf16>
          %max3A_309 = arith.maximumf %bitcast3A_303, %bitcast3A_308 : vector<32xbf16>
          %bitcast3A_310 = vector.bitcast %max3A_309 : vector<32xbf16> to vector<16xi32>
          %add3A_311 = arith.constant 16 : i32
          %add3A_312 = arith.addi %mul3A_284, %add3A_311 : i32
          %swap3A_313 = arith.index_cast %add3A_312 : i32 to index
          %swap3A_314 = tpu.vector_load %arg8[%swap3A_313] {strides = array<i32>} : memref<40064xi32, #tpu.memory_space<vmem>>, vector<16xi32>,
          tpu.vector_store %arg8[%swap3A_313], %bitcast3A_310 {strides = array<i32>} : memref<40064xi32, #tpu.memory_space<vmem>>, vector<16xi32>,
          %add3A_315 = arith.constant 32 : i32
          %add3A_316 = arith.addi %mul3A_284, %add3A_315 : i32
          %get3A_317 = arith.index_cast %add3A_316 : i32 to index
          %get3A_318 = tpu.vector_load %arg8[%get3A_317] {strides = array<i32>} : memref<40064xi32, #tpu.memory_space<vmem>>, vector<16xi32>,
          %bitcast3A_319 = vector.bitcast %get3A_318 : vector<16xi32> to vector<32xbf16>
          %get3A_320 = arith.index_cast %select_n3A_259 : i32 to index
          %get3A_321 = arith.index_cast %while3A_277 : i32 to index
          %get3A_322 = arith.constant 32 : index
          %get3A_323 = tpu.vector_load %arg9[%get3A_320, %get3A_321, %get3A_322] {strides = array<i32>} : memref<6x64x128xi32, #tpu.memory_space<vmem>>, vector<16xi32>,
          %bitcast3A_324 = vector.bitcast %get3A_323 : vector<16xi32> to vector<32xbf16>
          %max3A_325 = arith.maximumf %bitcast3A_319, %bitcast3A_324 : vector<32xbf16>
          %bitcast3A_326 = vector.bitcast %max3A_325 : vector<32xbf16> to vector<16xi32>
          %add3A_327 = arith.constant 32 : i32
          %add3A_328 = arith.addi %mul3A_284, %add3A_327 : i32
          %swap3A_329 = arith.index_cast %add3A_328 : i32 to index
          %swap3A_330 = tpu.vector_load %arg8[%swap3A_329] {strides = array<i32>} : memref<40064xi32, #tpu.memory_space<vmem>>, vector<16xi32>,
          tpu.vector_store %arg8[%swap3A_329], %bitcast3A_326 {strides = array<i32>} : memref<40064xi32, #tpu.memory_space<vmem>>, vector<16xi32>,
          %add3A_331 = arith.constant 48 : i32
          %add3A_332 = arith.addi %mul3A_284, %add3A_331 : i32
          %get3A_333 = arith.index_cast %add3A_332 : i32 to index
          %get3A_334 = tpu.vector_load %arg8[%get3A_333] {strides = array<i32>} : memref<40064xi32, #tpu.memory_space<vmem>>, vector<16xi32>,
          %bitcast3A_335 = vector.bitcast %get3A_334 : vector<16xi32> to vector<32xbf16>
          %get3A_336 = arith.index_cast %select_n3A_259 : i32 to index
          %get3A_337 = arith.index_cast %while3A_277 : i32 to index
          %get3A_338 = arith.constant 48 : index
          %get3A_339 = tpu.vector_load %arg9[%get3A_336, %get3A_337, %get3A_338] {strides = array<i32>} : memref<6x64x128xi32, #tpu.memory_space<vmem>>, vector<16xi32>,
          %bitcast3A_340 = vector.bitcast %get3A_339 : vector<16xi32> to vector<32xbf16>
          %max3A_341 = arith.maximumf %bitcast3A_335, %bitcast3A_340 : vector<32xbf16>
          %bitcast3A_342 = vector.bitcast %max3A_341 : vector<32xbf16> to vector<16xi32>
          %add3A_343 = arith.constant 48 : i32
          %add3A_344 = arith.addi %mul3A_284, %add3A_343 : i32
          %swap3A_345 = arith.index_cast %add3A_344 : i32 to index
          %swap3A_346 = tpu.vector_load %arg8[%swap3A_345] {strides = array<i32>} : memref<40064xi32, #tpu.memory_space<vmem>>, vector<16xi32>,
          tpu.vector_store %arg8[%swap3A_345], %bitcast3A_342 {strides = array<i32>} : memref<40064xi32, #tpu.memory_space<vmem>>, vector<16xi32>,
          %add3A_347 = arith.constant 64 : i32
          %add3A_348 = arith.addi %mul3A_284, %add3A_347 : i32
          %get3A_349 = arith.index_cast %add3A_348 : i32 to index
          %get3A_350 = tpu.vector_load %arg8[%get3A_349] {strides = array<i32>} : memref<40064xi32, #tpu.memory_space<vmem>>, vector<16xi32>,
          %bitcast3A_351 = vector.bitcast %get3A_350 : vector<16xi32> to vector<32xbf16>
          %get3A_352 = arith.index_cast %select_n3A_259 : i32 to index
          %get3A_353 = arith.index_cast %while3A_277 : i32 to index
          %get3A_354 = arith.constant 64 : index
          %get3A_355 = tpu.vector_load %arg9[%get3A_352, %get3A_353, %get3A_354] {strides = array<i32>} : memref<6x64x128xi32, #tpu.memory_space<vmem>>, vector<16xi32>,
          %bitcast3A_356 = vector.bitcast %get3A_355 : vector<16xi32> to vector<32xbf16>
          %max3A_357 = arith.maximumf %bitcast3A_351, %bitcast3A_356 : vector<32xbf16>
          %bitcast3A_358 = vector.bitcast %max3A_357 : vector<32xbf16> to vector<16xi32>
          %add3A_359 = arith.constant 64 : i32
          %add3A_360 = arith.addi %mul3A_284, %add3A_359 : i32
          %swap3A_361 = arith.index_cast %add3A_360 : i32 to index
          %swap3A_362 = tpu.vector_load %arg8[%swap3A_361] {strides = array<i32>} : memref<40064xi32, #tpu.memory_space<vmem>>, vector<16xi32>,
          tpu.vector_store %arg8[%swap3A_361], %bitcast3A_358 {strides = array<i32>} : memref<40064xi32, #tpu.memory_space<vmem>>, vector<16xi32>,
          %add3A_363 = arith.constant 80 : i32
          %add3A_364 = arith.addi %mul3A_284, %add3A_363 : i32
          %get3A_365 = arith.index_cast %add3A_364 : i32 to index
          %get3A_366 = tpu.vector_load %arg8[%get3A_365] {strides = array<i32>} : memref<40064xi32, #tpu.memory_space<vmem>>, vector<16xi32>,
          %bitcast3A_367 = vector.bitcast %get3A_366 : vector<16xi32> to vector<32xbf16>
          %get3A_368 = arith.index_cast %select_n3A_259 : i32 to index
          %get3A_369 = arith.index_cast %while3A_277 : i32 to index
          %get3A_370 = arith.constant 80 : index
          %get3A_371 = tpu.vector_load %arg9[%get3A_368, %get3A_369, %get3A_370] {strides = array<i32>} : memref<6x64x128xi32, #tpu.memory_space<vmem>>, vector<16xi32>,
          %bitcast3A_372 = vector.bitcast %get3A_371 : vector<16xi32> to vector<32xbf16>
          %max3A_373 = arith.maximumf %bitcast3A_367, %bitcast3A_372 : vector<32xbf16>
          %bitcast3A_374 = vector.bitcast %max3A_373 : vector<32xbf16> to vector<16xi32>
          %add3A_375 = arith.constant 80 : i32
          %add3A_376 = arith.addi %mul3A_284, %add3A_375 : i32
          %swap3A_377 = arith.index_cast %add3A_376 : i32 to index
          %swap3A_378 = tpu.vector_load %arg8[%swap3A_377] {strides = array<i32>} : memref<40064xi32, #tpu.memory_space<vmem>>, vector<16xi32>,
          tpu.vector_store %arg8[%swap3A_377], %bitcast3A_374 {strides = array<i32>} : memref<40064xi32, #tpu.memory_space<vmem>>, vector<16xi32>,
          %add3A_379 = arith.constant 96 : i32
          %add3A_380 = arith.addi %mul3A_284, %add3A_379 : i32
          %get3A_381 = arith.index_cast %add3A_380 : i32 to index
          %get3A_382 = tpu.vector_load %arg8[%get3A_381] {strides = array<i32>} : memref<40064xi32, #tpu.memory_space<vmem>>, vector<16xi32>,
          %bitcast3A_383 = vector.bitcast %get3A_382 : vector<16xi32> to vector<32xbf16>
          %get3A_384 = arith.index_cast %select_n3A_259 : i32 to index
          %get3A_385 = arith.index_cast %while3A_277 : i32 to index
          %get3A_386 = arith.constant 96 : index
          %get3A_387 = tpu.vector_load %arg9[%get3A_384, %get3A_385, %get3A_386] {strides = array<i32>} : memref<6x64x128xi32, #tpu.memory_space<vmem>>, vector<16xi32>,
          %bitcast3A_388 = vector.bitcast %get3A_387 : vector<16xi32> to vector<32xbf16>
          %max3A_389 = arith.maximumf %bitcast3A_383, %bitcast3A_388 : vector<32xbf16>
          %bitcast3A_390 = vector.bitcast %max3A_389 : vector<32xbf16> to vector<16xi32>
          %add3A_391 = arith.constant 96 : i32
          %add3A_392 = arith.addi %mul3A_284, %add3A_391 : i32
          %swap3A_393 = arith.index_cast %add3A_392 : i32 to index
          %swap3A_394 = tpu.vector_load %arg8[%swap3A_393] {strides = array<i32>} : memref<40064xi32, #tpu.memory_space<vmem>>, vector<16xi32>,
          tpu.vector_store %arg8[%swap3A_393], %bitcast3A_390 {strides = array<i32>} : memref<40064xi32, #tpu.memory_space<vmem>>, vector<16xi32>,
          %add3A_395 = arith.constant 112 : i32
          %add3A_396 = arith.addi %mul3A_284, %add3A_395 : i32
          %get3A_397 = arith.index_cast %add3A_396 : i32 to index
          %get3A_398 = tpu.vector_load %arg8[%get3A_397] {strides = array<i32>} : memref<40064xi32, #tpu.memory_space<vmem>>, vector<16xi32>,
          %bitcast3A_399 = vector.bitcast %get3A_398 : vector<16xi32> to vector<32xbf16>
          %get3A_400 = arith.index_cast %select_n3A_259 : i32 to index
          %get3A_401 = arith.index_cast %while3A_277 : i32 to index
          %get3A_402 = arith.constant 112 : index
          %get3A_403 = tpu.vector_load %arg9[%get3A_400, %get3A_401, %get3A_402] {strides = array<i32>} : memref<6x64x128xi32, #tpu.memory_space<vmem>>, vector<16xi32>,
          %bitcast3A_404 = vector.bitcast %get3A_403 : vector<16xi32> to vector<32xbf16>
          %max3A_405 = arith.maximumf %bitcast3A_399, %bitcast3A_404 : vector<32xbf16>
          %bitcast3A_406 = vector.bitcast %max3A_405 : vector<32xbf16> to vector<16xi32>
          %add3A_407 = arith.constant 112 : i32
          %add3A_408 = arith.addi %mul3A_284, %add3A_407 : i32
          %swap3A_409 = arith.index_cast %add3A_408 : i32 to index
          %swap3A_410 = tpu.vector_load %arg8[%swap3A_409] {strides = array<i32>} : memref<40064xi32, #tpu.memory_space<vmem>>, vector<16xi32>,
          tpu.vector_store %arg8[%swap3A_409], %bitcast3A_406 {strides = array<i32>} : memref<40064xi32, #tpu.memory_space<vmem>>, vector<16xi32>,
          %while3A_411 = arith.constant 0 : i32
          scf.yield %while3A_411 : i32
        }
        %while3A_274 = arith.constant 1 : i32
        %while3A_275 = scf.for %while3A_277 = %while3A_271 to %while3A_267 step %while3A_274 iter_args(%while3A_278 = %while3A_273) -> (i32)  : i32 {
          %add3A_279 = arith.addi %mul3A_261, %while3A_277 : i32
          %get3A = arith.index_cast %add3A_279 : i32 to index
          %get3A_280 = tpu.vector_load %arg6[%get3A] {strides = array<i32>} : memref<4096xi32, #tpu.memory_space<vmem>>, vector<16xi32>,
          %slice3A = vector.extract_strided_slice %get3A_280 {offsets = [0], sizes = [1], strides = [1]} : vector<16xi32> to vector<1xi32>
          %squeeze3A = vector.extract %slice3A[0] : i32 from vector<1xi32>
          %and3A_281 = arith.constant 511 : i32
          %and3A_282 = arith.andi %squeeze3A, %and3A_281 : i32
          %mul3A_283 = arith.constant 128 : i32
          %mul3A_284 = arith.muli %and3A_282, %mul3A_283 : i32
          %add3A_285 = arith.constant 0 : i32
          %add3A_286 = arith.addi %mul3A_284, %add3A_285 : i32
          %get3A_287 = arith.index_cast %add3A_286 : i32 to index
          %get3A_288 = tpu.vector_load %arg8[%get3A_287] {strides = array<i32>} : memref<40064xi32, #tpu.memory_space<vmem>>, vector<16xi32>,
          %bitcast3A = vector.bitcast %get3A_288 : vector<16xi32> to vector<32xbf16>
          %get3A_289 = arith.index_cast %select_n3A_259 : i32 to index
          %get3A_290 = arith.index_cast %while3A_277 : i32 to index
          %get3A_291 = arith.constant 0 : index
          %get3A_292 = tpu.vector_load %arg9[%get3A_289, %get3A_290, %get3A_291] {strides = array<i32>} : memref<6x64x128xi32, #tpu.memory_space<vmem>>, vector<16xi32>,
          %bitcast3A_293 = vector.bitcast %get3A_292 : vector<16xi32> to vector<32xbf16>
          %max3A = arith.maximumf %bitcast3A, %bitcast3A_293 : vector<32xbf16>
          %bitcast3A_294 = vector.bitcast %max3A : vector<32xbf16> to vector<16xi32>
          %add3A_295 = arith.constant 0 : i32
          %add3A_296 = arith.addi %mul3A_284, %add3A_295 : i32
          %swap3A_297 = arith.index_cast %add3A_296 : i32 to index
          %swap3A_298 = tpu.vector_load %arg8[%swap3A_297] {strides = array<i32>} : memref<40064xi32, #tpu.memory_space<vmem>>, vector<16xi32>,
          tpu.vector_store %arg8[%swap3A_297], %bitcast3A_294 {strides = array<i32>} : memref<40064xi32, #tpu.memory_space<vmem>>, vector<16xi32>,
          %add3A_299 = arith.constant 16 : i32
          %add3A_300 = arith.addi %mul3A_284, %add3A_299 : i32
          %get3A_301 = arith.index_cast %add3A_300 : i32 to index
          %get3A_302 = tpu.vector_load %arg8[%get3A_301] {strides = array<i32>} : memref<40064xi32, #tpu.memory_space<vmem>>, vector<16xi32>,
          %bitcast3A_303 = vector.bitcast %get3A_302 : vector<16xi32> to vector<32xbf16>
          %get3A_304 = arith.index_cast %select_n3A_259 : i32 to index
          %get3A_305 = arith.index_cast %while3A_277 : i32 to index
          %get3A_306 = arith.constant 16 : index
          %get3A_307 = tpu.vector_load %arg9[%get3A_304, %get3A_305, %get3A_306] {strides = array<i32>} : memref<6x64x128xi32, #tpu.memory_space<vmem>>, vector<16xi32>,
          %bitcast3A_308 = vector.bitcast %get3A_307 : vector<16xi32> to vector<32xbf16>
          %max3A_309 = arith.maximumf %bitcast3A_303, %bitcast3A_308 : vector<32xbf16>
          %bitcast3A_310 = vector.bitcast %max3A_309 : vector<32xbf16> to vector<16xi32>
          %add3A_311 = arith.constant 16 : i32
          %add3A_312 = arith.addi %mul3A_284, %add3A_311 : i32
          %swap3A_313 = arith.index_cast %add3A_312 : i32 to index
          %swap3A_314 = tpu.vector_load %arg8[%swap3A_313] {strides = array<i32>} : memref<40064xi32, #tpu.memory_space<vmem>>, vector<16xi32>,
          tpu.vector_store %arg8[%swap3A_313], %bitcast3A_310 {strides = array<i32>} : memref<40064xi32, #tpu.memory_space<vmem>>, vector<16xi32>,
          %add3A_315 = arith.constant 32 : i32
          %add3A_316 = arith.addi %mul3A_284, %add3A_315 : i32
          %get3A_317 = arith.index_cast %add3A_316 : i32 to index
          %get3A_318 = tpu.vector_load %arg8[%get3A_317] {strides = array<i32>} : memref<40064xi32, #tpu.memory_space<vmem>>, vector<16xi32>,
          %bitcast3A_319 = vector.bitcast %get3A_318 : vector<16xi32> to vector<32xbf16>
          %get3A_320 = arith.index_cast %select_n3A_259 : i32 to index
          %get3A_321 = arith.index_cast %while3A_277 : i32 to index
          %get3A_322 = arith.constant 32 : index
          %get3A_323 = tpu.vector_load %arg9[%get3A_320, %get3A_321, %get3A_322] {strides = array<i32>} : memref<6x64x128xi32, #tpu.memory_space<vmem>>, vector<16xi32>,
          %bitcast3A_324 = vector.bitcast %get3A_323 : vector<16xi32> to vector<32xbf16>
          %max3A_325 = arith.maximumf %bitcast3A_319, %bitcast3A_324 : vector<32xbf16>
          %bitcast3A_326 = vector.bitcast %max3A_325 : vector<32xbf16> to vector<16xi32>
          %add3A_327 = arith.constant 32 : i32
          %add3A_328 = arith.addi %mul3A_284, %add3A_327 : i32
          %swap3A_329 = arith.index_cast %add3A_328 : i32 to index
          %swap3A_330 = tpu.vector_load %arg8[%swap3A_329] {strides = array<i32>} : memref<40064xi32, #tpu.memory_space<vmem>>, vector<16xi32>,
          tpu.vector_store %arg8[%swap3A_329], %bitcast3A_326 {strides = array<i32>} : memref<40064xi32, #tpu.memory_space<vmem>>, vector<16xi32>,
          %add3A_331 = arith.constant 48 : i32
          %add3A_332 = arith.addi %mul3A_284, %add3A_331 : i32
          %get3A_333 = arith.index_cast %add3A_332 : i32 to index
          %get3A_334 = tpu.vector_load %arg8[%get3A_333] {strides = array<i32>} : memref<40064xi32, #tpu.memory_space<vmem>>, vector<16xi32>,
          %bitcast3A_335 = vector.bitcast %get3A_334 : vector<16xi32> to vector<32xbf16>
          %get3A_336 = arith.index_cast %select_n3A_259 : i32 to index
          %get3A_337 = arith.index_cast %while3A_277 : i32 to index
          %get3A_338 = arith.constant 48 : index
          %get3A_339 = tpu.vector_load %arg9[%get3A_336, %get3A_337, %get3A_338] {strides = array<i32>} : memref<6x64x128xi32, #tpu.memory_space<vmem>>, vector<16xi32>,
          %bitcast3A_340 = vector.bitcast %get3A_339 : vector<16xi32> to vector<32xbf16>
          %max3A_341 = arith.maximumf %bitcast3A_335, %bitcast3A_340 : vector<32xbf16>
          %bitcast3A_342 = vector.bitcast %max3A_341 : vector<32xbf16> to vector<16xi32>
          %add3A_343 = arith.constant 48 : i32
          %add3A_344 = arith.addi %mul3A_284, %add3A_343 : i32
          %swap3A_345 = arith.index_cast %add3A_344 : i32 to index
          %swap3A_346 = tpu.vector_load %arg8[%swap3A_345] {strides = array<i32>} : memref<40064xi32, #tpu.memory_space<vmem>>, vector<16xi32>,
          tpu.vector_store %arg8[%swap3A_345], %bitcast3A_342 {strides = array<i32>} : memref<40064xi32, #tpu.memory_space<vmem>>, vector<16xi32>,
          %add3A_347 = arith.constant 64 : i32
          %add3A_348 = arith.addi %mul3A_284, %add3A_347 : i32
          %get3A_349 = arith.index_cast %add3A_348 : i32 to index
          %get3A_350 = tpu.vector_load %arg8[%get3A_349] {strides = array<i32>} : memref<40064xi32, #tpu.memory_space<vmem>>, vector<16xi32>,
          %bitcast3A_351 = vector.bitcast %get3A_350 : vector<16xi32> to vector<32xbf16>
          %get3A_352 = arith.index_cast %select_n3A_259 : i32 to index
          %get3A_353 = arith.index_cast %while3A_277 : i32 to index
          %get3A_354 = arith.constant 64 : index
          %get3A_355 = tpu.vector_load %arg9[%get3A_352, %get3A_353, %get3A_354] {strides = array<i32>} : memref<6x64x128xi32, #tpu.memory_space<vmem>>, vector<16xi32>,
          %bitcast3A_356 = vector.bitcast %get3A_355 : vector<16xi32> to vector<32xbf16>
          %max3A_357 = arith.maximumf %bitcast3A_351, %bitcast3A_356 : vector<32xbf16>
          %bitcast3A_358 = vector.bitcast %max3A_357 : vector<32xbf16> to vector<16xi32>
          %add3A_359 = arith.constant 64 : i32
          %add3A_360 = arith.addi %mul3A_284, %add3A_359 : i32
          %swap3A_361 = arith.index_cast %add3A_360 : i32 to index
          %swap3A_362 = tpu.vector_load %arg8[%swap3A_361] {strides = array<i32>} : memref<40064xi32, #tpu.memory_space<vmem>>, vector<16xi32>,
          tpu.vector_store %arg8[%swap3A_361], %bitcast3A_358 {strides = array<i32>} : memref<40064xi32, #tpu.memory_space<vmem>>, vector<16xi32>,
          %add3A_363 = arith.constant 80 : i32
          %add3A_364 = arith.addi %mul3A_284, %add3A_363 : i32
          %get3A_365 = arith.index_cast %add3A_364 : i32 to index
          %get3A_366 = tpu.vector_load %arg8[%get3A_365] {strides = array<i32>} : memref<40064xi32, #tpu.memory_space<vmem>>, vector<16xi32>,
          %bitcast3A_367 = vector.bitcast %get3A_366 : vector<16xi32> to vector<32xbf16>
          %get3A_368 = arith.index_cast %select_n3A_259 : i32 to index
          %get3A_369 = arith.index_cast %while3A_277 : i32 to index
          %get3A_370 = arith.constant 80 : index
          %get3A_371 = tpu.vector_load %arg9[%get3A_368, %get3A_369, %get3A_370] {strides = array<i32>} : memref<6x64x128xi32, #tpu.memory_space<vmem>>, vector<16xi32>,
          %bitcast3A_372 = vector.bitcast %get3A_371 : vector<16xi32> to vector<32xbf16>
          %max3A_373 = arith.maximumf %bitcast3A_367, %bitcast3A_372 : vector<32xbf16>
          %bitcast3A_374 = vector.bitcast %max3A_373 : vector<32xbf16> to vector<16xi32>
          %add3A_375 = arith.constant 80 : i32
          %add3A_376 = arith.addi %mul3A_284, %add3A_375 : i32
          %swap3A_377 = arith.index_cast %add3A_376 : i32 to index
          %swap3A_378 = tpu.vector_load %arg8[%swap3A_377] {strides = array<i32>} : memref<40064xi32, #tpu.memory_space<vmem>>, vector<16xi32>,
          tpu.vector_store %arg8[%swap3A_377], %bitcast3A_374 {strides = array<i32>} : memref<40064xi32, #tpu.memory_space<vmem>>, vector<16xi32>,
          %add3A_379 = arith.constant 96 : i32
          %add3A_380 = arith.addi %mul3A_284, %add3A_379 : i32
          %get3A_381 = arith.index_cast %add3A_380 : i32 to index
          %get3A_382 = tpu.vector_load %arg8[%get3A_381] {strides = array<i32>} : memref<40064xi32, #tpu.memory_space<vmem>>, vector<16xi32>,
          %bitcast3A_383 = vector.bitcast %get3A_382 : vector<16xi32> to vector<32xbf16>
          %get3A_384 = arith.index_cast %select_n3A_259 : i32 to index
          %get3A_385 = arith.index_cast %while3A_277 : i32 to index
          %get3A_386 = arith.constant 96 : index
          %get3A_387 = tpu.vector_load %arg9[%get3A_384, %get3A_385, %get3A_386] {strides = array<i32>} : memref<6x64x128xi32, #tpu.memory_space<vmem>>, vector<16xi32>,
          %bitcast3A_388 = vector.bitcast %get3A_387 : vector<16xi32> to vector<32xbf16>
          %max3A_389 = arith.maximumf %bitcast3A_383, %bitcast3A_388 : vector<32xbf16>
          %bitcast3A_390 = vector.bitcast %max3A_389 : vector<32xbf16> to vector<16xi32>
          %add3A_391 = arith.constant 96 : i32
          %add3A_392 = arith.addi %mul3A_284, %add3A_391 : i32
          %swap3A_393 = arith.index_cast %add3A_392 : i32 to index
          %swap3A_394 = tpu.vector_load %arg8[%swap3A_393] {strides = array<i32>} : memref<40064xi32, #tpu.memory_space<vmem>>, vector<16xi32>,
          tpu.vector_store %arg8[%swap3A_393], %bitcast3A_390 {strides = array<i32>} : memref<40064xi32, #tpu.memory_space<vmem>>, vector<16xi32>,
          %add3A_395 = arith.constant 112 : i32
          %add3A_396 = arith.addi %mul3A_284, %add3A_395 : i32
          %get3A_397 = arith.index_cast %add3A_396 : i32 to index
          %get3A_398 = tpu.vector_load %arg8[%get3A_397] {strides = array<i32>} : memref<40064xi32, #tpu.memory_space<vmem>>, vector<16xi32>,
          %bitcast3A_399 = vector.bitcast %get3A_398 : vector<16xi32> to vector<32xbf16>
          %get3A_400 = arith.index_cast %select_n3A_259 : i32 to index
          %get3A_401 = arith.index_cast %while3A_277 : i32 to index
          %get3A_402 = arith.constant 112 : index
          %get3A_403 = tpu.vector_load %arg9[%get3A_400, %get3A_401, %get3A_402] {strides = array<i32>} : memref<6x64x128xi32, #tpu.memory_space<vmem>>, vector<16xi32>,
          %bitcast3A_404 = vector.bitcast %get3A_403 : vector<16xi32> to vector<32xbf16>
          %max3A_405 = arith.maximumf %bitcast3A_399, %bitcast3A_404 : vector<32xbf16>
          %bitcast3A_406 = vector.bitcast %max3A_405 : vector<32xbf16> to vector<16xi32>
          %add3A_407 = arith.constant 112 : i32
          %add3A_408 = arith.addi %mul3A_284, %add3A_407 : i32
          %swap3A_409 = arith.index_cast %add3A_408 : i32 to index
          %swap3A_410 = tpu.vector_load %arg8[%swap3A_409] {strides = array<i32>} : memref<40064xi32, #tpu.memory_space<vmem>>, vector<16xi32>,
          tpu.vector_store %arg8[%swap3A_409], %bitcast3A_406 {strides = array<i32>} : memref<40064xi32, #tpu.memory_space<vmem>>, vector<16xi32>,
          %while3A_411 = arith.constant 0 : i32
          scf.yield %while3A_411 : i32
        }
        %while3A_276 = arith.constant 0 : i32
        scf.yield %while3A_276 : i32
      }
    } else {
    }
    %mul3A_68 = arith.constant 128 : i32
    %mul3A_69 = arith.muli %mul3A_2, %mul3A_68 : i32
    "tpu.region"() ({
      %run_scoped3A = tpu.sem_alloc : memref<!tpu.dma_semaphore, #tpu.memory_space<semaphore_mem>>
      %dma_start3A_70 = tpu.memref_slice %arg4[%mul3A_69] : memref<1282048xi32, #tpu.memory_space<hbm>> -> memref<40064xi32, #tpu.memory_space<hbm>>
      %dma_start3A_71 = tpu.memref_slice %arg4[%mul3A_69] : memref<1282048xi32, #tpu.memory_space<hbm>> -> memref<40064xi32, #tpu.memory_space<hbm>>
      tpu.enqueue_dma source(%arg8 : memref<40064xi32, #tpu.memory_space<vmem>>) target(%dma_start3A_71 : memref<40064xi32, #tpu.memory_space<hbm>>) target_semaphore(%run_scoped3A : memref<!tpu.dma_semaphore, #tpu.memory_space<semaphore_mem>>)
      %dma_wait3A = tpu.memref_slice %arg4[%mul3A_69] : memref<1282048xi32, #tpu.memory_space<hbm>> -> memref<40064xi32, #tpu.memory_space<hbm>>
      %dma_wait3A_72 = tpu.memref_slice %arg4[%mul3A_69] : memref<1282048xi32, #tpu.memory_space<hbm>> -> memref<40064xi32, #tpu.memory_space<hbm>>
      tpu.wait_dma2 semaphore(%run_scoped3A : memref<!tpu.dma_semaphore, #tpu.memory_space<semaphore_mem>>) src(%arg8 : memref<40064xi32, #tpu.memory_space<vmem>>) dst(%dma_wait3A_72 : memref<40064xi32, #tpu.memory_space<hbm>>)
      tpu.yield
    }) : () -> ()
    return
  }
}

module attributes {stable_mosaic.version = 14 : i64} {
  func.func @_msg_table_body(%arg0: i32, %arg1: i32, %arg2: memref<1000x256xf32, #tpu.memory_space<vmem>>, %arg3: memref<1x256x256xf32, #tpu.memory_space<vmem>>, %arg4: memref<1x1x256xf32, #tpu.memory_space<vmem>>, %arg5: memref<1x1000x128xi32, #tpu.memory_space<vmem>>) attributes {dimension_semantics = [#tpu.dimension_semantics<arbitrary>, #tpu.dimension_semantics<arbitrary>], iteration_bounds = array<i64: 10, 8>, scalar_prefetch = 0 : i64, scratch_operands = 0 : i64, tpu.core_type = #tpu.core_type<tc>, window_params = [{transform_indices = @transform_0, window_bounds = array<i64: 1000, 256>}, {transform_indices = @transform_1, window_bounds = array<i64: 1, 256, 256>}, {transform_indices = @transform_2, window_bounds = array<i64: 1, 1, 256>}, {transform_indices = @transform_3, window_bounds = array<i64: 1, 1000, 128>}]} {
    %get3A = arith.constant 0 : index
    %get3A_0 = arith.constant 0 : index
    %get3A_1 = vector.load %arg2[%get3A, %get3A_0] : memref<1000x256xf32, #tpu.memory_space<vmem>>, vector<1000x256xf32>
    %get3A_2 = arith.constant 0 : index
    %get3A_3 = arith.constant 0 : index
    %get3A_4 = arith.constant 0 : index
    %get3A_5 = vector.load %arg3[%get3A_2, %get3A_3, %get3A_4] : memref<1x256x256xf32, #tpu.memory_space<vmem>>, vector<1x256x256xf32>
    %get3A_6 = vector.shape_cast %get3A_5 : vector<1x256x256xf32> to vector<256x256xf32>
    %dot_general3A = arith.constant dense<0.000000e+00> : vector<1000x256xf32>
    %dot_general3A_7 = tpu.matmul %get3A_1, %get3A_6, %dot_general3A {dimension_numbers = #tpu.dot_dimension_numbers<[1], [0], [0], [1], [0, 0, 1, 1], [], []>, transpose_lhs_hint = false} : vector<1000x256xf32>, vector<256x256xf32>, vector<1000x256xf32> -> vector<1000x256xf32>
    %get3A_8 = arith.constant 0 : index
    %get3A_9 = arith.constant 0 : index
    %get3A_10 = arith.constant 0 : index
    %get3A_11 = vector.load %arg4[%get3A_8, %get3A_9, %get3A_10] : memref<1x1x256xf32, #tpu.memory_space<vmem>>, vector<1x1x256xf32>
    %get3A_12 = vector.shape_cast %get3A_11 : vector<1x1x256xf32> to vector<1x256xf32>
    %add3A = vector.broadcast %get3A_12 : vector<1x256xf32> to vector<1000x256xf32>
    %add3A_13 = arith.addf %dot_general3A_7, %add3A : vector<1000x256xf32>
    %slice3A = vector.extract_strided_slice %add3A_13 {offsets = [0, 0], sizes = [1000, 128], strides = [1, 1]} : vector<1000x256xf32> to vector<1000x128xf32>
    %bitcast_convert_type3A = tpu.bitcast %slice3A : vector<1000x128xf32> -> vector<1000x128xi32>
    %add3A_14 = arith.constant 32767 : i32
    %add3A_15 = vector.broadcast %add3A_14 : i32 to vector<1000x128xi32>
    %add3A_16 = arith.addi %bitcast_convert_type3A, %add3A_15 : vector<1000x128xi32>
    %shift_right_logical3A = arith.constant 16 : i32
    %shift_right_logical3A_17 = vector.broadcast %shift_right_logical3A : i32 to vector<1000x128xi32>
    %shift_right_logical3A_18 = arith.shrui %bitcast_convert_type3A, %shift_right_logical3A_17 : vector<1000x128xi32>
    %and3A = arith.constant 1 : i32
    %and3A_19 = vector.broadcast %and3A : i32 to vector<1000x128xi32>
    %and3A_20 = arith.andi %shift_right_logical3A_18, %and3A_19 : vector<1000x128xi32>
    %add3A_21 = arith.addi %add3A_16, %and3A_20 : vector<1000x128xi32>
    %shift_right_logical3A_22 = arith.constant 16 : i32
    %shift_right_logical3A_23 = vector.broadcast %shift_right_logical3A_22 : i32 to vector<1000x128xi32>
    %shift_right_logical3A_24 = arith.shrui %add3A_21, %shift_right_logical3A_23 : vector<1000x128xi32>
    %slice3A_25 = vector.extract_strided_slice %add3A_13 {offsets = [0, 128], sizes = [1000, 128], strides = [1, 1]} : vector<1000x256xf32> to vector<1000x128xf32>
    %bitcast_convert_type3A_26 = tpu.bitcast %slice3A_25 : vector<1000x128xf32> -> vector<1000x128xi32>
    %add3A_27 = arith.constant 32767 : i32
    %add3A_28 = vector.broadcast %add3A_27 : i32 to vector<1000x128xi32>
    %add3A_29 = arith.addi %bitcast_convert_type3A_26, %add3A_28 : vector<1000x128xi32>
    %shift_right_logical3A_30 = arith.constant 16 : i32
    %shift_right_logical3A_31 = vector.broadcast %shift_right_logical3A_30 : i32 to vector<1000x128xi32>
    %shift_right_logical3A_32 = arith.shrui %bitcast_convert_type3A_26, %shift_right_logical3A_31 : vector<1000x128xi32>
    %and3A_33 = arith.constant 1 : i32
    %and3A_34 = vector.broadcast %and3A_33 : i32 to vector<1000x128xi32>
    %and3A_35 = arith.andi %shift_right_logical3A_32, %and3A_34 : vector<1000x128xi32>
    %add3A_36 = arith.addi %add3A_29, %and3A_35 : vector<1000x128xi32>
    %shift_right_logical3A_37 = arith.constant 16 : i32
    %shift_right_logical3A_38 = vector.broadcast %shift_right_logical3A_37 : i32 to vector<1000x128xi32>
    %shift_right_logical3A_39 = arith.shrui %add3A_36, %shift_right_logical3A_38 : vector<1000x128xi32>
    %shift_left3A = arith.constant 16 : i32
    %shift_left3A_40 = vector.broadcast %shift_left3A : i32 to vector<1000x128xi32>
    %shift_left3A_41 = arith.shli %shift_right_logical3A_39, %shift_left3A_40 : vector<1000x128xi32>
    %or3A = arith.ori %shift_right_logical3A_24, %shift_left3A_41 : vector<1000x128xi32>
    %bitcast_convert_type3A_42 = tpu.bitcast %or3A : vector<1000x128xi32> -> vector<1000x128xi32>
    %swap3A = arith.constant 0 : index
    %swap3A_43 = arith.constant 0 : index
    %swap3A_44 = arith.constant 0 : index
    %swap3A_45 = vector.load %arg5[%swap3A, %swap3A_43, %swap3A_44] : memref<1x1000x128xi32, #tpu.memory_space<vmem>>, vector<1x1000x128xi32>
    %swap3A_46 = vector.shape_cast %swap3A_45 : vector<1x1000x128xi32> to vector<1000x128xi32>
    %swap3A_47 = vector.shape_cast %bitcast_convert_type3A_42 : vector<1000x128xi32> to vector<1x1000x128xi32>
    tpu.vector_store %arg5[%swap3A, %swap3A_43, %swap3A_44], %swap3A_47 {strides = array<i32>} : memref<1x1000x128xi32, #tpu.memory_space<vmem>>, vector<1x1000x128xi32>,
    return
  }
  func.func @transform_0(%arg0: i32, %arg1: i32) -> (i32, i32) {
    %c0_i32 = arith.constant 0 : i32
    %c0_i32_0 = arith.constant 0 : i32
    return %arg0, %c0_i32 : i32, i32
  }
  func.func @transform_1(%arg0: i32, %arg1: i32) -> (i32, i32, i32) {
    %c0_i32 = arith.constant 0 : i32
    %c0_i32_0 = arith.constant 0 : i32
    %c0_i32_1 = arith.constant 0 : i32
    return %arg1, %c0_i32, %c0_i32_0 : i32, i32, i32
  }
  func.func @transform_2(%arg0: i32, %arg1: i32) -> (i32, i32, i32) {
    %c0_i32 = arith.constant 0 : i32
    %c0_i32_0 = arith.constant 0 : i32
    %c0_i32_1 = arith.constant 0 : i32
    return %arg1, %c0_i32, %c0_i32_0 : i32, i32, i32
  }
  func.func @transform_3(%arg0: i32, %arg1: i32) -> (i32, i32, i32) {
    %c0_i32 = arith.constant 0 : i32
    %c0_i32_0 = arith.constant 0 : i32
    return %arg1, %arg0, %c0_i32 : i32, i32, i32
  }
}

module attributes {stable_mosaic.version = 14 : i64} {
  func.func @_apply_body(%arg0: i32, %arg1: memref<1000x256xf32, #tpu.memory_space<vmem>>, %arg2: memref<256x256xf32, #tpu.memory_space<vmem>>, %arg3: memref<1x256xf32, #tpu.memory_space<vmem>>, %arg4: memref<1000x256xbf16, #tpu.memory_space<vmem>>, %arg5: memref<1000x256xf32, #tpu.memory_space<vmem>>) attributes {dimension_semantics = [#tpu.dimension_semantics<arbitrary>], iteration_bounds = array<i64: 10>, scalar_prefetch = 0 : i64, scratch_operands = 0 : i64, tpu.core_type = #tpu.core_type<tc>, window_params = [{transform_indices = @transform_0, window_bounds = array<i64: 1000, 256>}, {pipeline_mode = #tpu.pipeline_mode<synchronous>, transform_indices = @transform_1, window_bounds = array<i64: 256, 256>}, {pipeline_mode = #tpu.pipeline_mode<synchronous>, transform_indices = @transform_2, window_bounds = array<i64: 1, 256>}, {transform_indices = @transform_3, window_bounds = array<i64: 1000, 256>}, {transform_indices = @transform_4, window_bounds = array<i64: 1000, 256>}]} {
    %get3A = arith.constant 0 : index
    %get3A_0 = arith.constant 0 : index
    %get3A_1 = vector.load %arg4[%get3A, %get3A_0] : memref<1000x256xbf16, #tpu.memory_space<vmem>>, vector<1000x256xbf16>
    %convert_element_type3A = arith.extf %get3A_1 : vector<1000x256xbf16> to vector<1000x256xf32>
    %gt3A = arith.constant -9.99999993E+36 : f32
    %gt3A_2 = vector.broadcast %gt3A : f32 to vector<1000x256xf32>
    %gt3A_3 = arith.cmpf ogt, %convert_element_type3A, %gt3A_2 : vector<1000x256xf32>
    %jit3A = arith.constant 0.000000e+00 : f32
    %broadcast_in_dim3A = vector.broadcast %jit3A : f32 to vector<1000x256xf32>
    %select_n3A = arith.select %gt3A_3, %convert_element_type3A, %broadcast_in_dim3A : vector<1000x256xi1>, vector<1000x256xf32>
    %get3A_4 = arith.constant 0 : index
    %get3A_5 = arith.constant 0 : index
    %get3A_6 = vector.load %arg1[%get3A_4, %get3A_5] : memref<1000x256xf32, #tpu.memory_space<vmem>>, vector<1000x256xf32>
    %get3A_7 = arith.constant 0 : index
    %get3A_8 = arith.constant 0 : index
    %get3A_9 = vector.load %arg2[%get3A_7, %get3A_8] : memref<256x256xf32, #tpu.memory_space<vmem>>, vector<256x256xf32>
    %dot_general3A = arith.constant dense<0.000000e+00> : vector<1000x256xf32>
    %dot_general3A_10 = tpu.matmul %get3A_6, %get3A_9, %dot_general3A {dimension_numbers = #tpu.dot_dimension_numbers<[1], [0], [0], [1], [0, 0, 1, 1], [], []>, transpose_lhs_hint = false} : vector<1000x256xf32>, vector<256x256xf32>, vector<1000x256xf32> -> vector<1000x256xf32>
    %get3A_11 = arith.constant 0 : index
    %get3A_12 = arith.constant 0 : index
    %get3A_13 = vector.load %arg3[%get3A_11, %get3A_12] : memref<1x256xf32, #tpu.memory_space<vmem>>, vector<1x256xf32>
    %get3A_14 = vector.shape_cast %get3A_13 : vector<1x256xf32> to vector<256xf32>
    %broadcast_in_dim3A_15 = vector.shape_cast %get3A_14 : vector<256xf32> to vector<1x256xf32>
    %add3A = vector.broadcast %broadcast_in_dim3A_15 : vector<1x256xf32> to vector<1000x256xf32>
    %add3A_16 = arith.addf %dot_general3A_10, %add3A : vector<1000x256xf32>
    %add3A_17 = arith.addf %add3A_16, %select_n3A : vector<1000x256xf32>
    %swap3A = arith.constant 0 : index
    %swap3A_18 = arith.constant 0 : index
    %swap3A_19 = vector.load %arg5[%swap3A, %swap3A_18] : memref<1000x256xf32, #tpu.memory_space<vmem>>, vector<1000x256xf32>
    tpu.vector_store %arg5[%swap3A, %swap3A_18], %add3A_17 {strides = array<i32>} : memref<1000x256xf32, #tpu.memory_space<vmem>>, vector<1000x256xf32>,
    return
  }
  func.func @transform_0(%arg0: i32) -> (i32, i32) {
    %c0_i32 = arith.constant 0 : i32
    %c0_i32_0 = arith.constant 0 : i32
    return %arg0, %c0_i32 : i32, i32
  }
  func.func @transform_1(%arg0: i32) -> (i32, i32) {
    %c0_i32 = arith.constant 0 : i32
    %c0_i32_0 = arith.constant 0 : i32
    %c0_i32_1 = arith.constant 0 : i32
    return %c0_i32, %c0_i32_0 : i32, i32
  }
  func.func @transform_2(%arg0: i32) -> (i32, i32) {
    %c0_i32 = arith.constant 0 : i32
    %c0_i32_0 = arith.constant 0 : i32
    %c0_i32_1 = arith.constant 0 : i32
    return %c0_i32, %c0_i32_0 : i32, i32
  }
  func.func @transform_3(%arg0: i32) -> (i32, i32) {
    %c0_i32 = arith.constant 0 : i32
    %c0_i32_0 = arith.constant 0 : i32
    return %arg0, %c0_i32 : i32, i32
  }
  func.func @transform_4(%arg0: i32) -> (i32, i32) {
    %c0_i32 = arith.constant 0 : i32
    %c0_i32_0 = arith.constant 0 : i32
    return %arg0, %c0_i32 : i32, i32
  }
}

</mosaic_0001>

<sc_bundles>
// kernel: kernel.5.cloned.1.call-start
scs
__scs_entry_jumppad:
0x0: {  	(pc) =	sbr.rel $0x88, $3  }
0x1: {  	(tag) =	ssettag $0x0;
	lr =	simm.s32 $0x1  }
0x2: {  	[smem:$0x3F9C] =	sst lr;
	_ =	strace $0xD0000000  }
0x3: {  	_ = 	snop  }
0x4: {  	_ = 	snop  }
0x5: {  	_ = 	snop  }
0x6: {  	_ = 	snop  }
0x7: {  	_ = 	snop  }
__scs_overlays_trampoline_lowered:
0x8: {  	[smem:$0x3FAB] =	sst s0  }
0x9: {  	[smem:$0x3FAC] =	sst s1  }
0xa: {  	[smem:$0x3FAD] =	sst s2  }
0xb: {  	[smem:$0x3FAE] =	sst s3  }
0xc: {  	[smem:$0x3FAF] =	sst s4  }
0xd: {  	[smem:$0x3FB0] =	sst s5  }
0xe: {  	[smem:$0x3FB1] =	sst s6  }
0xf: {  	[smem:$0x3FB2] =	sst s7  }
0x10: {  	[smem:$0x3FB3] =	sst s8  }
0x11: {  	[smem:$0x3FB4] =	sst s9;
	s0 =	simm.s32 @!p0 $0x0  }
0x12: {  	s1 =	sld [smem:$0x3F9A];
	s0 =	simm.s32 @p0 $0x1  }
0x13: {  	[smem:$0x3FB5] =	sst s0;
	s0 =	simm.s32 @!p1 $0x0  }
0x14: {  	s2 =	sld [smem:$0x3F99];
	s0 =	simm.s32 @p1 $0x1  }
0x15: {  	[smem:$0x3FB6] =	sst s0;
	s0 =	simm.s32 @!p2 $0x0  }
0x16: {  	s3 =	sld [smem:$0x3FDB];
	s0 =	simm.s32 @p2 $0x1  }
0x17: {  	s4 =	simm.s32 $0x1BF5;
	[smem:$0x3FB8] =	sst s0  }
0x18: {  	s0 =	sld [smem:$0x3F9B];
	_ =	swait.ge [sflag:s4], $0x0  }
0x19: {  	s7 =	sld [smem:$0x3F9C]  }
0x1a: {  	s8 =	sadd.s32 $0xFFFFE003, lr  }
0x1b: {  	s9 =	sadd.s32 $0xFFFFFEF7, lr;
	s5 =	simm.s32 $0xFFFFFFFF;
	p2 =	slt.u32 s8, $0xFFFFF086  }
0x1c: {  	p1 =	slt.u32 s9, $0xF7A;
	s5 =	simm.s32 @!p2 $0x0  }
0x1d: {  	s5 =	simm.s32 @p1 $0x1;
	p0 =	seq.s32 s7, s2  }
0x1e: {  	s7 =	smul.u32 @!p0 $0xF7A, s2;
	p2 =	seq.s32 @!p0 s5, $0x0  }
0x1f: {  	s9 =	smul.u32 $0xF7A, s1;
	s8 =	simm.s32 @!p0 $0x1BF5;
	p2 =	por !p2, p0  }
0x20: {  	[sflag:s8] =	ssyncset.s32 @!p0 $0xFFFFF086;
	s6 =	sadd.s32 @!p0 s3, s7;
	s7 =	simm.s32 @!p0 $0x108  }
0x21: {  	s3 =	sadd.s32 s3, s9;
	s6 =	sadd.s32 @!p0 $0x88, s6;
	s7 =	simm.s32 @p2 $0x1082  }
0x22: {  	[simem:s7], [sflag:s8] =	dma.local @!p0 [hbm:s6], $0xF7A  }
0x23: {  	s9 =	sor.u32 $0xD0000000, s2;
	s6 =	simm.s32 $0x108;
	_ =	swait.ge @!p0 [sflag:s8], $0x0  }
0x24: {  	s3 =	sadd.s32 $0x88, s3;
	s6 =	simm.s32 @!p1 $0x1082;
	[sflag:s4] =	ssyncset.s32 $0xFFFFF086  }
0x25: {  	[simem:s6], [sflag:s4] =	dma.local [hbm:s3], $0xF7A  }
0x26: {  	[smem:$0x3F9C] =	sst s1;
	(tag) =	ssettag s2;
	_ =	strace s9  }
0x27: {  	s1 =	sld [smem:$0x3FAC]  }
0x28: {  	s2 =	sld [smem:$0x3FAD]  }
0x29: {  	s4 =	sld [smem:$0x3FAF]  }
0x2a: {  	p0 =	seq.s32 s5, $0x0;
	s5 =	sld [smem:$0x3FB0]  }
0x2b: {  	s6 =	sld [smem:$0x3FB1]  }
0x2c: {  	s7 =	sld [smem:$0x3FB2]  }
0x2d: {  	s3 =	simm.s32 $0x108;
	s8 =	sld [smem:$0x3FB3]  }
0x2e: {  	s3 =	simm.s32 @!p0 $0x1082;
	s9 =	sld [smem:$0x3FB4]  }
0x2f: {  	lr =	sadd.s32 s0, s3;
	s0 =	sld [smem:$0x3FAB]  }
0x30: {  	s3 =	sld [smem:$0x3FAE]  }
0x31: {  	[smem:$0x3FB7] =	sst s10  }
0x32: {  	s10 =	sld [smem:$0x3FB5];
	_ =	sdelay $0x3  }
0x33: {  	p0 =	seq.s32 s10, $0x1;
	s10 =	sld [smem:$0x3FB7];
	_ =	sdelay $0x3  }
0x34: {  	[smem:$0x3FB7] =	sst s10  }
0x35: {  	s10 =	sld [smem:$0x3FB6];
	_ =	sdelay $0x3  }
0x36: {  	p1 =	seq.s32 s10, $0x1;
	s10 =	sld [smem:$0x3FB7];
	_ =	sdelay $0x3  }
0x37: {  	[smem:$0x3FB7] =	sst s10  }
0x38: {  	s10 =	sld [smem:$0x3FB8]  }
0x39: {  	_ = 	snop;
	(pc) =	sbr.ind lr, $3  }
0x3a: {  	_ = 	snop  }
0x3b: {  	_ = 	snop  }
0x3c: {  	p2 =	seq.s32 s10, $0x1;
	s10 =	sld [smem:$0x3FB7]  }
0x3d: {  	_ =	shalt  }
0x3e: {  	_ =	shalt  }
0x3f: {  	_ =	shalt  }
0x40: {  	_ =	shalt  }
0x41: {  	_ =	shalt  }
0x42: {  	_ =	shalt  }
0x43: {  	_ =	shalt  }
0x44: {  	_ =	shalt  }
0x45: {  	_ =	shalt  }
0x46: {  	_ =	shalt  }
0x47: {  	_ =	shalt  }
0x48: {  	_ =	shalt  }
0x49: {  	_ =	shalt  }
0x4a: {  	_ =	shalt  }
0x4b: {  	_ =	shalt  }
0x4c: {  	_ =	shalt  }
0x4d: {  	_ =	shalt  }
0x4e: {  	_ =	shalt  }
0x4f: {  	_ =	shalt  }
0x50: {  	_ =	shalt  }
0x51: {  	_ =	shalt  }
0x52: {  	_ =	shalt  }
0x53: {  	_ =	shalt  }
0x54: {  	_ =	shalt  }
0x55: {  	_ =	shalt  }
0x56: {  	_ =	shalt  }
0x57: {  	_ =	shalt  }
0x58: {  	_ =	shalt  }
0x59: {  	_ =	shalt  }
0x5a: {  	_ =	shalt  }
0x5b: {  	_ =	shalt  }
0x5c: {  	_ =	shalt  }
0x5d: {  	_ =	shalt  }
0x5e: {  	_ =	shalt  }
0x5f: {  	_ =	shalt  }
0x60: {  	_ =	shalt  }
0x61: {  	_ =	shalt  }
0x62: {  	_ =	shalt  }
0x63: {  	_ =	shalt  }
0x64: {  	_ =	shalt  }
0x65: {  	_ =	shalt  }
0x66: {  	_ =	shalt  }
0x67: {  	_ =	shalt  }
0x68: {  	_ =	shalt  }
0x69: {  	_ =	shalt  }
0x6a: {  	_ =	shalt  }
0x6b: {  	_ =	shalt  }
0x6c: {  	_ =	shalt  }
0x6d: {  	_ =	shalt  }
0x6e: {  	_ =	shalt  }
0x6f: {  	_ =	shalt  }
0x70: {  	_ =	shalt  }
0x71: {  	_ =	shalt  }
0x72: {  	_ =	shalt  }
0x73: {  	_ =	shalt  }
0x74: {  	_ =	shalt  }
0x75: {  	_ =	shalt  }
0x76: {  	_ =	shalt  }
0x77: {  	_ =	shalt  }
0x78: {  	_ =	shalt  }
0x79: {  	_ =	shalt  }
0x7a: {  	_ =	shalt  }
0x7b: {  	_ =	shalt  }
0x7c: {  	_ =	shalt  }
0x7d: {  	_ =	shalt  }
0x7e: {  	_ =	shalt  }
0x7f: {  	_ =	shalt  }
0x80: {  	_ =	shalt  }
0x81: {  	_ =	shalt  }
0x82: {  	_ =	shalt  }
0x83: {  	_ =	shalt  }
0x84: {  	_ =	shalt  }
0x85: {  	_ =	shalt  }
0x86: {  	_ =	shalt  }
0x87: {  	_ =	shalt  }
.Lfunc_end0:
.L_simem_size_0:
called_computation_lowered:
.L_overlay_start_0:
0x88: {  	s2 =	sld [smem:$0x3FD9]  }
0x89: {  	s3 =	sld [smem:$0x3FFE];
	_ =	sdelay $0x1  }
0x8a: {  	s1 =	srdreg.scid  }
0x8b: {  	s0 =	sand.u32 $0x1, s1  }
0x8c: {  	s17 =	sshll.u32 s0, $0xA;
	s2 =	sadd.s32 s3, s2  }
0x8d: {  	s2 =	sadd.s32 s2, s17  }
0x8e: {  	[smem:$0x3FC3] =	sst s2  }
0x8f: {  	_ = 	snop  }
0x90: {  	s2 =	sld [smem:$0x3FD0];
	(tm) =	ssettm $0x1  }
0x91: {  	s18 =	sld [smem:$0x3FFB];
	_ =	sdelay $0x3  }
0x92: {  	_ =	strace s18  }
0x93: {  	s3 =	sld [smem:$0x3FFC];
	_ =	sdelay $0x3  }
0x94: {  	_ =	strace s3  }
0x95: {  	s3 =	sld [smem:$0x3FFD];
	_ =	sdelay $0x3  }
0x96: {  	_ =	strace s3  }
0x97: {  	_ =	strace $0x8FFFFFFF  }
0x98: {  	s19 =	sld [smem:$0x3FDB];
	_ =	sdelay $0x1  }
0x99: {  	s4 =	simm.s32 $_scs_section_size  }
0x9a: {  	s5 =	simm.s32 $_size__tile_overlayer_lowered;
	s6 =	simm.s32 $_tile_overlayer_lowered  }
0x9b: {  	s22 =	simm.s32 $0x1BFF;
	s21 =	sshll.u32 s6, $0x1;
	s3 =	sadd.s32 s4, s19  }
0x9c: {  	s7 =	simm.s32 $0x0;
	s20 =	sshll.u32 s5, $0x1;
	s5 =	sadd.s32 s21, s3  }
0x9d: {  	[timem:s7], [sflag:s22] =	dma.local [hbm:s5], s20  }
0x9e: {  	_ =	swait.ge [sflag:s22], s20  }
0x9f: {  	s4 =	ssub.s32 $0x0, s20;
	[sflag:s22] =	ssyncset.done $0x0  }
0xa0: {  	[sflag:s22] =	ssyncadd.s32 s4;
	_ =	sdelay $0x1  }
0xa1: {  	s23 =	simm.s32 $0x1B8B  }
0xa2: {  	_ =	swait.ge [sflag:s23], $0x1  }
0xa3: {  	[sflag:s23] =	ssyncset.done $0x0  }
0xa4: {  	s25 =	simm.s32 $0x1B8E;
	s24 =	sld [smem:$0x3FFE];
	[sflag:s23] =	ssyncadd.s32 $0xFFFFFFFF  }
0xa5: {  	s26 =	simm.s32 $execute0_lowered;
	[smem:$0x3FD2] =	sst s25  }
0xa6: {  	s5 =	sshll.u32 s26, $0x1;
	_ =	strace $0x80000046;
	[dreg:$0x1] =	wrdreg $0xFFFFFFFF  }
0xa7: {  	s28 =	simm.s32 $_size_execute0_lowered;
	s3 =	sadd.s32 s3, s5;
	[dreg:$0x0] =	wrdreg $0x0  }
0xa8: {  	s5 =	sshll.u32 s28, $0x1;
	[dreg:$0x2] =	wrdreg s3  }
0xa9: {  	[dreg:$0x3] =	wrdreg s5  }
0xaa: {  	[dreg:$0x4] =	wrdreg $0xC0  }
0xab: {  	_ =	task [dreg:s7], $0x5FFFF  }
0xac: {  	[dreg:$0x1] =	wrdreg $0xFFFFFFFF  }
0xad: {  	[dreg:$0x0] =	wrdreg $0x60  }
0xae: {  	[dreg:$0x2] =	wrdreg s24  }
0xaf: {  	[dreg:$0x3] =	wrdreg s2  }
0xb0: {  	[dreg:$0x4] =	wrdreg $0x9  }
0xb1: {  	_ =	task.clear_ibuf [dreg:s7], $0x5FFFF;
	_ =	strace $0x90000046  }
0xb2: {  	s29 =	simm.s32 $0x9;
	_ =	strace $0x80000048  }
0xb3: {  	_ =	swait.ge [sflag:s29], $0x1  }
0xb4: {  	[sflag:s29] =	ssyncadd.s32 $0xFFFFFFFF  }
0xb5: {  	_ =	strace $0x90000048  }
0xb6: {  	_ =	sfence  }
0xb7: {  	s30 =	sld [smem:$0x0];
	_ =	sdelay $0x2  }
0xb8: {  	s31 =	sshll.u32 s1, $0xD;
	s1 =	sshrl.u32 s1, $0x2  }
0xb9: {  	s3 =	sand.u32 $0x4000, s31;
	s1 =	sadd.s32 s1, s30  }
0xba: {  	s0 =	sor.u32 s3, s0;
	s1 =	sshll.u32 s1, $0x11  }
0xbb: {  	s0 =	sor.u32 s1, s0  }
0xbc: {  	s0 =	sadd.s32 $0x8F2B, s0  }
0xbd: {  	[sflag:s0] =	ssyncadd.remote.s32 $0x1  }
0xbe: {  	_ =	sfence.sel $0xFFFF  }
0xbf: {  	[dreg:$0x0] =	wrdreg $0xFFFFFFFF;
	(pc) =	sbr.abs _section_cstart, $3  }
0xc0: {  	[dreg:$0x1] =	wrdreg $0xFFFFFFFF  }
0xc1: {  	_ =	task.clear_ibuf [dreg:s7], $0x2FFFF;
	_ =	strace $0x9FFFFFFF  }
0xc2: {  	(tm) =	ssettm $0x7FFFFFFF  }
0xc3: {  	_ =	shalt  }
tec
execute0_lowered:
.L_overlay_start_1:
0x0: {  	(tag) =	ssettag $0x1  }
0x1: {  	s4 =	rddreg [dreg:$0x0]  }
0x2: {  	s5 =	rddreg [dreg:$0x1]  }
0x3: {  	s0 =	rddreg [dreg:$0x2];
	s2 =	simm.s32 $0x0  }
0x4: {  	s3 =	srdreg.scid;
	s1 =	stileid.u32;
	s10 =	simm.s32 $0x11480  }
0x5: {  	s11 =	simm.s32 $0x7500;
	s12 =	simm.s32 $0x15480;
	s13 =	simm.s32 $0x7800  }
0x6: {  	s15 =	simm.s32 $0x3200;
	s16 =	simm.s32 $0x0;
	[smem:$0x7FF] =	sst s2  }
0x7: {  	s3 =	sand.u32 $0x1, s3;
	s6 =	sshll.u32 s1, $0x1;
	_ =	strace $0x80000047  }
.Ltmp0:
0x8: {  	s7 =	ssub.s32 $0x2, s3;
	s6 =	sor.u32 s3, s6;
	(pc) =	sbr.rel .LBB2_1-.Ltmp0, $4  }
0x9: {  	s3 =	sadd.s32 $0x14400, s4;
	s8 =	sshrl.u32 s7, $0x1;
	s9 =	smul.u32 $0x1390, s6  }
0xa: {  	s4 =	sadd.s32 $0xA00, s4;
	s14 =	smul.u32 $0xFFFFFEC7, s6;
	s7 =	ssub.s32 s7, s8  }
0xb: {  	s8 =	simm.s32 $0x40;
	s5 =	sadd.s32 s5, s9;
	s6 =	smax.u32 s7, $0x1  }
0xc: {  	v1 =	vimm.s32 $0xFF61FF61;
	v2 =	vimm.s32 $0x0;
	s7 =	simm.s32 $0x6400;
	s9 =	simm.s32 $0x7400;
	v0 =	vmov s14;
	s14 =	simm.s32 $0x9  }
.LBB2_39:
0xd: {  	s16 =	sadd.s32 $0x1, s16  }
0xe: {  	p0 =	sne.s32 s16, s6  }
.Ltmp1:
0xf: {  	_ = 	snop;
	(pc) =	sbr.rel @!p0 .LBB2_40-.Ltmp1, $4  }
0x10: {  	[hbm4b:s5+s2] =	stream.linear.scatter [tilespmem:s13], [sflag:$0x9], $0x9C80, $0x38;
	[tilespmem:$0x1D480] =	vst v63  }
0x11: {  	_ =	swait.ge [sflag:s14], $0x9C80  }
0x12: {  	[sflag:s14] =	ssyncset.done $0x0  }
0x13: {  	[sflag:s14] =	ssyncadd.s32 $0xFFFF6380  }
.LBB2_1:
0x14: {  	s17 =	simm.s32 $0x40;
	s18 =	simm.s32 $0x0  }
.LBB2_2:
0x15: {  	p0 =	sne.s32 s17, $0x271C0;
	[tilespmem:s18+$0x7800] =	vst v1;
	s18 =	smov.u32 s17;
	s17 =	sadd.s32 $0x40, s17  }
.Ltmp2:
0x16: {  	(pc) =	sbr.rel @p0 .LBB2_2-.Ltmp2, $2  }
0x17: {  	_ =	sdelay $0x2  }
0x18: {  	s18 =	sshra.s32 s18, $0x2  }
.Ltmp3:
0x19: {  	(pc) =	sbr.rel .LBB2_4-.Ltmp3, $3  }
0x1a: {  	_ =	sdelay $0x1  }
0x1b: {  	[tilespmem:s18+$0x7800] =	vst v1;
	s17 =	simm.s32 $0x0;
	s19 =	simm.s32 $0x0  }
0x1c: {  	[tilespmem:s17], [sflag:$0x5] =	stream.linear.gather [hbm4b:s4+s17], $0x3200, $0x38;
	[tilespmem:$0x1D480] =	vst v63  }
.LBB2_24:
0x1d: {  	s17 =	simm.s32 $0x0  }
.LBB2_25:
0x1e: {  	p0 =	sne.s32 s18, $0x32  }
.Ltmp4:
0x1f: {  	_ = 	snop;
	(pc) =	sbr.rel @!p0 .LBB2_26-.Ltmp4, $2  }
0x20: {  	_ =	sdelay $0x2  }
0x21: {  	s19 =	smov.u32 s18  }
.LBB2_4:
0x22: {  	p0 =	seq.s32 s19, $0x31  }
.Ltmp5:
0x23: {  	_ = 	snop;
	(pc) =	sbr.rel @p0 .LBB2_7-.Ltmp5, $2  }
0x24: {  	_ =	sdelay $0x2  }
0x25: {  	s18 =	sadd.s32 $0x1, s19  }
0x26: {  	s20 =	sand.u32 $0x1, s18;
	s21 =	smul.u32 $0x640, s18  }
0x27: {  	p0 =	seq.s32 s20, $0x1  }
0x28: {  	s20 =	sadd.s32 s4, s21;
	s21 =	simm.s32 @!p0 $0x0  }
0x29: {  	[tilespmem:s21], [sflag:$0x5] =	stream.linear.gather @!p0 [hbm4b:s20+s21], $0x3200, $0x38;
	[tilespmem:$0x1D480] =	vst v63  }
0x2a: {  	s21 =	sand.u32 @!p0 $0x1, s19  }
0x2b: {  	p1 =	seq.s32 @!p0 s21, $0x1  }
0x2c: {  	s31 =	sand.u32 $0x1, s19;
	p0 =	por p0, !p1  }
0x2d: {  	[tilespmem:s15], [sflag:$0x6] =	stream.linear.gather @p0 [hbm4b:s20+s2], $0x3200, $0x38;
	[tilespmem:$0x1D480] =	vst v63  }
0x2e: {  	p0 =	seq.s32 s31, $0x0  }
.Ltmp6:
0x2f: {  	_ = 	snop;
	(pc) =	sbr.rel @p0 .LBB2_6-.Ltmp6, $1  }
0x30: {  	_ =	sdelay $0x3  }
.LBB2_7:
.Ltmp7:
0x31: {  	(pc) =	sbr.rel .LBB2_8-.Ltmp7, $2  }
0x32: {  	_ =	sdelay $0x2  }
0x33: {  	s19 =	simm.s32 $0x3200;
	s20 =	simm.s32 $0x6  }
.LBB2_6:
0x34: {  	s19 =	simm.s32 $0x0;
	s20 =	simm.s32 $0x5  }
.LBB2_8:
0x35: {  	s21 =	simm.s32 $0x0  }
0x36: {  	_ =	swait.ge [sflag:s20], $0x3200;
	s22 =	sand.u32 $0x3E00, s21  }
0x37: {  	[sflag:s20] =	ssyncset.done $0x0;
	s21 =	sand.u32 $0x70, s21;
	s22 =	sadd.s32 s22, s19  }
0x38: {  	[sflag:s20] =	ssyncadd.s32 $0xFFFFCE00;
	s29 =	sadd.s32 s21, s22  }
0x39: {  	v3 =	vld [tilespmem:s29+$0x80];
	_ =	sdelay $0x4  }
0x3a: {  	v3 =	vadd.s32 v0, v3  }
0x3b: {  	vm0 =	vlt.u32 v3, $0x139  }
0x3c: {  	v4 =	vsel vm0, $0x1, v2  }
0x3d: {  	(xrf0) =	vadd.scan.msk.s32 $0xffff, v4;
	_ =	sdelay $0x1  }
0x3e: {  	v4 =	vld [tilespmem:s29+$0x100]  }
0x3f: {  	v5 =	vmov s17  }
0x40: {  	v5 =	vadd.s32 $0xFFFFFFFF, v5;
	v6 =	vld [tilespmem:s29+$0x0]  }
0x41: {  	v5 =	vbroadcast v5, $0x0  }
0x42: {  	v7, _, _ =	vpop (xrf0)  }
0x43: {  	v4 =	vmul.u32 $0x2710, v4;
	v5 =	vadd.s32 v5, v7;
	(v2sf) =	vpush v7, $0xF;
	_ =	sdelay $0x1  }
0x44: {  	s20 =	simm.s32 $0x40;
	v4 =	vadd.s32 v6, v4  }
0x45: {  	s30 =	simm.s32 $0x10;
	s31 =	sand.u32 $0x3E00, s20;
	v4 =	vshll.u32 v4, $0x9  }
0x46: {  	s21 =	sand.u32 $0x70, s30;
	s22 =	sadd.s32 s31, s19;
	v3 =	vadd.s32 v3, v4  }
0x47: {  	s21 =	sadd.s32 s21, s22;
	[tilespmem:v5+s7+$0x0] =	vst.idx.msk vm0, v3  }
0x48: {  	v3 =	vld [tilespmem:s21+$0x80]  }
0x49: {  	v4 =	vld [tilespmem:s21+$0x100];
	_ =	sdelay $0x1  }
0x4a: {  	v5 =	vld [tilespmem:s21+$0x0];
	_ =	sdelay $0x2  }
0x4b: {  	v3 =	vadd.s32 v0, v3;
	v4 =	vmul.u32 $0x2710, v4  }
0x4c: {  	vm0 =	vlt.u32 v3, $0x139  }
0x4d: {  	v6 =	vsel vm0, $0x1, v2;
	v4 =	vadd.s32 v5, v4  }
0x4e: {  	s21 =	simm.s32 $0x20;
	(xrf0) =	vadd.scan.msk.s32 $0xffff, v6;
	v4 =	vshll.u32 v4, $0x9;
	s22 =	spop (v2sf)  }
.LBB2_9:
0x4f: {  	p0 =	sne.s32 s21, $0xC70  }
0x50: {  	s17 =	sadd.s32 s17, s22;
	s22 =	smov.u32 s21;
	s21 =	sadd.s32 $0x10, s21  }
0x51: {  	v5 =	vmov s17  }
0x52: {  	v5 =	vadd.s32 $0xFFFFFFFF, v5  }
0x53: {  	v5 =	vbroadcast v5, $0x0  }
0x54: {  	v6, _, _ =	vpop (xrf0)  }
0x55: {  	v5 =	vadd.s32 v5, v6;
	(v2sf) =	vpush v6, $0xF;
	_ =	sdelay $0x1  }
0x56: {  	s20 =	sadd.s32 $0x40, s20  }
0x57: {  	s23 =	sand.u32 $0x3E00, s20  }
0x58: {  	v3 =	vadd.s32 v3, v4;
	s22 =	sand.u32 $0x70, s22;
	s23 =	sadd.s32 s23, s19  }
0x59: {  	s22 =	sadd.s32 s22, s23;
	[tilespmem:v5+s7+$0x0] =	vst.idx.msk vm0, v3  }
0x5a: {  	v3 =	vld [tilespmem:s22+$0x80]  }
0x5b: {  	v4 =	vld [tilespmem:s22+$0x100];
	_ =	sdelay $0x1  }
0x5c: {  	v5 =	vld [tilespmem:s22+$0x0];
	_ =	sdelay $0x1  }
.Ltmp8:
0x5d: {  	v3 =	vadd.s32 v0, v3;
	(pc) =	sbr.rel @p0 .LBB2_9-.Ltmp8, $4  }
0x5e: {  	vm0 =	vlt.u32 v3, $0x139;
	v4 =	vmul.u32 $0x2710, v4  }
0x5f: {  	v6 =	vsel vm0, $0x1, v2  }
0x60: {  	v4 =	vadd.s32 v5, v4;
	(xrf0) =	vadd.scan.msk.s32 $0xffff, v6  }
0x61: {  	v4 =	vshll.u32 v4, $0x9;
	s22 =	spop (v2sf)  }
0x62: {  	_ =	sdelay $0x3  }
0x63: {  	v5, _, _ =	vpop (xrf0)  }
0x64: {  	(v2sf) =	vpush v5, $0xF;
	_ =	sdelay $0xe  }
0x65: {  	s17 =	sadd.s32 s17, s22;
	s19 =	spop (v2sf)  }
0x66: {  	v6 =	vmov s17;
	s17 =	sadd.s32 s17, s19  }
0x67: {  	p0 =	slt.s32 s17, $0x340  }
0x68: {  	s19 =	sadd.s32 @!p0 $0x3F, s17  }
0x69: {  	s20 =	sand.u32 @!p0 $0x3F, s19  }
0x6a: {  	v6 =	vadd.s32 $0xFFFFFFFF, v6;
	p1 =	slt.s32 @!p0 s19, $0x0;
	p2 =	sne.s32 @!p0 s20, $0x0  }
0x6b: {  	v6 =	vbroadcast v6, $0x0;
	s20 =	sshra.s32 @!p0 s19, $0x1F;
	p1 =	por @!p0 !p1, !p2  }
0x6c: {  	s20 =	sshrl.u32 @!p0 s20, $0x1A;
	p1 =	por @!p0 !p1, !p1  }
0x6d: {  	v5 =	vadd.s32 v6, v5;
	s19 =	sadd.s32 @!p0 s20, s19;
	s20 =	simm.s32 @!p0 $0x1;
	p1 =	por !p1, p0  }
0x6e: {  	s19 =	sshra.s32 @!p0 s19, $0x6;
	s20 =	simm.s32 @p1 $0x0  }
0x6f: {  	s19 =	ssub.s32 @!p0 s19, s20  }
0x70: {  	p1 =	slt.s32 @!p0 s19, $0x1  }
0x71: {  	v3 =	vadd.s32 v3, v4;
	p1 =	por p0, p1  }
.Ltmp9:
0x72: {  	[tilespmem:v5+s7+$0x0] =	vst.idx.msk vm0, v3;
	v3 =	vimm.s32 @!p0 $0x0;
	(pc) =	sbr.rel @p1 .LBB2_11-.Ltmp9, $4  }
0x73: {  	[tilespmem:s17+$0x6400] =	vst @!p0 v3  }
0x74: {  	[tilespmem:s17+$0x6410] =	vst @!p0 v3  }
0x75: {  	[tilespmem:s17+$0x6420] =	vst @!p0 v3  }
0x76: {  	[tilespmem:s17+$0x6430] =	vst @!p0 v3  }
0x77: {  	v3 =	vld [tilespmem:$0x6400]  }
0x78: {  	v4 =	vld [tilespmem:$0x6410]  }
0x79: {  	v5 =	vld [tilespmem:$0x6420]  }
0x7a: {  	v6 =	vld [tilespmem:$0x6430];
	_ =	sdelay $0x1  }
0x7b: {  	v3 =	vshra.s32 v3, $0x9  }
0x7c: {  	[tilespmem:$0x7400] =	vst v3;
	v3 =	vshra.s32 v4, $0x9  }
0x7d: {  	[tilespmem:$0x7410] =	vst v3;
	v3 =	vshra.s32 v5, $0x9  }
0x7e: {  	[tilespmem:$0x7420] =	vst v3;
	v3 =	vshra.s32 v6, $0x9  }
0x7f: {  	p0 =	seq.s32 s19, $0x1;
	[tilespmem:$0x7430] =	vst v3  }
0x80: {  	[tilespmem:s10], [sflag:$0x1] =	stream.indirect.gather [hbm4b:s3+s8], $0x80, s9, s8, $0xb8;
	[tilespmem:$0x1D480] =	vst v63  }
0x81: {  	v3 =	vld @!p0 [tilespmem:$0x6440]  }
0x82: {  	v4 =	vld @!p0 [tilespmem:$0x6450]  }
0x83: {  	v5 =	vld @!p0 [tilespmem:$0x6460]  }
0x84: {  	v6 =	vld @!p0 [tilespmem:$0x6470];
	_ =	sdelay $0x1  }
0x85: {  	v3 =	vshra.s32 @!p0 v3, $0x9  }
0x86: {  	[tilespmem:$0x7480] =	vst @!p0 v3;
	v3 =	vshra.s32 @!p0 v4, $0x9  }
0x87: {  	[tilespmem:$0x7490] =	vst @!p0 v3;
	v3 =	vshra.s32 @!p0 v5, $0x9  }
0x88: {  	s20 =	simm.s32 @!p0 $0x40;
	[tilespmem:$0x74A0] =	vst @!p0 v3;
	v3 =	vshra.s32 @!p0 v6, $0x9  }
0x89: {  	s21 =	simm.s32 @!p0 $0x7480;
	s22 =	simm.s32 @!p0 $0x13480;
	p1 =	slt.u32 @!p0 s19, $0x3;
	[tilespmem:$0x74B0] =	vst @!p0 v3  }
0x8a: {  	[tilespmem:s22], [sflag:$0x2] =	stream.indirect.gather @!p0 [hbm4b:s3+s20], $0x80, s21, s20, $0xb8;
	[tilespmem:$0x1D480] =	vst v63  }
0x8b: {  	p0 =	por p0, p1  }
.Ltmp10:
0x8c: {  	_ = 	snop;
	(pc) =	sbr.rel @p0 .LBB2_14-.Ltmp10, $1  }
0x8d: {  	_ =	sdelay $0x3  }
0x8e: {  	v3 =	vld [tilespmem:$0x6480]  }
0x8f: {  	v4 =	vld [tilespmem:$0x6490]  }
0x90: {  	v5 =	vld [tilespmem:$0x64A0]  }
0x91: {  	v6 =	vld [tilespmem:$0x64B0];
	_ =	sdelay $0x1  }
0x92: {  	v3 =	vshra.s32 v3, $0x9  }
0x93: {  	[tilespmem:$0x7500] =	vst v3;
	v3 =	vshra.s32 v4, $0x9  }
0x94: {  	[tilespmem:$0x7510] =	vst v3;
	v3 =	vshra.s32 v5, $0x9  }
0x95: {  	[tilespmem:$0x7520] =	vst v3;
	v3 =	vshra.s32 v6, $0x9  }
0x96: {  	p0 =	seq.s32 s19, $0x3;
	[tilespmem:$0x7530] =	vst v3  }
0x97: {  	[tilespmem:s12], [sflag:$0x3] =	stream.indirect.gather [hbm4b:s3+s8], $0x80, s11, s8, $0xb8;
	[tilespmem:$0x1D480] =	vst v63  }
0x98: {  	v3 =	vld @!p0 [tilespmem:$0x64C0]  }
0x99: {  	v4 =	vld @!p0 [tilespmem:$0x64D0]  }
0x9a: {  	v5 =	vld @!p0 [tilespmem:$0x64E0]  }
0x9b: {  	v6 =	vld @!p0 [tilespmem:$0x64F0];
	_ =	sdelay $0x1  }
0x9c: {  	v3 =	vshra.s32 @!p0 v3, $0x9  }
0x9d: {  	[tilespmem:$0x7580] =	vst @!p0 v3;
	v3 =	vshra.s32 @!p0 v4, $0x9  }
0x9e: {  	[tilespmem:$0x7590] =	vst @!p0 v3;
	v3 =	vshra.s32 @!p0 v5, $0x9  }
0x9f: {  	s20 =	simm.s32 @!p0 $0x40;
	[tilespmem:$0x75A0] =	vst @!p0 v3;
	v3 =	vshra.s32 @!p0 v6, $0x9  }
0xa0: {  	s21 =	simm.s32 @!p0 $0x7580;
	s22 =	simm.s32 @!p0 $0x17480;
	p1 =	slt.u32 @!p0 s19, $0x5;
	[tilespmem:$0x75B0] =	vst @!p0 v3  }
0xa1: {  	[tilespmem:s22], [sflag:$0x4] =	stream.indirect.gather @!p0 [hbm4b:s3+s20], $0x80, s21, s20, $0xb8;
	[tilespmem:$0x1D480] =	vst v63  }
0xa2: {  	p0 =	por p1, p0  }
0xa3: {  	v3 =	vld @!p0 [tilespmem:$0x6500]  }
0xa4: {  	v4 =	vld @!p0 [tilespmem:$0x6510]  }
0xa5: {  	v5 =	vld @!p0 [tilespmem:$0x6520]  }
0xa6: {  	v6 =	vld @!p0 [tilespmem:$0x6530];
	_ =	sdelay $0x1  }
0xa7: {  	v3 =	vshra.s32 @!p0 v3, $0x9  }
0xa8: {  	[tilespmem:$0x7600] =	vst @!p0 v3;
	v3 =	vshra.s32 @!p0 v4, $0x9  }
0xa9: {  	[tilespmem:$0x7610] =	vst @!p0 v3;
	v3 =	vshra.s32 @!p0 v5, $0x9  }
0xaa: {  	[tilespmem:$0x7620] =	vst @!p0 v3;
	v3 =	vshra.s32 @!p0 v6, $0x9  }
0xab: {  	s20 =	simm.s32 @!p0 $0x40;
	s21 =	simm.s32 @!p0 $0x7600;
	s22 =	simm.s32 @!p0 $0x19480;
	[tilespmem:$0x7630] =	vst @!p0 v3  }
0xac: {  	[tilespmem:s22], [sflag:$0x7] =	stream.indirect.gather @!p0 [hbm4b:s3+s20], $0x80, s21, s20, $0xb8;
	[tilespmem:$0x1D480] =	vst v63  }
.LBB2_14:
.Ltmp11:
0xad: {  	(pc) =	sbr.rel .LBB2_15-.Ltmp11, $3  }
0xae: {  	_ =	sdelay $0x1  }
0xaf: {  	s20 =	simm.s32 $0x0  }
0xb0: {  	s21 =	simm.s32 $0x6400;
	s22 =	simm.s32 $0x11480;
	s23 =	smov.u32 s17  }
.LBB2_22:
0xb1: {  	[tilespmem:s24+$0x7870] =	vst v4  }
.LBB2_23:
0xb2: {  	s20 =	sadd.s32 $0x1, s20  }
0xb3: {  	p0 =	sne.s32 s20, s19  }
.Ltmp12:
0xb4: {  	_ = 	snop;
	(pc) =	sbr.rel @!p0 .LBB2_24-.Ltmp12, $2  }
0xb5: {  	_ =	sdelay $0x2  }
0xb6: {  	s23 =	sadd.s32 $0xFFFFFFC0, s23;
	s21 =	sadd.s32 $0x40, s21;
	s22 =	sadd.s32 $0x2000, s22  }
.LBB2_15:
0xb7: {  	s25 =	sadd.s32 $0x5, s20  }
0xb8: {  	p0 =	sge.s32 s25, s19  }
.Ltmp13:
0xb9: {  	_ = 	snop;
	(pc) =	sbr.rel @p0 .LBB2_19-.Ltmp13, $1  }
0xba: {  	_ =	sdelay $0x3  }
0xbb: {  	s26 =	smulhi.u32 $0xAAAAAAAB, s25;
	_ =	sdelay $0x1  }
0xbc: {  	s26 =	sshrl.u32 s26, $0x2  }
0xbd: {  	s26 =	smul.u32 $0x6, s26  }
0xbe: {  	s24 =	sshll.u32 s25, $0x8  }
0xbf: {  	s24 =	sshra.s32 s24, $0x2;
	s25 =	ssub.s32 s25, s26  }
0xc0: {  	v3 =	vld [tilespmem:s24+$0x6400];
	p0 =	sgt.s32 s25, $0x2  }
.Ltmp14:
0xc1: {  	_ = 	snop;
	(pc) =	sbr.rel @p0 .LBB2_18-.Ltmp14, $2  }
0xc2: {  	_ =	sdelay $0x2  }
0xc3: {  	v3 =	vshra.s32 v3, $0x9  }
0xc4: {  	p0 =	seq.s32 s25, $0x0  }
0xc5: {  	[tilespmem:$0x7400] =	vst @p0 v3  }
0xc6: {  	v4 =	vld @p0 [tilespmem:s24+$0x6410];
	_ =	sdelay $0x4  }
0xc7: {  	v4 =	vshra.s32 @p0 v4, $0x9  }
0xc8: {  	[tilespmem:$0x7410] =	vst @p0 v4  }
0xc9: {  	v4 =	vld @p0 [tilespmem:s24+$0x6420];
	_ =	sdelay $0x4  }
0xca: {  	v4 =	vshra.s32 @p0 v4, $0x9  }
0xcb: {  	[tilespmem:$0x7420] =	vst @p0 v4  }
0xcc: {  	v4 =	vld @p0 [tilespmem:s24+$0x6430];
	_ =	sdelay $0x4  }
0xcd: {  	s26 =	simm.s32 @p0 $0x40;
	p1 =	seq.s32 @!p0 s25, $0x1;
	v4 =	vshra.s32 @p0 v4, $0x9  }
0xce: {  	s28 =	simm.s32 @p0 $0x7400;
	s29 =	simm.s32 @p0 $0x11480;
	p2 =	por !p1, p0;
	[tilespmem:$0x7430] =	vst @p0 v4  }
0xcf: {  	[tilespmem:s29], [sflag:$0x1] =	stream.indirect.gather @p0 [hbm4b:s3+s26], $0x80, s28, s26, $0xb8;
	[tilespmem:$0x1D480] =	vst v63  }
0xd0: {  	[tilespmem:$0x7480] =	vst @!p2 v3  }
0xd1: {  	v4 =	vld @!p2 [tilespmem:s24+$0x6410];
	_ =	sdelay $0x4  }
0xd2: {  	v4 =	vshra.s32 @!p2 v4, $0x9  }
0xd3: {  	[tilespmem:$0x7490] =	vst @!p2 v4  }
0xd4: {  	v4 =	vld @!p2 [tilespmem:s24+$0x6420];
	_ =	sdelay $0x4  }
0xd5: {  	v4 =	vshra.s32 @!p2 v4, $0x9  }
0xd6: {  	[tilespmem:$0x74A0] =	vst @!p2 v4  }
0xd7: {  	v4 =	vld @!p2 [tilespmem:s24+$0x6430];
	_ =	sdelay $0x4  }
0xd8: {  	s25 =	simm.s32 @!p2 $0x40;
	v4 =	vshra.s32 @!p2 v4, $0x9  }
0xd9: {  	s26 =	simm.s32 @!p2 $0x7480;
	s28 =	simm.s32 @!p2 $0x13480;
	p0 =	por p1, p0;
	[tilespmem:$0x74B0] =	vst @!p2 v4  }
0xda: {  	[tilespmem:s28], [sflag:$0x2] =	stream.indirect.gather @!p2 [hbm4b:s3+s25], $0x80, s26, s25, $0xb8;
	[tilespmem:$0x1D480] =	vst v63  }
0xdb: {  	[tilespmem:$0x7500] =	vst @!p0 v3  }
0xdc: {  	v3 =	vld @!p0 [tilespmem:s24+$0x6410];
	_ =	sdelay $0x4  }
0xdd: {  	v3 =	vshra.s32 @!p0 v3, $0x9  }
0xde: {  	[tilespmem:$0x7510] =	vst @!p0 v3  }
0xdf: {  	v3 =	vld @!p0 [tilespmem:s24+$0x6420];
	_ =	sdelay $0x4  }
0xe0: {  	v3 =	vshra.s32 @!p0 v3, $0x9  }
0xe1: {  	[tilespmem:$0x7520] =	vst @!p0 v3  }
0xe2: {  	v3 =	vld @!p0 [tilespmem:s24+$0x6430];
	_ =	sdelay $0x2  }
.Ltmp15:
0xe3: {  	_ = 	snop;
	(pc) =	sbr.rel .LBB2_19-.Ltmp15, $4  }
0xe4: {  	_ = 	snop  }
0xe5: {  	v3 =	vshra.s32 @!p0 v3, $0x9  }
0xe6: {  	s25 =	simm.s32 @!p0 $0x7500;
	s26 =	simm.s32 @!p0 $0x15480;
	s24 =	simm.s32 @!p0 $0x40;
	[tilespmem:$0x7530] =	vst @!p0 v3  }
0xe7: {  	[tilespmem:s26], [sflag:$0x3] =	stream.indirect.gather @!p0 [hbm4b:s3+s24], $0x80, s25, s24, $0xb8;
	[tilespmem:$0x1D480] =	vst v63  }
.LBB2_18:
0xe8: {  	p0 =	seq.s32 s25, $0x3  }
0xe9: {  	[tilespmem:$0x7580] =	vst @p0 v3  }
0xea: {  	v4 =	vld @p0 [tilespmem:s24+$0x6410];
	_ =	sdelay $0x4  }
0xeb: {  	v4 =	vshra.s32 @p0 v4, $0x9  }
0xec: {  	[tilespmem:$0x7590] =	vst @p0 v4  }
0xed: {  	v4 =	vld @p0 [tilespmem:s24+$0x6420];
	_ =	sdelay $0x4  }
0xee: {  	v4 =	vshra.s32 @p0 v4, $0x9  }
0xef: {  	[tilespmem:$0x75A0] =	vst @p0 v4  }
0xf0: {  	v4 =	vld @p0 [tilespmem:s24+$0x6430];
	_ =	sdelay $0x4  }
0xf1: {  	s26 =	simm.s32 @p0 $0x40;
	p1 =	seq.s32 @!p0 s25, $0x4;
	v4 =	vshra.s32 @p0 v4, $0x9  }
0xf2: {  	s28 =	simm.s32 @p0 $0x7580;
	s29 =	simm.s32 @p0 $0x17480;
	p2 =	por !p1, p0;
	[tilespmem:$0x75B0] =	vst @p0 v4  }
0xf3: {  	[tilespmem:s29], [sflag:$0x4] =	stream.indirect.gather @p0 [hbm4b:s3+s26], $0x80, s28, s26, $0xb8;
	[tilespmem:$0x1D480] =	vst v63  }
0xf4: {  	[tilespmem:$0x7600] =	vst @!p2 v3  }
0xf5: {  	v4 =	vld @!p2 [tilespmem:s24+$0x6410];
	_ =	sdelay $0x4  }
0xf6: {  	v4 =	vshra.s32 @!p2 v4, $0x9  }
0xf7: {  	[tilespmem:$0x7610] =	vst @!p2 v4  }
0xf8: {  	v4 =	vld @!p2 [tilespmem:s24+$0x6420];
	_ =	sdelay $0x4  }
0xf9: {  	v4 =	vshra.s32 @!p2 v4, $0x9  }
0xfa: {  	[tilespmem:$0x7620] =	vst @!p2 v4  }
0xfb: {  	v4 =	vld @!p2 [tilespmem:s24+$0x6430];
	_ =	sdelay $0x4  }
0xfc: {  	s25 =	simm.s32 @!p2 $0x40;
	v4 =	vshra.s32 @!p2 v4, $0x9  }
0xfd: {  	s26 =	simm.s32 @!p2 $0x7600;
	s28 =	simm.s32 @!p2 $0x19480;
	p0 =	por p1, p0;
	[tilespmem:$0x7630] =	vst @!p2 v4  }
0xfe: {  	[tilespmem:s28], [sflag:$0x7] =	stream.indirect.gather @!p2 [hbm4b:s3+s25], $0x80, s26, s25, $0xb8;
	[tilespmem:$0x1D480] =	vst v63  }
0xff: {  	[tilespmem:$0x7680] =	vst @!p0 v3  }
0x100: {  	v3 =	vld @!p0 [tilespmem:s24+$0x6410];
	_ =	sdelay $0x4  }
0x101: {  	v3 =	vshra.s32 @!p0 v3, $0x9  }
0x102: {  	[tilespmem:$0x7690] =	vst @!p0 v3  }
0x103: {  	v3 =	vld @!p0 [tilespmem:s24+$0x6420];
	_ =	sdelay $0x4  }
0x104: {  	v3 =	vshra.s32 @!p0 v3, $0x9  }
0x105: {  	[tilespmem:$0x76A0] =	vst @!p0 v3  }
0x106: {  	v3 =	vld @!p0 [tilespmem:s24+$0x6430];
	_ =	sdelay $0x4  }
0x107: {  	v3 =	vshra.s32 @!p0 v3, $0x9  }
0x108: {  	s25 =	simm.s32 @!p0 $0x7680;
	s26 =	simm.s32 @!p0 $0x1B480;
	s24 =	simm.s32 @!p0 $0x40;
	[tilespmem:$0x76B0] =	vst @!p0 v3  }
0x109: {  	[tilespmem:s26], [sflag:$0x8] =	stream.indirect.gather @!p0 [hbm4b:s3+s24], $0x80, s25, s24, $0xb8;
	[tilespmem:$0x1D480] =	vst v63  }
.LBB2_19:
0x10a: {  	s24 =	smulhi.u32 $0xAAAAAAAB, s20;
	_ =	sdelay $0x1  }
0x10b: {  	s24 =	sshrl.u32 s24, $0x2  }
0x10c: {  	s25 =	smul.u32 $0x6, s24;
	_ =	sdelay $0x1  }
0x10d: {  	s25 =	ssub.s32 s20, s25  }
0x10e: {  	p0 =	sgt.s32 s25, $0x2  }
0x10f: {  	p2 =	seq.s32 @p0 s25, $0x3;
	p1 =	seq.s32 @!p0 s25, $0x0  }
0x110: {  	p3 =	por p2, !p0;
	p4 =	por p1, p0  }
0x111: {  	p3 =	seq.s32 @!p3 s25, $0x4;
	p4 =	seq.s32 @!p4 s25, $0x1  }
0x112: {  	p5 =	por @p0 p3, p2;
	p6 =	por @!p0 p4, p1  }
0x113: {  	p3 =	por @p0 !p3, p2;
	p4 =	por @!p0 !p4, p1;
	p5 =	por p5, !p0  }
0x114: {  	p2 =	por !p2, !p0;
	s25 =	simm.s32 @!p5 $0x8;
	p5 =	por p6, p0  }
0x115: {  	p3 =	por !p3, !p0;
	p4 =	por !p4, p0;
	s26 =	simm.s32 @!p5 $0x3  }
0x116: {  	p1 =	por !p1, p0;
	s25 =	simm.s32 @p3 $0x7;
	s26 =	simm.s32 @p4 $0x2  }
0x117: {  	s31 =	sshll.u32 s20, $0x6;
	s25 =	simm.s32 @!p2 $0x4;
	s26 =	simm.s32 @!p1 $0x1  }
0x118: {  	s26 =	smov.u32 @p0 s25;
	s25 =	ssub.s32 s17, s31  }
0x119: {  	p0 =	slt.s32 s25, $0x1  }
.Ltmp16:
0x11a: {  	_ = 	snop;
	(pc) =	sbr.rel @p0 .LBB2_23-.Ltmp16, $4  }
0x11b: {  	_ = 	snop  }
0x11c: {  	_ =	swait.ge [sflag:s26], $0x2000  }
0x11d: {  	[sflag:s26] =	ssyncset.done $0x0  }
0x11e: {  	[sflag:s26] =	ssyncadd.s32 $0xFFFFE000  }
0x11f: {  	v3 =	vld [tilespmem:s21+$0x0];
	_ =	sdelay $0x4  }
0x120: {  	(v2sf) =	vpush v3, $0x0;
	_ =	sdelay $0x7  }
0x121: {  	s24 =	smul.u32 $0xFFFD0000, s24;
	_ =	sdelay $0x1  }
0x122: {  	s24 =	sshra.s32 s24, $0x2  }
0x123: {  	s24 =	sadd.s32 s24, s22  }
0x124: {  	v3 =	vmov s24;
	_ =	sdelay $0x2  }
0x125: {  	s31 =	spop (v2sf)  }
0x126: {  	s25 =	simm.s32 $0x0;
	s24 =	sshll.u32 s31, $0x7  }
0x127: {  	v4 =	vld.idx.msk [tilespmem:v3+s25+$0x0 ss:$0x1], $0xffff;
	s24 =	sand.u32 $0xFF80, s24  }
0x128: {  	v5 =	vld [tilespmem:s24+$0x7800];
	_ =	sdelay $0x4  }
0x129: {  	v4 =	vmax.bf16 v5, v4  }
0x12a: {  	v5 =	vld [tilespmem:s24+$0x7810];
	[tilespmem:s24+$0x7800] =	vst v4  }
0x12b: {  	v4 =	vld.idx.msk [tilespmem:v3+s25+$0x10 ss:$0x1], $0xffff;
	_ =	sdelay $0x4  }
0x12c: {  	v4 =	vmax.bf16 v5, v4  }
0x12d: {  	v5 =	vld [tilespmem:s24+$0x7820];
	[tilespmem:s24+$0x7810] =	vst v4  }
0x12e: {  	v4 =	vld.idx.msk [tilespmem:v3+s25+$0x20 ss:$0x1], $0xffff;
	_ =	sdelay $0x4  }
0x12f: {  	v4 =	vmax.bf16 v5, v4  }
0x130: {  	v5 =	vld [tilespmem:s24+$0x7830];
	[tilespmem:s24+$0x7820] =	vst v4  }
0x131: {  	v4 =	vld.idx.msk [tilespmem:v3+s25+$0x30 ss:$0x1], $0xffff;
	_ =	sdelay $0x4  }
0x132: {  	v4 =	vmax.bf16 v5, v4  }
0x133: {  	v5 =	vld [tilespmem:s24+$0x7840];
	[tilespmem:s24+$0x7830] =	vst v4  }
0x134: {  	v4 =	vld.idx.msk [tilespmem:v3+s25+$0x40 ss:$0x1], $0xffff;
	_ =	sdelay $0x4  }
0x135: {  	v4 =	vmax.bf16 v5, v4  }
0x136: {  	v5 =	vld [tilespmem:s24+$0x7850];
	[tilespmem:s24+$0x7840] =	vst v4  }
0x137: {  	v4 =	vld.idx.msk [tilespmem:v3+s25+$0x50 ss:$0x1], $0xffff;
	_ =	sdelay $0x4  }
0x138: {  	v4 =	vmax.bf16 v5, v4  }
0x139: {  	v5 =	vld [tilespmem:s24+$0x7860];
	[tilespmem:s24+$0x7850] =	vst v4  }
0x13a: {  	v4 =	vld.idx.msk [tilespmem:v3+s25+$0x60 ss:$0x1], $0xffff;
	_ =	sdelay $0x4  }
0x13b: {  	v4 =	vmax.bf16 v5, v4  }
0x13c: {  	[tilespmem:s24+$0x7860] =	vst v4  }
0x13d: {  	p0 =	sgt.s32 s23, $0x1;
	v4 =	vld.idx.msk [tilespmem:v3+s25+$0x70 ss:$0x1], $0xffff;
	s25 =	smov.u32 s23  }
0x13e: {  	s25 =	simm.s32 @!p0 $0x1  }
0x13f: {  	s25 =	smin.u32 s25, $0x40  }
0x140: {  	s25 =	sshll.u32 s25, $0x9  }
0x141: {  	v5 =	vld [tilespmem:s24+$0x7870];
	p0 =	sne.s32 s25, $0x200  }
.Ltmp17:
0x142: {  	_ = 	snop;
	(pc) =	sbr.rel @!p0 .LBB2_22-.Ltmp17, $2  }
0x143: {  	_ =	sdelay $0x2  }
0x144: {  	s26 =	simm.s32 $0x200;
	s28 =	smov.u32 s21;
	v4 =	vmax.bf16 v5, v4  }
.LBB2_21:
0x145: {  	[tilespmem:s24+$0x7870] =	vst v4;
	s28 =	sadd.s32 $0x1, s28;
	s24 =	smov.u32 s26;
	s26 =	sadd.s32 $0x200, s26  }
0x146: {  	v4 =	vld [tilespmem:s28+$0x0];
	p0 =	sne.s32 s25, s26;
	_ =	sdelay $0x4  }
0x147: {  	(v2sf) =	vpush v4, $0x0;
	_ =	sdelay $0xe  }
0x148: {  	s29 =	spop (v2sf)  }
0x149: {  	s30 =	sshll.u32 s29, $0x7;
	s29 =	sshra.s32 s24, $0x2  }
0x14a: {  	s24 =	sand.u32 $0xFF80, s30;
	v4 =	vld.idx.msk [tilespmem:v3+s29+$0x0 ss:$0x1], $0xffff  }
0x14b: {  	v5 =	vld [tilespmem:s24+$0x7800];
	_ =	sdelay $0x4  }
0x14c: {  	v4 =	vmax.bf16 v5, v4  }
0x14d: {  	[tilespmem:s24+$0x7800] =	vst v4  }
0x14e: {  	v4 =	vld.idx.msk [tilespmem:v3+s29+$0x10 ss:$0x1], $0xffff  }
0x14f: {  	v5 =	vld [tilespmem:s24+$0x7810];
	_ =	sdelay $0x4  }
0x150: {  	v4 =	vmax.bf16 v5, v4  }
0x151: {  	[tilespmem:s24+$0x7810] =	vst v4  }
0x152: {  	v4 =	vld.idx.msk [tilespmem:v3+s29+$0x20 ss:$0x1], $0xffff  }
0x153: {  	v5 =	vld [tilespmem:s24+$0x7820];
	_ =	sdelay $0x4  }
0x154: {  	v4 =	vmax.bf16 v5, v4  }
0x155: {  	[tilespmem:s24+$0x7820] =	vst v4  }
0x156: {  	v4 =	vld.idx.msk [tilespmem:v3+s29+$0x30 ss:$0x1], $0xffff  }
0x157: {  	v5 =	vld [tilespmem:s24+$0x7830];
	_ =	sdelay $0x4  }
0x158: {  	v4 =	vmax.bf16 v5, v4  }
0x159: {  	[tilespmem:s24+$0x7830] =	vst v4  }
0x15a: {  	v4 =	vld.idx.msk [tilespmem:v3+s29+$0x40 ss:$0x1], $0xffff  }
0x15b: {  	v5 =	vld [tilespmem:s24+$0x7840];
	_ =	sdelay $0x4  }
0x15c: {  	v4 =	vmax.bf16 v5, v4  }
0x15d: {  	[tilespmem:s24+$0x7840] =	vst v4  }
0x15e: {  	v4 =	vld.idx.msk [tilespmem:v3+s29+$0x50 ss:$0x1], $0xffff  }
0x15f: {  	v5 =	vld [tilespmem:s24+$0x7850];
	_ =	sdelay $0x4  }
0x160: {  	v4 =	vmax.bf16 v5, v4  }
0x161: {  	[tilespmem:s24+$0x7850] =	vst v4  }
0x162: {  	v4 =	vld.idx.msk [tilespmem:v3+s29+$0x60 ss:$0x1], $0xffff  }
0x163: {  	v5 =	vld [tilespmem:s24+$0x7860];
	_ =	sdelay $0x4  }
0x164: {  	v4 =	vmax.bf16 v5, v4  }
0x165: {  	[tilespmem:s24+$0x7860] =	vst v4  }
0x166: {  	v4 =	vld.idx.msk [tilespmem:v3+s29+$0x70 ss:$0x1], $0xffff  }
0x167: {  	v5 =	vld [tilespmem:s24+$0x7870]  }
.Ltmp18:
0x168: {  	(pc) =	sbr.rel @p0 .LBB2_21-.Ltmp18, $2  }
0x169: {  	_ =	sdelay $0x2  }
0x16a: {  	v4 =	vmax.bf16 v5, v4  }
.Ltmp19:
0x16b: {  	_ = 	snop;
	(pc) =	sbr.rel .LBB2_22-.Ltmp19, $1  }
0x16c: {  	_ =	sdelay $0x3  }
.LBB2_11:
.Ltmp20:
0x16d: {  	(pc) =	sbr.rel .LBB2_25-.Ltmp20, $2  }
0x16e: {  	_ =	sdelay $0x2  }
0x16f: {  	s17 =	simm.s32 @!p0 $0x0  }
.LBB2_26:
0x170: {  	s18 =	sadd.s32 $0x3F, s17  }
0x171: {  	s19 =	sand.u32 $0x3F, s18  }
0x172: {  	p1 =	slt.s32 s17, $0xFFFFFFC2;
	s31 =	sshra.s32 s18, $0x1F;
	p0 =	sne.s32 s19, $0x0  }
0x173: {  	s19 =	sshrl.u32 s31, $0x1A;
	p0 =	por !p1, !p0  }
0x174: {  	s18 =	sadd.s32 s19, s18;
	s19 =	simm.s32 $0x1;
	p0 =	por !p0, !p0  }
0x175: {  	s18 =	sshra.s32 s18, $0x6;
	s19 =	simm.s32 @!p0 $0x0  }
0x176: {  	s18 =	ssub.s32 s18, s19  }
0x177: {  	p0 =	slt.s32 s18, $0x1  }
.Ltmp21:
0x178: {  	_ = 	snop;
	(pc) =	sbr.rel @p0 .LBB2_39-.Ltmp21, $4  }
0x179: {  	[tilespmem:s17+$0x6400] =	vst v2  }
0x17a: {  	[tilespmem:s17+$0x6410] =	vst v2  }
0x17b: {  	[tilespmem:s17+$0x6420] =	vst v2  }
0x17c: {  	[tilespmem:s17+$0x6430] =	vst v2  }
0x17d: {  	v3 =	vld [tilespmem:$0x6400]  }
0x17e: {  	v4 =	vld [tilespmem:$0x6410]  }
0x17f: {  	v5 =	vld [tilespmem:$0x6420]  }
0x180: {  	v6 =	vld [tilespmem:$0x6430];
	_ =	sdelay $0x1  }
0x181: {  	v3 =	vshra.s32 v3, $0x9  }
0x182: {  	[tilespmem:$0x7400] =	vst v3;
	v3 =	vshra.s32 v4, $0x9  }
0x183: {  	[tilespmem:$0x7410] =	vst v3;
	v3 =	vshra.s32 v5, $0x9  }
0x184: {  	[tilespmem:$0x7420] =	vst v3;
	v3 =	vshra.s32 v6, $0x9  }
0x185: {  	p0 =	seq.s32 s18, $0x1;
	[tilespmem:$0x7430] =	vst v3  }
0x186: {  	[tilespmem:s10], [sflag:$0x1] =	stream.indirect.gather [hbm4b:s3+s8], $0x80, s9, s8, $0xb8;
	[tilespmem:$0x1D480] =	vst v63  }
0x187: {  	v3 =	vld @!p0 [tilespmem:$0x6440]  }
0x188: {  	v4 =	vld @!p0 [tilespmem:$0x6450]  }
0x189: {  	v5 =	vld @!p0 [tilespmem:$0x6460]  }
0x18a: {  	v6 =	vld @!p0 [tilespmem:$0x6470];
	_ =	sdelay $0x1  }
0x18b: {  	v3 =	vshra.s32 @!p0 v3, $0x9  }
0x18c: {  	[tilespmem:$0x7480] =	vst @!p0 v3;
	v3 =	vshra.s32 @!p0 v4, $0x9  }
0x18d: {  	[tilespmem:$0x7490] =	vst @!p0 v3;
	v3 =	vshra.s32 @!p0 v5, $0x9  }
0x18e: {  	s19 =	simm.s32 @!p0 $0x40;
	[tilespmem:$0x74A0] =	vst @!p0 v3;
	v3 =	vshra.s32 @!p0 v6, $0x9  }
0x18f: {  	s20 =	simm.s32 @!p0 $0x7480;
	s21 =	simm.s32 @!p0 $0x13480;
	p1 =	slt.u32 @!p0 s18, $0x3;
	[tilespmem:$0x74B0] =	vst @!p0 v3  }
0x190: {  	[tilespmem:s21], [sflag:$0x2] =	stream.indirect.gather @!p0 [hbm4b:s3+s19], $0x80, s20, s19, $0xb8;
	[tilespmem:$0x1D480] =	vst v63  }
0x191: {  	p0 =	por p0, p1  }
.Ltmp22:
0x192: {  	_ = 	snop;
	(pc) =	sbr.rel @p0 .LBB2_29-.Ltmp22, $1  }
0x193: {  	_ =	sdelay $0x3  }
0x194: {  	v3 =	vld [tilespmem:$0x6480]  }
0x195: {  	v4 =	vld [tilespmem:$0x6490]  }
0x196: {  	v5 =	vld [tilespmem:$0x64A0]  }
0x197: {  	v6 =	vld [tilespmem:$0x64B0];
	_ =	sdelay $0x1  }
0x198: {  	v3 =	vshra.s32 v3, $0x9  }
0x199: {  	[tilespmem:$0x7500] =	vst v3;
	v3 =	vshra.s32 v4, $0x9  }
0x19a: {  	[tilespmem:$0x7510] =	vst v3;
	v3 =	vshra.s32 v5, $0x9  }
0x19b: {  	[tilespmem:$0x7520] =	vst v3;
	v3 =	vshra.s32 v6, $0x9  }
0x19c: {  	p0 =	seq.s32 s18, $0x3;
	[tilespmem:$0x7530] =	vst v3  }
0x19d: {  	[tilespmem:s12], [sflag:$0x3] =	stream.indirect.gather [hbm4b:s3+s8], $0x80, s11, s8, $0xb8;
	[tilespmem:$0x1D480] =	vst v63  }
0x19e: {  	v3 =	vld @!p0 [tilespmem:$0x64C0]  }
0x19f: {  	v4 =	vld @!p0 [tilespmem:$0x64D0]  }
0x1a0: {  	v5 =	vld @!p0 [tilespmem:$0x64E0]  }
0x1a1: {  	v6 =	vld @!p0 [tilespmem:$0x64F0];
	_ =	sdelay $0x1  }
0x1a2: {  	v3 =	vshra.s32 @!p0 v3, $0x9  }
0x1a3: {  	[tilespmem:$0x7580] =	vst @!p0 v3;
	v3 =	vshra.s32 @!p0 v4, $0x9  }
0x1a4: {  	[tilespmem:$0x7590] =	vst @!p0 v3;
	v3 =	vshra.s32 @!p0 v5, $0x9  }
0x1a5: {  	s19 =	simm.s32 @!p0 $0x40;
	[tilespmem:$0x75A0] =	vst @!p0 v3;
	v3 =	vshra.s32 @!p0 v6, $0x9  }
0x1a6: {  	s20 =	simm.s32 @!p0 $0x7580;
	s21 =	simm.s32 @!p0 $0x17480;
	p1 =	slt.u32 @!p0 s18, $0x5;
	[tilespmem:$0x75B0] =	vst @!p0 v3  }
0x1a7: {  	[tilespmem:s21], [sflag:$0x4] =	stream.indirect.gather @!p0 [hbm4b:s3+s19], $0x80, s20, s19, $0xb8;
	[tilespmem:$0x1D480] =	vst v63  }
0x1a8: {  	p0 =	por p1, p0  }
0x1a9: {  	v3 =	vld @!p0 [tilespmem:$0x6500]  }
0x1aa: {  	v4 =	vld @!p0 [tilespmem:$0x6510]  }
0x1ab: {  	v5 =	vld @!p0 [tilespmem:$0x6520]  }
0x1ac: {  	v6 =	vld @!p0 [tilespmem:$0x6530];
	_ =	sdelay $0x1  }
0x1ad: {  	v3 =	vshra.s32 @!p0 v3, $0x9  }
0x1ae: {  	[tilespmem:$0x7600] =	vst @!p0 v3;
	v3 =	vshra.s32 @!p0 v4, $0x9  }
0x1af: {  	[tilespmem:$0x7610] =	vst @!p0 v3;
	v3 =	vshra.s32 @!p0 v5, $0x9  }
0x1b0: {  	[tilespmem:$0x7620] =	vst @!p0 v3;
	v3 =	vshra.s32 @!p0 v6, $0x9  }
0x1b1: {  	s19 =	simm.s32 @!p0 $0x40;
	s20 =	simm.s32 @!p0 $0x7600;
	s21 =	simm.s32 @!p0 $0x19480;
	[tilespmem:$0x7630] =	vst @!p0 v3  }
0x1b2: {  	[tilespmem:s21], [sflag:$0x7] =	stream.indirect.gather @!p0 [hbm4b:s3+s19], $0x80, s20, s19, $0xb8;
	[tilespmem:$0x1D480] =	vst v63  }
.LBB2_29:
.Ltmp23:
0x1b3: {  	(pc) =	sbr.rel .LBB2_30-.Ltmp23, $3  }
0x1b4: {  	_ =	sdelay $0x1  }
0x1b5: {  	s19 =	simm.s32 $0x0  }
0x1b6: {  	s20 =	simm.s32 $0x6400;
	s21 =	simm.s32 $0x11480;
	s22 =	smov.u32 s17  }
.LBB2_37:
0x1b7: {  	[tilespmem:s23+$0x7870] =	vst v4  }
.LBB2_38:
0x1b8: {  	s19 =	sadd.s32 $0x1, s19  }
0x1b9: {  	p0 =	sne.s32 s19, s18  }
.Ltmp24:
0x1ba: {  	_ = 	snop;
	(pc) =	sbr.rel @!p0 .LBB2_39-.Ltmp24, $2  }
0x1bb: {  	_ =	sdelay $0x2  }
0x1bc: {  	s22 =	sadd.s32 $0xFFFFFFC0, s22;
	s20 =	sadd.s32 $0x40, s20;
	s21 =	sadd.s32 $0x2000, s21  }
.LBB2_30:
0x1bd: {  	s24 =	sadd.s32 $0x5, s19  }
0x1be: {  	p0 =	sge.s32 s24, s18  }
.Ltmp25:
0x1bf: {  	_ = 	snop;
	(pc) =	sbr.rel @p0 .LBB2_34-.Ltmp25, $1  }
0x1c0: {  	_ =	sdelay $0x3  }
0x1c1: {  	s25 =	smulhi.u32 $0xAAAAAAAB, s24;
	_ =	sdelay $0x1  }
0x1c2: {  	s25 =	sshrl.u32 s25, $0x2  }
0x1c3: {  	s25 =	smul.u32 $0x6, s25  }
0x1c4: {  	s23 =	sshll.u32 s24, $0x8  }
0x1c5: {  	s23 =	sshra.s32 s23, $0x2;
	s24 =	ssub.s32 s24, s25  }
0x1c6: {  	v3 =	vld [tilespmem:s23+$0x6400];
	p0 =	sgt.s32 s24, $0x2  }
.Ltmp26:
0x1c7: {  	_ = 	snop;
	(pc) =	sbr.rel @p0 .LBB2_33-.Ltmp26, $2  }
0x1c8: {  	_ =	sdelay $0x2  }
0x1c9: {  	v3 =	vshra.s32 v3, $0x9  }
0x1ca: {  	p0 =	seq.s32 s24, $0x0  }
0x1cb: {  	[tilespmem:$0x7400] =	vst @p0 v3  }
0x1cc: {  	v4 =	vld @p0 [tilespmem:s23+$0x6410];
	_ =	sdelay $0x4  }
0x1cd: {  	v4 =	vshra.s32 @p0 v4, $0x9  }
0x1ce: {  	[tilespmem:$0x7410] =	vst @p0 v4  }
0x1cf: {  	v4 =	vld @p0 [tilespmem:s23+$0x6420];
	_ =	sdelay $0x4  }
0x1d0: {  	v4 =	vshra.s32 @p0 v4, $0x9  }
0x1d1: {  	[tilespmem:$0x7420] =	vst @p0 v4  }
0x1d2: {  	v4 =	vld @p0 [tilespmem:s23+$0x6430];
	_ =	sdelay $0x4  }
0x1d3: {  	s25 =	simm.s32 @p0 $0x40;
	p1 =	seq.s32 @!p0 s24, $0x1;
	v4 =	vshra.s32 @p0 v4, $0x9  }
0x1d4: {  	s26 =	simm.s32 @p0 $0x7400;
	s28 =	simm.s32 @p0 $0x11480;
	p2 =	por !p1, p0;
	[tilespmem:$0x7430] =	vst @p0 v4  }
0x1d5: {  	[tilespmem:s28], [sflag:$0x1] =	stream.indirect.gather @p0 [hbm4b:s3+s25], $0x80, s26, s25, $0xb8;
	[tilespmem:$0x1D480] =	vst v63  }
0x1d6: {  	[tilespmem:$0x7480] =	vst @!p2 v3  }
0x1d7: {  	v4 =	vld @!p2 [tilespmem:s23+$0x6410];
	_ =	sdelay $0x4  }
0x1d8: {  	v4 =	vshra.s32 @!p2 v4, $0x9  }
0x1d9: {  	[tilespmem:$0x7490] =	vst @!p2 v4  }
0x1da: {  	v4 =	vld @!p2 [tilespmem:s23+$0x6420];
	_ =	sdelay $0x4  }
0x1db: {  	v4 =	vshra.s32 @!p2 v4, $0x9  }
0x1dc: {  	[tilespmem:$0x74A0] =	vst @!p2 v4  }
0x1dd: {  	v4 =	vld @!p2 [tilespmem:s23+$0x6430];
	_ =	sdelay $0x4  }
0x1de: {  	s24 =	simm.s32 @!p2 $0x40;
	v4 =	vshra.s32 @!p2 v4, $0x9  }
0x1df: {  	s25 =	simm.s32 @!p2 $0x7480;
	s26 =	simm.s32 @!p2 $0x13480;
	p0 =	por p1, p0;
	[tilespmem:$0x74B0] =	vst @!p2 v4  }
0x1e0: {  	[tilespmem:s26], [sflag:$0x2] =	stream.indirect.gather @!p2 [hbm4b:s3+s24], $0x80, s25, s24, $0xb8;
	[tilespmem:$0x1D480] =	vst v63  }
0x1e1: {  	[tilespmem:$0x7500] =	vst @!p0 v3  }
0x1e2: {  	v3 =	vld @!p0 [tilespmem:s23+$0x6410];
	_ =	sdelay $0x4  }
0x1e3: {  	v3 =	vshra.s32 @!p0 v3, $0x9  }
0x1e4: {  	[tilespmem:$0x7510] =	vst @!p0 v3  }
0x1e5: {  	v3 =	vld @!p0 [tilespmem:s23+$0x6420];
	_ =	sdelay $0x4  }
0x1e6: {  	v3 =	vshra.s32 @!p0 v3, $0x9  }
0x1e7: {  	[tilespmem:$0x7520] =	vst @!p0 v3  }
0x1e8: {  	v3 =	vld @!p0 [tilespmem:s23+$0x6430];
	_ =	sdelay $0x2  }
.Ltmp27:
0x1e9: {  	_ = 	snop;
	(pc) =	sbr.rel .LBB2_34-.Ltmp27, $4  }
0x1ea: {  	_ = 	snop  }
0x1eb: {  	v3 =	vshra.s32 @!p0 v3, $0x9  }
0x1ec: {  	s24 =	simm.s32 @!p0 $0x7500;
	s25 =	simm.s32 @!p0 $0x15480;
	s23 =	simm.s32 @!p0 $0x40;
	[tilespmem:$0x7530] =	vst @!p0 v3  }
0x1ed: {  	[tilespmem:s25], [sflag:$0x3] =	stream.indirect.gather @!p0 [hbm4b:s3+s23], $0x80, s24, s23, $0xb8;
	[tilespmem:$0x1D480] =	vst v63  }
.LBB2_33:
0x1ee: {  	p0 =	seq.s32 s24, $0x3  }
0x1ef: {  	[tilespmem:$0x7580] =	vst @p0 v3  }
0x1f0: {  	v4 =	vld @p0 [tilespmem:s23+$0x6410];
	_ =	sdelay $0x4  }
0x1f1: {  	v4 =	vshra.s32 @p0 v4, $0x9  }
0x1f2: {  	[tilespmem:$0x7590] =	vst @p0 v4  }
0x1f3: {  	v4 =	vld @p0 [tilespmem:s23+$0x6420];
	_ =	sdelay $0x4  }
0x1f4: {  	v4 =	vshra.s32 @p0 v4, $0x9  }
0x1f5: {  	[tilespmem:$0x75A0] =	vst @p0 v4  }
0x1f6: {  	v4 =	vld @p0 [tilespmem:s23+$0x6430];
	_ =	sdelay $0x4  }
0x1f7: {  	s25 =	simm.s32 @p0 $0x40;
	p1 =	seq.s32 @!p0 s24, $0x4;
	v4 =	vshra.s32 @p0 v4, $0x9  }
0x1f8: {  	s26 =	simm.s32 @p0 $0x7580;
	s28 =	simm.s32 @p0 $0x17480;
	p2 =	por !p1, p0;
	[tilespmem:$0x75B0] =	vst @p0 v4  }
0x1f9: {  	[tilespmem:s28], [sflag:$0x4] =	stream.indirect.gather @p0 [hbm4b:s3+s25], $0x80, s26, s25, $0xb8;
	[tilespmem:$0x1D480] =	vst v63  }
0x1fa: {  	[tilespmem:$0x7600] =	vst @!p2 v3  }
0x1fb: {  	v4 =	vld @!p2 [tilespmem:s23+$0x6410];
	_ =	sdelay $0x4  }
0x1fc: {  	v4 =	vshra.s32 @!p2 v4, $0x9  }
0x1fd: {  	[tilespmem:$0x7610] =	vst @!p2 v4  }
0x1fe: {  	v4 =	vld @!p2 [tilespmem:s23+$0x6420];
	_ =	sdelay $0x4  }
0x1ff: {  	v4 =	vshra.s32 @!p2 v4, $0x9  }
0x200: {  	[tilespmem:$0x7620] =	vst @!p2 v4  }
0x201: {  	v4 =	vld @!p2 [tilespmem:s23+$0x6430];
	_ =	sdelay $0x4  }
0x202: {  	s24 =	simm.s32 @!p2 $0x40;
	v4 =	vshra.s32 @!p2 v4, $0x9  }
0x203: {  	s25 =	simm.s32 @!p2 $0x7600;
	s26 =	simm.s32 @!p2 $0x19480;
	p0 =	por p1, p0;
	[tilespmem:$0x7630] =	vst @!p2 v4  }
0x204: {  	[tilespmem:s26], [sflag:$0x7] =	stream.indirect.gather @!p2 [hbm4b:s3+s24], $0x80, s25, s24, $0xb8;
	[tilespmem:$0x1D480] =	vst v63  }
0x205: {  	[tilespmem:$0x7680] =	vst @!p0 v3  }
0x206: {  	v3 =	vld @!p0 [tilespmem:s23+$0x6410];
	_ =	sdelay $0x4  }
0x207: {  	v3 =	vshra.s32 @!p0 v3, $0x9  }
0x208: {  	[tilespmem:$0x7690] =	vst @!p0 v3  }
0x209: {  	v3 =	vld @!p0 [tilespmem:s23+$0x6420];
	_ =	sdelay $0x4  }
0x20a: {  	v3 =	vshra.s32 @!p0 v3, $0x9  }
0x20b: {  	[tilespmem:$0x76A0] =	vst @!p0 v3  }
0x20c: {  	v3 =	vld @!p0 [tilespmem:s23+$0x6430];
	_ =	sdelay $0x4  }
0x20d: {  	v3 =	vshra.s32 @!p0 v3, $0x9  }
0x20e: {  	s24 =	simm.s32 @!p0 $0x7680;
	s25 =	simm.s32 @!p0 $0x1B480;
	s23 =	simm.s32 @!p0 $0x40;
	[tilespmem:$0x76B0] =	vst @!p0 v3  }
0x20f: {  	[tilespmem:s25], [sflag:$0x8] =	stream.indirect.gather @!p0 [hbm4b:s3+s23], $0x80, s24, s23, $0xb8;
	[tilespmem:$0x1D480] =	vst v63  }
.LBB2_34:
0x210: {  	s23 =	smulhi.u32 $0xAAAAAAAB, s19;
	_ =	sdelay $0x1  }
0x211: {  	s23 =	sshrl.u32 s23, $0x2  }
0x212: {  	s24 =	smul.u32 $0x6, s23;
	_ =	sdelay $0x1  }
0x213: {  	s24 =	ssub.s32 s19, s24  }
0x214: {  	p0 =	sgt.s32 s24, $0x2  }
0x215: {  	p2 =	seq.s32 @p0 s24, $0x3;
	p1 =	seq.s32 @!p0 s24, $0x0  }
0x216: {  	p3 =	por p2, !p0;
	p4 =	por p1, p0  }
0x217: {  	p3 =	seq.s32 @!p3 s24, $0x4;
	p4 =	seq.s32 @!p4 s24, $0x1  }
0x218: {  	p5 =	por @p0 p3, p2;
	p6 =	por @!p0 p4, p1  }
0x219: {  	p3 =	por @p0 !p3, p2;
	p4 =	por @!p0 !p4, p1;
	p5 =	por p5, !p0  }
0x21a: {  	p2 =	por !p2, !p0;
	s24 =	simm.s32 @!p5 $0x8;
	p5 =	por p6, p0  }
0x21b: {  	p3 =	por !p3, !p0;
	p4 =	por !p4, p0;
	s25 =	simm.s32 @!p5 $0x3  }
0x21c: {  	p1 =	por !p1, p0;
	s24 =	simm.s32 @p3 $0x7;
	s25 =	simm.s32 @p4 $0x2  }
0x21d: {  	s31 =	sshll.u32 s19, $0x6;
	s24 =	simm.s32 @!p2 $0x4;
	s25 =	simm.s32 @!p1 $0x1  }
0x21e: {  	s25 =	smov.u32 @p0 s24;
	s24 =	ssub.s32 s17, s31  }
0x21f: {  	p0 =	slt.s32 s24, $0x1  }
.Ltmp28:
0x220: {  	_ = 	snop;
	(pc) =	sbr.rel @p0 .LBB2_38-.Ltmp28, $4  }
0x221: {  	_ = 	snop  }
0x222: {  	_ =	swait.ge [sflag:s25], $0x2000  }
0x223: {  	[sflag:s25] =	ssyncset.done $0x0  }
0x224: {  	[sflag:s25] =	ssyncadd.s32 $0xFFFFE000  }
0x225: {  	v3 =	vld [tilespmem:s20+$0x0];
	_ =	sdelay $0x4  }
0x226: {  	(v2sf) =	vpush v3, $0x0;
	_ =	sdelay $0x7  }
0x227: {  	s23 =	smul.u32 $0xFFFD0000, s23;
	_ =	sdelay $0x1  }
0x228: {  	s23 =	sshra.s32 s23, $0x2  }
0x229: {  	s23 =	sadd.s32 s23, s21  }
0x22a: {  	v3 =	vmov s23;
	_ =	sdelay $0x2  }
0x22b: {  	s31 =	spop (v2sf)  }
0x22c: {  	s24 =	simm.s32 $0x0;
	s23 =	sshll.u32 s31, $0x7  }
0x22d: {  	v4 =	vld.idx.msk [tilespmem:v3+s24+$0x0 ss:$0x1], $0xffff;
	s23 =	sand.u32 $0xFF80, s23  }
0x22e: {  	v5 =	vld [tilespmem:s23+$0x7800];
	_ =	sdelay $0x4  }
0x22f: {  	v4 =	vmax.bf16 v5, v4  }
0x230: {  	v5 =	vld [tilespmem:s23+$0x7810];
	[tilespmem:s23+$0x7800] =	vst v4  }
0x231: {  	v4 =	vld.idx.msk [tilespmem:v3+s24+$0x10 ss:$0x1], $0xffff;
	_ =	sdelay $0x4  }
0x232: {  	v4 =	vmax.bf16 v5, v4  }
0x233: {  	v5 =	vld [tilespmem:s23+$0x7820];
	[tilespmem:s23+$0x7810] =	vst v4  }
0x234: {  	v4 =	vld.idx.msk [tilespmem:v3+s24+$0x20 ss:$0x1], $0xffff;
	_ =	sdelay $0x4  }
0x235: {  	v4 =	vmax.bf16 v5, v4  }
0x236: {  	v5 =	vld [tilespmem:s23+$0x7830];
	[tilespmem:s23+$0x7820] =	vst v4  }
0x237: {  	v4 =	vld.idx.msk [tilespmem:v3+s24+$0x30 ss:$0x1], $0xffff;
	_ =	sdelay $0x4  }
0x238: {  	v4 =	vmax.bf16 v5, v4  }
0x239: {  	v5 =	vld [tilespmem:s23+$0x7840];
	[tilespmem:s23+$0x7830] =	vst v4  }
0x23a: {  	v4 =	vld.idx.msk [tilespmem:v3+s24+$0x40 ss:$0x1], $0xffff;
	_ =	sdelay $0x4  }
0x23b: {  	v4 =	vmax.bf16 v5, v4  }
0x23c: {  	v5 =	vld [tilespmem:s23+$0x7850];
	[tilespmem:s23+$0x7840] =	vst v4  }
0x23d: {  	v4 =	vld.idx.msk [tilespmem:v3+s24+$0x50 ss:$0x1], $0xffff;
	_ =	sdelay $0x4  }
0x23e: {  	v4 =	vmax.bf16 v5, v4  }
0x23f: {  	v5 =	vld [tilespmem:s23+$0x7860];
	[tilespmem:s23+$0x7850] =	vst v4  }
0x240: {  	v4 =	vld.idx.msk [tilespmem:v3+s24+$0x60 ss:$0x1], $0xffff;
	_ =	sdelay $0x4  }
0x241: {  	v4 =	vmax.bf16 v5, v4  }
0x242: {  	[tilespmem:s23+$0x7860] =	vst v4  }
0x243: {  	p0 =	sgt.s32 s22, $0x1;
	v4 =	vld.idx.msk [tilespmem:v3+s24+$0x70 ss:$0x1], $0xffff;
	s24 =	smov.u32 s22  }
0x244: {  	s24 =	simm.s32 @!p0 $0x1  }
0x245: {  	s24 =	smin.u32 s24, $0x40  }
0x246: {  	s24 =	sshll.u32 s24, $0x9  }
0x247: {  	v5 =	vld [tilespmem:s23+$0x7870];
	p0 =	sne.s32 s24, $0x200  }
.Ltmp29:
0x248: {  	_ = 	snop;
	(pc) =	sbr.rel @!p0 .LBB2_37-.Ltmp29, $2  }
0x249: {  	_ =	sdelay $0x2  }
0x24a: {  	s25 =	simm.s32 $0x200;
	s26 =	smov.u32 s20;
	v4 =	vmax.bf16 v5, v4  }
.LBB2_36:
0x24b: {  	[tilespmem:s23+$0x7870] =	vst v4;
	s26 =	sadd.s32 $0x1, s26;
	s23 =	smov.u32 s25;
	s25 =	sadd.s32 $0x200, s25  }
0x24c: {  	v4 =	vld [tilespmem:s26+$0x0];
	p0 =	sne.s32 s24, s25;
	_ =	sdelay $0x4  }
0x24d: {  	(v2sf) =	vpush v4, $0x0;
	_ =	sdelay $0xe  }
0x24e: {  	s28 =	spop (v2sf)  }
0x24f: {  	s29 =	sshll.u32 s28, $0x7;
	s28 =	sshra.s32 s23, $0x2  }
0x250: {  	s23 =	sand.u32 $0xFF80, s29;
	v4 =	vld.idx.msk [tilespmem:v3+s28+$0x0 ss:$0x1], $0xffff  }
0x251: {  	v5 =	vld [tilespmem:s23+$0x7800];
	_ =	sdelay $0x4  }
0x252: {  	v4 =	vmax.bf16 v5, v4  }
0x253: {  	[tilespmem:s23+$0x7800] =	vst v4  }
0x254: {  	v4 =	vld.idx.msk [tilespmem:v3+s28+$0x10 ss:$0x1], $0xffff  }
0x255: {  	v5 =	vld [tilespmem:s23+$0x7810];
	_ =	sdelay $0x4  }
0x256: {  	v4 =	vmax.bf16 v5, v4  }
0x257: {  	[tilespmem:s23+$0x7810] =	vst v4  }
0x258: {  	v4 =	vld.idx.msk [tilespmem:v3+s28+$0x20 ss:$0x1], $0xffff  }
0x259: {  	v5 =	vld [tilespmem:s23+$0x7820];
	_ =	sdelay $0x4  }
0x25a: {  	v4 =	vmax.bf16 v5, v4  }
0x25b: {  	[tilespmem:s23+$0x7820] =	vst v4  }
0x25c: {  	v4 =	vld.idx.msk [tilespmem:v3+s28+$0x30 ss:$0x1], $0xffff  }
0x25d: {  	v5 =	vld [tilespmem:s23+$0x7830];
	_ =	sdelay $0x4  }
0x25e: {  	v4 =	vmax.bf16 v5, v4  }
0x25f: {  	[tilespmem:s23+$0x7830] =	vst v4  }
0x260: {  	v4 =	vld.idx.msk [tilespmem:v3+s28+$0x40 ss:$0x1], $0xffff  }
0x261: {  	v5 =	vld [tilespmem:s23+$0x7840];
	_ =	sdelay $0x4  }
0x262: {  	v4 =	vmax.bf16 v5, v4  }
0x263: {  	[tilespmem:s23+$0x7840] =	vst v4  }
0x264: {  	v4 =	vld.idx.msk [tilespmem:v3+s28+$0x50 ss:$0x1], $0xffff  }
0x265: {  	v5 =	vld [tilespmem:s23+$0x7850];
	_ =	sdelay $0x4  }
0x266: {  	v4 =	vmax.bf16 v5, v4  }
0x267: {  	[tilespmem:s23+$0x7850] =	vst v4  }
0x268: {  	v4 =	vld.idx.msk [tilespmem:v3+s28+$0x60 ss:$0x1], $0xffff  }
0x269: {  	v5 =	vld [tilespmem:s23+$0x7860];
	_ =	sdelay $0x4  }
0x26a: {  	v4 =	vmax.bf16 v5, v4  }
0x26b: {  	[tilespmem:s23+$0x7860] =	vst v4  }
0x26c: {  	v4 =	vld.idx.msk [tilespmem:v3+s28+$0x70 ss:$0x1], $0xffff  }
0x26d: {  	v5 =	vld [tilespmem:s23+$0x7870]  }
.Ltmp30:
0x26e: {  	(pc) =	sbr.rel @p0 .LBB2_36-.Ltmp30, $2  }
0x26f: {  	_ =	sdelay $0x2  }
0x270: {  	v4 =	vmax.bf16 v5, v4  }
.Ltmp31:
0x271: {  	_ = 	snop;
	(pc) =	sbr.rel .LBB2_37-.Ltmp31, $1  }
0x272: {  	_ =	sdelay $0x3  }
.LBB2_40:
0x273: {  	_ =	sfence.sel $0x180000  }
0x274: {  	[bflag:$0x0] =	sbarrier.arrive $0xFFFF  }
0x275: {  	p0 =	sne.s32 s1, $0x0;
	_ =	strace $0x90000047  }
0x276: {  	s0 =	sadd.s32 @!p0 $0x100000, s0;
	[bflag:$0x2] =	sbarrier.arrive $0xFFFF  }
0x277: {  	[sflag:s0] =	ssyncadd.tile.s32 @!p0 $0x1;
	_ =	shalt  }
.Lfunc_end2:
_tile_overlayer_lowered:
.L_overlay_start_2:
0x278: {  	(tag) =	ssettag $0x2  }
0x279: {  	s0 =	rddreg [dreg:$0x0];
	s2 =	stileid.u32  }
0x27a: {  	s1 =	rddreg [dreg:$0x1];
	p0 =	sne.s32 s2, $0x0  }
0x27b: {  	s3 =	rddreg [dreg:$0x2];
	[bflag:$0x3] =	sbarrier.arrive $0xFFFF;
	s2 =	simm.s32 @!p0 $0x1C09  }
0x27c: {  	[timem:s3], [sflag:s2] =	dma.local @!p0 [hbm:s0], s1  }
0x27d: {  	s0 =	simm.s32 @!p0 $0x9  }
0x27e: {  	_ =	swait.ge @!p0 [sflag:s0], s1  }
0x27f: {  	s1 =	ssub.s32 @!p0 $0x0, s1;
	[sflag:s0] =	ssyncset.done @!p0 $0x0  }
0x280: {  	[sflag:s0] =	ssyncadd.s32 @!p0 s1  }
0x281: {  	[bflag:$0x3] =	sbarrier.arrive $0xFFFF  }
0x282: {  	_ =	shalt  }

</sc_bundles>
